<compile_context>
chip_gen: v7x
topology: tpu7x:2x2x1
jax: 0.10.2.dev20260603
libtpu: 0.0.44.dev20260713+nightly
codegen_flags: <defaults>
</compile_context>

<pallas_src>
import functools

import jax
import jax.numpy as jnp
from jax import lax
from jax.experimental import pallas as pl
from jax.experimental.pallas import tpu as pltpu
from jax.experimental.pallas import tpu_sc as plsc

N = 10000
NPAD = 10240
E = 320000
CHUNK = 128
NCHUNKS = 2560
EPAD = NCHUNKS * CHUNK
D_IN = 128
H = 256
HH = 128
D_OUT = 128
DEGW = 16

NSC = 2
NTILES = 16
NPASS = 4
PASS_ROWS = NPAD // NPASS
ACC_ROWS = 3072
DUMP = PASS_ROWS
ROWS_PER_TILE = NPAD // NTILES
WB_PER_TILE = PASS_ROWS // NTILES
ZERO_PER_TILE = ACC_ROWS // NTILES
ZERO_STEPS = (128, 64)
DEG_CHUNKS_PER_TILE = NCHUNKS // (NSC * NTILES)
PROP_CHUNKS_PER_TILE = NCHUNKS // NTILES

BR = 512
GRID = NPAD // BR

_mesh = plsc.VectorSubcoreMesh(core_axis_name="c", subcore_axis_name="s")


def _zero_fill(buf, nrows, width):
    zv = jnp.zeros((16,), jnp.float32)

    def row(i, _):
        for j in range(width // 16):
            buf[i, pl.ds(j * 16, 16)] = zv
        return 0

    lax.fori_loop(0, nrows, row, 0)


@functools.partial(
    pl.kernel,
    mesh=_mesh,
    out_type=jax.ShapeDtypeStruct((NSC, NPAD, DEGW), jnp.float32),
    scratch_types=[
        pltpu.VMEM((DEG_CHUNKS_PER_TILE, CHUNK), jnp.int32),
        pltpu.VMEM((CHUNK, DEGW), jnp.float32),
        pltpu.VMEM((CHUNK, DEGW), jnp.float32),
        pltpu.VMEM_SHARED((NPAD, DEGW), jnp.float32),
    ],
)
def _deg_kernel(dst_hbm, out_hbm, idx_v, ones_v, zbuf, acc_sh):
    c = lax.axis_index("c")
    s = lax.axis_index("s")
    wid = c * NTILES + s

    ones = jnp.full((16,), 1.0, jnp.float32)

    def fill(i, _):
        ones_v[i, :] = ones
        zbuf[i, :] = jnp.zeros((16,), jnp.float32)
        return 0

    lax.fori_loop(0, CHUNK, fill, 0)

    for k in range(ROWS_PER_TILE // CHUNK):
        pltpu.sync_copy(zbuf, acc_sh.at[pl.ds(s * ROWS_PER_TILE + k * CHUNK, CHUNK)])
    plsc.subcore_barrier()

    pltpu.sync_copy(dst_hbm.at[pl.ds(wid * DEG_CHUNKS_PER_TILE, DEG_CHUNKS_PER_TILE)], idx_v)

    def body(cc, _):
        pltpu.sync_copy(ones_v, acc_sh.at[idx_v.at[cc]], add=True)
        return 0

    lax.fori_loop(0, DEG_CHUNKS_PER_TILE, body, 0)
    plsc.subcore_barrier()
    pltpu.sync_copy(
        acc_sh.at[pl.ds(s * ROWS_PER_TILE, ROWS_PER_TILE)],
        out_hbm.at[c, pl.ds(s * ROWS_PER_TILE, ROWS_PER_TILE)],
    )


@functools.partial(
    pl.kernel,
    mesh=_mesh,
    out_type=jax.ShapeDtypeStruct((NSC, NPAD, HH), jnp.float32),
    scratch_types=[
        pltpu.VMEM((PROP_CHUNKS_PER_TILE, CHUNK), jnp.int32),
        pltpu.VMEM((PROP_CHUNKS_PER_TILE, CHUNK), jnp.int32),
        pltpu.VMEM((1, CHUNK), jnp.int32),
        pltpu.VMEM((CHUNK, HH), jnp.float32),
        pltpu.VMEM((CHUNK, HH), jnp.float32),
        pltpu.VMEM((CHUNK, HH), jnp.float32),
        pltpu.SemaphoreType.DMA,
        pltpu.SemaphoreType.DMA,
        pltpu.VMEM_SHARED((ACC_ROWS, HH), jnp.float32),
    ],
)
def _prop_kernel(g_hbm, src_hbm, dst_hbm, out_hbm,
                 srcv, dstv, rmap, rows_a, rows_b, zrow, sem_a, sem_b, acc_sh):
    c = lax.axis_index("c")
    s = lax.axis_index("s")

    _zero_fill(zrow, CHUNK, HH)

    base = s * PROP_CHUNKS_PER_TILE
    pltpu.sync_copy(src_hbm.at[pl.ds(base, PROP_CHUNKS_PER_TILE)], srcv)
    pltpu.sync_copy(dst_hbm.at[pl.ds(base, PROP_CHUNKS_PER_TILE)], dstv)

    gtab = g_hbm.at[c]

    for p in range(NPASS):
        row0 = jnp.int32(p * PASS_ROWS)

        zoff = 0
        for zn in ZERO_STEPS:
            pltpu.sync_copy(zrow.at[pl.ds(0, zn)],
                            acc_sh.at[pl.ds(s * ZERO_PER_TILE + zoff, zn)])
            zoff += zn
        plsc.subcore_barrier()

        def scatter(cc, buf):
            for j in range(CHUNK // 16):
                v = dstv[cc, pl.ds(j * 16, 16)]
                loc = v - row0
                ok = (loc >= 0) & (loc < PASS_ROWS)
                rmap[0, pl.ds(j * 16, 16)] = jnp.where(ok, loc, DUMP)
            pltpu.sync_copy(buf, acc_sh.at[rmap.at[0]], add=True)

        pltpu.async_copy(gtab.at[srcv.at[0]], rows_a, sem_a)
        pltpu.async_copy(gtab.at[srcv.at[1]], rows_b, sem_b)

        def body(g, _):
            c0 = 2 * g
            pltpu.make_async_copy(gtab.at[srcv.at[c0]], rows_a, sem_a).wait()
            scatter(c0, rows_a)
            pltpu.async_copy(gtab.at[srcv.at[c0 + 2]], rows_a, sem_a)
            pltpu.make_async_copy(gtab.at[srcv.at[c0 + 1]], rows_b, sem_b).wait()
            scatter(c0 + 1, rows_b)
            pltpu.async_copy(gtab.at[srcv.at[c0 + 3]], rows_b, sem_b)
            return 0

        lax.fori_loop(0, PROP_CHUNKS_PER_TILE // 2 - 1, body, 0)

        last = PROP_CHUNKS_PER_TILE - 2
        pltpu.make_async_copy(gtab.at[srcv.at[last]], rows_a, sem_a).wait()
        scatter(last, rows_a)
        pltpu.make_async_copy(gtab.at[srcv.at[last + 1]], rows_b, sem_b).wait()
        scatter(last + 1, rows_b)

        plsc.subcore_barrier()
        wb0 = s * WB_PER_TILE
        pltpu.sync_copy(
            acc_sh.at[pl.ds(wb0, WB_PER_TILE)],
            out_hbm.at[c, pl.ds(p * PASS_ROWS + wb0, WB_PER_TILE)],
        )
        plsc.subcore_barrier()


def _dinv_body(deg_ref, dinv_ref):
    deg = deg_ref[0, :, 0:1] + deg_ref[1, :, 0:1] + 1.0
    dinv_ref[...] = jnp.broadcast_to(lax.rsqrt(deg), (BR, 128))


def _pre_body(h_ref, w_ref, dinv_ref, g_ref):
    p = jnp.dot(h_ref[...], w_ref[...], preferred_element_type=jnp.float32)
    g = p * dinv_ref[:, 0:1]
    g_ref[0] = g[:, :HH]
    g_ref[1] = g[:, HH:]


def _post_body(m_ref, g_ref, dinv_ref, b_ref, h_ref):
    dinv = dinv_ref[:, 0:1]
    h0 = (m_ref[0] + g_ref[0]) * dinv
    h1 = (m_ref[1] + g_ref[1]) * dinv
    h_ref[...] = jnp.maximum(jnp.concatenate([h0, h1], axis=1) + b_ref[...], 0.0)


def _final_body(x_ref, h1_ref, h2_ref, wl_ref, bl_ref, out_ref):
    agg = jnp.concatenate([x_ref[...], h1_ref[...], h2_ref[...]], axis=1)
    out_ref[...] = jnp.dot(agg, wl_ref[...], preferred_element_type=jnp.float32) + bl_ref[...]


def _row_spec(width):
    return pl.BlockSpec((BR, width), lambda i: (i, 0))


def _half_spec(width):
    return pl.BlockSpec((NSC, BR, width), lambda i: (0, i, 0))


def _full_spec(shape):
    nd = len(shape)
    return pl.BlockSpec(shape, lambda i: (0,) * nd)


_dinv_kernel = pl.pallas_call(
    _dinv_body,
    grid=(GRID,),
    in_specs=[_half_spec(DEGW)],
    out_specs=_row_spec(128),
    out_shape=jax.ShapeDtypeStruct((NPAD, 128), jnp.float32),
)

_pre_kernel = pl.pallas_call(
    _pre_body,
    grid=(GRID,),
    in_specs=[_row_spec(H), _full_spec((H, H)), _row_spec(128)],
    out_specs=_half_spec(HH),
    out_shape=jax.ShapeDtypeStruct((NSC, NPAD, HH), jnp.float32),
)

_post_kernel = pl.pallas_call(
    _post_body,
    grid=(GRID,),
    in_specs=[_half_spec(HH), _half_spec(HH), _row_spec(128), _full_spec((1, H))],
    out_specs=_row_spec(H),
    out_shape=jax.ShapeDtypeStruct((NPAD, H), jnp.float32),
)

_final_kernel = pl.pallas_call(
    _final_body,
    grid=(GRID,),
    in_specs=[_row_spec(D_IN), _row_spec(H), _row_spec(H),
              _full_spec((D_IN + H + H, D_OUT)), _full_spec((1, D_OUT))],
    out_specs=_row_spec(D_OUT),
    out_shape=jax.ShapeDtypeStruct((NPAD, D_OUT), jnp.float32),
)


def kernel(x, edge_index, W1, b1, W2, b2, Wlin, blin):
    src = edge_index[0]
    dst = edge_index[1]
    pad = jnp.full((EPAD - E,), N, jnp.int32)
    srcp = jnp.concatenate([src, pad]).reshape(NCHUNKS, CHUNK)
    dstp = jnp.concatenate([dst, pad]).reshape(NCHUNKS, CHUNK)
    xp = jnp.zeros((NPAD, D_IN), jnp.float32).at[:N].set(x)

    deg_parts = _deg_kernel(dstp)
    dinv = _dinv_kernel(deg_parts)

    w_stack = jnp.stack([
        jnp.zeros((H, H), jnp.float32).at[:D_IN].set(W1),
        W2,
    ])
    b_stack = jnp.stack([b1.reshape(1, H), b2.reshape(1, H)])
    h0 = jnp.zeros((NPAD, H), jnp.float32).at[:, :D_IN].set(xp)

    def layer(h, wb):
        w, b = wb
        g = _pre_kernel(h, w, dinv)
        m = _prop_kernel(g, srcp, dstp)
        h_next = _post_kernel(m, g, dinv, b)
        return h_next, h_next

    _, hs = lax.scan(layer, h0, (w_stack, b_stack))

    out = _final_kernel(xp, hs[0], hs[1], Wlin, blin.reshape(1, D_OUT))
    return out[:N]

# --- scband reference (transcript-rebuilt; emitter-appended) ---
"""Pipeline reference for scband-gcn-jk-concat-6734508720213 (READ-ONLY COPY).

The authoritative reference and input builder live on the scoring server;
editing this copy changes nothing except your own understanding.
"""

import jax, jax.numpy as jnp
import numpy as np

N = 10000
E = 320000
D_IN = 128
H1 = 256
H2 = 256
D_OUT = 128


def setup_inputs(seed: int = 0) -> dict:
    key = jax.random.key(seed)
    ks = jax.random.split(key, 9)
    x = jax.random.normal(ks[0], (N, D_IN), dtype=jnp.float32)
    edge_index = jax.random.randint(ks[1], (2, E), 0, N, dtype=jnp.int32)
    W1 = jax.random.normal(ks[2], (D_IN, H1), dtype=jnp.float32) * 0.05
    b1 = jnp.zeros((H1,), dtype=jnp.float32)
    W2 = jax.random.normal(ks[3], (H1, H2), dtype=jnp.float32) * 0.05
    b2 = jnp.zeros((H2,), dtype=jnp.float32)
    Wlin = jax.random.normal(ks[4], (D_IN + H1 + H2, D_OUT), dtype=jnp.float32) * 0.05
    blin = jnp.zeros((D_OUT,), dtype=jnp.float32)
    return {"x": x, "edge_index": edge_index, "W1": W1, "b1": b1, "W2": W2, "b2": b2, "Wlin": Wlin, "blin": blin}


def _gcn_layer(x, src, dst, W, b):
    # GCNConv: h = x @ W; add self-loops; symmetric normalization; scatter-add; + bias
    h = x @ W
    loop = jnp.arange(N, dtype=src.dtype)
    s = jnp.concatenate([src, loop])
    d = jnp.concatenate([dst, loop])
    deg = jax.ops.segment_sum(jnp.ones(s.shape[0], dtype=x.dtype), d, num_segments=N)
    dinv = jnp.where(deg > 0, jax.lax.rsqrt(jnp.where(deg > 0, deg, 1.0)), 0.0)
    norm = dinv[s] * dinv[d]
    msgs = h[s] * norm[:, None]
    out = jax.ops.segment_sum(msgs, d, num_segments=N)
    return out + b


def reference(x, edge_index, W1, b1, W2, b2, Wlin, blin):
    src = edge_index[0]
    dst = edge_index[1]
    layer_outputs = [x]
    h = _gcn_layer(x, src, dst, W1, b1)
    # dropout p=0.5 is identity in eval mode
    h = jax.nn.relu(h)
    layer_outputs.append(h)
    h = _gcn_layer(h, src, dst, W2, b2)
    h = jax.nn.relu(h)
    layer_outputs.append(h)
    agg = jnp.concatenate(layer_outputs, axis=1)
    return agg @ Wlin + blin

if __name__ == "__main__":
    import jax
    _d = setup_inputs()
    print(jax.jit(kernel)(*tuple(_d.values())))

</pallas_src>

<mosaic_0001>
#map = affine_map<(d0, d1) -> (0, 0)>
#map1 = affine_map<(d0, d1) -> (0, 0, 0)>
module attributes {stable_mosaic.version = 14 : i64} {
  func.func @_deg_kernel(%arg0: i32, %arg1: i32, %arg2: memref<2560x128xi32, #tpu.memory_space<hbm>>, %arg3: memref<2x10240x16xf32, #tpu.memory_space<hbm>>, %arg4: memref<80x128xi32, #tpu.memory_space<vmem>>, %arg5: memref<128x16xf32, #tpu.memory_space<vmem>>, %arg6: memref<128x16xf32, #tpu.memory_space<vmem>>, %arg7: memref<10240x16xf32, #tpu.memory_space<vmem_shared>>) attributes {dimension_semantics = [#tpu.dimension_semantics<core_parallel>, #tpu.dimension_semantics<subcore_parallel>], iteration_bounds = array<i64: 2, 16>, scalar_prefetch = 0 : i64, scratch_operands = 4 : i64, tpu.core_type = #tpu.core_type<sc_vector_subcore>, window_params = [{transform_indices = #map}, {transform_indices = #map1}]} {
    %mul3A = arith.constant 16 : i32
    %mul3A_0 = arith.muli %arg0, %mul3A : i32
    %add3A = arith.addi %mul3A_0, %arg1 : i32
    %broadcast_in_dim3A = arith.constant 1.000000e+00 : f32
    %broadcast_in_dim3A_1 = vector.broadcast %broadcast_in_dim3A : f32 to vector<16xf32>
    %scan3A = arith.constant 0 : i32
    %scan3A_2 = arith.constant 0 : i32
    %scan3A_3 = arith.constant 128 : i32
    %scan3A_4 = arith.addi %scan3A_2, %scan3A_3 : i32
    %scan3A_5 = arith.constant 1 : i32
    %scan3A_6 = scf.for %scan3A_42 = %scan3A_2 to %scan3A_4 step %scan3A_5 iter_args(%scan3A_43 = %scan3A) -> (i32)  : i32 {
      %swap3A = arith.index_cast %scan3A_42 : i32 to index
      %swap3A_44 = arith.constant 0 : index
      %swap3A_45 = tpu.vector_load %arg5[%swap3A, %swap3A_44] {strides = array<i32>} : memref<128x16xf32, #tpu.memory_space<vmem>>, vector<1x16xf32>,
      %swap3A_46 = vector.shape_cast %swap3A_45 : vector<1x16xf32> to vector<16xf32>
      %swap3A_47 = vector.shape_cast %broadcast_in_dim3A_1 : vector<16xf32> to vector<1x16xf32>
      tpu.vector_store %arg5[%swap3A, %swap3A_44], %swap3A_47 {strides = array<i32>} : memref<128x16xf32, #tpu.memory_space<vmem>>, vector<1x16xf32>,
      %broadcast_in_dim3A_48 = arith.constant 0.000000e+00 : f32
      %broadcast_in_dim3A_49 = vector.broadcast %broadcast_in_dim3A_48 : f32 to vector<16xf32>
      %swap3A_50 = arith.index_cast %scan3A_42 : i32 to index
      %swap3A_51 = arith.constant 0 : index
      %swap3A_52 = tpu.vector_load %arg6[%swap3A_50, %swap3A_51] {strides = array<i32>} : memref<128x16xf32, #tpu.memory_space<vmem>>, vector<1x16xf32>,
      %swap3A_53 = vector.shape_cast %swap3A_52 : vector<1x16xf32> to vector<16xf32>
      %swap3A_54 = vector.shape_cast %broadcast_in_dim3A_49 : vector<16xf32> to vector<1x16xf32>
      tpu.vector_store %arg6[%swap3A_50, %swap3A_51], %swap3A_54 {strides = array<i32>} : memref<128x16xf32, #tpu.memory_space<vmem>>, vector<1x16xf32>,
      %scan3A_55 = arith.constant 0 : i32
      scf.yield %scan3A_55 : i32
    }
    %scan3A_7 = arith.constant 128 : i32
    %mul3A_8 = arith.constant 640 : i32
    %mul3A_9 = arith.muli %arg1, %mul3A_8 : i32
    %add3A_10 = arith.constant 0 : i32
    %add3A_11 = arith.addi %mul3A_9, %add3A_10 : i32
    "tpu.region"() ({
      %run_scoped3A = tpu.sem_alloc : memref<!tpu.dma_semaphore, #tpu.memory_space<semaphore_mem>>
      %dma_start3A = arith.constant 0 : i32
      %dma_start3A_42 = tpu.memref_slice %arg7[%add3A_11, %dma_start3A] : memref<10240x16xf32, #tpu.memory_space<vmem_shared>> -> memref<128x16xf32, #tpu.memory_space<vmem_shared>>
      %dma_start3A_43 = arith.constant 0 : i32
      %dma_start3A_44 = tpu.memref_slice %arg7[%add3A_11, %dma_start3A_43] : memref<10240x16xf32, #tpu.memory_space<vmem_shared>> -> memref<128x16xf32, #tpu.memory_space<vmem_shared>>
      tpu.enqueue_dma source(%arg6 : memref<128x16xf32, #tpu.memory_space<vmem>>) target(%dma_start3A_44 : memref<128x16xf32, #tpu.memory_space<vmem_shared>>) target_semaphore(%run_scoped3A : memref<!tpu.dma_semaphore, #tpu.memory_space<semaphore_mem>>)
      %dma_wait3A = arith.constant 0 : i32
      %dma_wait3A_45 = tpu.memref_slice %arg7[%add3A_11, %dma_wait3A] : memref<10240x16xf32, #tpu.memory_space<vmem_shared>> -> memref<128x16xf32, #tpu.memory_space<vmem_shared>>
      %dma_wait3A_46 = arith.constant 0 : i32
      %dma_wait3A_47 = tpu.memref_slice %arg7[%add3A_11, %dma_wait3A_46] : memref<10240x16xf32, #tpu.memory_space<vmem_shared>> -> memref<128x16xf32, #tpu.memory_space<vmem_shared>>
      tpu.wait_dma2 semaphore(%run_scoped3A : memref<!tpu.dma_semaphore, #tpu.memory_space<semaphore_mem>>) src(%arg6 : memref<128x16xf32, #tpu.memory_space<vmem>>) dst(%dma_wait3A_47 : memref<128x16xf32, #tpu.memory_space<vmem_shared>>)
      tpu.yield
    }) : () -> ()
    %mul3A_12 = arith.constant 640 : i32
    %mul3A_13 = arith.muli %arg1, %mul3A_12 : i32
    %add3A_14 = arith.constant 128 : i32
    %add3A_15 = arith.addi %mul3A_13, %add3A_14 : i32
    "tpu.region"() ({
      %run_scoped3A = tpu.sem_alloc : memref<!tpu.dma_semaphore, #tpu.memory_space<semaphore_mem>>
      %dma_start3A = arith.constant 0 : i32
      %dma_start3A_42 = tpu.memref_slice %arg7[%add3A_15, %dma_start3A] : memref<10240x16xf32, #tpu.memory_space<vmem_shared>> -> memref<128x16xf32, #tpu.memory_space<vmem_shared>>
      %dma_start3A_43 = arith.constant 0 : i32
      %dma_start3A_44 = tpu.memref_slice %arg7[%add3A_15, %dma_start3A_43] : memref<10240x16xf32, #tpu.memory_space<vmem_shared>> -> memref<128x16xf32, #tpu.memory_space<vmem_shared>>
      tpu.enqueue_dma source(%arg6 : memref<128x16xf32, #tpu.memory_space<vmem>>) target(%dma_start3A_44 : memref<128x16xf32, #tpu.memory_space<vmem_shared>>) target_semaphore(%run_scoped3A : memref<!tpu.dma_semaphore, #tpu.memory_space<semaphore_mem>>)
      %dma_wait3A = arith.constant 0 : i32
      %dma_wait3A_45 = tpu.memref_slice %arg7[%add3A_15, %dma_wait3A] : memref<10240x16xf32, #tpu.memory_space<vmem_shared>> -> memref<128x16xf32, #tpu.memory_space<vmem_shared>>
      %dma_wait3A_46 = arith.constant 0 : i32
      %dma_wait3A_47 = tpu.memref_slice %arg7[%add3A_15, %dma_wait3A_46] : memref<10240x16xf32, #tpu.memory_space<vmem_shared>> -> memref<128x16xf32, #tpu.memory_space<vmem_shared>>
      tpu.wait_dma2 semaphore(%run_scoped3A : memref<!tpu.dma_semaphore, #tpu.memory_space<semaphore_mem>>) src(%arg6 : memref<128x16xf32, #tpu.memory_space<vmem>>) dst(%dma_wait3A_47 : memref<128x16xf32, #tpu.memory_space<vmem_shared>>)
      tpu.yield
    }) : () -> ()
    %mul3A_16 = arith.constant 640 : i32
    %mul3A_17 = arith.muli %arg1, %mul3A_16 : i32
    %add3A_18 = arith.constant 256 : i32
    %add3A_19 = arith.addi %mul3A_17, %add3A_18 : i32
    "tpu.region"() ({
      %run_scoped3A = tpu.sem_alloc : memref<!tpu.dma_semaphore, #tpu.memory_space<semaphore_mem>>
      %dma_start3A = arith.constant 0 : i32
      %dma_start3A_42 = tpu.memref_slice %arg7[%add3A_19, %dma_start3A] : memref<10240x16xf32, #tpu.memory_space<vmem_shared>> -> memref<128x16xf32, #tpu.memory_space<vmem_shared>>
      %dma_start3A_43 = arith.constant 0 : i32
      %dma_start3A_44 = tpu.memref_slice %arg7[%add3A_19, %dma_start3A_43] : memref<10240x16xf32, #tpu.memory_space<vmem_shared>> -> memref<128x16xf32, #tpu.memory_space<vmem_shared>>
      tpu.enqueue_dma source(%arg6 : memref<128x16xf32, #tpu.memory_space<vmem>>) target(%dma_start3A_44 : memref<128x16xf32, #tpu.memory_space<vmem_shared>>) target_semaphore(%run_scoped3A : memref<!tpu.dma_semaphore, #tpu.memory_space<semaphore_mem>>)
      %dma_wait3A = arith.constant 0 : i32
      %dma_wait3A_45 = tpu.memref_slice %arg7[%add3A_19, %dma_wait3A] : memref<10240x16xf32, #tpu.memory_space<vmem_shared>> -> memref<128x16xf32, #tpu.memory_space<vmem_shared>>
      %dma_wait3A_46 = arith.constant 0 : i32
      %dma_wait3A_47 = tpu.memref_slice %arg7[%add3A_19, %dma_wait3A_46] : memref<10240x16xf32, #tpu.memory_space<vmem_shared>> -> memref<128x16xf32, #tpu.memory_space<vmem_shared>>
      tpu.wait_dma2 semaphore(%run_scoped3A : memref<!tpu.dma_semaphore, #tpu.memory_space<semaphore_mem>>) src(%arg6 : memref<128x16xf32, #tpu.memory_space<vmem>>) dst(%dma_wait3A_47 : memref<128x16xf32, #tpu.memory_space<vmem_shared>>)
      tpu.yield
    }) : () -> ()
    %mul3A_20 = arith.constant 640 : i32
    %mul3A_21 = arith.muli %arg1, %mul3A_20 : i32
    %add3A_22 = arith.constant 384 : i32
    %add3A_23 = arith.addi %mul3A_21, %add3A_22 : i32
    "tpu.region"() ({
      %run_scoped3A = tpu.sem_alloc : memref<!tpu.dma_semaphore, #tpu.memory_space<semaphore_mem>>
      %dma_start3A = arith.constant 0 : i32
      %dma_start3A_42 = tpu.memref_slice %arg7[%add3A_23, %dma_start3A] : memref<10240x16xf32, #tpu.memory_space<vmem_shared>> -> memref<128x16xf32, #tpu.memory_space<vmem_shared>>
      %dma_start3A_43 = arith.constant 0 : i32
      %dma_start3A_44 = tpu.memref_slice %arg7[%add3A_23, %dma_start3A_43] : memref<10240x16xf32, #tpu.memory_space<vmem_shared>> -> memref<128x16xf32, #tpu.memory_space<vmem_shared>>
      tpu.enqueue_dma source(%arg6 : memref<128x16xf32, #tpu.memory_space<vmem>>) target(%dma_start3A_44 : memref<128x16xf32, #tpu.memory_space<vmem_shared>>) target_semaphore(%run_scoped3A : memref<!tpu.dma_semaphore, #tpu.memory_space<semaphore_mem>>)
      %dma_wait3A = arith.constant 0 : i32
      %dma_wait3A_45 = tpu.memref_slice %arg7[%add3A_23, %dma_wait3A] : memref<10240x16xf32, #tpu.memory_space<vmem_shared>> -> memref<128x16xf32, #tpu.memory_space<vmem_shared>>
      %dma_wait3A_46 = arith.constant 0 : i32
      %dma_wait3A_47 = tpu.memref_slice %arg7[%add3A_23, %dma_wait3A_46] : memref<10240x16xf32, #tpu.memory_space<vmem_shared>> -> memref<128x16xf32, #tpu.memory_space<vmem_shared>>
      tpu.wait_dma2 semaphore(%run_scoped3A : memref<!tpu.dma_semaphore, #tpu.memory_space<semaphore_mem>>) src(%arg6 : memref<128x16xf32, #tpu.memory_space<vmem>>) dst(%dma_wait3A_47 : memref<128x16xf32, #tpu.memory_space<vmem_shared>>)
      tpu.yield
    }) : () -> ()
    %mul3A_24 = arith.constant 640 : i32
    %mul3A_25 = arith.muli %arg1, %mul3A_24 : i32
    %add3A_26 = arith.constant 512 : i32
    %add3A_27 = arith.addi %mul3A_25, %add3A_26 : i32
    "tpu.region"() ({
      %run_scoped3A = tpu.sem_alloc : memref<!tpu.dma_semaphore, #tpu.memory_space<semaphore_mem>>
      %dma_start3A = arith.constant 0 : i32
      %dma_start3A_42 = tpu.memref_slice %arg7[%add3A_27, %dma_start3A] : memref<10240x16xf32, #tpu.memory_space<vmem_shared>> -> memref<128x16xf32, #tpu.memory_space<vmem_shared>>
      %dma_start3A_43 = arith.constant 0 : i32
      %dma_start3A_44 = tpu.memref_slice %arg7[%add3A_27, %dma_start3A_43] : memref<10240x16xf32, #tpu.memory_space<vmem_shared>> -> memref<128x16xf32, #tpu.memory_space<vmem_shared>>
      tpu.enqueue_dma source(%arg6 : memref<128x16xf32, #tpu.memory_space<vmem>>) target(%dma_start3A_44 : memref<128x16xf32, #tpu.memory_space<vmem_shared>>) target_semaphore(%run_scoped3A : memref<!tpu.dma_semaphore, #tpu.memory_space<semaphore_mem>>)
      %dma_wait3A = arith.constant 0 : i32
      %dma_wait3A_45 = tpu.memref_slice %arg7[%add3A_27, %dma_wait3A] : memref<10240x16xf32, #tpu.memory_space<vmem_shared>> -> memref<128x16xf32, #tpu.memory_space<vmem_shared>>
      %dma_wait3A_46 = arith.constant 0 : i32
      %dma_wait3A_47 = tpu.memref_slice %arg7[%add3A_27, %dma_wait3A_46] : memref<10240x16xf32, #tpu.memory_space<vmem_shared>> -> memref<128x16xf32, #tpu.memory_space<vmem_shared>>
      tpu.wait_dma2 semaphore(%run_scoped3A : memref<!tpu.dma_semaphore, #tpu.memory_space<semaphore_mem>>) src(%arg6 : memref<128x16xf32, #tpu.memory_space<vmem>>) dst(%dma_wait3A_47 : memref<128x16xf32, #tpu.memory_space<vmem_shared>>)
      tpu.yield
    }) : () -> ()
    %barrier3A = arith.constant 0 : index
    tpu.barrier barrier_id(%barrier3A)
    %mul3A_28 = arith.constant 80 : i32
    %mul3A_29 = arith.muli %add3A, %mul3A_28 : i32
    "tpu.region"() ({
      %run_scoped3A = tpu.sem_alloc : memref<!tpu.dma_semaphore, #tpu.memory_space<semaphore_mem>>
      %dma_start3A = arith.constant 0 : i32
      %dma_start3A_42 = tpu.memref_slice %arg2[%mul3A_29, %dma_start3A] : memref<2560x128xi32, #tpu.memory_space<hbm>> -> memref<80x128xi32, #tpu.memory_space<hbm>>
      %dma_start3A_43 = arith.constant 0 : i32
      %dma_start3A_44 = tpu.memref_slice %arg2[%mul3A_29, %dma_start3A_43] : memref<2560x128xi32, #tpu.memory_space<hbm>> -> memref<80x128xi32, #tpu.memory_space<hbm>>
      tpu.enqueue_dma source(%dma_start3A_44 : memref<80x128xi32, #tpu.memory_space<hbm>>) target(%arg4 : memref<80x128xi32, #tpu.memory_space<vmem>>) target_semaphore(%run_scoped3A : memref<!tpu.dma_semaphore, #tpu.memory_space<semaphore_mem>>)
      %dma_wait3A = arith.constant 0 : i32
      %dma_wait3A_45 = tpu.memref_slice %arg2[%mul3A_29, %dma_wait3A] : memref<2560x128xi32, #tpu.memory_space<hbm>> -> memref<80x128xi32, #tpu.memory_space<hbm>>
      %dma_wait3A_46 = arith.constant 0 : i32
      %dma_wait3A_47 = tpu.memref_slice %arg2[%mul3A_29, %dma_wait3A_46] : memref<2560x128xi32, #tpu.memory_space<hbm>> -> memref<80x128xi32, #tpu.memory_space<hbm>>
      tpu.wait_dma2 semaphore(%run_scoped3A : memref<!tpu.dma_semaphore, #tpu.memory_space<semaphore_mem>>) src(%dma_wait3A_47 : memref<80x128xi32, #tpu.memory_space<hbm>>) dst(%arg4 : memref<80x128xi32, #tpu.memory_space<vmem>>)
      tpu.yield
    }) : () -> ()
    %scan3A_30 = arith.constant 0 : i32
    %scan3A_31 = arith.constant 0 : i32
    %scan3A_32 = arith.constant 80 : i32
    %scan3A_33 = arith.addi %scan3A_31, %scan3A_32 : i32
    %scan3A_34 = arith.constant 1 : i32
    %scan3A_35 = scf.for %scan3A_42 = %scan3A_31 to %scan3A_33 step %scan3A_34 iter_args(%scan3A_43 = %scan3A_30) -> (i32)  : i32 {
      "tpu.region"() ({
        %run_scoped3A = tpu.sem_alloc : memref<!tpu.dma_semaphore, #tpu.memory_space<semaphore_mem>>
        %dma_start3A = arith.constant 0 : i32
        %dma_start3A_45 = tpu.memref_slice %arg4[%scan3A_42, %dma_start3A] : memref<80x128xi32, #tpu.memory_space<vmem>> -> memref<1x128xi32, #tpu.memory_space<vmem>>
        %dma_start3A_46 = tpu.memref_squeeze %dma_start3A_45 : memref<1x128xi32, #tpu.memory_space<vmem>> -> memref<128xi32, #tpu.memory_space<vmem>>
        %dma_start3A_47 = arith.constant 0 : i32
        %dma_start3A_48 = arith.constant 0 : i32
        %dma_start3A_49 = tpu.memref_slice %arg7[%dma_start3A_47, %dma_start3A_48] : memref<10240x16xf32, #tpu.memory_space<vmem_shared>> -> memref<10240x16xf32, #tpu.memory_space<vmem_shared>>
        tpu.enqueue_indirect_dma source(%arg5 : memref<128x16xf32, #tpu.memory_space<vmem>>) target(%dma_start3A_49 : memref<10240x16xf32, #tpu.memory_space<vmem_shared>>) offsets(%dma_start3A_46 : memref<128xi32, #tpu.memory_space<vmem>>) semaphore(%run_scoped3A : memref<!tpu.dma_semaphore, #tpu.memory_space<semaphore_mem>>) {add = true}
        %dma_wait3A = arith.constant 0 : i32
        %dma_wait3A_50 = tpu.memref_slice %arg4[%scan3A_42, %dma_wait3A] : memref<80x128xi32, #tpu.memory_space<vmem>> -> memref<1x128xi32, #tpu.memory_space<vmem>>
        %dma_wait3A_51 = tpu.memref_squeeze %dma_wait3A_50 : memref<1x128xi32, #tpu.memory_space<vmem>> -> memref<128xi32, #tpu.memory_space<vmem>>
        %dma_wait3A_52 = arith.constant 0 : i32
        %dma_wait3A_53 = arith.constant 0 : i32
        %dma_wait3A_54 = tpu.memref_slice %arg7[%dma_wait3A_52, %dma_wait3A_53] : memref<10240x16xf32, #tpu.memory_space<vmem_shared>> -> memref<10240x16xf32, #tpu.memory_space<vmem_shared>>
        tpu.wait_indirect_dma semaphore(%run_scoped3A : memref<!tpu.dma_semaphore, #tpu.memory_space<semaphore_mem>>) src(%arg5 : memref<128x16xf32, #tpu.memory_space<vmem>>) dst(%dma_wait3A_54 : memref<10240x16xf32, #tpu.memory_space<vmem_shared>>)
        tpu.yield
      }) : () -> ()
      %scan3A_44 = arith.constant 0 : i32
      scf.yield %scan3A_44 : i32
    }
    %scan3A_36 = arith.constant 80 : i32
    %barrier3A_37 = arith.constant 0 : index
    tpu.barrier barrier_id(%barrier3A_37)
    %mul3A_38 = arith.constant 640 : i32
    %mul3A_39 = arith.muli %arg1, %mul3A_38 : i32
    %mul3A_40 = arith.constant 640 : i32
    %mul3A_41 = arith.muli %arg1, %mul3A_40 : i32
    "tpu.region"() ({
      %run_scoped3A = tpu.sem_alloc : memref<!tpu.dma_semaphore, #tpu.memory_space<semaphore_mem>>
      %dma_start3A = arith.constant 0 : i32
      %dma_start3A_42 = tpu.memref_slice %arg3[%arg0, %mul3A_41, %dma_start3A] : memref<2x10240x16xf32, #tpu.memory_space<hbm>> -> memref<1x640x16xf32, #tpu.memory_space<hbm>>
      %dma_start3A_43 = tpu.memref_squeeze %dma_start3A_42 : memref<1x640x16xf32, #tpu.memory_space<hbm>> -> memref<640x16xf32, #tpu.memory_space<hbm>>
      %dma_start3A_44 = arith.constant 0 : i32
      %dma_start3A_45 = tpu.memref_slice %arg7[%mul3A_39, %dma_start3A_44] : memref<10240x16xf32, #tpu.memory_space<vmem_shared>> -> memref<640x16xf32, #tpu.memory_space<vmem_shared>>
      tpu.enqueue_dma source(%dma_start3A_45 : memref<640x16xf32, #tpu.memory_space<vmem_shared>>) target(%dma_start3A_43 : memref<640x16xf32, #tpu.memory_space<hbm>>) target_semaphore(%run_scoped3A : memref<!tpu.dma_semaphore, #tpu.memory_space<semaphore_mem>>)
      %dma_wait3A = arith.constant 0 : i32
      %dma_wait3A_46 = tpu.memref_slice %arg3[%arg0, %mul3A_41, %dma_wait3A] : memref<2x10240x16xf32, #tpu.memory_space<hbm>> -> memref<1x640x16xf32, #tpu.memory_space<hbm>>
      %dma_wait3A_47 = tpu.memref_squeeze %dma_wait3A_46 : memref<1x640x16xf32, #tpu.memory_space<hbm>> -> memref<640x16xf32, #tpu.memory_space<hbm>>
      %dma_wait3A_48 = arith.constant 0 : i32
      %dma_wait3A_49 = tpu.memref_slice %arg7[%mul3A_39, %dma_wait3A_48] : memref<10240x16xf32, #tpu.memory_space<vmem_shared>> -> memref<640x16xf32, #tpu.memory_space<vmem_shared>>
      tpu.wait_dma2 semaphore(%run_scoped3A : memref<!tpu.dma_semaphore, #tpu.memory_space<semaphore_mem>>) src(%dma_wait3A_49 : memref<640x16xf32, #tpu.memory_space<vmem_shared>>) dst(%dma_wait3A_47 : memref<640x16xf32, #tpu.memory_space<hbm>>)
      tpu.yield
    }) : () -> ()
    return
  }
}

#map = affine_map<(d0, d1) -> (0, 0, 0)>
#map1 = affine_map<(d0, d1) -> (0, 0)>
module attributes {stable_mosaic.version = 14 : i64} {
  func.func @_prop_kernel(%arg0: i32, %arg1: i32, %arg2: memref<2x10240x128xf32, #tpu.memory_space<hbm>>, %arg3: memref<2560x128xi32, #tpu.memory_space<hbm>>, %arg4: memref<2560x128xi32, #tpu.memory_space<hbm>>, %arg5: memref<2x10240x128xf32, #tpu.memory_space<hbm>>, %arg6: memref<160x128xi32, #tpu.memory_space<vmem>>, %arg7: memref<160x128xi32, #tpu.memory_space<vmem>>, %arg8: memref<1x128xi32, #tpu.memory_space<vmem>>, %arg9: memref<128x128xf32, #tpu.memory_space<vmem>>, %arg10: memref<128x128xf32, #tpu.memory_space<vmem>>, %arg11: memref<128x128xf32, #tpu.memory_space<vmem>>, %arg12: memref<!tpu.dma_semaphore, #tpu.memory_space<semaphore_mem>>, %arg13: memref<!tpu.dma_semaphore, #tpu.memory_space<semaphore_mem>>, %arg14: memref<3072x128xf32, #tpu.memory_space<vmem_shared>>) attributes {dimension_semantics = [#tpu.dimension_semantics<core_parallel>, #tpu.dimension_semantics<subcore_parallel>], iteration_bounds = array<i64: 2, 16>, scalar_prefetch = 0 : i64, scratch_operands = 9 : i64, tpu.core_type = #tpu.core_type<sc_vector_subcore>, window_params = [{transform_indices = #map}, {transform_indices = #map1}, {transform_indices = #map1}, {transform_indices = #map}]} {
    %broadcast_in_dim3A = arith.constant 0.000000e+00 : f32
    %broadcast_in_dim3A_0 = vector.broadcast %broadcast_in_dim3A : f32 to vector<16xf32>
    %scan3A = arith.constant 0 : i32
    %scan3A_1 = arith.constant 0 : i32
    %scan3A_2 = arith.constant 128 : i32
    %scan3A_3 = arith.addi %scan3A_1, %scan3A_2 : i32
    %scan3A_4 = arith.constant 1 : i32
    %scan3A_5 = scf.for %scan3A_1807 = %scan3A_1 to %scan3A_3 step %scan3A_4 iter_args(%scan3A_1808 = %scan3A) -> (i32)  : i32 {
      %swap3A_1809 = arith.index_cast %scan3A_1807 : i32 to index
      %swap3A_1810 = arith.constant 0 : index
      %swap3A_1811 = tpu.vector_load %arg11[%swap3A_1809, %swap3A_1810] {strides = array<i32>} : memref<128x128xf32, #tpu.memory_space<vmem>>, vector<1x16xf32>,
      %swap3A_1812 = vector.shape_cast %swap3A_1811 : vector<1x16xf32> to vector<16xf32>
      %swap3A_1813 = vector.shape_cast %broadcast_in_dim3A_0 : vector<16xf32> to vector<1x16xf32>
      tpu.vector_store %arg11[%swap3A_1809, %swap3A_1810], %swap3A_1813 {strides = array<i32>} : memref<128x128xf32, #tpu.memory_space<vmem>>, vector<1x16xf32>,
      %swap3A_1814 = arith.index_cast %scan3A_1807 : i32 to index
      %swap3A_1815 = arith.constant 16 : index
      %swap3A_1816 = tpu.vector_load %arg11[%swap3A_1814, %swap3A_1815] {strides = array<i32>} : memref<128x128xf32, #tpu.memory_space<vmem>>, vector<1x16xf32>,
      %swap3A_1817 = vector.shape_cast %swap3A_1816 : vector<1x16xf32> to vector<16xf32>
      %swap3A_1818 = vector.shape_cast %broadcast_in_dim3A_0 : vector<16xf32> to vector<1x16xf32>
      tpu.vector_store %arg11[%swap3A_1814, %swap3A_1815], %swap3A_1818 {strides = array<i32>} : memref<128x128xf32, #tpu.memory_space<vmem>>, vector<1x16xf32>,
      %swap3A_1819 = arith.index_cast %scan3A_1807 : i32 to index
      %swap3A_1820 = arith.constant 32 : index
      %swap3A_1821 = tpu.vector_load %arg11[%swap3A_1819, %swap3A_1820] {strides = array<i32>} : memref<128x128xf32, #tpu.memory_space<vmem>>, vector<1x16xf32>,
      %swap3A_1822 = vector.shape_cast %swap3A_1821 : vector<1x16xf32> to vector<16xf32>
      %swap3A_1823 = vector.shape_cast %broadcast_in_dim3A_0 : vector<16xf32> to vector<1x16xf32>
      tpu.vector_store %arg11[%swap3A_1819, %swap3A_1820], %swap3A_1823 {strides = array<i32>} : memref<128x128xf32, #tpu.memory_space<vmem>>, vector<1x16xf32>,
      %swap3A_1824 = arith.index_cast %scan3A_1807 : i32 to index
      %swap3A_1825 = arith.constant 48 : index
      %swap3A_1826 = tpu.vector_load %arg11[%swap3A_1824, %swap3A_1825] {strides = array<i32>} : memref<128x128xf32, #tpu.memory_space<vmem>>, vector<1x16xf32>,
      %swap3A_1827 = vector.shape_cast %swap3A_1826 : vector<1x16xf32> to vector<16xf32>
      %swap3A_1828 = vector.shape_cast %broadcast_in_dim3A_0 : vector<16xf32> to vector<1x16xf32>
      tpu.vector_store %arg11[%swap3A_1824, %swap3A_1825], %swap3A_1828 {strides = array<i32>} : memref<128x128xf32, #tpu.memory_space<vmem>>, vector<1x16xf32>,
      %swap3A_1829 = arith.index_cast %scan3A_1807 : i32 to index
      %swap3A_1830 = arith.constant 64 : index
      %swap3A_1831 = tpu.vector_load %arg11[%swap3A_1829, %swap3A_1830] {strides = array<i32>} : memref<128x128xf32, #tpu.memory_space<vmem>>, vector<1x16xf32>,
      %swap3A_1832 = vector.shape_cast %swap3A_1831 : vector<1x16xf32> to vector<16xf32>
      %swap3A_1833 = vector.shape_cast %broadcast_in_dim3A_0 : vector<16xf32> to vector<1x16xf32>
      tpu.vector_store %arg11[%swap3A_1829, %swap3A_1830], %swap3A_1833 {strides = array<i32>} : memref<128x128xf32, #tpu.memory_space<vmem>>, vector<1x16xf32>,
      %swap3A_1834 = arith.index_cast %scan3A_1807 : i32 to index
      %swap3A_1835 = arith.constant 80 : index
      %swap3A_1836 = tpu.vector_load %arg11[%swap3A_1834, %swap3A_1835] {strides = array<i32>} : memref<128x128xf32, #tpu.memory_space<vmem>>, vector<1x16xf32>,
      %swap3A_1837 = vector.shape_cast %swap3A_1836 : vector<1x16xf32> to vector<16xf32>
      %swap3A_1838 = vector.shape_cast %broadcast_in_dim3A_0 : vector<16xf32> to vector<1x16xf32>
      tpu.vector_store %arg11[%swap3A_1834, %swap3A_1835], %swap3A_1838 {strides = array<i32>} : memref<128x128xf32, #tpu.memory_space<vmem>>, vector<1x16xf32>,
      %swap3A_1839 = arith.index_cast %scan3A_1807 : i32 to index
      %swap3A_1840 = arith.constant 96 : index
      %swap3A_1841 = tpu.vector_load %arg11[%swap3A_1839, %swap3A_1840] {strides = array<i32>} : memref<128x128xf32, #tpu.memory_space<vmem>>, vector<1x16xf32>,
      %swap3A_1842 = vector.shape_cast %swap3A_1841 : vector<1x16xf32> to vector<16xf32>
      %swap3A_1843 = vector.shape_cast %broadcast_in_dim3A_0 : vector<16xf32> to vector<1x16xf32>
      tpu.vector_store %arg11[%swap3A_1839, %swap3A_1840], %swap3A_1843 {strides = array<i32>} : memref<128x128xf32, #tpu.memory_space<vmem>>, vector<1x16xf32>,
      %swap3A_1844 = arith.index_cast %scan3A_1807 : i32 to index
      %swap3A_1845 = arith.constant 112 : index
      %swap3A_1846 = tpu.vector_load %arg11[%swap3A_1844, %swap3A_1845] {strides = array<i32>} : memref<128x128xf32, #tpu.memory_space<vmem>>, vector<1x16xf32>,
      %swap3A_1847 = vector.shape_cast %swap3A_1846 : vector<1x16xf32> to vector<16xf32>
      %swap3A_1848 = vector.shape_cast %broadcast_in_dim3A_0 : vector<16xf32> to vector<1x16xf32>
      tpu.vector_store %arg11[%swap3A_1844, %swap3A_1845], %swap3A_1848 {strides = array<i32>} : memref<128x128xf32, #tpu.memory_space<vmem>>, vector<1x16xf32>,
      %scan3A_1849 = arith.constant 0 : i32
      scf.yield %scan3A_1849 : i32
    }
    %scan3A_6 = arith.constant 128 : i32
    %mul3A = arith.constant 160 : i32
    %mul3A_7 = arith.muli %arg1, %mul3A : i32
    "tpu.region"() ({
      %run_scoped3A_1807 = tpu.sem_alloc : memref<!tpu.dma_semaphore, #tpu.memory_space<semaphore_mem>>
      %dma_start3A_1808 = arith.constant 0 : i32
      %dma_start3A_1809 = tpu.memref_slice %arg3[%mul3A_7, %dma_start3A_1808] : memref<2560x128xi32, #tpu.memory_space<hbm>> -> memref<160x128xi32, #tpu.memory_space<hbm>>
      %dma_start3A_1810 = arith.constant 0 : i32
      %dma_start3A_1811 = tpu.memref_slice %arg3[%mul3A_7, %dma_start3A_1810] : memref<2560x128xi32, #tpu.memory_space<hbm>> -> memref<160x128xi32, #tpu.memory_space<hbm>>
      tpu.enqueue_dma source(%dma_start3A_1811 : memref<160x128xi32, #tpu.memory_space<hbm>>) target(%arg6 : memref<160x128xi32, #tpu.memory_space<vmem>>) target_semaphore(%run_scoped3A_1807 : memref<!tpu.dma_semaphore, #tpu.memory_space<semaphore_mem>>)
      %dma_wait3A_1812 = arith.constant 0 : i32
      %dma_wait3A_1813 = tpu.memref_slice %arg3[%mul3A_7, %dma_wait3A_1812] : memref<2560x128xi32, #tpu.memory_space<hbm>> -> memref<160x128xi32, #tpu.memory_space<hbm>>
      %dma_wait3A_1814 = arith.constant 0 : i32
      %dma_wait3A_1815 = tpu.memref_slice %arg3[%mul3A_7, %dma_wait3A_1814] : memref<2560x128xi32, #tpu.memory_space<hbm>> -> memref<160x128xi32, #tpu.memory_space<hbm>>
      tpu.wait_dma2 semaphore(%run_scoped3A_1807 : memref<!tpu.dma_semaphore, #tpu.memory_space<semaphore_mem>>) src(%dma_wait3A_1815 : memref<160x128xi32, #tpu.memory_space<hbm>>) dst(%arg6 : memref<160x128xi32, #tpu.memory_space<vmem>>)
      tpu.yield
    }) : () -> ()
    "tpu.region"() ({
      %run_scoped3A_1807 = tpu.sem_alloc : memref<!tpu.dma_semaphore, #tpu.memory_space<semaphore_mem>>
      %dma_start3A_1808 = arith.constant 0 : i32
      %dma_start3A_1809 = tpu.memref_slice %arg4[%mul3A_7, %dma_start3A_1808] : memref<2560x128xi32, #tpu.memory_space<hbm>> -> memref<160x128xi32, #tpu.memory_space<hbm>>
      %dma_start3A_1810 = arith.constant 0 : i32
      %dma_start3A_1811 = tpu.memref_slice %arg4[%mul3A_7, %dma_start3A_1810] : memref<2560x128xi32, #tpu.memory_space<hbm>> -> memref<160x128xi32, #tpu.memory_space<hbm>>
      tpu.enqueue_dma source(%dma_start3A_1811 : memref<160x128xi32, #tpu.memory_space<hbm>>) target(%arg7 : memref<160x128xi32, #tpu.memory_space<vmem>>) target_semaphore(%run_scoped3A_1807 : memref<!tpu.dma_semaphore, #tpu.memory_space<semaphore_mem>>)
      %dma_wait3A_1812 = arith.constant 0 : i32
      %dma_wait3A_1813 = tpu.memref_slice %arg4[%mul3A_7, %dma_wait3A_1812] : memref<2560x128xi32, #tpu.memory_space<hbm>> -> memref<160x128xi32, #tpu.memory_space<hbm>>
      %dma_wait3A_1814 = arith.constant 0 : i32
      %dma_wait3A_1815 = tpu.memref_slice %arg4[%mul3A_7, %dma_wait3A_1814] : memref<2560x128xi32, #tpu.memory_space<hbm>> -> memref<160x128xi32, #tpu.memory_space<hbm>>
      tpu.wait_dma2 semaphore(%run_scoped3A_1807 : memref<!tpu.dma_semaphore, #tpu.memory_space<semaphore_mem>>) src(%dma_wait3A_1815 : memref<160x128xi32, #tpu.memory_space<hbm>>) dst(%arg7 : memref<160x128xi32, #tpu.memory_space<vmem>>)
      tpu.yield
    }) : () -> ()
    %mul3A_8 = arith.constant 192 : i32
    %mul3A_9 = arith.muli %arg1, %mul3A_8 : i32
    %add3A = arith.constant 0 : i32
    %add3A_10 = arith.addi %mul3A_9, %add3A : i32
    "tpu.region"() ({
      %run_scoped3A_1807 = tpu.sem_alloc : memref<!tpu.dma_semaphore, #tpu.memory_space<semaphore_mem>>
      %dma_start3A_1808 = arith.constant 0 : i32
      %dma_start3A_1809 = arith.constant 0 : i32
      %dma_start3A_1810 = tpu.memref_slice %arg11[%dma_start3A_1808, %dma_start3A_1809] : memref<128x128xf32, #tpu.memory_space<vmem>> -> memref<128x128xf32, #tpu.memory_space<vmem>>
      %dma_start3A_1811 = arith.constant 0 : i32
      %dma_start3A_1812 = tpu.memref_slice %arg14[%add3A_10, %dma_start3A_1811] : memref<3072x128xf32, #tpu.memory_space<vmem_shared>> -> memref<128x128xf32, #tpu.memory_space<vmem_shared>>
      %dma_start3A_1813 = arith.constant 0 : i32
      %dma_start3A_1814 = tpu.memref_slice %arg14[%add3A_10, %dma_start3A_1813] : memref<3072x128xf32, #tpu.memory_space<vmem_shared>> -> memref<128x128xf32, #tpu.memory_space<vmem_shared>>
      %dma_start3A_1815 = arith.constant 0 : i32
      %dma_start3A_1816 = arith.constant 0 : i32
      %dma_start3A_1817 = tpu.memref_slice %arg11[%dma_start3A_1815, %dma_start3A_1816] : memref<128x128xf32, #tpu.memory_space<vmem>> -> memref<128x128xf32, #tpu.memory_space<vmem>>
      tpu.enqueue_dma source(%dma_start3A_1817 : memref<128x128xf32, #tpu.memory_space<vmem>>) target(%dma_start3A_1814 : memref<128x128xf32, #tpu.memory_space<vmem_shared>>) target_semaphore(%run_scoped3A_1807 : memref<!tpu.dma_semaphore, #tpu.memory_space<semaphore_mem>>)
      %dma_wait3A_1818 = arith.constant 0 : i32
      %dma_wait3A_1819 = arith.constant 0 : i32
      %dma_wait3A_1820 = tpu.memref_slice %arg11[%dma_wait3A_1818, %dma_wait3A_1819] : memref<128x128xf32, #tpu.memory_space<vmem>> -> memref<128x128xf32, #tpu.memory_space<vmem>>
      %dma_wait3A_1821 = arith.constant 0 : i32
      %dma_wait3A_1822 = tpu.memref_slice %arg14[%add3A_10, %dma_wait3A_1821] : memref<3072x128xf32, #tpu.memory_space<vmem_shared>> -> memref<128x128xf32, #tpu.memory_space<vmem_shared>>
      %dma_wait3A_1823 = arith.constant 0 : i32
      %dma_wait3A_1824 = tpu.memref_slice %arg14[%add3A_10, %dma_wait3A_1823] : memref<3072x128xf32, #tpu.memory_space<vmem_shared>> -> memref<128x128xf32, #tpu.memory_space<vmem_shared>>
      %dma_wait3A_1825 = arith.constant 0 : i32
      %dma_wait3A_1826 = arith.constant 0 : i32
      %dma_wait3A_1827 = tpu.memref_slice %arg11[%dma_wait3A_1825, %dma_wait3A_1826] : memref<128x128xf32, #tpu.memory_space<vmem>> -> memref<128x128xf32, #tpu.memory_space<vmem>>
      tpu.wait_dma2 semaphore(%run_scoped3A_1807 : memref<!tpu.dma_semaphore, #tpu.memory_space<semaphore_mem>>) src(%dma_wait3A_1827 : memref<128x128xf32, #tpu.memory_space<vmem>>) dst(%dma_wait3A_1824 : memref<128x128xf32, #tpu.memory_space<vmem_shared>>)
      tpu.yield
    }) : () -> ()
    %mul3A_11 = arith.constant 192 : i32
    %mul3A_12 = arith.muli %arg1, %mul3A_11 : i32
    %add3A_13 = arith.constant 128 : i32
    %add3A_14 = arith.addi %mul3A_12, %add3A_13 : i32
    "tpu.region"() ({
      %run_scoped3A_1807 = tpu.sem_alloc : memref<!tpu.dma_semaphore, #tpu.memory_space<semaphore_mem>>
      %dma_start3A_1808 = arith.constant 0 : i32
      %dma_start3A_1809 = arith.constant 0 : i32
      %dma_start3A_1810 = tpu.memref_slice %arg11[%dma_start3A_1808, %dma_start3A_1809] : memref<128x128xf32, #tpu.memory_space<vmem>> -> memref<64x128xf32, #tpu.memory_space<vmem>>
      %dma_start3A_1811 = arith.constant 0 : i32
      %dma_start3A_1812 = tpu.memref_slice %arg14[%add3A_14, %dma_start3A_1811] : memref<3072x128xf32, #tpu.memory_space<vmem_shared>> -> memref<64x128xf32, #tpu.memory_space<vmem_shared>>
      %dma_start3A_1813 = arith.constant 0 : i32
      %dma_start3A_1814 = tpu.memref_slice %arg14[%add3A_14, %dma_start3A_1813] : memref<3072x128xf32, #tpu.memory_space<vmem_shared>> -> memref<64x128xf32, #tpu.memory_space<vmem_shared>>
      %dma_start3A_1815 = arith.constant 0 : i32
      %dma_start3A_1816 = arith.constant 0 : i32
      %dma_start3A_1817 = tpu.memref_slice %arg11[%dma_start3A_1815, %dma_start3A_1816] : memref<128x128xf32, #tpu.memory_space<vmem>> -> memref<64x128xf32, #tpu.memory_space<vmem>>
      tpu.enqueue_dma source(%dma_start3A_1817 : memref<64x128xf32, #tpu.memory_space<vmem>>) target(%dma_start3A_1814 : memref<64x128xf32, #tpu.memory_space<vmem_shared>>) target_semaphore(%run_scoped3A_1807 : memref<!tpu.dma_semaphore, #tpu.memory_space<semaphore_mem>>)
      %dma_wait3A_1818 = arith.constant 0 : i32
      %dma_wait3A_1819 = arith.constant 0 : i32
      %dma_wait3A_1820 = tpu.memref_slice %arg11[%dma_wait3A_1818, %dma_wait3A_1819] : memref<128x128xf32, #tpu.memory_space<vmem>> -> memref<64x128xf32, #tpu.memory_space<vmem>>
      %dma_wait3A_1821 = arith.constant 0 : i32
      %dma_wait3A_1822 = tpu.memref_slice %arg14[%add3A_14, %dma_wait3A_1821] : memref<3072x128xf32, #tpu.memory_space<vmem_shared>> -> memref<64x128xf32, #tpu.memory_space<vmem_shared>>
      %dma_wait3A_1823 = arith.constant 0 : i32
      %dma_wait3A_1824 = tpu.memref_slice %arg14[%add3A_14, %dma_wait3A_1823] : memref<3072x128xf32, #tpu.memory_space<vmem_shared>> -> memref<64x128xf32, #tpu.memory_space<vmem_shared>>
      %dma_wait3A_1825 = arith.constant 0 : i32
      %dma_wait3A_1826 = arith.constant 0 : i32
      %dma_wait3A_1827 = tpu.memref_slice %arg11[%dma_wait3A_1825, %dma_wait3A_1826] : memref<128x128xf32, #tpu.memory_space<vmem>> -> memref<64x128xf32, #tpu.memory_space<vmem>>
      tpu.wait_dma2 semaphore(%run_scoped3A_1807 : memref<!tpu.dma_semaphore, #tpu.memory_space<semaphore_mem>>) src(%dma_wait3A_1827 : memref<64x128xf32, #tpu.memory_space<vmem>>) dst(%dma_wait3A_1824 : memref<64x128xf32, #tpu.memory_space<vmem_shared>>)
      tpu.yield
    }) : () -> ()
    %barrier3A = arith.constant 0 : index
    tpu.barrier barrier_id(%barrier3A)
    %dma_start3A = arith.constant 0 : i32
    %dma_start3A_15 = arith.constant 0 : i32
    %dma_start3A_16 = tpu.memref_slice %arg6[%dma_start3A, %dma_start3A_15] : memref<160x128xi32, #tpu.memory_space<vmem>> -> memref<1x128xi32, #tpu.memory_space<vmem>>
    %dma_start3A_17 = tpu.memref_squeeze %dma_start3A_16 : memref<1x128xi32, #tpu.memory_space<vmem>> -> memref<128xi32, #tpu.memory_space<vmem>>
    %dma_start3A_18 = arith.constant 0 : i32
    %dma_start3A_19 = arith.constant 0 : i32
    %dma_start3A_20 = tpu.memref_slice %arg2[%arg0, %dma_start3A_18, %dma_start3A_19] : memref<2x10240x128xf32, #tpu.memory_space<hbm>> -> memref<1x10240x128xf32, #tpu.memory_space<hbm>>
    %dma_start3A_21 = tpu.memref_squeeze %dma_start3A_20 : memref<1x10240x128xf32, #tpu.memory_space<hbm>> -> memref<10240x128xf32, #tpu.memory_space<hbm>>
    %dma_start3A_22 = arith.constant 0 : i32
    %dma_start3A_23 = arith.constant 0 : i32
    %dma_start3A_24 = tpu.memref_slice %dma_start3A_21[%dma_start3A_22, %dma_start3A_23] : memref<10240x128xf32, #tpu.memory_space<hbm>> -> memref<10240x128xf32, #tpu.memory_space<hbm>>
    tpu.enqueue_indirect_dma source(%dma_start3A_24 : memref<10240x128xf32, #tpu.memory_space<hbm>>) target(%arg9 : memref<128x128xf32, #tpu.memory_space<vmem>>) offsets(%dma_start3A_17 : memref<128xi32, #tpu.memory_space<vmem>>) semaphore(%arg12 : memref<!tpu.dma_semaphore, #tpu.memory_space<semaphore_mem>>)
    %dma_start3A_25 = arith.constant 1 : i32
    %dma_start3A_26 = arith.constant 0 : i32
    %dma_start3A_27 = tpu.memref_slice %arg6[%dma_start3A_25, %dma_start3A_26] : memref<160x128xi32, #tpu.memory_space<vmem>> -> memref<1x128xi32, #tpu.memory_space<vmem>>
    %dma_start3A_28 = tpu.memref_squeeze %dma_start3A_27 : memref<1x128xi32, #tpu.memory_space<vmem>> -> memref<128xi32, #tpu.memory_space<vmem>>
    %dma_start3A_29 = arith.constant 0 : i32
    %dma_start3A_30 = arith.constant 0 : i32
    %dma_start3A_31 = tpu.memref_slice %arg2[%arg0, %dma_start3A_29, %dma_start3A_30] : memref<2x10240x128xf32, #tpu.memory_space<hbm>> -> memref<1x10240x128xf32, #tpu.memory_space<hbm>>
    %dma_start3A_32 = tpu.memref_squeeze %dma_start3A_31 : memref<1x10240x128xf32, #tpu.memory_space<hbm>> -> memref<10240x128xf32, #tpu.memory_space<hbm>>
    %dma_start3A_33 = arith.constant 0 : i32
    %dma_start3A_34 = arith.constant 0 : i32
    %dma_start3A_35 = tpu.memref_slice %dma_start3A_32[%dma_start3A_33, %dma_start3A_34] : memref<10240x128xf32, #tpu.memory_space<hbm>> -> memref<10240x128xf32, #tpu.memory_space<hbm>>
    tpu.enqueue_indirect_dma source(%dma_start3A_35 : memref<10240x128xf32, #tpu.memory_space<hbm>>) target(%arg10 : memref<128x128xf32, #tpu.memory_space<vmem>>) offsets(%dma_start3A_28 : memref<128xi32, #tpu.memory_space<vmem>>) semaphore(%arg13 : memref<!tpu.dma_semaphore, #tpu.memory_space<semaphore_mem>>)
    %scan3A_36 = arith.constant 0 : i32
    %scan3A_37 = arith.constant 0 : i32
    %scan3A_38 = arith.constant 0 : i32
    %scan3A_39 = arith.constant 79 : i32
    %scan3A_40 = arith.addi %scan3A_38, %scan3A_39 : i32
    %scan3A_41 = arith.constant 1 : i32
    %scan3A_42 = scf.for %scan3A_1807 = %scan3A_38 to %scan3A_40 step %scan3A_41 iter_args(%scan3A_1808 = %scan3A_37) -> (i32)  : i32 {
      %mul3A_1809 = arith.constant 2 : i32
      %mul3A_1810 = arith.muli %mul3A_1809, %scan3A_1807 : i32
      %dma_wait3A_1811 = arith.constant 0 : i32
      %dma_wait3A_1812 = tpu.memref_slice %arg6[%mul3A_1810, %dma_wait3A_1811] : memref<160x128xi32, #tpu.memory_space<vmem>> -> memref<1x128xi32, #tpu.memory_space<vmem>>
      %dma_wait3A_1813 = tpu.memref_squeeze %dma_wait3A_1812 : memref<1x128xi32, #tpu.memory_space<vmem>> -> memref<128xi32, #tpu.memory_space<vmem>>
      %dma_wait3A_1814 = arith.constant 0 : i32
      %dma_wait3A_1815 = arith.constant 0 : i32
      %dma_wait3A_1816 = tpu.memref_slice %arg2[%arg0, %dma_wait3A_1814, %dma_wait3A_1815] : memref<2x10240x128xf32, #tpu.memory_space<hbm>> -> memref<1x10240x128xf32, #tpu.memory_space<hbm>>
      %dma_wait3A_1817 = tpu.memref_squeeze %dma_wait3A_1816 : memref<1x10240x128xf32, #tpu.memory_space<hbm>> -> memref<10240x128xf32, #tpu.memory_space<hbm>>
      %dma_wait3A_1818 = arith.constant 0 : i32
      %dma_wait3A_1819 = arith.constant 0 : i32
      %dma_wait3A_1820 = tpu.memref_slice %dma_wait3A_1817[%dma_wait3A_1818, %dma_wait3A_1819] : memref<10240x128xf32, #tpu.memory_space<hbm>> -> memref<10240x128xf32, #tpu.memory_space<hbm>>
      tpu.wait_indirect_dma semaphore(%arg12 : memref<!tpu.dma_semaphore, #tpu.memory_space<semaphore_mem>>) src(%dma_wait3A_1820 : memref<10240x128xf32, #tpu.memory_space<hbm>>) dst(%arg9 : memref<128x128xf32, #tpu.memory_space<vmem>>)
      %get3A_1821 = arith.index_cast %mul3A_1810 : i32 to index
      %get3A_1822 = arith.constant 0 : index
      %get3A_1823 = tpu.vector_load %arg7[%get3A_1821, %get3A_1822] {strides = array<i32>} : memref<160x128xi32, #tpu.memory_space<vmem>>, vector<1x16xi32>,
      %get3A_1824 = vector.shape_cast %get3A_1823 : vector<1x16xi32> to vector<16xi32>
      %sub3A_1825 = vector.broadcast %scan3A_36 : i32 to vector<16xi32>
      %sub3A_1826 = arith.subi %get3A_1824, %sub3A_1825 : vector<16xi32>
      %ge3A_1827 = arith.constant 0 : i32
      %ge3A_1828 = vector.broadcast %ge3A_1827 : i32 to vector<16xi32>
      %ge3A_1829 = arith.cmpi sge, %sub3A_1826, %ge3A_1828 : vector<16xi32>
      %lt3A_1830 = arith.constant 2560 : i32
      %lt3A_1831 = vector.broadcast %lt3A_1830 : i32 to vector<16xi32>
      %lt3A_1832 = arith.cmpi slt, %sub3A_1826, %lt3A_1831 : vector<16xi32>
      %and3A_1833 = arith.andi %ge3A_1829, %lt3A_1832 : vector<16xi1>
      %jit3A_1834 = arith.constant 2560 : i32
      %broadcast_in_dim3A_1835 = vector.broadcast %jit3A_1834 : i32 to vector<16xi32>
      %select_n3A_1836 = arith.select %and3A_1833, %sub3A_1826, %broadcast_in_dim3A_1835 : vector<16xi1>, vector<16xi32>
      %swap3A_1837 = arith.constant 0 : i32
      %swap3A_1838 = arith.index_cast %swap3A_1837 : i32 to index
      %swap3A_1839 = arith.constant 0 : index
      %swap3A_1840 = tpu.vector_load %arg8[%swap3A_1838, %swap3A_1839] {strides = array<i32>} : memref<1x128xi32, #tpu.memory_space<vmem>>, vector<1x16xi32>,
      %swap3A_1841 = vector.shape_cast %swap3A_1840 : vector<1x16xi32> to vector<16xi32>
      %swap3A_1842 = vector.shape_cast %select_n3A_1836 : vector<16xi32> to vector<1x16xi32>
      tpu.vector_store %arg8[%swap3A_1838, %swap3A_1839], %swap3A_1842 {strides = array<i32>} : memref<1x128xi32, #tpu.memory_space<vmem>>, vector<1x16xi32>,
      %get3A_1843 = arith.index_cast %mul3A_1810 : i32 to index
      %get3A_1844 = arith.constant 16 : index
      %get3A_1845 = tpu.vector_load %arg7[%get3A_1843, %get3A_1844] {strides = array<i32>} : memref<160x128xi32, #tpu.memory_space<vmem>>, vector<1x16xi32>,
      %get3A_1846 = vector.shape_cast %get3A_1845 : vector<1x16xi32> to vector<16xi32>
      %sub3A_1847 = vector.broadcast %scan3A_36 : i32 to vector<16xi32>
      %sub3A_1848 = arith.subi %get3A_1846, %sub3A_1847 : vector<16xi32>
      %ge3A_1849 = arith.constant 0 : i32
      %ge3A_1850 = vector.broadcast %ge3A_1849 : i32 to vector<16xi32>
      %ge3A_1851 = arith.cmpi sge, %sub3A_1848, %ge3A_1850 : vector<16xi32>
      %lt3A_1852 = arith.constant 2560 : i32
      %lt3A_1853 = vector.broadcast %lt3A_1852 : i32 to vector<16xi32>
      %lt3A_1854 = arith.cmpi slt, %sub3A_1848, %lt3A_1853 : vector<16xi32>
      %and3A_1855 = arith.andi %ge3A_1851, %lt3A_1854 : vector<16xi1>
      %jit3A_1856 = arith.constant 2560 : i32
      %broadcast_in_dim3A_1857 = vector.broadcast %jit3A_1856 : i32 to vector<16xi32>
      %select_n3A_1858 = arith.select %and3A_1855, %sub3A_1848, %broadcast_in_dim3A_1857 : vector<16xi1>, vector<16xi32>
      %swap3A_1859 = arith.constant 0 : i32
      %swap3A_1860 = arith.index_cast %swap3A_1859 : i32 to index
      %swap3A_1861 = arith.constant 16 : index
      %swap3A_1862 = tpu.vector_load %arg8[%swap3A_1860, %swap3A_1861] {strides = array<i32>} : memref<1x128xi32, #tpu.memory_space<vmem>>, vector<1x16xi32>,
      %swap3A_1863 = vector.shape_cast %swap3A_1862 : vector<1x16xi32> to vector<16xi32>
      %swap3A_1864 = vector.shape_cast %select_n3A_1858 : vector<16xi32> to vector<1x16xi32>
      tpu.vector_store %arg8[%swap3A_1860, %swap3A_1861], %swap3A_1864 {strides = array<i32>} : memref<1x128xi32, #tpu.memory_space<vmem>>, vector<1x16xi32>,
      %get3A_1865 = arith.index_cast %mul3A_1810 : i32 to index
      %get3A_1866 = arith.constant 32 : index
      %get3A_1867 = tpu.vector_load %arg7[%get3A_1865, %get3A_1866] {strides = array<i32>} : memref<160x128xi32, #tpu.memory_space<vmem>>, vector<1x16xi32>,
      %get3A_1868 = vector.shape_cast %get3A_1867 : vector<1x16xi32> to vector<16xi32>
      %sub3A_1869 = vector.broadcast %scan3A_36 : i32 to vector<16xi32>
      %sub3A_1870 = arith.subi %get3A_1868, %sub3A_1869 : vector<16xi32>
      %ge3A_1871 = arith.constant 0 : i32
      %ge3A_1872 = vector.broadcast %ge3A_1871 : i32 to vector<16xi32>
      %ge3A_1873 = arith.cmpi sge, %sub3A_1870, %ge3A_1872 : vector<16xi32>
      %lt3A_1874 = arith.constant 2560 : i32
      %lt3A_1875 = vector.broadcast %lt3A_1874 : i32 to vector<16xi32>
      %lt3A_1876 = arith.cmpi slt, %sub3A_1870, %lt3A_1875 : vector<16xi32>
      %and3A_1877 = arith.andi %ge3A_1873, %lt3A_1876 : vector<16xi1>
      %jit3A_1878 = arith.constant 2560 : i32
      %broadcast_in_dim3A_1879 = vector.broadcast %jit3A_1878 : i32 to vector<16xi32>
      %select_n3A_1880 = arith.select %and3A_1877, %sub3A_1870, %broadcast_in_dim3A_1879 : vector<16xi1>, vector<16xi32>
      %swap3A_1881 = arith.constant 0 : i32
      %swap3A_1882 = arith.index_cast %swap3A_1881 : i32 to index
      %swap3A_1883 = arith.constant 32 : index
      %swap3A_1884 = tpu.vector_load %arg8[%swap3A_1882, %swap3A_1883] {strides = array<i32>} : memref<1x128xi32, #tpu.memory_space<vmem>>, vector<1x16xi32>,
      %swap3A_1885 = vector.shape_cast %swap3A_1884 : vector<1x16xi32> to vector<16xi32>
      %swap3A_1886 = vector.shape_cast %select_n3A_1880 : vector<16xi32> to vector<1x16xi32>
      tpu.vector_store %arg8[%swap3A_1882, %swap3A_1883], %swap3A_1886 {strides = array<i32>} : memref<1x128xi32, #tpu.memory_space<vmem>>, vector<1x16xi32>,
      %get3A_1887 = arith.index_cast %mul3A_1810 : i32 to index
      %get3A_1888 = arith.constant 48 : index
      %get3A_1889 = tpu.vector_load %arg7[%get3A_1887, %get3A_1888] {strides = array<i32>} : memref<160x128xi32, #tpu.memory_space<vmem>>, vector<1x16xi32>,
      %get3A_1890 = vector.shape_cast %get3A_1889 : vector<1x16xi32> to vector<16xi32>
      %sub3A_1891 = vector.broadcast %scan3A_36 : i32 to vector<16xi32>
      %sub3A_1892 = arith.subi %get3A_1890, %sub3A_1891 : vector<16xi32>
      %ge3A_1893 = arith.constant 0 : i32
      %ge3A_1894 = vector.broadcast %ge3A_1893 : i32 to vector<16xi32>
      %ge3A_1895 = arith.cmpi sge, %sub3A_1892, %ge3A_1894 : vector<16xi32>
      %lt3A_1896 = arith.constant 2560 : i32
      %lt3A_1897 = vector.broadcast %lt3A_1896 : i32 to vector<16xi32>
      %lt3A_1898 = arith.cmpi slt, %sub3A_1892, %lt3A_1897 : vector<16xi32>
      %and3A_1899 = arith.andi %ge3A_1895, %lt3A_1898 : vector<16xi1>
      %jit3A_1900 = arith.constant 2560 : i32
      %broadcast_in_dim3A_1901 = vector.broadcast %jit3A_1900 : i32 to vector<16xi32>
      %select_n3A_1902 = arith.select %and3A_1899, %sub3A_1892, %broadcast_in_dim3A_1901 : vector<16xi1>, vector<16xi32>
      %swap3A_1903 = arith.constant 0 : i32
      %swap3A_1904 = arith.index_cast %swap3A_1903 : i32 to index
      %swap3A_1905 = arith.constant 48 : index
      %swap3A_1906 = tpu.vector_load %arg8[%swap3A_1904, %swap3A_1905] {strides = array<i32>} : memref<1x128xi32, #tpu.memory_space<vmem>>, vector<1x16xi32>,
      %swap3A_1907 = vector.shape_cast %swap3A_1906 : vector<1x16xi32> to vector<16xi32>
      %swap3A_1908 = vector.shape_cast %select_n3A_1902 : vector<16xi32> to vector<1x16xi32>
      tpu.vector_store %arg8[%swap3A_1904, %swap3A_1905], %swap3A_1908 {strides = array<i32>} : memref<1x128xi32, #tpu.memory_space<vmem>>, vector<1x16xi32>,
      %get3A_1909 = arith.index_cast %mul3A_1810 : i32 to index
      %get3A_1910 = arith.constant 64 : index
      %get3A_1911 = tpu.vector_load %arg7[%get3A_1909, %get3A_1910] {strides = array<i32>} : memref<160x128xi32, #tpu.memory_space<vmem>>, vector<1x16xi32>,
      %get3A_1912 = vector.shape_cast %get3A_1911 : vector<1x16xi32> to vector<16xi32>
      %sub3A_1913 = vector.broadcast %scan3A_36 : i32 to vector<16xi32>
      %sub3A_1914 = arith.subi %get3A_1912, %sub3A_1913 : vector<16xi32>
      %ge3A_1915 = arith.constant 0 : i32
      %ge3A_1916 = vector.broadcast %ge3A_1915 : i32 to vector<16xi32>
      %ge3A_1917 = arith.cmpi sge, %sub3A_1914, %ge3A_1916 : vector<16xi32>
      %lt3A_1918 = arith.constant 2560 : i32
      %lt3A_1919 = vector.broadcast %lt3A_1918 : i32 to vector<16xi32>
      %lt3A_1920 = arith.cmpi slt, %sub3A_1914, %lt3A_1919 : vector<16xi32>
      %and3A_1921 = arith.andi %ge3A_1917, %lt3A_1920 : vector<16xi1>
      %jit3A_1922 = arith.constant 2560 : i32
      %broadcast_in_dim3A_1923 = vector.broadcast %jit3A_1922 : i32 to vector<16xi32>
      %select_n3A_1924 = arith.select %and3A_1921, %sub3A_1914, %broadcast_in_dim3A_1923 : vector<16xi1>, vector<16xi32>
      %swap3A_1925 = arith.constant 0 : i32
      %swap3A_1926 = arith.index_cast %swap3A_1925 : i32 to index
      %swap3A_1927 = arith.constant 64 : index
      %swap3A_1928 = tpu.vector_load %arg8[%swap3A_1926, %swap3A_1927] {strides = array<i32>} : memref<1x128xi32, #tpu.memory_space<vmem>>, vector<1x16xi32>,
      %swap3A_1929 = vector.shape_cast %swap3A_1928 : vector<1x16xi32> to vector<16xi32>
      %swap3A_1930 = vector.shape_cast %select_n3A_1924 : vector<16xi32> to vector<1x16xi32>
      tpu.vector_store %arg8[%swap3A_1926, %swap3A_1927], %swap3A_1930 {strides = array<i32>} : memref<1x128xi32, #tpu.memory_space<vmem>>, vector<1x16xi32>,
      %get3A_1931 = arith.index_cast %mul3A_1810 : i32 to index
      %get3A_1932 = arith.constant 80 : index
      %get3A_1933 = tpu.vector_load %arg7[%get3A_1931, %get3A_1932] {strides = array<i32>} : memref<160x128xi32, #tpu.memory_space<vmem>>, vector<1x16xi32>,
      %get3A_1934 = vector.shape_cast %get3A_1933 : vector<1x16xi32> to vector<16xi32>
      %sub3A_1935 = vector.broadcast %scan3A_36 : i32 to vector<16xi32>
      %sub3A_1936 = arith.subi %get3A_1934, %sub3A_1935 : vector<16xi32>
      %ge3A_1937 = arith.constant 0 : i32
      %ge3A_1938 = vector.broadcast %ge3A_1937 : i32 to vector<16xi32>
      %ge3A_1939 = arith.cmpi sge, %sub3A_1936, %ge3A_1938 : vector<16xi32>
      %lt3A_1940 = arith.constant 2560 : i32
      %lt3A_1941 = vector.broadcast %lt3A_1940 : i32 to vector<16xi32>
      %lt3A_1942 = arith.cmpi slt, %sub3A_1936, %lt3A_1941 : vector<16xi32>
      %and3A_1943 = arith.andi %ge3A_1939, %lt3A_1942 : vector<16xi1>
      %jit3A_1944 = arith.constant 2560 : i32
      %broadcast_in_dim3A_1945 = vector.broadcast %jit3A_1944 : i32 to vector<16xi32>
      %select_n3A_1946 = arith.select %and3A_1943, %sub3A_1936, %broadcast_in_dim3A_1945 : vector<16xi1>, vector<16xi32>
      %swap3A_1947 = arith.constant 0 : i32
      %swap3A_1948 = arith.index_cast %swap3A_1947 : i32 to index
      %swap3A_1949 = arith.constant 80 : index
      %swap3A_1950 = tpu.vector_load %arg8[%swap3A_1948, %swap3A_1949] {strides = array<i32>} : memref<1x128xi32, #tpu.memory_space<vmem>>, vector<1x16xi32>,
      %swap3A_1951 = vector.shape_cast %swap3A_1950 : vector<1x16xi32> to vector<16xi32>
      %swap3A_1952 = vector.shape_cast %select_n3A_1946 : vector<16xi32> to vector<1x16xi32>
      tpu.vector_store %arg8[%swap3A_1948, %swap3A_1949], %swap3A_1952 {strides = array<i32>} : memref<1x128xi32, #tpu.memory_space<vmem>>, vector<1x16xi32>,
      %get3A_1953 = arith.index_cast %mul3A_1810 : i32 to index
      %get3A_1954 = arith.constant 96 : index
      %get3A_1955 = tpu.vector_load %arg7[%get3A_1953, %get3A_1954] {strides = array<i32>} : memref<160x128xi32, #tpu.memory_space<vmem>>, vector<1x16xi32>,
      %get3A_1956 = vector.shape_cast %get3A_1955 : vector<1x16xi32> to vector<16xi32>
      %sub3A_1957 = vector.broadcast %scan3A_36 : i32 to vector<16xi32>
      %sub3A_1958 = arith.subi %get3A_1956, %sub3A_1957 : vector<16xi32>
      %ge3A_1959 = arith.constant 0 : i32
      %ge3A_1960 = vector.broadcast %ge3A_1959 : i32 to vector<16xi32>
      %ge3A_1961 = arith.cmpi sge, %sub3A_1958, %ge3A_1960 : vector<16xi32>
      %lt3A_1962 = arith.constant 2560 : i32
      %lt3A_1963 = vector.broadcast %lt3A_1962 : i32 to vector<16xi32>
      %lt3A_1964 = arith.cmpi slt, %sub3A_1958, %lt3A_1963 : vector<16xi32>
      %and3A_1965 = arith.andi %ge3A_1961, %lt3A_1964 : vector<16xi1>
      %jit3A_1966 = arith.constant 2560 : i32
      %broadcast_in_dim3A_1967 = vector.broadcast %jit3A_1966 : i32 to vector<16xi32>
      %select_n3A_1968 = arith.select %and3A_1965, %sub3A_1958, %broadcast_in_dim3A_1967 : vector<16xi1>, vector<16xi32>
      %swap3A_1969 = arith.constant 0 : i32
      %swap3A_1970 = arith.index_cast %swap3A_1969 : i32 to index
      %swap3A_1971 = arith.constant 96 : index
      %swap3A_1972 = tpu.vector_load %arg8[%swap3A_1970, %swap3A_1971] {strides = array<i32>} : memref<1x128xi32, #tpu.memory_space<vmem>>, vector<1x16xi32>,
      %swap3A_1973 = vector.shape_cast %swap3A_1972 : vector<1x16xi32> to vector<16xi32>
      %swap3A_1974 = vector.shape_cast %select_n3A_1968 : vector<16xi32> to vector<1x16xi32>
      tpu.vector_store %arg8[%swap3A_1970, %swap3A_1971], %swap3A_1974 {strides = array<i32>} : memref<1x128xi32, #tpu.memory_space<vmem>>, vector<1x16xi32>,
      %get3A_1975 = arith.index_cast %mul3A_1810 : i32 to index
      %get3A_1976 = arith.constant 112 : index
      %get3A_1977 = tpu.vector_load %arg7[%get3A_1975, %get3A_1976] {strides = array<i32>} : memref<160x128xi32, #tpu.memory_space<vmem>>, vector<1x16xi32>,
      %get3A_1978 = vector.shape_cast %get3A_1977 : vector<1x16xi32> to vector<16xi32>
      %sub3A_1979 = vector.broadcast %scan3A_36 : i32 to vector<16xi32>
      %sub3A_1980 = arith.subi %get3A_1978, %sub3A_1979 : vector<16xi32>
      %ge3A_1981 = arith.constant 0 : i32
      %ge3A_1982 = vector.broadcast %ge3A_1981 : i32 to vector<16xi32>
      %ge3A_1983 = arith.cmpi sge, %sub3A_1980, %ge3A_1982 : vector<16xi32>
      %lt3A_1984 = arith.constant 2560 : i32
      %lt3A_1985 = vector.broadcast %lt3A_1984 : i32 to vector<16xi32>
      %lt3A_1986 = arith.cmpi slt, %sub3A_1980, %lt3A_1985 : vector<16xi32>
      %and3A_1987 = arith.andi %ge3A_1983, %lt3A_1986 : vector<16xi1>
      %jit3A_1988 = arith.constant 2560 : i32
      %broadcast_in_dim3A_1989 = vector.broadcast %jit3A_1988 : i32 to vector<16xi32>
      %select_n3A_1990 = arith.select %and3A_1987, %sub3A_1980, %broadcast_in_dim3A_1989 : vector<16xi1>, vector<16xi32>
      %swap3A_1991 = arith.constant 0 : i32
      %swap3A_1992 = arith.index_cast %swap3A_1991 : i32 to index
      %swap3A_1993 = arith.constant 112 : index
      %swap3A_1994 = tpu.vector_load %arg8[%swap3A_1992, %swap3A_1993] {strides = array<i32>} : memref<1x128xi32, #tpu.memory_space<vmem>>, vector<1x16xi32>,
      %swap3A_1995 = vector.shape_cast %swap3A_1994 : vector<1x16xi32> to vector<16xi32>
      %swap3A_1996 = vector.shape_cast %select_n3A_1990 : vector<16xi32> to vector<1x16xi32>
      tpu.vector_store %arg8[%swap3A_1992, %swap3A_1993], %swap3A_1996 {strides = array<i32>} : memref<1x128xi32, #tpu.memory_space<vmem>>, vector<1x16xi32>,
      %run_scoped3A_1997 = arith.constant 0 : i32
      "tpu.region"() ({
        %run_scoped3A_2214 = tpu.sem_alloc : memref<!tpu.dma_semaphore, #tpu.memory_space<semaphore_mem>>
        %dma_start3A_2215 = arith.constant 0 : i32
        %dma_start3A_2216 = tpu.memref_slice %arg8[%run_scoped3A_1997, %dma_start3A_2215] : memref<1x128xi32, #tpu.memory_space<vmem>> -> memref<1x128xi32, #tpu.memory_space<vmem>>
        %dma_start3A_2217 = tpu.memref_squeeze %dma_start3A_2216 : memref<1x128xi32, #tpu.memory_space<vmem>> -> memref<128xi32, #tpu.memory_space<vmem>>
        %dma_start3A_2218 = arith.constant 0 : i32
        %dma_start3A_2219 = arith.constant 0 : i32
        %dma_start3A_2220 = tpu.memref_slice %arg14[%dma_start3A_2218, %dma_start3A_2219] : memref<3072x128xf32, #tpu.memory_space<vmem_shared>> -> memref<3072x128xf32, #tpu.memory_space<vmem_shared>>
        tpu.enqueue_indirect_dma source(%arg9 : memref<128x128xf32, #tpu.memory_space<vmem>>) target(%dma_start3A_2220 : memref<3072x128xf32, #tpu.memory_space<vmem_shared>>) offsets(%dma_start3A_2217 : memref<128xi32, #tpu.memory_space<vmem>>) semaphore(%run_scoped3A_2214 : memref<!tpu.dma_semaphore, #tpu.memory_space<semaphore_mem>>) {add = true}
        %dma_wait3A_2221 = arith.constant 0 : i32
        %dma_wait3A_2222 = tpu.memref_slice %arg8[%run_scoped3A_1997, %dma_wait3A_2221] : memref<1x128xi32, #tpu.memory_space<vmem>> -> memref<1x128xi32, #tpu.memory_space<vmem>>
        %dma_wait3A_2223 = tpu.memref_squeeze %dma_wait3A_2222 : memref<1x128xi32, #tpu.memory_space<vmem>> -> memref<128xi32, #tpu.memory_space<vmem>>
        %dma_wait3A_2224 = arith.constant 0 : i32
        %dma_wait3A_2225 = arith.constant 0 : i32
        %dma_wait3A_2226 = tpu.memref_slice %arg14[%dma_wait3A_2224, %dma_wait3A_2225] : memref<3072x128xf32, #tpu.memory_space<vmem_shared>> -> memref<3072x128xf32, #tpu.memory_space<vmem_shared>>
        tpu.wait_indirect_dma semaphore(%run_scoped3A_2214 : memref<!tpu.dma_semaphore, #tpu.memory_space<semaphore_mem>>) src(%arg9 : memref<128x128xf32, #tpu.memory_space<vmem>>) dst(%dma_wait3A_2226 : memref<3072x128xf32, #tpu.memory_space<vmem_shared>>)
        tpu.yield
      }) : () -> ()
      %add3A_1998 = arith.constant 2 : i32
      %add3A_1999 = arith.addi %mul3A_1810, %add3A_1998 : i32
      %dma_start3A_2000 = arith.constant 0 : i32
      %dma_start3A_2001 = tpu.memref_slice %arg6[%add3A_1999, %dma_start3A_2000] : memref<160x128xi32, #tpu.memory_space<vmem>> -> memref<1x128xi32, #tpu.memory_space<vmem>>
      %dma_start3A_2002 = tpu.memref_squeeze %dma_start3A_2001 : memref<1x128xi32, #tpu.memory_space<vmem>> -> memref<128xi32, #tpu.memory_space<vmem>>
      %dma_start3A_2003 = arith.constant 0 : i32
      %dma_start3A_2004 = arith.constant 0 : i32
      %dma_start3A_2005 = tpu.memref_slice %arg2[%arg0, %dma_start3A_2003, %dma_start3A_2004] : memref<2x10240x128xf32, #tpu.memory_space<hbm>> -> memref<1x10240x128xf32, #tpu.memory_space<hbm>>
      %dma_start3A_2006 = tpu.memref_squeeze %dma_start3A_2005 : memref<1x10240x128xf32, #tpu.memory_space<hbm>> -> memref<10240x128xf32, #tpu.memory_space<hbm>>
      %dma_start3A_2007 = arith.constant 0 : i32
      %dma_start3A_2008 = arith.constant 0 : i32
      %dma_start3A_2009 = tpu.memref_slice %dma_start3A_2006[%dma_start3A_2007, %dma_start3A_2008] : memref<10240x128xf32, #tpu.memory_space<hbm>> -> memref<10240x128xf32, #tpu.memory_space<hbm>>
      tpu.enqueue_indirect_dma source(%dma_start3A_2009 : memref<10240x128xf32, #tpu.memory_space<hbm>>) target(%arg9 : memref<128x128xf32, #tpu.memory_space<vmem>>) offsets(%dma_start3A_2002 : memref<128xi32, #tpu.memory_space<vmem>>) semaphore(%arg12 : memref<!tpu.dma_semaphore, #tpu.memory_space<semaphore_mem>>)
      %add3A_2010 = arith.constant 1 : i32
      %add3A_2011 = arith.addi %mul3A_1810, %add3A_2010 : i32
      %dma_wait3A_2012 = arith.constant 0 : i32
      %dma_wait3A_2013 = tpu.memref_slice %arg6[%add3A_2011, %dma_wait3A_2012] : memref<160x128xi32, #tpu.memory_space<vmem>> -> memref<1x128xi32, #tpu.memory_space<vmem>>
      %dma_wait3A_2014 = tpu.memref_squeeze %dma_wait3A_2013 : memref<1x128xi32, #tpu.memory_space<vmem>> -> memref<128xi32, #tpu.memory_space<vmem>>
      %dma_wait3A_2015 = arith.constant 0 : i32
      %dma_wait3A_2016 = arith.constant 0 : i32
      %dma_wait3A_2017 = tpu.memref_slice %arg2[%arg0, %dma_wait3A_2015, %dma_wait3A_2016] : memref<2x10240x128xf32, #tpu.memory_space<hbm>> -> memref<1x10240x128xf32, #tpu.memory_space<hbm>>
      %dma_wait3A_2018 = tpu.memref_squeeze %dma_wait3A_2017 : memref<1x10240x128xf32, #tpu.memory_space<hbm>> -> memref<10240x128xf32, #tpu.memory_space<hbm>>
      %dma_wait3A_2019 = arith.constant 0 : i32
      %dma_wait3A_2020 = arith.constant 0 : i32
      %dma_wait3A_2021 = tpu.memref_slice %dma_wait3A_2018[%dma_wait3A_2019, %dma_wait3A_2020] : memref<10240x128xf32, #tpu.memory_space<hbm>> -> memref<10240x128xf32, #tpu.memory_space<hbm>>
      tpu.wait_indirect_dma semaphore(%arg13 : memref<!tpu.dma_semaphore, #tpu.memory_space<semaphore_mem>>) src(%dma_wait3A_2021 : memref<10240x128xf32, #tpu.memory_space<hbm>>) dst(%arg10 : memref<128x128xf32, #tpu.memory_space<vmem>>)
      %add3A_2022 = arith.constant 1 : i32
      %add3A_2023 = arith.addi %mul3A_1810, %add3A_2022 : i32
      %get3A_2024 = arith.index_cast %add3A_2023 : i32 to index
      %get3A_2025 = arith.constant 0 : index
      %get3A_2026 = tpu.vector_load %arg7[%get3A_2024, %get3A_2025] {strides = array<i32>} : memref<160x128xi32, #tpu.memory_space<vmem>>, vector<1x16xi32>,
      %get3A_2027 = vector.shape_cast %get3A_2026 : vector<1x16xi32> to vector<16xi32>
      %sub3A_2028 = vector.broadcast %scan3A_36 : i32 to vector<16xi32>
      %sub3A_2029 = arith.subi %get3A_2027, %sub3A_2028 : vector<16xi32>
      %ge3A_2030 = arith.constant 0 : i32
      %ge3A_2031 = vector.broadcast %ge3A_2030 : i32 to vector<16xi32>
      %ge3A_2032 = arith.cmpi sge, %sub3A_2029, %ge3A_2031 : vector<16xi32>
      %lt3A_2033 = arith.constant 2560 : i32
      %lt3A_2034 = vector.broadcast %lt3A_2033 : i32 to vector<16xi32>
      %lt3A_2035 = arith.cmpi slt, %sub3A_2029, %lt3A_2034 : vector<16xi32>
      %and3A_2036 = arith.andi %ge3A_2032, %lt3A_2035 : vector<16xi1>
      %jit3A_2037 = arith.constant 2560 : i32
      %broadcast_in_dim3A_2038 = vector.broadcast %jit3A_2037 : i32 to vector<16xi32>
      %select_n3A_2039 = arith.select %and3A_2036, %sub3A_2029, %broadcast_in_dim3A_2038 : vector<16xi1>, vector<16xi32>
      %swap3A_2040 = arith.constant 0 : i32
      %swap3A_2041 = arith.index_cast %swap3A_2040 : i32 to index
      %swap3A_2042 = arith.constant 0 : index
      %swap3A_2043 = tpu.vector_load %arg8[%swap3A_2041, %swap3A_2042] {strides = array<i32>} : memref<1x128xi32, #tpu.memory_space<vmem>>, vector<1x16xi32>,
      %swap3A_2044 = vector.shape_cast %swap3A_2043 : vector<1x16xi32> to vector<16xi32>
      %swap3A_2045 = vector.shape_cast %select_n3A_2039 : vector<16xi32> to vector<1x16xi32>
      tpu.vector_store %arg8[%swap3A_2041, %swap3A_2042], %swap3A_2045 {strides = array<i32>} : memref<1x128xi32, #tpu.memory_space<vmem>>, vector<1x16xi32>,
      %get3A_2046 = arith.index_cast %add3A_2023 : i32 to index
      %get3A_2047 = arith.constant 16 : index
      %get3A_2048 = tpu.vector_load %arg7[%get3A_2046, %get3A_2047] {strides = array<i32>} : memref<160x128xi32, #tpu.memory_space<vmem>>, vector<1x16xi32>,
      %get3A_2049 = vector.shape_cast %get3A_2048 : vector<1x16xi32> to vector<16xi32>
      %sub3A_2050 = vector.broadcast %scan3A_36 : i32 to vector<16xi32>
      %sub3A_2051 = arith.subi %get3A_2049, %sub3A_2050 : vector<16xi32>
      %ge3A_2052 = arith.constant 0 : i32
      %ge3A_2053 = vector.broadcast %ge3A_2052 : i32 to vector<16xi32>
      %ge3A_2054 = arith.cmpi sge, %sub3A_2051, %ge3A_2053 : vector<16xi32>
      %lt3A_2055 = arith.constant 2560 : i32
      %lt3A_2056 = vector.broadcast %lt3A_2055 : i32 to vector<16xi32>
      %lt3A_2057 = arith.cmpi slt, %sub3A_2051, %lt3A_2056 : vector<16xi32>
      %and3A_2058 = arith.andi %ge3A_2054, %lt3A_2057 : vector<16xi1>
      %jit3A_2059 = arith.constant 2560 : i32
      %broadcast_in_dim3A_2060 = vector.broadcast %jit3A_2059 : i32 to vector<16xi32>
      %select_n3A_2061 = arith.select %and3A_2058, %sub3A_2051, %broadcast_in_dim3A_2060 : vector<16xi1>, vector<16xi32>
      %swap3A_2062 = arith.constant 0 : i32
      %swap3A_2063 = arith.index_cast %swap3A_2062 : i32 to index
      %swap3A_2064 = arith.constant 16 : index
      %swap3A_2065 = tpu.vector_load %arg8[%swap3A_2063, %swap3A_2064] {strides = array<i32>} : memref<1x128xi32, #tpu.memory_space<vmem>>, vector<1x16xi32>,
      %swap3A_2066 = vector.shape_cast %swap3A_2065 : vector<1x16xi32> to vector<16xi32>
      %swap3A_2067 = vector.shape_cast %select_n3A_2061 : vector<16xi32> to vector<1x16xi32>
      tpu.vector_store %arg8[%swap3A_2063, %swap3A_2064], %swap3A_2067 {strides = array<i32>} : memref<1x128xi32, #tpu.memory_space<vmem>>, vector<1x16xi32>,
      %get3A_2068 = arith.index_cast %add3A_2023 : i32 to index
      %get3A_2069 = arith.constant 32 : index
      %get3A_2070 = tpu.vector_load %arg7[%get3A_2068, %get3A_2069] {strides = array<i32>} : memref<160x128xi32, #tpu.memory_space<vmem>>, vector<1x16xi32>,
      %get3A_2071 = vector.shape_cast %get3A_2070 : vector<1x16xi32> to vector<16xi32>
      %sub3A_2072 = vector.broadcast %scan3A_36 : i32 to vector<16xi32>
      %sub3A_2073 = arith.subi %get3A_2071, %sub3A_2072 : vector<16xi32>
      %ge3A_2074 = arith.constant 0 : i32
      %ge3A_2075 = vector.broadcast %ge3A_2074 : i32 to vector<16xi32>
      %ge3A_2076 = arith.cmpi sge, %sub3A_2073, %ge3A_2075 : vector<16xi32>
      %lt3A_2077 = arith.constant 2560 : i32
      %lt3A_2078 = vector.broadcast %lt3A_2077 : i32 to vector<16xi32>
      %lt3A_2079 = arith.cmpi slt, %sub3A_2073, %lt3A_2078 : vector<16xi32>
      %and3A_2080 = arith.andi %ge3A_2076, %lt3A_2079 : vector<16xi1>
      %jit3A_2081 = arith.constant 2560 : i32
      %broadcast_in_dim3A_2082 = vector.broadcast %jit3A_2081 : i32 to vector<16xi32>
      %select_n3A_2083 = arith.select %and3A_2080, %sub3A_2073, %broadcast_in_dim3A_2082 : vector<16xi1>, vector<16xi32>
      %swap3A_2084 = arith.constant 0 : i32
      %swap3A_2085 = arith.index_cast %swap3A_2084 : i32 to index
      %swap3A_2086 = arith.constant 32 : index
      %swap3A_2087 = tpu.vector_load %arg8[%swap3A_2085, %swap3A_2086] {strides = array<i32>} : memref<1x128xi32, #tpu.memory_space<vmem>>, vector<1x16xi32>,
      %swap3A_2088 = vector.shape_cast %swap3A_2087 : vector<1x16xi32> to vector<16xi32>
      %swap3A_2089 = vector.shape_cast %select_n3A_2083 : vector<16xi32> to vector<1x16xi32>
      tpu.vector_store %arg8[%swap3A_2085, %swap3A_2086], %swap3A_2089 {strides = array<i32>} : memref<1x128xi32, #tpu.memory_space<vmem>>, vector<1x16xi32>,
      %get3A_2090 = arith.index_cast %add3A_2023 : i32 to index
      %get3A_2091 = arith.constant 48 : index
      %get3A_2092 = tpu.vector_load %arg7[%get3A_2090, %get3A_2091] {strides = array<i32>} : memref<160x128xi32, #tpu.memory_space<vmem>>, vector<1x16xi32>,
      %get3A_2093 = vector.shape_cast %get3A_2092 : vector<1x16xi32> to vector<16xi32>
      %sub3A_2094 = vector.broadcast %scan3A_36 : i32 to vector<16xi32>
      %sub3A_2095 = arith.subi %get3A_2093, %sub3A_2094 : vector<16xi32>
      %ge3A_2096 = arith.constant 0 : i32
      %ge3A_2097 = vector.broadcast %ge3A_2096 : i32 to vector<16xi32>
      %ge3A_2098 = arith.cmpi sge, %sub3A_2095, %ge3A_2097 : vector<16xi32>
      %lt3A_2099 = arith.constant 2560 : i32
      %lt3A_2100 = vector.broadcast %lt3A_2099 : i32 to vector<16xi32>
      %lt3A_2101 = arith.cmpi slt, %sub3A_2095, %lt3A_2100 : vector<16xi32>
      %and3A_2102 = arith.andi %ge3A_2098, %lt3A_2101 : vector<16xi1>
      %jit3A_2103 = arith.constant 2560 : i32
      %broadcast_in_dim3A_2104 = vector.broadcast %jit3A_2103 : i32 to vector<16xi32>
      %select_n3A_2105 = arith.select %and3A_2102, %sub3A_2095, %broadcast_in_dim3A_2104 : vector<16xi1>, vector<16xi32>
      %swap3A_2106 = arith.constant 0 : i32
      %swap3A_2107 = arith.index_cast %swap3A_2106 : i32 to index
      %swap3A_2108 = arith.constant 48 : index
      %swap3A_2109 = tpu.vector_load %arg8[%swap3A_2107, %swap3A_2108] {strides = array<i32>} : memref<1x128xi32, #tpu.memory_space<vmem>>, vector<1x16xi32>,
      %swap3A_2110 = vector.shape_cast %swap3A_2109 : vector<1x16xi32> to vector<16xi32>
      %swap3A_2111 = vector.shape_cast %select_n3A_2105 : vector<16xi32> to vector<1x16xi32>
      tpu.vector_store %arg8[%swap3A_2107, %swap3A_2108], %swap3A_2111 {strides = array<i32>} : memref<1x128xi32, #tpu.memory_space<vmem>>, vector<1x16xi32>,
      %get3A_2112 = arith.index_cast %add3A_2023 : i32 to index
      %get3A_2113 = arith.constant 64 : index
      %get3A_2114 = tpu.vector_load %arg7[%get3A_2112, %get3A_2113] {strides = array<i32>} : memref<160x128xi32, #tpu.memory_space<vmem>>, vector<1x16xi32>,
      %get3A_2115 = vector.shape_cast %get3A_2114 : vector<1x16xi32> to vector<16xi32>
      %sub3A_2116 = vector.broadcast %scan3A_36 : i32 to vector<16xi32>
      %sub3A_2117 = arith.subi %get3A_2115, %sub3A_2116 : vector<16xi32>
      %ge3A_2118 = arith.constant 0 : i32
      %ge3A_2119 = vector.broadcast %ge3A_2118 : i32 to vector<16xi32>
      %ge3A_2120 = arith.cmpi sge, %sub3A_2117, %ge3A_2119 : vector<16xi32>
      %lt3A_2121 = arith.constant 2560 : i32
      %lt3A_2122 = vector.broadcast %lt3A_2121 : i32 to vector<16xi32>
      %lt3A_2123 = arith.cmpi slt, %sub3A_2117, %lt3A_2122 : vector<16xi32>
      %and3A_2124 = arith.andi %ge3A_2120, %lt3A_2123 : vector<16xi1>
      %jit3A_2125 = arith.constant 2560 : i32
      %broadcast_in_dim3A_2126 = vector.broadcast %jit3A_2125 : i32 to vector<16xi32>
      %select_n3A_2127 = arith.select %and3A_2124, %sub3A_2117, %broadcast_in_dim3A_2126 : vector<16xi1>, vector<16xi32>
      %swap3A_2128 = arith.constant 0 : i32
      %swap3A_2129 = arith.index_cast %swap3A_2128 : i32 to index
      %swap3A_2130 = arith.constant 64 : index
      %swap3A_2131 = tpu.vector_load %arg8[%swap3A_2129, %swap3A_2130] {strides = array<i32>} : memref<1x128xi32, #tpu.memory_space<vmem>>, vector<1x16xi32>,
      %swap3A_2132 = vector.shape_cast %swap3A_2131 : vector<1x16xi32> to vector<16xi32>
      %swap3A_2133 = vector.shape_cast %select_n3A_2127 : vector<16xi32> to vector<1x16xi32>
      tpu.vector_store %arg8[%swap3A_2129, %swap3A_2130], %swap3A_2133 {strides = array<i32>} : memref<1x128xi32, #tpu.memory_space<vmem>>, vector<1x16xi32>,
      %get3A_2134 = arith.index_cast %add3A_2023 : i32 to index
      %get3A_2135 = arith.constant 80 : index
      %get3A_2136 = tpu.vector_load %arg7[%get3A_2134, %get3A_2135] {strides = array<i32>} : memref<160x128xi32, #tpu.memory_space<vmem>>, vector<1x16xi32>,
      %get3A_2137 = vector.shape_cast %get3A_2136 : vector<1x16xi32> to vector<16xi32>
      %sub3A_2138 = vector.broadcast %scan3A_36 : i32 to vector<16xi32>
      %sub3A_2139 = arith.subi %get3A_2137, %sub3A_2138 : vector<16xi32>
      %ge3A_2140 = arith.constant 0 : i32
      %ge3A_2141 = vector.broadcast %ge3A_2140 : i32 to vector<16xi32>
      %ge3A_2142 = arith.cmpi sge, %sub3A_2139, %ge3A_2141 : vector<16xi32>
      %lt3A_2143 = arith.constant 2560 : i32
      %lt3A_2144 = vector.broadcast %lt3A_2143 : i32 to vector<16xi32>
      %lt3A_2145 = arith.cmpi slt, %sub3A_2139, %lt3A_2144 : vector<16xi32>
      %and3A_2146 = arith.andi %ge3A_2142, %lt3A_2145 : vector<16xi1>
      %jit3A_2147 = arith.constant 2560 : i32
      %broadcast_in_dim3A_2148 = vector.broadcast %jit3A_2147 : i32 to vector<16xi32>
      %select_n3A_2149 = arith.select %and3A_2146, %sub3A_2139, %broadcast_in_dim3A_2148 : vector<16xi1>, vector<16xi32>
      %swap3A_2150 = arith.constant 0 : i32
      %swap3A_2151 = arith.index_cast %swap3A_2150 : i32 to index
      %swap3A_2152 = arith.constant 80 : index
      %swap3A_2153 = tpu.vector_load %arg8[%swap3A_2151, %swap3A_2152] {strides = array<i32>} : memref<1x128xi32, #tpu.memory_space<vmem>>, vector<1x16xi32>,
      %swap3A_2154 = vector.shape_cast %swap3A_2153 : vector<1x16xi32> to vector<16xi32>
      %swap3A_2155 = vector.shape_cast %select_n3A_2149 : vector<16xi32> to vector<1x16xi32>
      tpu.vector_store %arg8[%swap3A_2151, %swap3A_2152], %swap3A_2155 {strides = array<i32>} : memref<1x128xi32, #tpu.memory_space<vmem>>, vector<1x16xi32>,
      %get3A_2156 = arith.index_cast %add3A_2023 : i32 to index
      %get3A_2157 = arith.constant 96 : index
      %get3A_2158 = tpu.vector_load %arg7[%get3A_2156, %get3A_2157] {strides = array<i32>} : memref<160x128xi32, #tpu.memory_space<vmem>>, vector<1x16xi32>,
      %get3A_2159 = vector.shape_cast %get3A_2158 : vector<1x16xi32> to vector<16xi32>
      %sub3A_2160 = vector.broadcast %scan3A_36 : i32 to vector<16xi32>
      %sub3A_2161 = arith.subi %get3A_2159, %sub3A_2160 : vector<16xi32>
      %ge3A_2162 = arith.constant 0 : i32
      %ge3A_2163 = vector.broadcast %ge3A_2162 : i32 to vector<16xi32>
      %ge3A_2164 = arith.cmpi sge, %sub3A_2161, %ge3A_2163 : vector<16xi32>
      %lt3A_2165 = arith.constant 2560 : i32
      %lt3A_2166 = vector.broadcast %lt3A_2165 : i32 to vector<16xi32>
      %lt3A_2167 = arith.cmpi slt, %sub3A_2161, %lt3A_2166 : vector<16xi32>
      %and3A_2168 = arith.andi %ge3A_2164, %lt3A_2167 : vector<16xi1>
      %jit3A_2169 = arith.constant 2560 : i32
      %broadcast_in_dim3A_2170 = vector.broadcast %jit3A_2169 : i32 to vector<16xi32>
      %select_n3A_2171 = arith.select %and3A_2168, %sub3A_2161, %broadcast_in_dim3A_2170 : vector<16xi1>, vector<16xi32>
      %swap3A_2172 = arith.constant 0 : i32
      %swap3A_2173 = arith.index_cast %swap3A_2172 : i32 to index
      %swap3A_2174 = arith.constant 96 : index
      %swap3A_2175 = tpu.vector_load %arg8[%swap3A_2173, %swap3A_2174] {strides = array<i32>} : memref<1x128xi32, #tpu.memory_space<vmem>>, vector<1x16xi32>,
      %swap3A_2176 = vector.shape_cast %swap3A_2175 : vector<1x16xi32> to vector<16xi32>
      %swap3A_2177 = vector.shape_cast %select_n3A_2171 : vector<16xi32> to vector<1x16xi32>
      tpu.vector_store %arg8[%swap3A_2173, %swap3A_2174], %swap3A_2177 {strides = array<i32>} : memref<1x128xi32, #tpu.memory_space<vmem>>, vector<1x16xi32>,
      %get3A_2178 = arith.index_cast %add3A_2023 : i32 to index
      %get3A_2179 = arith.constant 112 : index
      %get3A_2180 = tpu.vector_load %arg7[%get3A_2178, %get3A_2179] {strides = array<i32>} : memref<160x128xi32, #tpu.memory_space<vmem>>, vector<1x16xi32>,
      %get3A_2181 = vector.shape_cast %get3A_2180 : vector<1x16xi32> to vector<16xi32>
      %sub3A_2182 = vector.broadcast %scan3A_36 : i32 to vector<16xi32>
      %sub3A_2183 = arith.subi %get3A_2181, %sub3A_2182 : vector<16xi32>
      %ge3A_2184 = arith.constant 0 : i32
      %ge3A_2185 = vector.broadcast %ge3A_2184 : i32 to vector<16xi32>
      %ge3A_2186 = arith.cmpi sge, %sub3A_2183, %ge3A_2185 : vector<16xi32>
      %lt3A_2187 = arith.constant 2560 : i32
      %lt3A_2188 = vector.broadcast %lt3A_2187 : i32 to vector<16xi32>
      %lt3A_2189 = arith.cmpi slt, %sub3A_2183, %lt3A_2188 : vector<16xi32>
      %and3A_2190 = arith.andi %ge3A_2186, %lt3A_2189 : vector<16xi1>
      %jit3A_2191 = arith.constant 2560 : i32
      %broadcast_in_dim3A_2192 = vector.broadcast %jit3A_2191 : i32 to vector<16xi32>
      %select_n3A_2193 = arith.select %and3A_2190, %sub3A_2183, %broadcast_in_dim3A_2192 : vector<16xi1>, vector<16xi32>
      %swap3A_2194 = arith.constant 0 : i32
      %swap3A_2195 = arith.index_cast %swap3A_2194 : i32 to index
      %swap3A_2196 = arith.constant 112 : index
      %swap3A_2197 = tpu.vector_load %arg8[%swap3A_2195, %swap3A_2196] {strides = array<i32>} : memref<1x128xi32, #tpu.memory_space<vmem>>, vector<1x16xi32>,
      %swap3A_2198 = vector.shape_cast %swap3A_2197 : vector<1x16xi32> to vector<16xi32>
      %swap3A_2199 = vector.shape_cast %select_n3A_2193 : vector<16xi32> to vector<1x16xi32>
      tpu.vector_store %arg8[%swap3A_2195, %swap3A_2196], %swap3A_2199 {strides = array<i32>} : memref<1x128xi32, #tpu.memory_space<vmem>>, vector<1x16xi32>,
      %run_scoped3A_2200 = arith.constant 0 : i32
      "tpu.region"() ({
        %run_scoped3A_2214 = tpu.sem_alloc : memref<!tpu.dma_semaphore, #tpu.memory_space<semaphore_mem>>
        %dma_start3A_2215 = arith.constant 0 : i32
        %dma_start3A_2216 = tpu.memref_slice %arg8[%run_scoped3A_2200, %dma_start3A_2215] : memref<1x128xi32, #tpu.memory_space<vmem>> -> memref<1x128xi32, #tpu.memory_space<vmem>>
        %dma_start3A_2217 = tpu.memref_squeeze %dma_start3A_2216 : memref<1x128xi32, #tpu.memory_space<vmem>> -> memref<128xi32, #tpu.memory_space<vmem>>
        %dma_start3A_2218 = arith.constant 0 : i32
        %dma_start3A_2219 = arith.constant 0 : i32
        %dma_start3A_2220 = tpu.memref_slice %arg14[%dma_start3A_2218, %dma_start3A_2219] : memref<3072x128xf32, #tpu.memory_space<vmem_shared>> -> memref<3072x128xf32, #tpu.memory_space<vmem_shared>>
        tpu.enqueue_indirect_dma source(%arg10 : memref<128x128xf32, #tpu.memory_space<vmem>>) target(%dma_start3A_2220 : memref<3072x128xf32, #tpu.memory_space<vmem_shared>>) offsets(%dma_start3A_2217 : memref<128xi32, #tpu.memory_space<vmem>>) semaphore(%run_scoped3A_2214 : memref<!tpu.dma_semaphore, #tpu.memory_space<semaphore_mem>>) {add = true}
        %dma_wait3A_2221 = arith.constant 0 : i32
        %dma_wait3A_2222 = tpu.memref_slice %arg8[%run_scoped3A_2200, %dma_wait3A_2221] : memref<1x128xi32, #tpu.memory_space<vmem>> -> memref<1x128xi32, #tpu.memory_space<vmem>>
        %dma_wait3A_2223 = tpu.memref_squeeze %dma_wait3A_2222 : memref<1x128xi32, #tpu.memory_space<vmem>> -> memref<128xi32, #tpu.memory_space<vmem>>
        %dma_wait3A_2224 = arith.constant 0 : i32
        %dma_wait3A_2225 = arith.constant 0 : i32
        %dma_wait3A_2226 = tpu.memref_slice %arg14[%dma_wait3A_2224, %dma_wait3A_2225] : memref<3072x128xf32, #tpu.memory_space<vmem_shared>> -> memref<3072x128xf32, #tpu.memory_space<vmem_shared>>
        tpu.wait_indirect_dma semaphore(%run_scoped3A_2214 : memref<!tpu.dma_semaphore, #tpu.memory_space<semaphore_mem>>) src(%arg10 : memref<128x128xf32, #tpu.memory_space<vmem>>) dst(%dma_wait3A_2226 : memref<3072x128xf32, #tpu.memory_space<vmem_shared>>)
        tpu.yield
      }) : () -> ()
      %add3A_2201 = arith.constant 3 : i32
      %add3A_2202 = arith.addi %mul3A_1810, %add3A_2201 : i32
      %dma_start3A_2203 = arith.constant 0 : i32
      %dma_start3A_2204 = tpu.memref_slice %arg6[%add3A_2202, %dma_start3A_2203] : memref<160x128xi32, #tpu.memory_space<vmem>> -> memref<1x128xi32, #tpu.memory_space<vmem>>
      %dma_start3A_2205 = tpu.memref_squeeze %dma_start3A_2204 : memref<1x128xi32, #tpu.memory_space<vmem>> -> memref<128xi32, #tpu.memory_space<vmem>>
      %dma_start3A_2206 = arith.constant 0 : i32
      %dma_start3A_2207 = arith.constant 0 : i32
      %dma_start3A_2208 = tpu.memref_slice %arg2[%arg0, %dma_start3A_2206, %dma_start3A_2207] : memref<2x10240x128xf32, #tpu.memory_space<hbm>> -> memref<1x10240x128xf32, #tpu.memory_space<hbm>>
      %dma_start3A_2209 = tpu.memref_squeeze %dma_start3A_2208 : memref<1x10240x128xf32, #tpu.memory_space<hbm>> -> memref<10240x128xf32, #tpu.memory_space<hbm>>
      %dma_start3A_2210 = arith.constant 0 : i32
      %dma_start3A_2211 = arith.constant 0 : i32
      %dma_start3A_2212 = tpu.memref_slice %dma_start3A_2209[%dma_start3A_2210, %dma_start3A_2211] : memref<10240x128xf32, #tpu.memory_space<hbm>> -> memref<10240x128xf32, #tpu.memory_space<hbm>>
      tpu.enqueue_indirect_dma source(%dma_start3A_2212 : memref<10240x128xf32, #tpu.memory_space<hbm>>) target(%arg10 : memref<128x128xf32, #tpu.memory_space<vmem>>) offsets(%dma_start3A_2205 : memref<128xi32, #tpu.memory_space<vmem>>) semaphore(%arg13 : memref<!tpu.dma_semaphore, #tpu.memory_space<semaphore_mem>>)
      %scan3A_2213 = arith.constant 0 : i32
      scf.yield %scan3A_2213 : i32
    }
    %scan3A_43 = arith.constant 79 : i32
    %dma_wait3A = arith.constant 158 : i32
    %dma_wait3A_44 = arith.constant 0 : i32
    %dma_wait3A_45 = tpu.memref_slice %arg6[%dma_wait3A, %dma_wait3A_44] : memref<160x128xi32, #tpu.memory_space<vmem>> -> memref<1x128xi32, #tpu.memory_space<vmem>>
    %dma_wait3A_46 = tpu.memref_squeeze %dma_wait3A_45 : memref<1x128xi32, #tpu.memory_space<vmem>> -> memref<128xi32, #tpu.memory_space<vmem>>
    %dma_wait3A_47 = arith.constant 0 : i32
    %dma_wait3A_48 = arith.constant 0 : i32
    %dma_wait3A_49 = tpu.memref_slice %arg2[%arg0, %dma_wait3A_47, %dma_wait3A_48] : memref<2x10240x128xf32, #tpu.memory_space<hbm>> -> memref<1x10240x128xf32, #tpu.memory_space<hbm>>
    %dma_wait3A_50 = tpu.memref_squeeze %dma_wait3A_49 : memref<1x10240x128xf32, #tpu.memory_space<hbm>> -> memref<10240x128xf32, #tpu.memory_space<hbm>>
    %dma_wait3A_51 = arith.constant 0 : i32
    %dma_wait3A_52 = arith.constant 0 : i32
    %dma_wait3A_53 = tpu.memref_slice %dma_wait3A_50[%dma_wait3A_51, %dma_wait3A_52] : memref<10240x128xf32, #tpu.memory_space<hbm>> -> memref<10240x128xf32, #tpu.memory_space<hbm>>
    tpu.wait_indirect_dma semaphore(%arg12 : memref<!tpu.dma_semaphore, #tpu.memory_space<semaphore_mem>>) src(%dma_wait3A_53 : memref<10240x128xf32, #tpu.memory_space<hbm>>) dst(%arg9 : memref<128x128xf32, #tpu.memory_space<vmem>>)
    %get3A = arith.constant 158 : i32
    %get3A_54 = arith.index_cast %get3A : i32 to index
    %get3A_55 = arith.constant 0 : index
    %get3A_56 = tpu.vector_load %arg7[%get3A_54, %get3A_55] {strides = array<i32>} : memref<160x128xi32, #tpu.memory_space<vmem>>, vector<1x16xi32>,
    %get3A_57 = vector.shape_cast %get3A_56 : vector<1x16xi32> to vector<16xi32>
    %sub3A = arith.constant 0 : i32
    %sub3A_58 = vector.broadcast %sub3A : i32 to vector<16xi32>
    %sub3A_59 = arith.subi %get3A_57, %sub3A_58 : vector<16xi32>
    %ge3A = arith.constant 0 : i32
    %ge3A_60 = vector.broadcast %ge3A : i32 to vector<16xi32>
    %ge3A_61 = arith.cmpi sge, %sub3A_59, %ge3A_60 : vector<16xi32>
    %lt3A = arith.constant 2560 : i32
    %lt3A_62 = vector.broadcast %lt3A : i32 to vector<16xi32>
    %lt3A_63 = arith.cmpi slt, %sub3A_59, %lt3A_62 : vector<16xi32>
    %and3A = arith.andi %ge3A_61, %lt3A_63 : vector<16xi1>
    %jit3A = arith.constant 2560 : i32
    %broadcast_in_dim3A_64 = vector.broadcast %jit3A : i32 to vector<16xi32>
    %select_n3A = arith.select %and3A, %sub3A_59, %broadcast_in_dim3A_64 : vector<16xi1>, vector<16xi32>
    %swap3A = arith.constant 0 : i32
    %swap3A_65 = arith.index_cast %swap3A : i32 to index
    %swap3A_66 = arith.constant 0 : index
    %swap3A_67 = tpu.vector_load %arg8[%swap3A_65, %swap3A_66] {strides = array<i32>} : memref<1x128xi32, #tpu.memory_space<vmem>>, vector<1x16xi32>,
    %swap3A_68 = vector.shape_cast %swap3A_67 : vector<1x16xi32> to vector<16xi32>
    %swap3A_69 = vector.shape_cast %select_n3A : vector<16xi32> to vector<1x16xi32>
    tpu.vector_store %arg8[%swap3A_65, %swap3A_66], %swap3A_69 {strides = array<i32>} : memref<1x128xi32, #tpu.memory_space<vmem>>, vector<1x16xi32>,
    %get3A_70 = arith.constant 158 : i32
    %get3A_71 = arith.index_cast %get3A_70 : i32 to index
    %get3A_72 = arith.constant 16 : index
    %get3A_73 = tpu.vector_load %arg7[%get3A_71, %get3A_72] {strides = array<i32>} : memref<160x128xi32, #tpu.memory_space<vmem>>, vector<1x16xi32>,
    %get3A_74 = vector.shape_cast %get3A_73 : vector<1x16xi32> to vector<16xi32>
    %sub3A_75 = arith.constant 0 : i32
    %sub3A_76 = vector.broadcast %sub3A_75 : i32 to vector<16xi32>
    %sub3A_77 = arith.subi %get3A_74, %sub3A_76 : vector<16xi32>
    %ge3A_78 = arith.constant 0 : i32
    %ge3A_79 = vector.broadcast %ge3A_78 : i32 to vector<16xi32>
    %ge3A_80 = arith.cmpi sge, %sub3A_77, %ge3A_79 : vector<16xi32>
    %lt3A_81 = arith.constant 2560 : i32
    %lt3A_82 = vector.broadcast %lt3A_81 : i32 to vector<16xi32>
    %lt3A_83 = arith.cmpi slt, %sub3A_77, %lt3A_82 : vector<16xi32>
    %and3A_84 = arith.andi %ge3A_80, %lt3A_83 : vector<16xi1>
    %jit3A_85 = arith.constant 2560 : i32
    %broadcast_in_dim3A_86 = vector.broadcast %jit3A_85 : i32 to vector<16xi32>
    %select_n3A_87 = arith.select %and3A_84, %sub3A_77, %broadcast_in_dim3A_86 : vector<16xi1>, vector<16xi32>
    %swap3A_88 = arith.constant 0 : i32
    %swap3A_89 = arith.index_cast %swap3A_88 : i32 to index
    %swap3A_90 = arith.constant 16 : index
    %swap3A_91 = tpu.vector_load %arg8[%swap3A_89, %swap3A_90] {strides = array<i32>} : memref<1x128xi32, #tpu.memory_space<vmem>>, vector<1x16xi32>,
    %swap3A_92 = vector.shape_cast %swap3A_91 : vector<1x16xi32> to vector<16xi32>
    %swap3A_93 = vector.shape_cast %select_n3A_87 : vector<16xi32> to vector<1x16xi32>
    tpu.vector_store %arg8[%swap3A_89, %swap3A_90], %swap3A_93 {strides = array<i32>} : memref<1x128xi32, #tpu.memory_space<vmem>>, vector<1x16xi32>,
    %get3A_94 = arith.constant 158 : i32
    %get3A_95 = arith.index_cast %get3A_94 : i32 to index
    %get3A_96 = arith.constant 32 : index
    %get3A_97 = tpu.vector_load %arg7[%get3A_95, %get3A_96] {strides = array<i32>} : memref<160x128xi32, #tpu.memory_space<vmem>>, vector<1x16xi32>,
    %get3A_98 = vector.shape_cast %get3A_97 : vector<1x16xi32> to vector<16xi32>
    %sub3A_99 = arith.constant 0 : i32
    %sub3A_100 = vector.broadcast %sub3A_99 : i32 to vector<16xi32>
    %sub3A_101 = arith.subi %get3A_98, %sub3A_100 : vector<16xi32>
    %ge3A_102 = arith.constant 0 : i32
    %ge3A_103 = vector.broadcast %ge3A_102 : i32 to vector<16xi32>
    %ge3A_104 = arith.cmpi sge, %sub3A_101, %ge3A_103 : vector<16xi32>
    %lt3A_105 = arith.constant 2560 : i32
    %lt3A_106 = vector.broadcast %lt3A_105 : i32 to vector<16xi32>
    %lt3A_107 = arith.cmpi slt, %sub3A_101, %lt3A_106 : vector<16xi32>
    %and3A_108 = arith.andi %ge3A_104, %lt3A_107 : vector<16xi1>
    %jit3A_109 = arith.constant 2560 : i32
    %broadcast_in_dim3A_110 = vector.broadcast %jit3A_109 : i32 to vector<16xi32>
    %select_n3A_111 = arith.select %and3A_108, %sub3A_101, %broadcast_in_dim3A_110 : vector<16xi1>, vector<16xi32>
    %swap3A_112 = arith.constant 0 : i32
    %swap3A_113 = arith.index_cast %swap3A_112 : i32 to index
    %swap3A_114 = arith.constant 32 : index
    %swap3A_115 = tpu.vector_load %arg8[%swap3A_113, %swap3A_114] {strides = array<i32>} : memref<1x128xi32, #tpu.memory_space<vmem>>, vector<1x16xi32>,
    %swap3A_116 = vector.shape_cast %swap3A_115 : vector<1x16xi32> to vector<16xi32>
    %swap3A_117 = vector.shape_cast %select_n3A_111 : vector<16xi32> to vector<1x16xi32>
    tpu.vector_store %arg8[%swap3A_113, %swap3A_114], %swap3A_117 {strides = array<i32>} : memref<1x128xi32, #tpu.memory_space<vmem>>, vector<1x16xi32>,
    %get3A_118 = arith.constant 158 : i32
    %get3A_119 = arith.index_cast %get3A_118 : i32 to index
    %get3A_120 = arith.constant 48 : index
    %get3A_121 = tpu.vector_load %arg7[%get3A_119, %get3A_120] {strides = array<i32>} : memref<160x128xi32, #tpu.memory_space<vmem>>, vector<1x16xi32>,
    %get3A_122 = vector.shape_cast %get3A_121 : vector<1x16xi32> to vector<16xi32>
    %sub3A_123 = arith.constant 0 : i32
    %sub3A_124 = vector.broadcast %sub3A_123 : i32 to vector<16xi32>
    %sub3A_125 = arith.subi %get3A_122, %sub3A_124 : vector<16xi32>
    %ge3A_126 = arith.constant 0 : i32
    %ge3A_127 = vector.broadcast %ge3A_126 : i32 to vector<16xi32>
    %ge3A_128 = arith.cmpi sge, %sub3A_125, %ge3A_127 : vector<16xi32>
    %lt3A_129 = arith.constant 2560 : i32
    %lt3A_130 = vector.broadcast %lt3A_129 : i32 to vector<16xi32>
    %lt3A_131 = arith.cmpi slt, %sub3A_125, %lt3A_130 : vector<16xi32>
    %and3A_132 = arith.andi %ge3A_128, %lt3A_131 : vector<16xi1>
    %jit3A_133 = arith.constant 2560 : i32
    %broadcast_in_dim3A_134 = vector.broadcast %jit3A_133 : i32 to vector<16xi32>
    %select_n3A_135 = arith.select %and3A_132, %sub3A_125, %broadcast_in_dim3A_134 : vector<16xi1>, vector<16xi32>
    %swap3A_136 = arith.constant 0 : i32
    %swap3A_137 = arith.index_cast %swap3A_136 : i32 to index
    %swap3A_138 = arith.constant 48 : index
    %swap3A_139 = tpu.vector_load %arg8[%swap3A_137, %swap3A_138] {strides = array<i32>} : memref<1x128xi32, #tpu.memory_space<vmem>>, vector<1x16xi32>,
    %swap3A_140 = vector.shape_cast %swap3A_139 : vector<1x16xi32> to vector<16xi32>
    %swap3A_141 = vector.shape_cast %select_n3A_135 : vector<16xi32> to vector<1x16xi32>
    tpu.vector_store %arg8[%swap3A_137, %swap3A_138], %swap3A_141 {strides = array<i32>} : memref<1x128xi32, #tpu.memory_space<vmem>>, vector<1x16xi32>,
    %get3A_142 = arith.constant 158 : i32
    %get3A_143 = arith.index_cast %get3A_142 : i32 to index
    %get3A_144 = arith.constant 64 : index
    %get3A_145 = tpu.vector_load %arg7[%get3A_143, %get3A_144] {strides = array<i32>} : memref<160x128xi32, #tpu.memory_space<vmem>>, vector<1x16xi32>,
    %get3A_146 = vector.shape_cast %get3A_145 : vector<1x16xi32> to vector<16xi32>
    %sub3A_147 = arith.constant 0 : i32
    %sub3A_148 = vector.broadcast %sub3A_147 : i32 to vector<16xi32>
    %sub3A_149 = arith.subi %get3A_146, %sub3A_148 : vector<16xi32>
    %ge3A_150 = arith.constant 0 : i32
    %ge3A_151 = vector.broadcast %ge3A_150 : i32 to vector<16xi32>
    %ge3A_152 = arith.cmpi sge, %sub3A_149, %ge3A_151 : vector<16xi32>
    %lt3A_153 = arith.constant 2560 : i32
    %lt3A_154 = vector.broadcast %lt3A_153 : i32 to vector<16xi32>
    %lt3A_155 = arith.cmpi slt, %sub3A_149, %lt3A_154 : vector<16xi32>
    %and3A_156 = arith.andi %ge3A_152, %lt3A_155 : vector<16xi1>
    %jit3A_157 = arith.constant 2560 : i32
    %broadcast_in_dim3A_158 = vector.broadcast %jit3A_157 : i32 to vector<16xi32>
    %select_n3A_159 = arith.select %and3A_156, %sub3A_149, %broadcast_in_dim3A_158 : vector<16xi1>, vector<16xi32>
    %swap3A_160 = arith.constant 0 : i32
    %swap3A_161 = arith.index_cast %swap3A_160 : i32 to index
    %swap3A_162 = arith.constant 64 : index
    %swap3A_163 = tpu.vector_load %arg8[%swap3A_161, %swap3A_162] {strides = array<i32>} : memref<1x128xi32, #tpu.memory_space<vmem>>, vector<1x16xi32>,
    %swap3A_164 = vector.shape_cast %swap3A_163 : vector<1x16xi32> to vector<16xi32>
    %swap3A_165 = vector.shape_cast %select_n3A_159 : vector<16xi32> to vector<1x16xi32>
    tpu.vector_store %arg8[%swap3A_161, %swap3A_162], %swap3A_165 {strides = array<i32>} : memref<1x128xi32, #tpu.memory_space<vmem>>, vector<1x16xi32>,
    %get3A_166 = arith.constant 158 : i32
    %get3A_167 = arith.index_cast %get3A_166 : i32 to index
    %get3A_168 = arith.constant 80 : index
    %get3A_169 = tpu.vector_load %arg7[%get3A_167, %get3A_168] {strides = array<i32>} : memref<160x128xi32, #tpu.memory_space<vmem>>, vector<1x16xi32>,
    %get3A_170 = vector.shape_cast %get3A_169 : vector<1x16xi32> to vector<16xi32>
    %sub3A_171 = arith.constant 0 : i32
    %sub3A_172 = vector.broadcast %sub3A_171 : i32 to vector<16xi32>
    %sub3A_173 = arith.subi %get3A_170, %sub3A_172 : vector<16xi32>
    %ge3A_174 = arith.constant 0 : i32
    %ge3A_175 = vector.broadcast %ge3A_174 : i32 to vector<16xi32>
    %ge3A_176 = arith.cmpi sge, %sub3A_173, %ge3A_175 : vector<16xi32>
    %lt3A_177 = arith.constant 2560 : i32
    %lt3A_178 = vector.broadcast %lt3A_177 : i32 to vector<16xi32>
    %lt3A_179 = arith.cmpi slt, %sub3A_173, %lt3A_178 : vector<16xi32>
    %and3A_180 = arith.andi %ge3A_176, %lt3A_179 : vector<16xi1>
    %jit3A_181 = arith.constant 2560 : i32
    %broadcast_in_dim3A_182 = vector.broadcast %jit3A_181 : i32 to vector<16xi32>
    %select_n3A_183 = arith.select %and3A_180, %sub3A_173, %broadcast_in_dim3A_182 : vector<16xi1>, vector<16xi32>
    %swap3A_184 = arith.constant 0 : i32
    %swap3A_185 = arith.index_cast %swap3A_184 : i32 to index
    %swap3A_186 = arith.constant 80 : index
    %swap3A_187 = tpu.vector_load %arg8[%swap3A_185, %swap3A_186] {strides = array<i32>} : memref<1x128xi32, #tpu.memory_space<vmem>>, vector<1x16xi32>,
    %swap3A_188 = vector.shape_cast %swap3A_187 : vector<1x16xi32> to vector<16xi32>
    %swap3A_189 = vector.shape_cast %select_n3A_183 : vector<16xi32> to vector<1x16xi32>
    tpu.vector_store %arg8[%swap3A_185, %swap3A_186], %swap3A_189 {strides = array<i32>} : memref<1x128xi32, #tpu.memory_space<vmem>>, vector<1x16xi32>,
    %get3A_190 = arith.constant 158 : i32
    %get3A_191 = arith.index_cast %get3A_190 : i32 to index
    %get3A_192 = arith.constant 96 : index
    %get3A_193 = tpu.vector_load %arg7[%get3A_191, %get3A_192] {strides = array<i32>} : memref<160x128xi32, #tpu.memory_space<vmem>>, vector<1x16xi32>,
    %get3A_194 = vector.shape_cast %get3A_193 : vector<1x16xi32> to vector<16xi32>
    %sub3A_195 = arith.constant 0 : i32
    %sub3A_196 = vector.broadcast %sub3A_195 : i32 to vector<16xi32>
    %sub3A_197 = arith.subi %get3A_194, %sub3A_196 : vector<16xi32>
    %ge3A_198 = arith.constant 0 : i32
    %ge3A_199 = vector.broadcast %ge3A_198 : i32 to vector<16xi32>
    %ge3A_200 = arith.cmpi sge, %sub3A_197, %ge3A_199 : vector<16xi32>
    %lt3A_201 = arith.constant 2560 : i32
    %lt3A_202 = vector.broadcast %lt3A_201 : i32 to vector<16xi32>
    %lt3A_203 = arith.cmpi slt, %sub3A_197, %lt3A_202 : vector<16xi32>
    %and3A_204 = arith.andi %ge3A_200, %lt3A_203 : vector<16xi1>
    %jit3A_205 = arith.constant 2560 : i32
    %broadcast_in_dim3A_206 = vector.broadcast %jit3A_205 : i32 to vector<16xi32>
    %select_n3A_207 = arith.select %and3A_204, %sub3A_197, %broadcast_in_dim3A_206 : vector<16xi1>, vector<16xi32>
    %swap3A_208 = arith.constant 0 : i32
    %swap3A_209 = arith.index_cast %swap3A_208 : i32 to index
    %swap3A_210 = arith.constant 96 : index
    %swap3A_211 = tpu.vector_load %arg8[%swap3A_209, %swap3A_210] {strides = array<i32>} : memref<1x128xi32, #tpu.memory_space<vmem>>, vector<1x16xi32>,
    %swap3A_212 = vector.shape_cast %swap3A_211 : vector<1x16xi32> to vector<16xi32>
    %swap3A_213 = vector.shape_cast %select_n3A_207 : vector<16xi32> to vector<1x16xi32>
    tpu.vector_store %arg8[%swap3A_209, %swap3A_210], %swap3A_213 {strides = array<i32>} : memref<1x128xi32, #tpu.memory_space<vmem>>, vector<1x16xi32>,
    %get3A_214 = arith.constant 158 : i32
    %get3A_215 = arith.index_cast %get3A_214 : i32 to index
    %get3A_216 = arith.constant 112 : index
    %get3A_217 = tpu.vector_load %arg7[%get3A_215, %get3A_216] {strides = array<i32>} : memref<160x128xi32, #tpu.memory_space<vmem>>, vector<1x16xi32>,
    %get3A_218 = vector.shape_cast %get3A_217 : vector<1x16xi32> to vector<16xi32>
    %sub3A_219 = arith.constant 0 : i32
    %sub3A_220 = vector.broadcast %sub3A_219 : i32 to vector<16xi32>
    %sub3A_221 = arith.subi %get3A_218, %sub3A_220 : vector<16xi32>
    %ge3A_222 = arith.constant 0 : i32
    %ge3A_223 = vector.broadcast %ge3A_222 : i32 to vector<16xi32>
    %ge3A_224 = arith.cmpi sge, %sub3A_221, %ge3A_223 : vector<16xi32>
    %lt3A_225 = arith.constant 2560 : i32
    %lt3A_226 = vector.broadcast %lt3A_225 : i32 to vector<16xi32>
    %lt3A_227 = arith.cmpi slt, %sub3A_221, %lt3A_226 : vector<16xi32>
    %and3A_228 = arith.andi %ge3A_224, %lt3A_227 : vector<16xi1>
    %jit3A_229 = arith.constant 2560 : i32
    %broadcast_in_dim3A_230 = vector.broadcast %jit3A_229 : i32 to vector<16xi32>
    %select_n3A_231 = arith.select %and3A_228, %sub3A_221, %broadcast_in_dim3A_230 : vector<16xi1>, vector<16xi32>
    %swap3A_232 = arith.constant 0 : i32
    %swap3A_233 = arith.index_cast %swap3A_232 : i32 to index
    %swap3A_234 = arith.constant 112 : index
    %swap3A_235 = tpu.vector_load %arg8[%swap3A_233, %swap3A_234] {strides = array<i32>} : memref<1x128xi32, #tpu.memory_space<vmem>>, vector<1x16xi32>,
    %swap3A_236 = vector.shape_cast %swap3A_235 : vector<1x16xi32> to vector<16xi32>
    %swap3A_237 = vector.shape_cast %select_n3A_231 : vector<16xi32> to vector<1x16xi32>
    tpu.vector_store %arg8[%swap3A_233, %swap3A_234], %swap3A_237 {strides = array<i32>} : memref<1x128xi32, #tpu.memory_space<vmem>>, vector<1x16xi32>,
    %run_scoped3A = arith.constant 0 : i32
    "tpu.region"() ({
      %run_scoped3A_1807 = tpu.sem_alloc : memref<!tpu.dma_semaphore, #tpu.memory_space<semaphore_mem>>
      %dma_start3A_1808 = arith.constant 0 : i32
      %dma_start3A_1809 = tpu.memref_slice %arg8[%run_scoped3A, %dma_start3A_1808] : memref<1x128xi32, #tpu.memory_space<vmem>> -> memref<1x128xi32, #tpu.memory_space<vmem>>
      %dma_start3A_1810 = tpu.memref_squeeze %dma_start3A_1809 : memref<1x128xi32, #tpu.memory_space<vmem>> -> memref<128xi32, #tpu.memory_space<vmem>>
      %dma_start3A_1811 = arith.constant 0 : i32
      %dma_start3A_1812 = arith.constant 0 : i32
      %dma_start3A_1813 = tpu.memref_slice %arg14[%dma_start3A_1811, %dma_start3A_1812] : memref<3072x128xf32, #tpu.memory_space<vmem_shared>> -> memref<3072x128xf32, #tpu.memory_space<vmem_shared>>
      tpu.enqueue_indirect_dma source(%arg9 : memref<128x128xf32, #tpu.memory_space<vmem>>) target(%dma_start3A_1813 : memref<3072x128xf32, #tpu.memory_space<vmem_shared>>) offsets(%dma_start3A_1810 : memref<128xi32, #tpu.memory_space<vmem>>) semaphore(%run_scoped3A_1807 : memref<!tpu.dma_semaphore, #tpu.memory_space<semaphore_mem>>) {add = true}
      %dma_wait3A_1814 = arith.constant 0 : i32
      %dma_wait3A_1815 = tpu.memref_slice %arg8[%run_scoped3A, %dma_wait3A_1814] : memref<1x128xi32, #tpu.memory_space<vmem>> -> memref<1x128xi32, #tpu.memory_space<vmem>>
      %dma_wait3A_1816 = tpu.memref_squeeze %dma_wait3A_1815 : memref<1x128xi32, #tpu.memory_space<vmem>> -> memref<128xi32, #tpu.memory_space<vmem>>
      %dma_wait3A_1817 = arith.constant 0 : i32
      %dma_wait3A_1818 = arith.constant 0 : i32
      %dma_wait3A_1819 = tpu.memref_slice %arg14[%dma_wait3A_1817, %dma_wait3A_1818] : memref<3072x128xf32, #tpu.memory_space<vmem_shared>> -> memref<3072x128xf32, #tpu.memory_space<vmem_shared>>
      tpu.wait_indirect_dma semaphore(%run_scoped3A_1807 : memref<!tpu.dma_semaphore, #tpu.memory_space<semaphore_mem>>) src(%arg9 : memref<128x128xf32, #tpu.memory_space<vmem>>) dst(%dma_wait3A_1819 : memref<3072x128xf32, #tpu.memory_space<vmem_shared>>)
      tpu.yield
    }) : () -> ()
    %dma_wait3A_238 = arith.constant 159 : i32
    %dma_wait3A_239 = arith.constant 0 : i32
    %dma_wait3A_240 = tpu.memref_slice %arg6[%dma_wait3A_238, %dma_wait3A_239] : memref<160x128xi32, #tpu.memory_space<vmem>> -> memref<1x128xi32, #tpu.memory_space<vmem>>
    %dma_wait3A_241 = tpu.memref_squeeze %dma_wait3A_240 : memref<1x128xi32, #tpu.memory_space<vmem>> -> memref<128xi32, #tpu.memory_space<vmem>>
    %dma_wait3A_242 = arith.constant 0 : i32
    %dma_wait3A_243 = arith.constant 0 : i32
    %dma_wait3A_244 = tpu.memref_slice %arg2[%arg0, %dma_wait3A_242, %dma_wait3A_243] : memref<2x10240x128xf32, #tpu.memory_space<hbm>> -> memref<1x10240x128xf32, #tpu.memory_space<hbm>>
    %dma_wait3A_245 = tpu.memref_squeeze %dma_wait3A_244 : memref<1x10240x128xf32, #tpu.memory_space<hbm>> -> memref<10240x128xf32, #tpu.memory_space<hbm>>
    %dma_wait3A_246 = arith.constant 0 : i32
    %dma_wait3A_247 = arith.constant 0 : i32
    %dma_wait3A_248 = tpu.memref_slice %dma_wait3A_245[%dma_wait3A_246, %dma_wait3A_247] : memref<10240x128xf32, #tpu.memory_space<hbm>> -> memref<10240x128xf32, #tpu.memory_space<hbm>>
    tpu.wait_indirect_dma semaphore(%arg13 : memref<!tpu.dma_semaphore, #tpu.memory_space<semaphore_mem>>) src(%dma_wait3A_248 : memref<10240x128xf32, #tpu.memory_space<hbm>>) dst(%arg10 : memref<128x128xf32, #tpu.memory_space<vmem>>)
    %get3A_249 = arith.constant 159 : i32
    %get3A_250 = arith.index_cast %get3A_249 : i32 to index
    %get3A_251 = arith.constant 0 : index
    %get3A_252 = tpu.vector_load %arg7[%get3A_250, %get3A_251] {strides = array<i32>} : memref<160x128xi32, #tpu.memory_space<vmem>>, vector<1x16xi32>,
    %get3A_253 = vector.shape_cast %get3A_252 : vector<1x16xi32> to vector<16xi32>
    %sub3A_254 = arith.constant 0 : i32
    %sub3A_255 = vector.broadcast %sub3A_254 : i32 to vector<16xi32>
    %sub3A_256 = arith.subi %get3A_253, %sub3A_255 : vector<16xi32>
    %ge3A_257 = arith.constant 0 : i32
    %ge3A_258 = vector.broadcast %ge3A_257 : i32 to vector<16xi32>
    %ge3A_259 = arith.cmpi sge, %sub3A_256, %ge3A_258 : vector<16xi32>
    %lt3A_260 = arith.constant 2560 : i32
    %lt3A_261 = vector.broadcast %lt3A_260 : i32 to vector<16xi32>
    %lt3A_262 = arith.cmpi slt, %sub3A_256, %lt3A_261 : vector<16xi32>
    %and3A_263 = arith.andi %ge3A_259, %lt3A_262 : vector<16xi1>
    %jit3A_264 = arith.constant 2560 : i32
    %broadcast_in_dim3A_265 = vector.broadcast %jit3A_264 : i32 to vector<16xi32>
    %select_n3A_266 = arith.select %and3A_263, %sub3A_256, %broadcast_in_dim3A_265 : vector<16xi1>, vector<16xi32>
    %swap3A_267 = arith.constant 0 : i32
    %swap3A_268 = arith.index_cast %swap3A_267 : i32 to index
    %swap3A_269 = arith.constant 0 : index
    %swap3A_270 = tpu.vector_load %arg8[%swap3A_268, %swap3A_269] {strides = array<i32>} : memref<1x128xi32, #tpu.memory_space<vmem>>, vector<1x16xi32>,
    %swap3A_271 = vector.shape_cast %swap3A_270 : vector<1x16xi32> to vector<16xi32>
    %swap3A_272 = vector.shape_cast %select_n3A_266 : vector<16xi32> to vector<1x16xi32>
    tpu.vector_store %arg8[%swap3A_268, %swap3A_269], %swap3A_272 {strides = array<i32>} : memref<1x128xi32, #tpu.memory_space<vmem>>, vector<1x16xi32>,
    %get3A_273 = arith.constant 159 : i32
    %get3A_274 = arith.index_cast %get3A_273 : i32 to index
    %get3A_275 = arith.constant 16 : index
    %get3A_276 = tpu.vector_load %arg7[%get3A_274, %get3A_275] {strides = array<i32>} : memref<160x128xi32, #tpu.memory_space<vmem>>, vector<1x16xi32>,
    %get3A_277 = vector.shape_cast %get3A_276 : vector<1x16xi32> to vector<16xi32>
    %sub3A_278 = arith.constant 0 : i32
    %sub3A_279 = vector.broadcast %sub3A_278 : i32 to vector<16xi32>
    %sub3A_280 = arith.subi %get3A_277, %sub3A_279 : vector<16xi32>
    %ge3A_281 = arith.constant 0 : i32
    %ge3A_282 = vector.broadcast %ge3A_281 : i32 to vector<16xi32>
    %ge3A_283 = arith.cmpi sge, %sub3A_280, %ge3A_282 : vector<16xi32>
    %lt3A_284 = arith.constant 2560 : i32
    %lt3A_285 = vector.broadcast %lt3A_284 : i32 to vector<16xi32>
    %lt3A_286 = arith.cmpi slt, %sub3A_280, %lt3A_285 : vector<16xi32>
    %and3A_287 = arith.andi %ge3A_283, %lt3A_286 : vector<16xi1>
    %jit3A_288 = arith.constant 2560 : i32
    %broadcast_in_dim3A_289 = vector.broadcast %jit3A_288 : i32 to vector<16xi32>
    %select_n3A_290 = arith.select %and3A_287, %sub3A_280, %broadcast_in_dim3A_289 : vector<16xi1>, vector<16xi32>
    %swap3A_291 = arith.constant 0 : i32
    %swap3A_292 = arith.index_cast %swap3A_291 : i32 to index
    %swap3A_293 = arith.constant 16 : index
    %swap3A_294 = tpu.vector_load %arg8[%swap3A_292, %swap3A_293] {strides = array<i32>} : memref<1x128xi32, #tpu.memory_space<vmem>>, vector<1x16xi32>,
    %swap3A_295 = vector.shape_cast %swap3A_294 : vector<1x16xi32> to vector<16xi32>
    %swap3A_296 = vector.shape_cast %select_n3A_290 : vector<16xi32> to vector<1x16xi32>
    tpu.vector_store %arg8[%swap3A_292, %swap3A_293], %swap3A_296 {strides = array<i32>} : memref<1x128xi32, #tpu.memory_space<vmem>>, vector<1x16xi32>,
    %get3A_297 = arith.constant 159 : i32
    %get3A_298 = arith.index_cast %get3A_297 : i32 to index
    %get3A_299 = arith.constant 32 : index
    %get3A_300 = tpu.vector_load %arg7[%get3A_298, %get3A_299] {strides = array<i32>} : memref<160x128xi32, #tpu.memory_space<vmem>>, vector<1x16xi32>,
    %get3A_301 = vector.shape_cast %get3A_300 : vector<1x16xi32> to vector<16xi32>
    %sub3A_302 = arith.constant 0 : i32
    %sub3A_303 = vector.broadcast %sub3A_302 : i32 to vector<16xi32>
    %sub3A_304 = arith.subi %get3A_301, %sub3A_303 : vector<16xi32>
    %ge3A_305 = arith.constant 0 : i32
    %ge3A_306 = vector.broadcast %ge3A_305 : i32 to vector<16xi32>
    %ge3A_307 = arith.cmpi sge, %sub3A_304, %ge3A_306 : vector<16xi32>
    %lt3A_308 = arith.constant 2560 : i32
    %lt3A_309 = vector.broadcast %lt3A_308 : i32 to vector<16xi32>
    %lt3A_310 = arith.cmpi slt, %sub3A_304, %lt3A_309 : vector<16xi32>
    %and3A_311 = arith.andi %ge3A_307, %lt3A_310 : vector<16xi1>
    %jit3A_312 = arith.constant 2560 : i32
    %broadcast_in_dim3A_313 = vector.broadcast %jit3A_312 : i32 to vector<16xi32>
    %select_n3A_314 = arith.select %and3A_311, %sub3A_304, %broadcast_in_dim3A_313 : vector<16xi1>, vector<16xi32>
    %swap3A_315 = arith.constant 0 : i32
    %swap3A_316 = arith.index_cast %swap3A_315 : i32 to index
    %swap3A_317 = arith.constant 32 : index
    %swap3A_318 = tpu.vector_load %arg8[%swap3A_316, %swap3A_317] {strides = array<i32>} : memref<1x128xi32, #tpu.memory_space<vmem>>, vector<1x16xi32>,
    %swap3A_319 = vector.shape_cast %swap3A_318 : vector<1x16xi32> to vector<16xi32>
    %swap3A_320 = vector.shape_cast %select_n3A_314 : vector<16xi32> to vector<1x16xi32>
    tpu.vector_store %arg8[%swap3A_316, %swap3A_317], %swap3A_320 {strides = array<i32>} : memref<1x128xi32, #tpu.memory_space<vmem>>, vector<1x16xi32>,
    %get3A_321 = arith.constant 159 : i32
    %get3A_322 = arith.index_cast %get3A_321 : i32 to index
    %get3A_323 = arith.constant 48 : index
    %get3A_324 = tpu.vector_load %arg7[%get3A_322, %get3A_323] {strides = array<i32>} : memref<160x128xi32, #tpu.memory_space<vmem>>, vector<1x16xi32>,
    %get3A_325 = vector.shape_cast %get3A_324 : vector<1x16xi32> to vector<16xi32>
    %sub3A_326 = arith.constant 0 : i32
    %sub3A_327 = vector.broadcast %sub3A_326 : i32 to vector<16xi32>
    %sub3A_328 = arith.subi %get3A_325, %sub3A_327 : vector<16xi32>
    %ge3A_329 = arith.constant 0 : i32
    %ge3A_330 = vector.broadcast %ge3A_329 : i32 to vector<16xi32>
    %ge3A_331 = arith.cmpi sge, %sub3A_328, %ge3A_330 : vector<16xi32>
    %lt3A_332 = arith.constant 2560 : i32
    %lt3A_333 = vector.broadcast %lt3A_332 : i32 to vector<16xi32>
    %lt3A_334 = arith.cmpi slt, %sub3A_328, %lt3A_333 : vector<16xi32>
    %and3A_335 = arith.andi %ge3A_331, %lt3A_334 : vector<16xi1>
    %jit3A_336 = arith.constant 2560 : i32
    %broadcast_in_dim3A_337 = vector.broadcast %jit3A_336 : i32 to vector<16xi32>
    %select_n3A_338 = arith.select %and3A_335, %sub3A_328, %broadcast_in_dim3A_337 : vector<16xi1>, vector<16xi32>
    %swap3A_339 = arith.constant 0 : i32
    %swap3A_340 = arith.index_cast %swap3A_339 : i32 to index
    %swap3A_341 = arith.constant 48 : index
    %swap3A_342 = tpu.vector_load %arg8[%swap3A_340, %swap3A_341] {strides = array<i32>} : memref<1x128xi32, #tpu.memory_space<vmem>>, vector<1x16xi32>,
    %swap3A_343 = vector.shape_cast %swap3A_342 : vector<1x16xi32> to vector<16xi32>
    %swap3A_344 = vector.shape_cast %select_n3A_338 : vector<16xi32> to vector<1x16xi32>
    tpu.vector_store %arg8[%swap3A_340, %swap3A_341], %swap3A_344 {strides = array<i32>} : memref<1x128xi32, #tpu.memory_space<vmem>>, vector<1x16xi32>,
    %get3A_345 = arith.constant 159 : i32
    %get3A_346 = arith.index_cast %get3A_345 : i32 to index
    %get3A_347 = arith.constant 64 : index
    %get3A_348 = tpu.vector_load %arg7[%get3A_346, %get3A_347] {strides = array<i32>} : memref<160x128xi32, #tpu.memory_space<vmem>>, vector<1x16xi32>,
    %get3A_349 = vector.shape_cast %get3A_348 : vector<1x16xi32> to vector<16xi32>
    %sub3A_350 = arith.constant 0 : i32
    %sub3A_351 = vector.broadcast %sub3A_350 : i32 to vector<16xi32>
    %sub3A_352 = arith.subi %get3A_349, %sub3A_351 : vector<16xi32>
    %ge3A_353 = arith.constant 0 : i32
    %ge3A_354 = vector.broadcast %ge3A_353 : i32 to vector<16xi32>
    %ge3A_355 = arith.cmpi sge, %sub3A_352, %ge3A_354 : vector<16xi32>
    %lt3A_356 = arith.constant 2560 : i32
    %lt3A_357 = vector.broadcast %lt3A_356 : i32 to vector<16xi32>
    %lt3A_358 = arith.cmpi slt, %sub3A_352, %lt3A_357 : vector<16xi32>
    %and3A_359 = arith.andi %ge3A_355, %lt3A_358 : vector<16xi1>
    %jit3A_360 = arith.constant 2560 : i32
    %broadcast_in_dim3A_361 = vector.broadcast %jit3A_360 : i32 to vector<16xi32>
    %select_n3A_362 = arith.select %and3A_359, %sub3A_352, %broadcast_in_dim3A_361 : vector<16xi1>, vector<16xi32>
    %swap3A_363 = arith.constant 0 : i32
    %swap3A_364 = arith.index_cast %swap3A_363 : i32 to index
    %swap3A_365 = arith.constant 64 : index
    %swap3A_366 = tpu.vector_load %arg8[%swap3A_364, %swap3A_365] {strides = array<i32>} : memref<1x128xi32, #tpu.memory_space<vmem>>, vector<1x16xi32>,
    %swap3A_367 = vector.shape_cast %swap3A_366 : vector<1x16xi32> to vector<16xi32>
    %swap3A_368 = vector.shape_cast %select_n3A_362 : vector<16xi32> to vector<1x16xi32>
    tpu.vector_store %arg8[%swap3A_364, %swap3A_365], %swap3A_368 {strides = array<i32>} : memref<1x128xi32, #tpu.memory_space<vmem>>, vector<1x16xi32>,
    %get3A_369 = arith.constant 159 : i32
    %get3A_370 = arith.index_cast %get3A_369 : i32 to index
    %get3A_371 = arith.constant 80 : index
    %get3A_372 = tpu.vector_load %arg7[%get3A_370, %get3A_371] {strides = array<i32>} : memref<160x128xi32, #tpu.memory_space<vmem>>, vector<1x16xi32>,
    %get3A_373 = vector.shape_cast %get3A_372 : vector<1x16xi32> to vector<16xi32>
    %sub3A_374 = arith.constant 0 : i32
    %sub3A_375 = vector.broadcast %sub3A_374 : i32 to vector<16xi32>
    %sub3A_376 = arith.subi %get3A_373, %sub3A_375 : vector<16xi32>
    %ge3A_377 = arith.constant 0 : i32
    %ge3A_378 = vector.broadcast %ge3A_377 : i32 to vector<16xi32>
    %ge3A_379 = arith.cmpi sge, %sub3A_376, %ge3A_378 : vector<16xi32>
    %lt3A_380 = arith.constant 2560 : i32
    %lt3A_381 = vector.broadcast %lt3A_380 : i32 to vector<16xi32>
    %lt3A_382 = arith.cmpi slt, %sub3A_376, %lt3A_381 : vector<16xi32>
    %and3A_383 = arith.andi %ge3A_379, %lt3A_382 : vector<16xi1>
    %jit3A_384 = arith.constant 2560 : i32
    %broadcast_in_dim3A_385 = vector.broadcast %jit3A_384 : i32 to vector<16xi32>
    %select_n3A_386 = arith.select %and3A_383, %sub3A_376, %broadcast_in_dim3A_385 : vector<16xi1>, vector<16xi32>
    %swap3A_387 = arith.constant 0 : i32
    %swap3A_388 = arith.index_cast %swap3A_387 : i32 to index
    %swap3A_389 = arith.constant 80 : index
    %swap3A_390 = tpu.vector_load %arg8[%swap3A_388, %swap3A_389] {strides = array<i32>} : memref<1x128xi32, #tpu.memory_space<vmem>>, vector<1x16xi32>,
    %swap3A_391 = vector.shape_cast %swap3A_390 : vector<1x16xi32> to vector<16xi32>
    %swap3A_392 = vector.shape_cast %select_n3A_386 : vector<16xi32> to vector<1x16xi32>
    tpu.vector_store %arg8[%swap3A_388, %swap3A_389], %swap3A_392 {strides = array<i32>} : memref<1x128xi32, #tpu.memory_space<vmem>>, vector<1x16xi32>,
    %get3A_393 = arith.constant 159 : i32
    %get3A_394 = arith.index_cast %get3A_393 : i32 to index
    %get3A_395 = arith.constant 96 : index
    %get3A_396 = tpu.vector_load %arg7[%get3A_394, %get3A_395] {strides = array<i32>} : memref<160x128xi32, #tpu.memory_space<vmem>>, vector<1x16xi32>,
    %get3A_397 = vector.shape_cast %get3A_396 : vector<1x16xi32> to vector<16xi32>
    %sub3A_398 = arith.constant 0 : i32
    %sub3A_399 = vector.broadcast %sub3A_398 : i32 to vector<16xi32>
    %sub3A_400 = arith.subi %get3A_397, %sub3A_399 : vector<16xi32>
    %ge3A_401 = arith.constant 0 : i32
    %ge3A_402 = vector.broadcast %ge3A_401 : i32 to vector<16xi32>
    %ge3A_403 = arith.cmpi sge, %sub3A_400, %ge3A_402 : vector<16xi32>
    %lt3A_404 = arith.constant 2560 : i32
    %lt3A_405 = vector.broadcast %lt3A_404 : i32 to vector<16xi32>
    %lt3A_406 = arith.cmpi slt, %sub3A_400, %lt3A_405 : vector<16xi32>
    %and3A_407 = arith.andi %ge3A_403, %lt3A_406 : vector<16xi1>
    %jit3A_408 = arith.constant 2560 : i32
    %broadcast_in_dim3A_409 = vector.broadcast %jit3A_408 : i32 to vector<16xi32>
    %select_n3A_410 = arith.select %and3A_407, %sub3A_400, %broadcast_in_dim3A_409 : vector<16xi1>, vector<16xi32>
    %swap3A_411 = arith.constant 0 : i32
    %swap3A_412 = arith.index_cast %swap3A_411 : i32 to index
    %swap3A_413 = arith.constant 96 : index
    %swap3A_414 = tpu.vector_load %arg8[%swap3A_412, %swap3A_413] {strides = array<i32>} : memref<1x128xi32, #tpu.memory_space<vmem>>, vector<1x16xi32>,
    %swap3A_415 = vector.shape_cast %swap3A_414 : vector<1x16xi32> to vector<16xi32>
    %swap3A_416 = vector.shape_cast %select_n3A_410 : vector<16xi32> to vector<1x16xi32>
    tpu.vector_store %arg8[%swap3A_412, %swap3A_413], %swap3A_416 {strides = array<i32>} : memref<1x128xi32, #tpu.memory_space<vmem>>, vector<1x16xi32>,
    %get3A_417 = arith.constant 159 : i32
    %get3A_418 = arith.index_cast %get3A_417 : i32 to index
    %get3A_419 = arith.constant 112 : index
    %get3A_420 = tpu.vector_load %arg7[%get3A_418, %get3A_419] {strides = array<i32>} : memref<160x128xi32, #tpu.memory_space<vmem>>, vector<1x16xi32>,
    %get3A_421 = vector.shape_cast %get3A_420 : vector<1x16xi32> to vector<16xi32>
    %sub3A_422 = arith.constant 0 : i32
    %sub3A_423 = vector.broadcast %sub3A_422 : i32 to vector<16xi32>
    %sub3A_424 = arith.subi %get3A_421, %sub3A_423 : vector<16xi32>
    %ge3A_425 = arith.constant 0 : i32
    %ge3A_426 = vector.broadcast %ge3A_425 : i32 to vector<16xi32>
    %ge3A_427 = arith.cmpi sge, %sub3A_424, %ge3A_426 : vector<16xi32>
    %lt3A_428 = arith.constant 2560 : i32
    %lt3A_429 = vector.broadcast %lt3A_428 : i32 to vector<16xi32>
    %lt3A_430 = arith.cmpi slt, %sub3A_424, %lt3A_429 : vector<16xi32>
    %and3A_431 = arith.andi %ge3A_427, %lt3A_430 : vector<16xi1>
    %jit3A_432 = arith.constant 2560 : i32
    %broadcast_in_dim3A_433 = vector.broadcast %jit3A_432 : i32 to vector<16xi32>
    %select_n3A_434 = arith.select %and3A_431, %sub3A_424, %broadcast_in_dim3A_433 : vector<16xi1>, vector<16xi32>
    %swap3A_435 = arith.constant 0 : i32
    %swap3A_436 = arith.index_cast %swap3A_435 : i32 to index
    %swap3A_437 = arith.constant 112 : index
    %swap3A_438 = tpu.vector_load %arg8[%swap3A_436, %swap3A_437] {strides = array<i32>} : memref<1x128xi32, #tpu.memory_space<vmem>>, vector<1x16xi32>,
    %swap3A_439 = vector.shape_cast %swap3A_438 : vector<1x16xi32> to vector<16xi32>
    %swap3A_440 = vector.shape_cast %select_n3A_434 : vector<16xi32> to vector<1x16xi32>
    tpu.vector_store %arg8[%swap3A_436, %swap3A_437], %swap3A_440 {strides = array<i32>} : memref<1x128xi32, #tpu.memory_space<vmem>>, vector<1x16xi32>,
    %run_scoped3A_441 = arith.constant 0 : i32
    "tpu.region"() ({
      %run_scoped3A_1807 = tpu.sem_alloc : memref<!tpu.dma_semaphore, #tpu.memory_space<semaphore_mem>>
      %dma_start3A_1808 = arith.constant 0 : i32
      %dma_start3A_1809 = tpu.memref_slice %arg8[%run_scoped3A_441, %dma_start3A_1808] : memref<1x128xi32, #tpu.memory_space<vmem>> -> memref<1x128xi32, #tpu.memory_space<vmem>>
      %dma_start3A_1810 = tpu.memref_squeeze %dma_start3A_1809 : memref<1x128xi32, #tpu.memory_space<vmem>> -> memref<128xi32, #tpu.memory_space<vmem>>
      %dma_start3A_1811 = arith.constant 0 : i32
      %dma_start3A_1812 = arith.constant 0 : i32
      %dma_start3A_1813 = tpu.memref_slice %arg14[%dma_start3A_1811, %dma_start3A_1812] : memref<3072x128xf32, #tpu.memory_space<vmem_shared>> -> memref<3072x128xf32, #tpu.memory_space<vmem_shared>>
      tpu.enqueue_indirect_dma source(%arg10 : memref<128x128xf32, #tpu.memory_space<vmem>>) target(%dma_start3A_1813 : memref<3072x128xf32, #tpu.memory_space<vmem_shared>>) offsets(%dma_start3A_1810 : memref<128xi32, #tpu.memory_space<vmem>>) semaphore(%run_scoped3A_1807 : memref<!tpu.dma_semaphore, #tpu.memory_space<semaphore_mem>>) {add = true}
      %dma_wait3A_1814 = arith.constant 0 : i32
      %dma_wait3A_1815 = tpu.memref_slice %arg8[%run_scoped3A_441, %dma_wait3A_1814] : memref<1x128xi32, #tpu.memory_space<vmem>> -> memref<1x128xi32, #tpu.memory_space<vmem>>
      %dma_wait3A_1816 = tpu.memref_squeeze %dma_wait3A_1815 : memref<1x128xi32, #tpu.memory_space<vmem>> -> memref<128xi32, #tpu.memory_space<vmem>>
      %dma_wait3A_1817 = arith.constant 0 : i32
      %dma_wait3A_1818 = arith.constant 0 : i32
      %dma_wait3A_1819 = tpu.memref_slice %arg14[%dma_wait3A_1817, %dma_wait3A_1818] : memref<3072x128xf32, #tpu.memory_space<vmem_shared>> -> memref<3072x128xf32, #tpu.memory_space<vmem_shared>>
      tpu.wait_indirect_dma semaphore(%run_scoped3A_1807 : memref<!tpu.dma_semaphore, #tpu.memory_space<semaphore_mem>>) src(%arg10 : memref<128x128xf32, #tpu.memory_space<vmem>>) dst(%dma_wait3A_1819 : memref<3072x128xf32, #tpu.memory_space<vmem_shared>>)
      tpu.yield
    }) : () -> ()
    %barrier3A_442 = arith.constant 0 : index
    tpu.barrier barrier_id(%barrier3A_442)
    %mul3A_443 = arith.constant 160 : i32
    %mul3A_444 = arith.muli %arg1, %mul3A_443 : i32
    %add3A_445 = arith.constant 0 : i32
    %add3A_446 = arith.addi %add3A_445, %mul3A_444 : i32
    "tpu.region"() ({
      %run_scoped3A_1807 = tpu.sem_alloc : memref<!tpu.dma_semaphore, #tpu.memory_space<semaphore_mem>>
      %dma_start3A_1808 = arith.constant 0 : i32
      %dma_start3A_1809 = tpu.memref_slice %arg5[%arg0, %add3A_446, %dma_start3A_1808] : memref<2x10240x128xf32, #tpu.memory_space<hbm>> -> memref<1x160x128xf32, #tpu.memory_space<hbm>>
      %dma_start3A_1810 = tpu.memref_squeeze %dma_start3A_1809 : memref<1x160x128xf32, #tpu.memory_space<hbm>> -> memref<160x128xf32, #tpu.memory_space<hbm>>
      %dma_start3A_1811 = arith.constant 0 : i32
      %dma_start3A_1812 = tpu.memref_slice %arg14[%mul3A_444, %dma_start3A_1811] : memref<3072x128xf32, #tpu.memory_space<vmem_shared>> -> memref<160x128xf32, #tpu.memory_space<vmem_shared>>
      tpu.enqueue_dma source(%dma_start3A_1812 : memref<160x128xf32, #tpu.memory_space<vmem_shared>>) target(%dma_start3A_1810 : memref<160x128xf32, #tpu.memory_space<hbm>>) target_semaphore(%run_scoped3A_1807 : memref<!tpu.dma_semaphore, #tpu.memory_space<semaphore_mem>>)
      %dma_wait3A_1813 = arith.constant 0 : i32
      %dma_wait3A_1814 = tpu.memref_slice %arg5[%arg0, %add3A_446, %dma_wait3A_1813] : memref<2x10240x128xf32, #tpu.memory_space<hbm>> -> memref<1x160x128xf32, #tpu.memory_space<hbm>>
      %dma_wait3A_1815 = tpu.memref_squeeze %dma_wait3A_1814 : memref<1x160x128xf32, #tpu.memory_space<hbm>> -> memref<160x128xf32, #tpu.memory_space<hbm>>
      %dma_wait3A_1816 = arith.constant 0 : i32
      %dma_wait3A_1817 = tpu.memref_slice %arg14[%mul3A_444, %dma_wait3A_1816] : memref<3072x128xf32, #tpu.memory_space<vmem_shared>> -> memref<160x128xf32, #tpu.memory_space<vmem_shared>>
      tpu.wait_dma2 semaphore(%run_scoped3A_1807 : memref<!tpu.dma_semaphore, #tpu.memory_space<semaphore_mem>>) src(%dma_wait3A_1817 : memref<160x128xf32, #tpu.memory_space<vmem_shared>>) dst(%dma_wait3A_1815 : memref<160x128xf32, #tpu.memory_space<hbm>>)
      tpu.yield
    }) : () -> ()
    %barrier3A_447 = arith.constant 0 : index
    tpu.barrier barrier_id(%barrier3A_447)
    %mul3A_448 = arith.constant 192 : i32
    %mul3A_449 = arith.muli %arg1, %mul3A_448 : i32
    %add3A_450 = arith.constant 0 : i32
    %add3A_451 = arith.addi %mul3A_449, %add3A_450 : i32
    "tpu.region"() ({
      %run_scoped3A_1807 = tpu.sem_alloc : memref<!tpu.dma_semaphore, #tpu.memory_space<semaphore_mem>>
      %dma_start3A_1808 = arith.constant 0 : i32
      %dma_start3A_1809 = arith.constant 0 : i32
      %dma_start3A_1810 = tpu.memref_slice %arg11[%dma_start3A_1808, %dma_start3A_1809] : memref<128x128xf32, #tpu.memory_space<vmem>> -> memref<128x128xf32, #tpu.memory_space<vmem>>
      %dma_start3A_1811 = arith.constant 0 : i32
      %dma_start3A_1812 = tpu.memref_slice %arg14[%add3A_451, %dma_start3A_1811] : memref<3072x128xf32, #tpu.memory_space<vmem_shared>> -> memref<128x128xf32, #tpu.memory_space<vmem_shared>>
      %dma_start3A_1813 = arith.constant 0 : i32
      %dma_start3A_1814 = tpu.memref_slice %arg14[%add3A_451, %dma_start3A_1813] : memref<3072x128xf32, #tpu.memory_space<vmem_shared>> -> memref<128x128xf32, #tpu.memory_space<vmem_shared>>
      %dma_start3A_1815 = arith.constant 0 : i32
      %dma_start3A_1816 = arith.constant 0 : i32
      %dma_start3A_1817 = tpu.memref_slice %arg11[%dma_start3A_1815, %dma_start3A_1816] : memref<128x128xf32, #tpu.memory_space<vmem>> -> memref<128x128xf32, #tpu.memory_space<vmem>>
      tpu.enqueue_dma source(%dma_start3A_1817 : memref<128x128xf32, #tpu.memory_space<vmem>>) target(%dma_start3A_1814 : memref<128x128xf32, #tpu.memory_space<vmem_shared>>) target_semaphore(%run_scoped3A_1807 : memref<!tpu.dma_semaphore, #tpu.memory_space<semaphore_mem>>)
      %dma_wait3A_1818 = arith.constant 0 : i32
      %dma_wait3A_1819 = arith.constant 0 : i32
      %dma_wait3A_1820 = tpu.memref_slice %arg11[%dma_wait3A_1818, %dma_wait3A_1819] : memref<128x128xf32, #tpu.memory_space<vmem>> -> memref<128x128xf32, #tpu.memory_space<vmem>>
      %dma_wait3A_1821 = arith.constant 0 : i32
      %dma_wait3A_1822 = tpu.memref_slice %arg14[%add3A_451, %dma_wait3A_1821] : memref<3072x128xf32, #tpu.memory_space<vmem_shared>> -> memref<128x128xf32, #tpu.memory_space<vmem_shared>>
      %dma_wait3A_1823 = arith.constant 0 : i32
      %dma_wait3A_1824 = tpu.memref_slice %arg14[%add3A_451, %dma_wait3A_1823] : memref<3072x128xf32, #tpu.memory_space<vmem_shared>> -> memref<128x128xf32, #tpu.memory_space<vmem_shared>>
      %dma_wait3A_1825 = arith.constant 0 : i32
      %dma_wait3A_1826 = arith.constant 0 : i32
      %dma_wait3A_1827 = tpu.memref_slice %arg11[%dma_wait3A_1825, %dma_wait3A_1826] : memref<128x128xf32, #tpu.memory_space<vmem>> -> memref<128x128xf32, #tpu.memory_space<vmem>>
      tpu.wait_dma2 semaphore(%run_scoped3A_1807 : memref<!tpu.dma_semaphore, #tpu.memory_space<semaphore_mem>>) src(%dma_wait3A_1827 : memref<128x128xf32, #tpu.memory_space<vmem>>) dst(%dma_wait3A_1824 : memref<128x128xf32, #tpu.memory_space<vmem_shared>>)
      tpu.yield
    }) : () -> ()
    %mul3A_452 = arith.constant 192 : i32
    %mul3A_453 = arith.muli %arg1, %mul3A_452 : i32
    %add3A_454 = arith.constant 128 : i32
    %add3A_455 = arith.addi %mul3A_453, %add3A_454 : i32
    "tpu.region"() ({
      %run_scoped3A_1807 = tpu.sem_alloc : memref<!tpu.dma_semaphore, #tpu.memory_space<semaphore_mem>>
      %dma_start3A_1808 = arith.constant 0 : i32
      %dma_start3A_1809 = arith.constant 0 : i32
      %dma_start3A_1810 = tpu.memref_slice %arg11[%dma_start3A_1808, %dma_start3A_1809] : memref<128x128xf32, #tpu.memory_space<vmem>> -> memref<64x128xf32, #tpu.memory_space<vmem>>
      %dma_start3A_1811 = arith.constant 0 : i32
      %dma_start3A_1812 = tpu.memref_slice %arg14[%add3A_455, %dma_start3A_1811] : memref<3072x128xf32, #tpu.memory_space<vmem_shared>> -> memref<64x128xf32, #tpu.memory_space<vmem_shared>>
      %dma_start3A_1813 = arith.constant 0 : i32
      %dma_start3A_1814 = tpu.memref_slice %arg14[%add3A_455, %dma_start3A_1813] : memref<3072x128xf32, #tpu.memory_space<vmem_shared>> -> memref<64x128xf32, #tpu.memory_space<vmem_shared>>
      %dma_start3A_1815 = arith.constant 0 : i32
      %dma_start3A_1816 = arith.constant 0 : i32
      %dma_start3A_1817 = tpu.memref_slice %arg11[%dma_start3A_1815, %dma_start3A_1816] : memref<128x128xf32, #tpu.memory_space<vmem>> -> memref<64x128xf32, #tpu.memory_space<vmem>>
      tpu.enqueue_dma source(%dma_start3A_1817 : memref<64x128xf32, #tpu.memory_space<vmem>>) target(%dma_start3A_1814 : memref<64x128xf32, #tpu.memory_space<vmem_shared>>) target_semaphore(%run_scoped3A_1807 : memref<!tpu.dma_semaphore, #tpu.memory_space<semaphore_mem>>)
      %dma_wait3A_1818 = arith.constant 0 : i32
      %dma_wait3A_1819 = arith.constant 0 : i32
      %dma_wait3A_1820 = tpu.memref_slice %arg11[%dma_wait3A_1818, %dma_wait3A_1819] : memref<128x128xf32, #tpu.memory_space<vmem>> -> memref<64x128xf32, #tpu.memory_space<vmem>>
      %dma_wait3A_1821 = arith.constant 0 : i32
      %dma_wait3A_1822 = tpu.memref_slice %arg14[%add3A_455, %dma_wait3A_1821] : memref<3072x128xf32, #tpu.memory_space<vmem_shared>> -> memref<64x128xf32, #tpu.memory_space<vmem_shared>>
      %dma_wait3A_1823 = arith.constant 0 : i32
      %dma_wait3A_1824 = tpu.memref_slice %arg14[%add3A_455, %dma_wait3A_1823] : memref<3072x128xf32, #tpu.memory_space<vmem_shared>> -> memref<64x128xf32, #tpu.memory_space<vmem_shared>>
      %dma_wait3A_1825 = arith.constant 0 : i32
      %dma_wait3A_1826 = arith.constant 0 : i32
      %dma_wait3A_1827 = tpu.memref_slice %arg11[%dma_wait3A_1825, %dma_wait3A_1826] : memref<128x128xf32, #tpu.memory_space<vmem>> -> memref<64x128xf32, #tpu.memory_space<vmem>>
      tpu.wait_dma2 semaphore(%run_scoped3A_1807 : memref<!tpu.dma_semaphore, #tpu.memory_space<semaphore_mem>>) src(%dma_wait3A_1827 : memref<64x128xf32, #tpu.memory_space<vmem>>) dst(%dma_wait3A_1824 : memref<64x128xf32, #tpu.memory_space<vmem_shared>>)
      tpu.yield
    }) : () -> ()
    %barrier3A_456 = arith.constant 0 : index
    tpu.barrier barrier_id(%barrier3A_456)
    %dma_start3A_457 = arith.constant 0 : i32
    %dma_start3A_458 = arith.constant 0 : i32
    %dma_start3A_459 = tpu.memref_slice %arg6[%dma_start3A_457, %dma_start3A_458] : memref<160x128xi32, #tpu.memory_space<vmem>> -> memref<1x128xi32, #tpu.memory_space<vmem>>
    %dma_start3A_460 = tpu.memref_squeeze %dma_start3A_459 : memref<1x128xi32, #tpu.memory_space<vmem>> -> memref<128xi32, #tpu.memory_space<vmem>>
    %dma_start3A_461 = arith.constant 0 : i32
    %dma_start3A_462 = arith.constant 0 : i32
    %dma_start3A_463 = tpu.memref_slice %arg2[%arg0, %dma_start3A_461, %dma_start3A_462] : memref<2x10240x128xf32, #tpu.memory_space<hbm>> -> memref<1x10240x128xf32, #tpu.memory_space<hbm>>
    %dma_start3A_464 = tpu.memref_squeeze %dma_start3A_463 : memref<1x10240x128xf32, #tpu.memory_space<hbm>> -> memref<10240x128xf32, #tpu.memory_space<hbm>>
    %dma_start3A_465 = arith.constant 0 : i32
    %dma_start3A_466 = arith.constant 0 : i32
    %dma_start3A_467 = tpu.memref_slice %dma_start3A_464[%dma_start3A_465, %dma_start3A_466] : memref<10240x128xf32, #tpu.memory_space<hbm>> -> memref<10240x128xf32, #tpu.memory_space<hbm>>
    tpu.enqueue_indirect_dma source(%dma_start3A_467 : memref<10240x128xf32, #tpu.memory_space<hbm>>) target(%arg9 : memref<128x128xf32, #tpu.memory_space<vmem>>) offsets(%dma_start3A_460 : memref<128xi32, #tpu.memory_space<vmem>>) semaphore(%arg12 : memref<!tpu.dma_semaphore, #tpu.memory_space<semaphore_mem>>)
    %dma_start3A_468 = arith.constant 1 : i32
    %dma_start3A_469 = arith.constant 0 : i32
    %dma_start3A_470 = tpu.memref_slice %arg6[%dma_start3A_468, %dma_start3A_469] : memref<160x128xi32, #tpu.memory_space<vmem>> -> memref<1x128xi32, #tpu.memory_space<vmem>>
    %dma_start3A_471 = tpu.memref_squeeze %dma_start3A_470 : memref<1x128xi32, #tpu.memory_space<vmem>> -> memref<128xi32, #tpu.memory_space<vmem>>
    %dma_start3A_472 = arith.constant 0 : i32
    %dma_start3A_473 = arith.constant 0 : i32
    %dma_start3A_474 = tpu.memref_slice %arg2[%arg0, %dma_start3A_472, %dma_start3A_473] : memref<2x10240x128xf32, #tpu.memory_space<hbm>> -> memref<1x10240x128xf32, #tpu.memory_space<hbm>>
    %dma_start3A_475 = tpu.memref_squeeze %dma_start3A_474 : memref<1x10240x128xf32, #tpu.memory_space<hbm>> -> memref<10240x128xf32, #tpu.memory_space<hbm>>
    %dma_start3A_476 = arith.constant 0 : i32
    %dma_start3A_477 = arith.constant 0 : i32
    %dma_start3A_478 = tpu.memref_slice %dma_start3A_475[%dma_start3A_476, %dma_start3A_477] : memref<10240x128xf32, #tpu.memory_space<hbm>> -> memref<10240x128xf32, #tpu.memory_space<hbm>>
    tpu.enqueue_indirect_dma source(%dma_start3A_478 : memref<10240x128xf32, #tpu.memory_space<hbm>>) target(%arg10 : memref<128x128xf32, #tpu.memory_space<vmem>>) offsets(%dma_start3A_471 : memref<128xi32, #tpu.memory_space<vmem>>) semaphore(%arg13 : memref<!tpu.dma_semaphore, #tpu.memory_space<semaphore_mem>>)
    %scan3A_479 = arith.constant 2560 : i32
    %scan3A_480 = arith.constant 0 : i32
    %scan3A_481 = arith.constant 0 : i32
    %scan3A_482 = arith.constant 79 : i32
    %scan3A_483 = arith.addi %scan3A_481, %scan3A_482 : i32
    %scan3A_484 = arith.constant 1 : i32
    %scan3A_485 = scf.for %scan3A_1807 = %scan3A_481 to %scan3A_483 step %scan3A_484 iter_args(%scan3A_1808 = %scan3A_480) -> (i32)  : i32 {
      %mul3A_1809 = arith.constant 2 : i32
      %mul3A_1810 = arith.muli %mul3A_1809, %scan3A_1807 : i32
      %dma_wait3A_1811 = arith.constant 0 : i32
      %dma_wait3A_1812 = tpu.memref_slice %arg6[%mul3A_1810, %dma_wait3A_1811] : memref<160x128xi32, #tpu.memory_space<vmem>> -> memref<1x128xi32, #tpu.memory_space<vmem>>
      %dma_wait3A_1813 = tpu.memref_squeeze %dma_wait3A_1812 : memref<1x128xi32, #tpu.memory_space<vmem>> -> memref<128xi32, #tpu.memory_space<vmem>>
      %dma_wait3A_1814 = arith.constant 0 : i32
      %dma_wait3A_1815 = arith.constant 0 : i32
      %dma_wait3A_1816 = tpu.memref_slice %arg2[%arg0, %dma_wait3A_1814, %dma_wait3A_1815] : memref<2x10240x128xf32, #tpu.memory_space<hbm>> -> memref<1x10240x128xf32, #tpu.memory_space<hbm>>
      %dma_wait3A_1817 = tpu.memref_squeeze %dma_wait3A_1816 : memref<1x10240x128xf32, #tpu.memory_space<hbm>> -> memref<10240x128xf32, #tpu.memory_space<hbm>>
      %dma_wait3A_1818 = arith.constant 0 : i32
      %dma_wait3A_1819 = arith.constant 0 : i32
      %dma_wait3A_1820 = tpu.memref_slice %dma_wait3A_1817[%dma_wait3A_1818, %dma_wait3A_1819] : memref<10240x128xf32, #tpu.memory_space<hbm>> -> memref<10240x128xf32, #tpu.memory_space<hbm>>
      tpu.wait_indirect_dma semaphore(%arg12 : memref<!tpu.dma_semaphore, #tpu.memory_space<semaphore_mem>>) src(%dma_wait3A_1820 : memref<10240x128xf32, #tpu.memory_space<hbm>>) dst(%arg9 : memref<128x128xf32, #tpu.memory_space<vmem>>)
      %get3A_1821 = arith.index_cast %mul3A_1810 : i32 to index
      %get3A_1822 = arith.constant 0 : index
      %get3A_1823 = tpu.vector_load %arg7[%get3A_1821, %get3A_1822] {strides = array<i32>} : memref<160x128xi32, #tpu.memory_space<vmem>>, vector<1x16xi32>,
      %get3A_1824 = vector.shape_cast %get3A_1823 : vector<1x16xi32> to vector<16xi32>
      %sub3A_1825 = vector.broadcast %scan3A_479 : i32 to vector<16xi32>
      %sub3A_1826 = arith.subi %get3A_1824, %sub3A_1825 : vector<16xi32>
      %ge3A_1827 = arith.constant 0 : i32
      %ge3A_1828 = vector.broadcast %ge3A_1827 : i32 to vector<16xi32>
      %ge3A_1829 = arith.cmpi sge, %sub3A_1826, %ge3A_1828 : vector<16xi32>
      %lt3A_1830 = arith.constant 2560 : i32
      %lt3A_1831 = vector.broadcast %lt3A_1830 : i32 to vector<16xi32>
      %lt3A_1832 = arith.cmpi slt, %sub3A_1826, %lt3A_1831 : vector<16xi32>
      %and3A_1833 = arith.andi %ge3A_1829, %lt3A_1832 : vector<16xi1>
      %jit3A_1834 = arith.constant 2560 : i32
      %broadcast_in_dim3A_1835 = vector.broadcast %jit3A_1834 : i32 to vector<16xi32>
      %select_n3A_1836 = arith.select %and3A_1833, %sub3A_1826, %broadcast_in_dim3A_1835 : vector<16xi1>, vector<16xi32>
      %swap3A_1837 = arith.constant 0 : i32
      %swap3A_1838 = arith.index_cast %swap3A_1837 : i32 to index
      %swap3A_1839 = arith.constant 0 : index
      %swap3A_1840 = tpu.vector_load %arg8[%swap3A_1838, %swap3A_1839] {strides = array<i32>} : memref<1x128xi32, #tpu.memory_space<vmem>>, vector<1x16xi32>,
      %swap3A_1841 = vector.shape_cast %swap3A_1840 : vector<1x16xi32> to vector<16xi32>
      %swap3A_1842 = vector.shape_cast %select_n3A_1836 : vector<16xi32> to vector<1x16xi32>
      tpu.vector_store %arg8[%swap3A_1838, %swap3A_1839], %swap3A_1842 {strides = array<i32>} : memref<1x128xi32, #tpu.memory_space<vmem>>, vector<1x16xi32>,
      %get3A_1843 = arith.index_cast %mul3A_1810 : i32 to index
      %get3A_1844 = arith.constant 16 : index
      %get3A_1845 = tpu.vector_load %arg7[%get3A_1843, %get3A_1844] {strides = array<i32>} : memref<160x128xi32, #tpu.memory_space<vmem>>, vector<1x16xi32>,
      %get3A_1846 = vector.shape_cast %get3A_1845 : vector<1x16xi32> to vector<16xi32>
      %sub3A_1847 = vector.broadcast %scan3A_479 : i32 to vector<16xi32>
      %sub3A_1848 = arith.subi %get3A_1846, %sub3A_1847 : vector<16xi32>
      %ge3A_1849 = arith.constant 0 : i32
      %ge3A_1850 = vector.broadcast %ge3A_1849 : i32 to vector<16xi32>
      %ge3A_1851 = arith.cmpi sge, %sub3A_1848, %ge3A_1850 : vector<16xi32>
      %lt3A_1852 = arith.constant 2560 : i32
      %lt3A_1853 = vector.broadcast %lt3A_1852 : i32 to vector<16xi32>
      %lt3A_1854 = arith.cmpi slt, %sub3A_1848, %lt3A_1853 : vector<16xi32>
      %and3A_1855 = arith.andi %ge3A_1851, %lt3A_1854 : vector<16xi1>
      %jit3A_1856 = arith.constant 2560 : i32
      %broadcast_in_dim3A_1857 = vector.broadcast %jit3A_1856 : i32 to vector<16xi32>
      %select_n3A_1858 = arith.select %and3A_1855, %sub3A_1848, %broadcast_in_dim3A_1857 : vector<16xi1>, vector<16xi32>
      %swap3A_1859 = arith.constant 0 : i32
      %swap3A_1860 = arith.index_cast %swap3A_1859 : i32 to index
      %swap3A_1861 = arith.constant 16 : index
      %swap3A_1862 = tpu.vector_load %arg8[%swap3A_1860, %swap3A_1861] {strides = array<i32>} : memref<1x128xi32, #tpu.memory_space<vmem>>, vector<1x16xi32>,
      %swap3A_1863 = vector.shape_cast %swap3A_1862 : vector<1x16xi32> to vector<16xi32>
      %swap3A_1864 = vector.shape_cast %select_n3A_1858 : vector<16xi32> to vector<1x16xi32>
      tpu.vector_store %arg8[%swap3A_1860, %swap3A_1861], %swap3A_1864 {strides = array<i32>} : memref<1x128xi32, #tpu.memory_space<vmem>>, vector<1x16xi32>,
      %get3A_1865 = arith.index_cast %mul3A_1810 : i32 to index
      %get3A_1866 = arith.constant 32 : index
      %get3A_1867 = tpu.vector_load %arg7[%get3A_1865, %get3A_1866] {strides = array<i32>} : memref<160x128xi32, #tpu.memory_space<vmem>>, vector<1x16xi32>,
      %get3A_1868 = vector.shape_cast %get3A_1867 : vector<1x16xi32> to vector<16xi32>
      %sub3A_1869 = vector.broadcast %scan3A_479 : i32 to vector<16xi32>
      %sub3A_1870 = arith.subi %get3A_1868, %sub3A_1869 : vector<16xi32>
      %ge3A_1871 = arith.constant 0 : i32
      %ge3A_1872 = vector.broadcast %ge3A_1871 : i32 to vector<16xi32>
      %ge3A_1873 = arith.cmpi sge, %sub3A_1870, %ge3A_1872 : vector<16xi32>
      %lt3A_1874 = arith.constant 2560 : i32
      %lt3A_1875 = vector.broadcast %lt3A_1874 : i32 to vector<16xi32>
      %lt3A_1876 = arith.cmpi slt, %sub3A_1870, %lt3A_1875 : vector<16xi32>
      %and3A_1877 = arith.andi %ge3A_1873, %lt3A_1876 : vector<16xi1>
      %jit3A_1878 = arith.constant 2560 : i32
      %broadcast_in_dim3A_1879 = vector.broadcast %jit3A_1878 : i32 to vector<16xi32>
      %select_n3A_1880 = arith.select %and3A_1877, %sub3A_1870, %broadcast_in_dim3A_1879 : vector<16xi1>, vector<16xi32>
      %swap3A_1881 = arith.constant 0 : i32
      %swap3A_1882 = arith.index_cast %swap3A_1881 : i32 to index
      %swap3A_1883 = arith.constant 32 : index
      %swap3A_1884 = tpu.vector_load %arg8[%swap3A_1882, %swap3A_1883] {strides = array<i32>} : memref<1x128xi32, #tpu.memory_space<vmem>>, vector<1x16xi32>,
      %swap3A_1885 = vector.shape_cast %swap3A_1884 : vector<1x16xi32> to vector<16xi32>
      %swap3A_1886 = vector.shape_cast %select_n3A_1880 : vector<16xi32> to vector<1x16xi32>
      tpu.vector_store %arg8[%swap3A_1882, %swap3A_1883], %swap3A_1886 {strides = array<i32>} : memref<1x128xi32, #tpu.memory_space<vmem>>, vector<1x16xi32>,
      %get3A_1887 = arith.index_cast %mul3A_1810 : i32 to index
      %get3A_1888 = arith.constant 48 : index
      %get3A_1889 = tpu.vector_load %arg7[%get3A_1887, %get3A_1888] {strides = array<i32>} : memref<160x128xi32, #tpu.memory_space<vmem>>, vector<1x16xi32>,
      %get3A_1890 = vector.shape_cast %get3A_1889 : vector<1x16xi32> to vector<16xi32>
      %sub3A_1891 = vector.broadcast %scan3A_479 : i32 to vector<16xi32>
      %sub3A_1892 = arith.subi %get3A_1890, %sub3A_1891 : vector<16xi32>
      %ge3A_1893 = arith.constant 0 : i32
      %ge3A_1894 = vector.broadcast %ge3A_1893 : i32 to vector<16xi32>
      %ge3A_1895 = arith.cmpi sge, %sub3A_1892, %ge3A_1894 : vector<16xi32>
      %lt3A_1896 = arith.constant 2560 : i32
      %lt3A_1897 = vector.broadcast %lt3A_1896 : i32 to vector<16xi32>
      %lt3A_1898 = arith.cmpi slt, %sub3A_1892, %lt3A_1897 : vector<16xi32>
      %and3A_1899 = arith.andi %ge3A_1895, %lt3A_1898 : vector<16xi1>
      %jit3A_1900 = arith.constant 2560 : i32
      %broadcast_in_dim3A_1901 = vector.broadcast %jit3A_1900 : i32 to vector<16xi32>
      %select_n3A_1902 = arith.select %and3A_1899, %sub3A_1892, %broadcast_in_dim3A_1901 : vector<16xi1>, vector<16xi32>
      %swap3A_1903 = arith.constant 0 : i32
      %swap3A_1904 = arith.index_cast %swap3A_1903 : i32 to index
      %swap3A_1905 = arith.constant 48 : index
      %swap3A_1906 = tpu.vector_load %arg8[%swap3A_1904, %swap3A_1905] {strides = array<i32>} : memref<1x128xi32, #tpu.memory_space<vmem>>, vector<1x16xi32>,
      %swap3A_1907 = vector.shape_cast %swap3A_1906 : vector<1x16xi32> to vector<16xi32>
      %swap3A_1908 = vector.shape_cast %select_n3A_1902 : vector<16xi32> to vector<1x16xi32>
      tpu.vector_store %arg8[%swap3A_1904, %swap3A_1905], %swap3A_1908 {strides = array<i32>} : memref<1x128xi32, #tpu.memory_space<vmem>>, vector<1x16xi32>,
      %get3A_1909 = arith.index_cast %mul3A_1810 : i32 to index
      %get3A_1910 = arith.constant 64 : index
      %get3A_1911 = tpu.vector_load %arg7[%get3A_1909, %get3A_1910] {strides = array<i32>} : memref<160x128xi32, #tpu.memory_space<vmem>>, vector<1x16xi32>,
      %get3A_1912 = vector.shape_cast %get3A_1911 : vector<1x16xi32> to vector<16xi32>
      %sub3A_1913 = vector.broadcast %scan3A_479 : i32 to vector<16xi32>
      %sub3A_1914 = arith.subi %get3A_1912, %sub3A_1913 : vector<16xi32>
      %ge3A_1915 = arith.constant 0 : i32
      %ge3A_1916 = vector.broadcast %ge3A_1915 : i32 to vector<16xi32>
      %ge3A_1917 = arith.cmpi sge, %sub3A_1914, %ge3A_1916 : vector<16xi32>
      %lt3A_1918 = arith.constant 2560 : i32
      %lt3A_1919 = vector.broadcast %lt3A_1918 : i32 to vector<16xi32>
      %lt3A_1920 = arith.cmpi slt, %sub3A_1914, %lt3A_1919 : vector<16xi32>
      %and3A_1921 = arith.andi %ge3A_1917, %lt3A_1920 : vector<16xi1>
      %jit3A_1922 = arith.constant 2560 : i32
      %broadcast_in_dim3A_1923 = vector.broadcast %jit3A_1922 : i32 to vector<16xi32>
      %select_n3A_1924 = arith.select %and3A_1921, %sub3A_1914, %broadcast_in_dim3A_1923 : vector<16xi1>, vector<16xi32>
      %swap3A_1925 = arith.constant 0 : i32
      %swap3A_1926 = arith.index_cast %swap3A_1925 : i32 to index
      %swap3A_1927 = arith.constant 64 : index
      %swap3A_1928 = tpu.vector_load %arg8[%swap3A_1926, %swap3A_1927] {strides = array<i32>} : memref<1x128xi32, #tpu.memory_space<vmem>>, vector<1x16xi32>,
      %swap3A_1929 = vector.shape_cast %swap3A_1928 : vector<1x16xi32> to vector<16xi32>
      %swap3A_1930 = vector.shape_cast %select_n3A_1924 : vector<16xi32> to vector<1x16xi32>
      tpu.vector_store %arg8[%swap3A_1926, %swap3A_1927], %swap3A_1930 {strides = array<i32>} : memref<1x128xi32, #tpu.memory_space<vmem>>, vector<1x16xi32>,
      %get3A_1931 = arith.index_cast %mul3A_1810 : i32 to index
      %get3A_1932 = arith.constant 80 : index
      %get3A_1933 = tpu.vector_load %arg7[%get3A_1931, %get3A_1932] {strides = array<i32>} : memref<160x128xi32, #tpu.memory_space<vmem>>, vector<1x16xi32>,
      %get3A_1934 = vector.shape_cast %get3A_1933 : vector<1x16xi32> to vector<16xi32>
      %sub3A_1935 = vector.broadcast %scan3A_479 : i32 to vector<16xi32>
      %sub3A_1936 = arith.subi %get3A_1934, %sub3A_1935 : vector<16xi32>
      %ge3A_1937 = arith.constant 0 : i32
      %ge3A_1938 = vector.broadcast %ge3A_1937 : i32 to vector<16xi32>
      %ge3A_1939 = arith.cmpi sge, %sub3A_1936, %ge3A_1938 : vector<16xi32>
      %lt3A_1940 = arith.constant 2560 : i32
      %lt3A_1941 = vector.broadcast %lt3A_1940 : i32 to vector<16xi32>
      %lt3A_1942 = arith.cmpi slt, %sub3A_1936, %lt3A_1941 : vector<16xi32>
      %and3A_1943 = arith.andi %ge3A_1939, %lt3A_1942 : vector<16xi1>
      %jit3A_1944 = arith.constant 2560 : i32
      %broadcast_in_dim3A_1945 = vector.broadcast %jit3A_1944 : i32 to vector<16xi32>
      %select_n3A_1946 = arith.select %and3A_1943, %sub3A_1936, %broadcast_in_dim3A_1945 : vector<16xi1>, vector<16xi32>
      %swap3A_1947 = arith.constant 0 : i32
      %swap3A_1948 = arith.index_cast %swap3A_1947 : i32 to index
      %swap3A_1949 = arith.constant 80 : index
      %swap3A_1950 = tpu.vector_load %arg8[%swap3A_1948, %swap3A_1949] {strides = array<i32>} : memref<1x128xi32, #tpu.memory_space<vmem>>, vector<1x16xi32>,
      %swap3A_1951 = vector.shape_cast %swap3A_1950 : vector<1x16xi32> to vector<16xi32>
      %swap3A_1952 = vector.shape_cast %select_n3A_1946 : vector<16xi32> to vector<1x16xi32>
      tpu.vector_store %arg8[%swap3A_1948, %swap3A_1949], %swap3A_1952 {strides = array<i32>} : memref<1x128xi32, #tpu.memory_space<vmem>>, vector<1x16xi32>,
      %get3A_1953 = arith.index_cast %mul3A_1810 : i32 to index
      %get3A_1954 = arith.constant 96 : index
      %get3A_1955 = tpu.vector_load %arg7[%get3A_1953, %get3A_1954] {strides = array<i32>} : memref<160x128xi32, #tpu.memory_space<vmem>>, vector<1x16xi32>,
      %get3A_1956 = vector.shape_cast %get3A_1955 : vector<1x16xi32> to vector<16xi32>
      %sub3A_1957 = vector.broadcast %scan3A_479 : i32 to vector<16xi32>
      %sub3A_1958 = arith.subi %get3A_1956, %sub3A_1957 : vector<16xi32>
      %ge3A_1959 = arith.constant 0 : i32
      %ge3A_1960 = vector.broadcast %ge3A_1959 : i32 to vector<16xi32>
      %ge3A_1961 = arith.cmpi sge, %sub3A_1958, %ge3A_1960 : vector<16xi32>
      %lt3A_1962 = arith.constant 2560 : i32
      %lt3A_1963 = vector.broadcast %lt3A_1962 : i32 to vector<16xi32>
      %lt3A_1964 = arith.cmpi slt, %sub3A_1958, %lt3A_1963 : vector<16xi32>
      %and3A_1965 = arith.andi %ge3A_1961, %lt3A_1964 : vector<16xi1>
      %jit3A_1966 = arith.constant 2560 : i32
      %broadcast_in_dim3A_1967 = vector.broadcast %jit3A_1966 : i32 to vector<16xi32>
      %select_n3A_1968 = arith.select %and3A_1965, %sub3A_1958, %broadcast_in_dim3A_1967 : vector<16xi1>, vector<16xi32>
      %swap3A_1969 = arith.constant 0 : i32
      %swap3A_1970 = arith.index_cast %swap3A_1969 : i32 to index
      %swap3A_1971 = arith.constant 96 : index
      %swap3A_1972 = tpu.vector_load %arg8[%swap3A_1970, %swap3A_1971] {strides = array<i32>} : memref<1x128xi32, #tpu.memory_space<vmem>>, vector<1x16xi32>,
      %swap3A_1973 = vector.shape_cast %swap3A_1972 : vector<1x16xi32> to vector<16xi32>
      %swap3A_1974 = vector.shape_cast %select_n3A_1968 : vector<16xi32> to vector<1x16xi32>
      tpu.vector_store %arg8[%swap3A_1970, %swap3A_1971], %swap3A_1974 {strides = array<i32>} : memref<1x128xi32, #tpu.memory_space<vmem>>, vector<1x16xi32>,
      %get3A_1975 = arith.index_cast %mul3A_1810 : i32 to index
      %get3A_1976 = arith.constant 112 : index
      %get3A_1977 = tpu.vector_load %arg7[%get3A_1975, %get3A_1976] {strides = array<i32>} : memref<160x128xi32, #tpu.memory_space<vmem>>, vector<1x16xi32>,
      %get3A_1978 = vector.shape_cast %get3A_1977 : vector<1x16xi32> to vector<16xi32>
      %sub3A_1979 = vector.broadcast %scan3A_479 : i32 to vector<16xi32>
      %sub3A_1980 = arith.subi %get3A_1978, %sub3A_1979 : vector<16xi32>
      %ge3A_1981 = arith.constant 0 : i32
      %ge3A_1982 = vector.broadcast %ge3A_1981 : i32 to vector<16xi32>
      %ge3A_1983 = arith.cmpi sge, %sub3A_1980, %ge3A_1982 : vector<16xi32>
      %lt3A_1984 = arith.constant 2560 : i32
      %lt3A_1985 = vector.broadcast %lt3A_1984 : i32 to vector<16xi32>
      %lt3A_1986 = arith.cmpi slt, %sub3A_1980, %lt3A_1985 : vector<16xi32>
      %and3A_1987 = arith.andi %ge3A_1983, %lt3A_1986 : vector<16xi1>
      %jit3A_1988 = arith.constant 2560 : i32
      %broadcast_in_dim3A_1989 = vector.broadcast %jit3A_1988 : i32 to vector<16xi32>
      %select_n3A_1990 = arith.select %and3A_1987, %sub3A_1980, %broadcast_in_dim3A_1989 : vector<16xi1>, vector<16xi32>
      %swap3A_1991 = arith.constant 0 : i32
      %swap3A_1992 = arith.index_cast %swap3A_1991 : i32 to index
      %swap3A_1993 = arith.constant 112 : index
      %swap3A_1994 = tpu.vector_load %arg8[%swap3A_1992, %swap3A_1993] {strides = array<i32>} : memref<1x128xi32, #tpu.memory_space<vmem>>, vector<1x16xi32>,
      %swap3A_1995 = vector.shape_cast %swap3A_1994 : vector<1x16xi32> to vector<16xi32>
      %swap3A_1996 = vector.shape_cast %select_n3A_1990 : vector<16xi32> to vector<1x16xi32>
      tpu.vector_store %arg8[%swap3A_1992, %swap3A_1993], %swap3A_1996 {strides = array<i32>} : memref<1x128xi32, #tpu.memory_space<vmem>>, vector<1x16xi32>,
      %run_scoped3A_1997 = arith.constant 0 : i32
      "tpu.region"() ({
        %run_scoped3A_2214 = tpu.sem_alloc : memref<!tpu.dma_semaphore, #tpu.memory_space<semaphore_mem>>
        %dma_start3A_2215 = arith.constant 0 : i32
        %dma_start3A_2216 = tpu.memref_slice %arg8[%run_scoped3A_1997, %dma_start3A_2215] : memref<1x128xi32, #tpu.memory_space<vmem>> -> memref<1x128xi32, #tpu.memory_space<vmem>>
        %dma_start3A_2217 = tpu.memref_squeeze %dma_start3A_2216 : memref<1x128xi32, #tpu.memory_space<vmem>> -> memref<128xi32, #tpu.memory_space<vmem>>
        %dma_start3A_2218 = arith.constant 0 : i32
        %dma_start3A_2219 = arith.constant 0 : i32
        %dma_start3A_2220 = tpu.memref_slice %arg14[%dma_start3A_2218, %dma_start3A_2219] : memref<3072x128xf32, #tpu.memory_space<vmem_shared>> -> memref<3072x128xf32, #tpu.memory_space<vmem_shared>>
        tpu.enqueue_indirect_dma source(%arg9 : memref<128x128xf32, #tpu.memory_space<vmem>>) target(%dma_start3A_2220 : memref<3072x128xf32, #tpu.memory_space<vmem_shared>>) offsets(%dma_start3A_2217 : memref<128xi32, #tpu.memory_space<vmem>>) semaphore(%run_scoped3A_2214 : memref<!tpu.dma_semaphore, #tpu.memory_space<semaphore_mem>>) {add = true}
        %dma_wait3A_2221 = arith.constant 0 : i32
        %dma_wait3A_2222 = tpu.memref_slice %arg8[%run_scoped3A_1997, %dma_wait3A_2221] : memref<1x128xi32, #tpu.memory_space<vmem>> -> memref<1x128xi32, #tpu.memory_space<vmem>>
        %dma_wait3A_2223 = tpu.memref_squeeze %dma_wait3A_2222 : memref<1x128xi32, #tpu.memory_space<vmem>> -> memref<128xi32, #tpu.memory_space<vmem>>
        %dma_wait3A_2224 = arith.constant 0 : i32
        %dma_wait3A_2225 = arith.constant 0 : i32
        %dma_wait3A_2226 = tpu.memref_slice %arg14[%dma_wait3A_2224, %dma_wait3A_2225] : memref<3072x128xf32, #tpu.memory_space<vmem_shared>> -> memref<3072x128xf32, #tpu.memory_space<vmem_shared>>
        tpu.wait_indirect_dma semaphore(%run_scoped3A_2214 : memref<!tpu.dma_semaphore, #tpu.memory_space<semaphore_mem>>) src(%arg9 : memref<128x128xf32, #tpu.memory_space<vmem>>) dst(%dma_wait3A_2226 : memref<3072x128xf32, #tpu.memory_space<vmem_shared>>)
        tpu.yield
      }) : () -> ()
      %add3A_1998 = arith.constant 2 : i32
      %add3A_1999 = arith.addi %mul3A_1810, %add3A_1998 : i32
      %dma_start3A_2000 = arith.constant 0 : i32
      %dma_start3A_2001 = tpu.memref_slice %arg6[%add3A_1999, %dma_start3A_2000] : memref<160x128xi32, #tpu.memory_space<vmem>> -> memref<1x128xi32, #tpu.memory_space<vmem>>
      %dma_start3A_2002 = tpu.memref_squeeze %dma_start3A_2001 : memref<1x128xi32, #tpu.memory_space<vmem>> -> memref<128xi32, #tpu.memory_space<vmem>>
      %dma_start3A_2003 = arith.constant 0 : i32
      %dma_start3A_2004 = arith.constant 0 : i32
      %dma_start3A_2005 = tpu.memref_slice %arg2[%arg0, %dma_start3A_2003, %dma_start3A_2004] : memref<2x10240x128xf32, #tpu.memory_space<hbm>> -> memref<1x10240x128xf32, #tpu.memory_space<hbm>>
      %dma_start3A_2006 = tpu.memref_squeeze %dma_start3A_2005 : memref<1x10240x128xf32, #tpu.memory_space<hbm>> -> memref<10240x128xf32, #tpu.memory_space<hbm>>
      %dma_start3A_2007 = arith.constant 0 : i32
      %dma_start3A_2008 = arith.constant 0 : i32
      %dma_start3A_2009 = tpu.memref_slice %dma_start3A_2006[%dma_start3A_2007, %dma_start3A_2008] : memref<10240x128xf32, #tpu.memory_space<hbm>> -> memref<10240x128xf32, #tpu.memory_space<hbm>>
      tpu.enqueue_indirect_dma source(%dma_start3A_2009 : memref<10240x128xf32, #tpu.memory_space<hbm>>) target(%arg9 : memref<128x128xf32, #tpu.memory_space<vmem>>) offsets(%dma_start3A_2002 : memref<128xi32, #tpu.memory_space<vmem>>) semaphore(%arg12 : memref<!tpu.dma_semaphore, #tpu.memory_space<semaphore_mem>>)
      %add3A_2010 = arith.constant 1 : i32
      %add3A_2011 = arith.addi %mul3A_1810, %add3A_2010 : i32
      %dma_wait3A_2012 = arith.constant 0 : i32
      %dma_wait3A_2013 = tpu.memref_slice %arg6[%add3A_2011, %dma_wait3A_2012] : memref<160x128xi32, #tpu.memory_space<vmem>> -> memref<1x128xi32, #tpu.memory_space<vmem>>
      %dma_wait3A_2014 = tpu.memref_squeeze %dma_wait3A_2013 : memref<1x128xi32, #tpu.memory_space<vmem>> -> memref<128xi32, #tpu.memory_space<vmem>>
      %dma_wait3A_2015 = arith.constant 0 : i32
      %dma_wait3A_2016 = arith.constant 0 : i32
      %dma_wait3A_2017 = tpu.memref_slice %arg2[%arg0, %dma_wait3A_2015, %dma_wait3A_2016] : memref<2x10240x128xf32, #tpu.memory_space<hbm>> -> memref<1x10240x128xf32, #tpu.memory_space<hbm>>
      %dma_wait3A_2018 = tpu.memref_squeeze %dma_wait3A_2017 : memref<1x10240x128xf32, #tpu.memory_space<hbm>> -> memref<10240x128xf32, #tpu.memory_space<hbm>>
      %dma_wait3A_2019 = arith.constant 0 : i32
      %dma_wait3A_2020 = arith.constant 0 : i32
      %dma_wait3A_2021 = tpu.memref_slice %dma_wait3A_2018[%dma_wait3A_2019, %dma_wait3A_2020] : memref<10240x128xf32, #tpu.memory_space<hbm>> -> memref<10240x128xf32, #tpu.memory_space<hbm>>
      tpu.wait_indirect_dma semaphore(%arg13 : memref<!tpu.dma_semaphore, #tpu.memory_space<semaphore_mem>>) src(%dma_wait3A_2021 : memref<10240x128xf32, #tpu.memory_space<hbm>>) dst(%arg10 : memref<128x128xf32, #tpu.memory_space<vmem>>)
      %add3A_2022 = arith.constant 1 : i32
      %add3A_2023 = arith.addi %mul3A_1810, %add3A_2022 : i32
      %get3A_2024 = arith.index_cast %add3A_2023 : i32 to index
      %get3A_2025 = arith.constant 0 : index
      %get3A_2026 = tpu.vector_load %arg7[%get3A_2024, %get3A_2025] {strides = array<i32>} : memref<160x128xi32, #tpu.memory_space<vmem>>, vector<1x16xi32>,
      %get3A_2027 = vector.shape_cast %get3A_2026 : vector<1x16xi32> to vector<16xi32>
      %sub3A_2028 = vector.broadcast %scan3A_479 : i32 to vector<16xi32>
      %sub3A_2029 = arith.subi %get3A_2027, %sub3A_2028 : vector<16xi32>
      %ge3A_2030 = arith.constant 0 : i32
      %ge3A_2031 = vector.broadcast %ge3A_2030 : i32 to vector<16xi32>
      %ge3A_2032 = arith.cmpi sge, %sub3A_2029, %ge3A_2031 : vector<16xi32>
      %lt3A_2033 = arith.constant 2560 : i32
      %lt3A_2034 = vector.broadcast %lt3A_2033 : i32 to vector<16xi32>
      %lt3A_2035 = arith.cmpi slt, %sub3A_2029, %lt3A_2034 : vector<16xi32>
      %and3A_2036 = arith.andi %ge3A_2032, %lt3A_2035 : vector<16xi1>
      %jit3A_2037 = arith.constant 2560 : i32
      %broadcast_in_dim3A_2038 = vector.broadcast %jit3A_2037 : i32 to vector<16xi32>
      %select_n3A_2039 = arith.select %and3A_2036, %sub3A_2029, %broadcast_in_dim3A_2038 : vector<16xi1>, vector<16xi32>
      %swap3A_2040 = arith.constant 0 : i32
      %swap3A_2041 = arith.index_cast %swap3A_2040 : i32 to index
      %swap3A_2042 = arith.constant 0 : index
      %swap3A_2043 = tpu.vector_load %arg8[%swap3A_2041, %swap3A_2042] {strides = array<i32>} : memref<1x128xi32, #tpu.memory_space<vmem>>, vector<1x16xi32>,
      %swap3A_2044 = vector.shape_cast %swap3A_2043 : vector<1x16xi32> to vector<16xi32>
      %swap3A_2045 = vector.shape_cast %select_n3A_2039 : vector<16xi32> to vector<1x16xi32>
      tpu.vector_store %arg8[%swap3A_2041, %swap3A_2042], %swap3A_2045 {strides = array<i32>} : memref<1x128xi32, #tpu.memory_space<vmem>>, vector<1x16xi32>,
      %get3A_2046 = arith.index_cast %add3A_2023 : i32 to index
      %get3A_2047 = arith.constant 16 : index
      %get3A_2048 = tpu.vector_load %arg7[%get3A_2046, %get3A_2047] {strides = array<i32>} : memref<160x128xi32, #tpu.memory_space<vmem>>, vector<1x16xi32>,
      %get3A_2049 = vector.shape_cast %get3A_2048 : vector<1x16xi32> to vector<16xi32>
      %sub3A_2050 = vector.broadcast %scan3A_479 : i32 to vector<16xi32>
      %sub3A_2051 = arith.subi %get3A_2049, %sub3A_2050 : vector<16xi32>
      %ge3A_2052 = arith.constant 0 : i32
      %ge3A_2053 = vector.broadcast %ge3A_2052 : i32 to vector<16xi32>
      %ge3A_2054 = arith.cmpi sge, %sub3A_2051, %ge3A_2053 : vector<16xi32>
      %lt3A_2055 = arith.constant 2560 : i32
      %lt3A_2056 = vector.broadcast %lt3A_2055 : i32 to vector<16xi32>
      %lt3A_2057 = arith.cmpi slt, %sub3A_2051, %lt3A_2056 : vector<16xi32>
      %and3A_2058 = arith.andi %ge3A_2054, %lt3A_2057 : vector<16xi1>
      %jit3A_2059 = arith.constant 2560 : i32
      %broadcast_in_dim3A_2060 = vector.broadcast %jit3A_2059 : i32 to vector<16xi32>
      %select_n3A_2061 = arith.select %and3A_2058, %sub3A_2051, %broadcast_in_dim3A_2060 : vector<16xi1>, vector<16xi32>
      %swap3A_2062 = arith.constant 0 : i32
      %swap3A_2063 = arith.index_cast %swap3A_2062 : i32 to index
      %swap3A_2064 = arith.constant 16 : index
      %swap3A_2065 = tpu.vector_load %arg8[%swap3A_2063, %swap3A_2064] {strides = array<i32>} : memref<1x128xi32, #tpu.memory_space<vmem>>, vector<1x16xi32>,
      %swap3A_2066 = vector.shape_cast %swap3A_2065 : vector<1x16xi32> to vector<16xi32>
      %swap3A_2067 = vector.shape_cast %select_n3A_2061 : vector<16xi32> to vector<1x16xi32>
      tpu.vector_store %arg8[%swap3A_2063, %swap3A_2064], %swap3A_2067 {strides = array<i32>} : memref<1x128xi32, #tpu.memory_space<vmem>>, vector<1x16xi32>,
      %get3A_2068 = arith.index_cast %add3A_2023 : i32 to index
      %get3A_2069 = arith.constant 32 : index
      %get3A_2070 = tpu.vector_load %arg7[%get3A_2068, %get3A_2069] {strides = array<i32>} : memref<160x128xi32, #tpu.memory_space<vmem>>, vector<1x16xi32>,
      %get3A_2071 = vector.shape_cast %get3A_2070 : vector<1x16xi32> to vector<16xi32>
      %sub3A_2072 = vector.broadcast %scan3A_479 : i32 to vector<16xi32>
      %sub3A_2073 = arith.subi %get3A_2071, %sub3A_2072 : vector<16xi32>
      %ge3A_2074 = arith.constant 0 : i32
      %ge3A_2075 = vector.broadcast %ge3A_2074 : i32 to vector<16xi32>
      %ge3A_2076 = arith.cmpi sge, %sub3A_2073, %ge3A_2075 : vector<16xi32>
      %lt3A_2077 = arith.constant 2560 : i32
      %lt3A_2078 = vector.broadcast %lt3A_2077 : i32 to vector<16xi32>
      %lt3A_2079 = arith.cmpi slt, %sub3A_2073, %lt3A_2078 : vector<16xi32>
      %and3A_2080 = arith.andi %ge3A_2076, %lt3A_2079 : vector<16xi1>
      %jit3A_2081 = arith.constant 2560 : i32
      %broadcast_in_dim3A_2082 = vector.broadcast %jit3A_2081 : i32 to vector<16xi32>
      %select_n3A_2083 = arith.select %and3A_2080, %sub3A_2073, %broadcast_in_dim3A_2082 : vector<16xi1>, vector<16xi32>
      %swap3A_2084 = arith.constant 0 : i32
      %swap3A_2085 = arith.index_cast %swap3A_2084 : i32 to index
      %swap3A_2086 = arith.constant 32 : index
      %swap3A_2087 = tpu.vector_load %arg8[%swap3A_2085, %swap3A_2086] {strides = array<i32>} : memref<1x128xi32, #tpu.memory_space<vmem>>, vector<1x16xi32>,
      %swap3A_2088 = vector.shape_cast %swap3A_2087 : vector<1x16xi32> to vector<16xi32>
      %swap3A_2089 = vector.shape_cast %select_n3A_2083 : vector<16xi32> to vector<1x16xi32>
      tpu.vector_store %arg8[%swap3A_2085, %swap3A_2086], %swap3A_2089 {strides = array<i32>} : memref<1x128xi32, #tpu.memory_space<vmem>>, vector<1x16xi32>,
      %get3A_2090 = arith.index_cast %add3A_2023 : i32 to index
      %get3A_2091 = arith.constant 48 : index
      %get3A_2092 = tpu.vector_load %arg7[%get3A_2090, %get3A_2091] {strides = array<i32>} : memref<160x128xi32, #tpu.memory_space<vmem>>, vector<1x16xi32>,
      %get3A_2093 = vector.shape_cast %get3A_2092 : vector<1x16xi32> to vector<16xi32>
      %sub3A_2094 = vector.broadcast %scan3A_479 : i32 to vector<16xi32>
      %sub3A_2095 = arith.subi %get3A_2093, %sub3A_2094 : vector<16xi32>
      %ge3A_2096 = arith.constant 0 : i32
      %ge3A_2097 = vector.broadcast %ge3A_2096 : i32 to vector<16xi32>
      %ge3A_2098 = arith.cmpi sge, %sub3A_2095, %ge3A_2097 : vector<16xi32>
      %lt3A_2099 = arith.constant 2560 : i32
      %lt3A_2100 = vector.broadcast %lt3A_2099 : i32 to vector<16xi32>
      %lt3A_2101 = arith.cmpi slt, %sub3A_2095, %lt3A_2100 : vector<16xi32>
      %and3A_2102 = arith.andi %ge3A_2098, %lt3A_2101 : vector<16xi1>
      %jit3A_2103 = arith.constant 2560 : i32
      %broadcast_in_dim3A_2104 = vector.broadcast %jit3A_2103 : i32 to vector<16xi32>
      %select_n3A_2105 = arith.select %and3A_2102, %sub3A_2095, %broadcast_in_dim3A_2104 : vector<16xi1>, vector<16xi32>
      %swap3A_2106 = arith.constant 0 : i32
      %swap3A_2107 = arith.index_cast %swap3A_2106 : i32 to index
      %swap3A_2108 = arith.constant 48 : index
      %swap3A_2109 = tpu.vector_load %arg8[%swap3A_2107, %swap3A_2108] {strides = array<i32>} : memref<1x128xi32, #tpu.memory_space<vmem>>, vector<1x16xi32>,
      %swap3A_2110 = vector.shape_cast %swap3A_2109 : vector<1x16xi32> to vector<16xi32>
      %swap3A_2111 = vector.shape_cast %select_n3A_2105 : vector<16xi32> to vector<1x16xi32>
      tpu.vector_store %arg8[%swap3A_2107, %swap3A_2108], %swap3A_2111 {strides = array<i32>} : memref<1x128xi32, #tpu.memory_space<vmem>>, vector<1x16xi32>,
      %get3A_2112 = arith.index_cast %add3A_2023 : i32 to index
      %get3A_2113 = arith.constant 64 : index
      %get3A_2114 = tpu.vector_load %arg7[%get3A_2112, %get3A_2113] {strides = array<i32>} : memref<160x128xi32, #tpu.memory_space<vmem>>, vector<1x16xi32>,
      %get3A_2115 = vector.shape_cast %get3A_2114 : vector<1x16xi32> to vector<16xi32>
      %sub3A_2116 = vector.broadcast %scan3A_479 : i32 to vector<16xi32>
      %sub3A_2117 = arith.subi %get3A_2115, %sub3A_2116 : vector<16xi32>
      %ge3A_2118 = arith.constant 0 : i32
      %ge3A_2119 = vector.broadcast %ge3A_2118 : i32 to vector<16xi32>
      %ge3A_2120 = arith.cmpi sge, %sub3A_2117, %ge3A_2119 : vector<16xi32>
      %lt3A_2121 = arith.constant 2560 : i32
      %lt3A_2122 = vector.broadcast %lt3A_2121 : i32 to vector<16xi32>
      %lt3A_2123 = arith.cmpi slt, %sub3A_2117, %lt3A_2122 : vector<16xi32>
      %and3A_2124 = arith.andi %ge3A_2120, %lt3A_2123 : vector<16xi1>
      %jit3A_2125 = arith.constant 2560 : i32
      %broadcast_in_dim3A_2126 = vector.broadcast %jit3A_2125 : i32 to vector<16xi32>
      %select_n3A_2127 = arith.select %and3A_2124, %sub3A_2117, %broadcast_in_dim3A_2126 : vector<16xi1>, vector<16xi32>
      %swap3A_2128 = arith.constant 0 : i32
      %swap3A_2129 = arith.index_cast %swap3A_2128 : i32 to index
      %swap3A_2130 = arith.constant 64 : index
      %swap3A_2131 = tpu.vector_load %arg8[%swap3A_2129, %swap3A_2130] {strides = array<i32>} : memref<1x128xi32, #tpu.memory_space<vmem>>, vector<1x16xi32>,
      %swap3A_2132 = vector.shape_cast %swap3A_2131 : vector<1x16xi32> to vector<16xi32>
      %swap3A_2133 = vector.shape_cast %select_n3A_2127 : vector<16xi32> to vector<1x16xi32>
      tpu.vector_store %arg8[%swap3A_2129, %swap3A_2130], %swap3A_2133 {strides = array<i32>} : memref<1x128xi32, #tpu.memory_space<vmem>>, vector<1x16xi32>,
      %get3A_2134 = arith.index_cast %add3A_2023 : i32 to index
      %get3A_2135 = arith.constant 80 : index
      %get3A_2136 = tpu.vector_load %arg7[%get3A_2134, %get3A_2135] {strides = array<i32>} : memref<160x128xi32, #tpu.memory_space<vmem>>, vector<1x16xi32>,
      %get3A_2137 = vector.shape_cast %get3A_2136 : vector<1x16xi32> to vector<16xi32>
      %sub3A_2138 = vector.broadcast %scan3A_479 : i32 to vector<16xi32>
      %sub3A_2139 = arith.subi %get3A_2137, %sub3A_2138 : vector<16xi32>
      %ge3A_2140 = arith.constant 0 : i32
      %ge3A_2141 = vector.broadcast %ge3A_2140 : i32 to vector<16xi32>
      %ge3A_2142 = arith.cmpi sge, %sub3A_2139, %ge3A_2141 : vector<16xi32>
      %lt3A_2143 = arith.constant 2560 : i32
      %lt3A_2144 = vector.broadcast %lt3A_2143 : i32 to vector<16xi32>
      %lt3A_2145 = arith.cmpi slt, %sub3A_2139, %lt3A_2144 : vector<16xi32>
      %and3A_2146 = arith.andi %ge3A_2142, %lt3A_2145 : vector<16xi1>
      %jit3A_2147 = arith.constant 2560 : i32
      %broadcast_in_dim3A_2148 = vector.broadcast %jit3A_2147 : i32 to vector<16xi32>
      %select_n3A_2149 = arith.select %and3A_2146, %sub3A_2139, %broadcast_in_dim3A_2148 : vector<16xi1>, vector<16xi32>
      %swap3A_2150 = arith.constant 0 : i32
      %swap3A_2151 = arith.index_cast %swap3A_2150 : i32 to index
      %swap3A_2152 = arith.constant 80 : index
      %swap3A_2153 = tpu.vector_load %arg8[%swap3A_2151, %swap3A_2152] {strides = array<i32>} : memref<1x128xi32, #tpu.memory_space<vmem>>, vector<1x16xi32>,
      %swap3A_2154 = vector.shape_cast %swap3A_2153 : vector<1x16xi32> to vector<16xi32>
      %swap3A_2155 = vector.shape_cast %select_n3A_2149 : vector<16xi32> to vector<1x16xi32>
      tpu.vector_store %arg8[%swap3A_2151, %swap3A_2152], %swap3A_2155 {strides = array<i32>} : memref<1x128xi32, #tpu.memory_space<vmem>>, vector<1x16xi32>,
      %get3A_2156 = arith.index_cast %add3A_2023 : i32 to index
      %get3A_2157 = arith.constant 96 : index
      %get3A_2158 = tpu.vector_load %arg7[%get3A_2156, %get3A_2157] {strides = array<i32>} : memref<160x128xi32, #tpu.memory_space<vmem>>, vector<1x16xi32>,
      %get3A_2159 = vector.shape_cast %get3A_2158 : vector<1x16xi32> to vector<16xi32>
      %sub3A_2160 = vector.broadcast %scan3A_479 : i32 to vector<16xi32>
      %sub3A_2161 = arith.subi %get3A_2159, %sub3A_2160 : vector<16xi32>
      %ge3A_2162 = arith.constant 0 : i32
      %ge3A_2163 = vector.broadcast %ge3A_2162 : i32 to vector<16xi32>
      %ge3A_2164 = arith.cmpi sge, %sub3A_2161, %ge3A_2163 : vector<16xi32>
      %lt3A_2165 = arith.constant 2560 : i32
      %lt3A_2166 = vector.broadcast %lt3A_2165 : i32 to vector<16xi32>
      %lt3A_2167 = arith.cmpi slt, %sub3A_2161, %lt3A_2166 : vector<16xi32>
      %and3A_2168 = arith.andi %ge3A_2164, %lt3A_2167 : vector<16xi1>
      %jit3A_2169 = arith.constant 2560 : i32
      %broadcast_in_dim3A_2170 = vector.broadcast %jit3A_2169 : i32 to vector<16xi32>
      %select_n3A_2171 = arith.select %and3A_2168, %sub3A_2161, %broadcast_in_dim3A_2170 : vector<16xi1>, vector<16xi32>
      %swap3A_2172 = arith.constant 0 : i32
      %swap3A_2173 = arith.index_cast %swap3A_2172 : i32 to index
      %swap3A_2174 = arith.constant 96 : index
      %swap3A_2175 = tpu.vector_load %arg8[%swap3A_2173, %swap3A_2174] {strides = array<i32>} : memref<1x128xi32, #tpu.memory_space<vmem>>, vector<1x16xi32>,
      %swap3A_2176 = vector.shape_cast %swap3A_2175 : vector<1x16xi32> to vector<16xi32>
      %swap3A_2177 = vector.shape_cast %select_n3A_2171 : vector<16xi32> to vector<1x16xi32>
      tpu.vector_store %arg8[%swap3A_2173, %swap3A_2174], %swap3A_2177 {strides = array<i32>} : memref<1x128xi32, #tpu.memory_space<vmem>>, vector<1x16xi32>,
      %get3A_2178 = arith.index_cast %add3A_2023 : i32 to index
      %get3A_2179 = arith.constant 112 : index
      %get3A_2180 = tpu.vector_load %arg7[%get3A_2178, %get3A_2179] {strides = array<i32>} : memref<160x128xi32, #tpu.memory_space<vmem>>, vector<1x16xi32>,
      %get3A_2181 = vector.shape_cast %get3A_2180 : vector<1x16xi32> to vector<16xi32>
      %sub3A_2182 = vector.broadcast %scan3A_479 : i32 to vector<16xi32>
      %sub3A_2183 = arith.subi %get3A_2181, %sub3A_2182 : vector<16xi32>
      %ge3A_2184 = arith.constant 0 : i32
      %ge3A_2185 = vector.broadcast %ge3A_2184 : i32 to vector<16xi32>
      %ge3A_2186 = arith.cmpi sge, %sub3A_2183, %ge3A_2185 : vector<16xi32>
      %lt3A_2187 = arith.constant 2560 : i32
      %lt3A_2188 = vector.broadcast %lt3A_2187 : i32 to vector<16xi32>
      %lt3A_2189 = arith.cmpi slt, %sub3A_2183, %lt3A_2188 : vector<16xi32>
      %and3A_2190 = arith.andi %ge3A_2186, %lt3A_2189 : vector<16xi1>
      %jit3A_2191 = arith.constant 2560 : i32
      %broadcast_in_dim3A_2192 = vector.broadcast %jit3A_2191 : i32 to vector<16xi32>
      %select_n3A_2193 = arith.select %and3A_2190, %sub3A_2183, %broadcast_in_dim3A_2192 : vector<16xi1>, vector<16xi32>
      %swap3A_2194 = arith.constant 0 : i32
      %swap3A_2195 = arith.index_cast %swap3A_2194 : i32 to index
      %swap3A_2196 = arith.constant 112 : index
      %swap3A_2197 = tpu.vector_load %arg8[%swap3A_2195, %swap3A_2196] {strides = array<i32>} : memref<1x128xi32, #tpu.memory_space<vmem>>, vector<1x16xi32>,
      %swap3A_2198 = vector.shape_cast %swap3A_2197 : vector<1x16xi32> to vector<16xi32>
      %swap3A_2199 = vector.shape_cast %select_n3A_2193 : vector<16xi32> to vector<1x16xi32>
      tpu.vector_store %arg8[%swap3A_2195, %swap3A_2196], %swap3A_2199 {strides = array<i32>} : memref<1x128xi32, #tpu.memory_space<vmem>>, vector<1x16xi32>,
      %run_scoped3A_2200 = arith.constant 0 : i32
      "tpu.region"() ({
        %run_scoped3A_2214 = tpu.sem_alloc : memref<!tpu.dma_semaphore, #tpu.memory_space<semaphore_mem>>
        %dma_start3A_2215 = arith.constant 0 : i32
        %dma_start3A_2216 = tpu.memref_slice %arg8[%run_scoped3A_2200, %dma_start3A_2215] : memref<1x128xi32, #tpu.memory_space<vmem>> -> memref<1x128xi32, #tpu.memory_space<vmem>>
        %dma_start3A_2217 = tpu.memref_squeeze %dma_start3A_2216 : memref<1x128xi32, #tpu.memory_space<vmem>> -> memref<128xi32, #tpu.memory_space<vmem>>
        %dma_start3A_2218 = arith.constant 0 : i32
        %dma_start3A_2219 = arith.constant 0 : i32
        %dma_start3A_2220 = tpu.memref_slice %arg14[%dma_start3A_2218, %dma_start3A_2219] : memref<3072x128xf32, #tpu.memory_space<vmem_shared>> -> memref<3072x128xf32, #tpu.memory_space<vmem_shared>>
        tpu.enqueue_indirect_dma source(%arg10 : memref<128x128xf32, #tpu.memory_space<vmem>>) target(%dma_start3A_2220 : memref<3072x128xf32, #tpu.memory_space<vmem_shared>>) offsets(%dma_start3A_2217 : memref<128xi32, #tpu.memory_space<vmem>>) semaphore(%run_scoped3A_2214 : memref<!tpu.dma_semaphore, #tpu.memory_space<semaphore_mem>>) {add = true}
        %dma_wait3A_2221 = arith.constant 0 : i32
        %dma_wait3A_2222 = tpu.memref_slice %arg8[%run_scoped3A_2200, %dma_wait3A_2221] : memref<1x128xi32, #tpu.memory_space<vmem>> -> memref<1x128xi32, #tpu.memory_space<vmem>>
        %dma_wait3A_2223 = tpu.memref_squeeze %dma_wait3A_2222 : memref<1x128xi32, #tpu.memory_space<vmem>> -> memref<128xi32, #tpu.memory_space<vmem>>
        %dma_wait3A_2224 = arith.constant 0 : i32
        %dma_wait3A_2225 = arith.constant 0 : i32
        %dma_wait3A_2226 = tpu.memref_slice %arg14[%dma_wait3A_2224, %dma_wait3A_2225] : memref<3072x128xf32, #tpu.memory_space<vmem_shared>> -> memref<3072x128xf32, #tpu.memory_space<vmem_shared>>
        tpu.wait_indirect_dma semaphore(%run_scoped3A_2214 : memref<!tpu.dma_semaphore, #tpu.memory_space<semaphore_mem>>) src(%arg10 : memref<128x128xf32, #tpu.memory_space<vmem>>) dst(%dma_wait3A_2226 : memref<3072x128xf32, #tpu.memory_space<vmem_shared>>)
        tpu.yield
      }) : () -> ()
      %add3A_2201 = arith.constant 3 : i32
      %add3A_2202 = arith.addi %mul3A_1810, %add3A_2201 : i32
      %dma_start3A_2203 = arith.constant 0 : i32
      %dma_start3A_2204 = tpu.memref_slice %arg6[%add3A_2202, %dma_start3A_2203] : memref<160x128xi32, #tpu.memory_space<vmem>> -> memref<1x128xi32, #tpu.memory_space<vmem>>
      %dma_start3A_2205 = tpu.memref_squeeze %dma_start3A_2204 : memref<1x128xi32, #tpu.memory_space<vmem>> -> memref<128xi32, #tpu.memory_space<vmem>>
      %dma_start3A_2206 = arith.constant 0 : i32
      %dma_start3A_2207 = arith.constant 0 : i32
      %dma_start3A_2208 = tpu.memref_slice %arg2[%arg0, %dma_start3A_2206, %dma_start3A_2207] : memref<2x10240x128xf32, #tpu.memory_space<hbm>> -> memref<1x10240x128xf32, #tpu.memory_space<hbm>>
      %dma_start3A_2209 = tpu.memref_squeeze %dma_start3A_2208 : memref<1x10240x128xf32, #tpu.memory_space<hbm>> -> memref<10240x128xf32, #tpu.memory_space<hbm>>
      %dma_start3A_2210 = arith.constant 0 : i32
      %dma_start3A_2211 = arith.constant 0 : i32
      %dma_start3A_2212 = tpu.memref_slice %dma_start3A_2209[%dma_start3A_2210, %dma_start3A_2211] : memref<10240x128xf32, #tpu.memory_space<hbm>> -> memref<10240x128xf32, #tpu.memory_space<hbm>>
      tpu.enqueue_indirect_dma source(%dma_start3A_2212 : memref<10240x128xf32, #tpu.memory_space<hbm>>) target(%arg10 : memref<128x128xf32, #tpu.memory_space<vmem>>) offsets(%dma_start3A_2205 : memref<128xi32, #tpu.memory_space<vmem>>) semaphore(%arg13 : memref<!tpu.dma_semaphore, #tpu.memory_space<semaphore_mem>>)
      %scan3A_2213 = arith.constant 0 : i32
      scf.yield %scan3A_2213 : i32
    }
    %scan3A_486 = arith.constant 79 : i32
    %dma_wait3A_487 = arith.constant 158 : i32
    %dma_wait3A_488 = arith.constant 0 : i32
    %dma_wait3A_489 = tpu.memref_slice %arg6[%dma_wait3A_487, %dma_wait3A_488] : memref<160x128xi32, #tpu.memory_space<vmem>> -> memref<1x128xi32, #tpu.memory_space<vmem>>
    %dma_wait3A_490 = tpu.memref_squeeze %dma_wait3A_489 : memref<1x128xi32, #tpu.memory_space<vmem>> -> memref<128xi32, #tpu.memory_space<vmem>>
    %dma_wait3A_491 = arith.constant 0 : i32
    %dma_wait3A_492 = arith.constant 0 : i32
    %dma_wait3A_493 = tpu.memref_slice %arg2[%arg0, %dma_wait3A_491, %dma_wait3A_492] : memref<2x10240x128xf32, #tpu.memory_space<hbm>> -> memref<1x10240x128xf32, #tpu.memory_space<hbm>>
    %dma_wait3A_494 = tpu.memref_squeeze %dma_wait3A_493 : memref<1x10240x128xf32, #tpu.memory_space<hbm>> -> memref<10240x128xf32, #tpu.memory_space<hbm>>
    %dma_wait3A_495 = arith.constant 0 : i32
    %dma_wait3A_496 = arith.constant 0 : i32
    %dma_wait3A_497 = tpu.memref_slice %dma_wait3A_494[%dma_wait3A_495, %dma_wait3A_496] : memref<10240x128xf32, #tpu.memory_space<hbm>> -> memref<10240x128xf32, #tpu.memory_space<hbm>>
    tpu.wait_indirect_dma semaphore(%arg12 : memref<!tpu.dma_semaphore, #tpu.memory_space<semaphore_mem>>) src(%dma_wait3A_497 : memref<10240x128xf32, #tpu.memory_space<hbm>>) dst(%arg9 : memref<128x128xf32, #tpu.memory_space<vmem>>)
    %get3A_498 = arith.constant 158 : i32
    %get3A_499 = arith.index_cast %get3A_498 : i32 to index
    %get3A_500 = arith.constant 0 : index
    %get3A_501 = tpu.vector_load %arg7[%get3A_499, %get3A_500] {strides = array<i32>} : memref<160x128xi32, #tpu.memory_space<vmem>>, vector<1x16xi32>,
    %get3A_502 = vector.shape_cast %get3A_501 : vector<1x16xi32> to vector<16xi32>
    %sub3A_503 = arith.constant 2560 : i32
    %sub3A_504 = vector.broadcast %sub3A_503 : i32 to vector<16xi32>
    %sub3A_505 = arith.subi %get3A_502, %sub3A_504 : vector<16xi32>
    %ge3A_506 = arith.constant 0 : i32
    %ge3A_507 = vector.broadcast %ge3A_506 : i32 to vector<16xi32>
    %ge3A_508 = arith.cmpi sge, %sub3A_505, %ge3A_507 : vector<16xi32>
    %lt3A_509 = arith.constant 2560 : i32
    %lt3A_510 = vector.broadcast %lt3A_509 : i32 to vector<16xi32>
    %lt3A_511 = arith.cmpi slt, %sub3A_505, %lt3A_510 : vector<16xi32>
    %and3A_512 = arith.andi %ge3A_508, %lt3A_511 : vector<16xi1>
    %jit3A_513 = arith.constant 2560 : i32
    %broadcast_in_dim3A_514 = vector.broadcast %jit3A_513 : i32 to vector<16xi32>
    %select_n3A_515 = arith.select %and3A_512, %sub3A_505, %broadcast_in_dim3A_514 : vector<16xi1>, vector<16xi32>
    %swap3A_516 = arith.constant 0 : i32
    %swap3A_517 = arith.index_cast %swap3A_516 : i32 to index
    %swap3A_518 = arith.constant 0 : index
    %swap3A_519 = tpu.vector_load %arg8[%swap3A_517, %swap3A_518] {strides = array<i32>} : memref<1x128xi32, #tpu.memory_space<vmem>>, vector<1x16xi32>,
    %swap3A_520 = vector.shape_cast %swap3A_519 : vector<1x16xi32> to vector<16xi32>
    %swap3A_521 = vector.shape_cast %select_n3A_515 : vector<16xi32> to vector<1x16xi32>
    tpu.vector_store %arg8[%swap3A_517, %swap3A_518], %swap3A_521 {strides = array<i32>} : memref<1x128xi32, #tpu.memory_space<vmem>>, vector<1x16xi32>,
    %get3A_522 = arith.constant 158 : i32
    %get3A_523 = arith.index_cast %get3A_522 : i32 to index
    %get3A_524 = arith.constant 16 : index
    %get3A_525 = tpu.vector_load %arg7[%get3A_523, %get3A_524] {strides = array<i32>} : memref<160x128xi32, #tpu.memory_space<vmem>>, vector<1x16xi32>,
    %get3A_526 = vector.shape_cast %get3A_525 : vector<1x16xi32> to vector<16xi32>
    %sub3A_527 = arith.constant 2560 : i32
    %sub3A_528 = vector.broadcast %sub3A_527 : i32 to vector<16xi32>
    %sub3A_529 = arith.subi %get3A_526, %sub3A_528 : vector<16xi32>
    %ge3A_530 = arith.constant 0 : i32
    %ge3A_531 = vector.broadcast %ge3A_530 : i32 to vector<16xi32>
    %ge3A_532 = arith.cmpi sge, %sub3A_529, %ge3A_531 : vector<16xi32>
    %lt3A_533 = arith.constant 2560 : i32
    %lt3A_534 = vector.broadcast %lt3A_533 : i32 to vector<16xi32>
    %lt3A_535 = arith.cmpi slt, %sub3A_529, %lt3A_534 : vector<16xi32>
    %and3A_536 = arith.andi %ge3A_532, %lt3A_535 : vector<16xi1>
    %jit3A_537 = arith.constant 2560 : i32
    %broadcast_in_dim3A_538 = vector.broadcast %jit3A_537 : i32 to vector<16xi32>
    %select_n3A_539 = arith.select %and3A_536, %sub3A_529, %broadcast_in_dim3A_538 : vector<16xi1>, vector<16xi32>
    %swap3A_540 = arith.constant 0 : i32
    %swap3A_541 = arith.index_cast %swap3A_540 : i32 to index
    %swap3A_542 = arith.constant 16 : index
    %swap3A_543 = tpu.vector_load %arg8[%swap3A_541, %swap3A_542] {strides = array<i32>} : memref<1x128xi32, #tpu.memory_space<vmem>>, vector<1x16xi32>,
    %swap3A_544 = vector.shape_cast %swap3A_543 : vector<1x16xi32> to vector<16xi32>
    %swap3A_545 = vector.shape_cast %select_n3A_539 : vector<16xi32> to vector<1x16xi32>
    tpu.vector_store %arg8[%swap3A_541, %swap3A_542], %swap3A_545 {strides = array<i32>} : memref<1x128xi32, #tpu.memory_space<vmem>>, vector<1x16xi32>,
    %get3A_546 = arith.constant 158 : i32
    %get3A_547 = arith.index_cast %get3A_546 : i32 to index
    %get3A_548 = arith.constant 32 : index
    %get3A_549 = tpu.vector_load %arg7[%get3A_547, %get3A_548] {strides = array<i32>} : memref<160x128xi32, #tpu.memory_space<vmem>>, vector<1x16xi32>,
    %get3A_550 = vector.shape_cast %get3A_549 : vector<1x16xi32> to vector<16xi32>
    %sub3A_551 = arith.constant 2560 : i32
    %sub3A_552 = vector.broadcast %sub3A_551 : i32 to vector<16xi32>
    %sub3A_553 = arith.subi %get3A_550, %sub3A_552 : vector<16xi32>
    %ge3A_554 = arith.constant 0 : i32
    %ge3A_555 = vector.broadcast %ge3A_554 : i32 to vector<16xi32>
    %ge3A_556 = arith.cmpi sge, %sub3A_553, %ge3A_555 : vector<16xi32>
    %lt3A_557 = arith.constant 2560 : i32
    %lt3A_558 = vector.broadcast %lt3A_557 : i32 to vector<16xi32>
    %lt3A_559 = arith.cmpi slt, %sub3A_553, %lt3A_558 : vector<16xi32>
    %and3A_560 = arith.andi %ge3A_556, %lt3A_559 : vector<16xi1>
    %jit3A_561 = arith.constant 2560 : i32
    %broadcast_in_dim3A_562 = vector.broadcast %jit3A_561 : i32 to vector<16xi32>
    %select_n3A_563 = arith.select %and3A_560, %sub3A_553, %broadcast_in_dim3A_562 : vector<16xi1>, vector<16xi32>
    %swap3A_564 = arith.constant 0 : i32
    %swap3A_565 = arith.index_cast %swap3A_564 : i32 to index
    %swap3A_566 = arith.constant 32 : index
    %swap3A_567 = tpu.vector_load %arg8[%swap3A_565, %swap3A_566] {strides = array<i32>} : memref<1x128xi32, #tpu.memory_space<vmem>>, vector<1x16xi32>,
    %swap3A_568 = vector.shape_cast %swap3A_567 : vector<1x16xi32> to vector<16xi32>
    %swap3A_569 = vector.shape_cast %select_n3A_563 : vector<16xi32> to vector<1x16xi32>
    tpu.vector_store %arg8[%swap3A_565, %swap3A_566], %swap3A_569 {strides = array<i32>} : memref<1x128xi32, #tpu.memory_space<vmem>>, vector<1x16xi32>,
    %get3A_570 = arith.constant 158 : i32
    %get3A_571 = arith.index_cast %get3A_570 : i32 to index
    %get3A_572 = arith.constant 48 : index
    %get3A_573 = tpu.vector_load %arg7[%get3A_571, %get3A_572] {strides = array<i32>} : memref<160x128xi32, #tpu.memory_space<vmem>>, vector<1x16xi32>,
    %get3A_574 = vector.shape_cast %get3A_573 : vector<1x16xi32> to vector<16xi32>
    %sub3A_575 = arith.constant 2560 : i32
    %sub3A_576 = vector.broadcast %sub3A_575 : i32 to vector<16xi32>
    %sub3A_577 = arith.subi %get3A_574, %sub3A_576 : vector<16xi32>
    %ge3A_578 = arith.constant 0 : i32
    %ge3A_579 = vector.broadcast %ge3A_578 : i32 to vector<16xi32>
    %ge3A_580 = arith.cmpi sge, %sub3A_577, %ge3A_579 : vector<16xi32>
    %lt3A_581 = arith.constant 2560 : i32
    %lt3A_582 = vector.broadcast %lt3A_581 : i32 to vector<16xi32>
    %lt3A_583 = arith.cmpi slt, %sub3A_577, %lt3A_582 : vector<16xi32>
    %and3A_584 = arith.andi %ge3A_580, %lt3A_583 : vector<16xi1>
    %jit3A_585 = arith.constant 2560 : i32
    %broadcast_in_dim3A_586 = vector.broadcast %jit3A_585 : i32 to vector<16xi32>
    %select_n3A_587 = arith.select %and3A_584, %sub3A_577, %broadcast_in_dim3A_586 : vector<16xi1>, vector<16xi32>
    %swap3A_588 = arith.constant 0 : i32
    %swap3A_589 = arith.index_cast %swap3A_588 : i32 to index
    %swap3A_590 = arith.constant 48 : index
    %swap3A_591 = tpu.vector_load %arg8[%swap3A_589, %swap3A_590] {strides = array<i32>} : memref<1x128xi32, #tpu.memory_space<vmem>>, vector<1x16xi32>,
    %swap3A_592 = vector.shape_cast %swap3A_591 : vector<1x16xi32> to vector<16xi32>
    %swap3A_593 = vector.shape_cast %select_n3A_587 : vector<16xi32> to vector<1x16xi32>
    tpu.vector_store %arg8[%swap3A_589, %swap3A_590], %swap3A_593 {strides = array<i32>} : memref<1x128xi32, #tpu.memory_space<vmem>>, vector<1x16xi32>,
    %get3A_594 = arith.constant 158 : i32
    %get3A_595 = arith.index_cast %get3A_594 : i32 to index
    %get3A_596 = arith.constant 64 : index
    %get3A_597 = tpu.vector_load %arg7[%get3A_595, %get3A_596] {strides = array<i32>} : memref<160x128xi32, #tpu.memory_space<vmem>>, vector<1x16xi32>,
    %get3A_598 = vector.shape_cast %get3A_597 : vector<1x16xi32> to vector<16xi32>
    %sub3A_599 = arith.constant 2560 : i32
    %sub3A_600 = vector.broadcast %sub3A_599 : i32 to vector<16xi32>
    %sub3A_601 = arith.subi %get3A_598, %sub3A_600 : vector<16xi32>
    %ge3A_602 = arith.constant 0 : i32
    %ge3A_603 = vector.broadcast %ge3A_602 : i32 to vector<16xi32>
    %ge3A_604 = arith.cmpi sge, %sub3A_601, %ge3A_603 : vector<16xi32>
    %lt3A_605 = arith.constant 2560 : i32
    %lt3A_606 = vector.broadcast %lt3A_605 : i32 to vector<16xi32>
    %lt3A_607 = arith.cmpi slt, %sub3A_601, %lt3A_606 : vector<16xi32>
    %and3A_608 = arith.andi %ge3A_604, %lt3A_607 : vector<16xi1>
    %jit3A_609 = arith.constant 2560 : i32
    %broadcast_in_dim3A_610 = vector.broadcast %jit3A_609 : i32 to vector<16xi32>
    %select_n3A_611 = arith.select %and3A_608, %sub3A_601, %broadcast_in_dim3A_610 : vector<16xi1>, vector<16xi32>
    %swap3A_612 = arith.constant 0 : i32
    %swap3A_613 = arith.index_cast %swap3A_612 : i32 to index
    %swap3A_614 = arith.constant 64 : index
    %swap3A_615 = tpu.vector_load %arg8[%swap3A_613, %swap3A_614] {strides = array<i32>} : memref<1x128xi32, #tpu.memory_space<vmem>>, vector<1x16xi32>,
    %swap3A_616 = vector.shape_cast %swap3A_615 : vector<1x16xi32> to vector<16xi32>
    %swap3A_617 = vector.shape_cast %select_n3A_611 : vector<16xi32> to vector<1x16xi32>
    tpu.vector_store %arg8[%swap3A_613, %swap3A_614], %swap3A_617 {strides = array<i32>} : memref<1x128xi32, #tpu.memory_space<vmem>>, vector<1x16xi32>,
    %get3A_618 = arith.constant 158 : i32
    %get3A_619 = arith.index_cast %get3A_618 : i32 to index
    %get3A_620 = arith.constant 80 : index
    %get3A_621 = tpu.vector_load %arg7[%get3A_619, %get3A_620] {strides = array<i32>} : memref<160x128xi32, #tpu.memory_space<vmem>>, vector<1x16xi32>,
    %get3A_622 = vector.shape_cast %get3A_621 : vector<1x16xi32> to vector<16xi32>
    %sub3A_623 = arith.constant 2560 : i32
    %sub3A_624 = vector.broadcast %sub3A_623 : i32 to vector<16xi32>
    %sub3A_625 = arith.subi %get3A_622, %sub3A_624 : vector<16xi32>
    %ge3A_626 = arith.constant 0 : i32
    %ge3A_627 = vector.broadcast %ge3A_626 : i32 to vector<16xi32>
    %ge3A_628 = arith.cmpi sge, %sub3A_625, %ge3A_627 : vector<16xi32>
    %lt3A_629 = arith.constant 2560 : i32
    %lt3A_630 = vector.broadcast %lt3A_629 : i32 to vector<16xi32>
    %lt3A_631 = arith.cmpi slt, %sub3A_625, %lt3A_630 : vector<16xi32>
    %and3A_632 = arith.andi %ge3A_628, %lt3A_631 : vector<16xi1>
    %jit3A_633 = arith.constant 2560 : i32
    %broadcast_in_dim3A_634 = vector.broadcast %jit3A_633 : i32 to vector<16xi32>
    %select_n3A_635 = arith.select %and3A_632, %sub3A_625, %broadcast_in_dim3A_634 : vector<16xi1>, vector<16xi32>
    %swap3A_636 = arith.constant 0 : i32
    %swap3A_637 = arith.index_cast %swap3A_636 : i32 to index
    %swap3A_638 = arith.constant 80 : index
    %swap3A_639 = tpu.vector_load %arg8[%swap3A_637, %swap3A_638] {strides = array<i32>} : memref<1x128xi32, #tpu.memory_space<vmem>>, vector<1x16xi32>,
    %swap3A_640 = vector.shape_cast %swap3A_639 : vector<1x16xi32> to vector<16xi32>
    %swap3A_641 = vector.shape_cast %select_n3A_635 : vector<16xi32> to vector<1x16xi32>
    tpu.vector_store %arg8[%swap3A_637, %swap3A_638], %swap3A_641 {strides = array<i32>} : memref<1x128xi32, #tpu.memory_space<vmem>>, vector<1x16xi32>,
    %get3A_642 = arith.constant 158 : i32
    %get3A_643 = arith.index_cast %get3A_642 : i32 to index
    %get3A_644 = arith.constant 96 : index
    %get3A_645 = tpu.vector_load %arg7[%get3A_643, %get3A_644] {strides = array<i32>} : memref<160x128xi32, #tpu.memory_space<vmem>>, vector<1x16xi32>,
    %get3A_646 = vector.shape_cast %get3A_645 : vector<1x16xi32> to vector<16xi32>
    %sub3A_647 = arith.constant 2560 : i32
    %sub3A_648 = vector.broadcast %sub3A_647 : i32 to vector<16xi32>
    %sub3A_649 = arith.subi %get3A_646, %sub3A_648 : vector<16xi32>
    %ge3A_650 = arith.constant 0 : i32
    %ge3A_651 = vector.broadcast %ge3A_650 : i32 to vector<16xi32>
    %ge3A_652 = arith.cmpi sge, %sub3A_649, %ge3A_651 : vector<16xi32>
    %lt3A_653 = arith.constant 2560 : i32
    %lt3A_654 = vector.broadcast %lt3A_653 : i32 to vector<16xi32>
    %lt3A_655 = arith.cmpi slt, %sub3A_649, %lt3A_654 : vector<16xi32>
    %and3A_656 = arith.andi %ge3A_652, %lt3A_655 : vector<16xi1>
    %jit3A_657 = arith.constant 2560 : i32
    %broadcast_in_dim3A_658 = vector.broadcast %jit3A_657 : i32 to vector<16xi32>
    %select_n3A_659 = arith.select %and3A_656, %sub3A_649, %broadcast_in_dim3A_658 : vector<16xi1>, vector<16xi32>
    %swap3A_660 = arith.constant 0 : i32
    %swap3A_661 = arith.index_cast %swap3A_660 : i32 to index
    %swap3A_662 = arith.constant 96 : index
    %swap3A_663 = tpu.vector_load %arg8[%swap3A_661, %swap3A_662] {strides = array<i32>} : memref<1x128xi32, #tpu.memory_space<vmem>>, vector<1x16xi32>,
    %swap3A_664 = vector.shape_cast %swap3A_663 : vector<1x16xi32> to vector<16xi32>
    %swap3A_665 = vector.shape_cast %select_n3A_659 : vector<16xi32> to vector<1x16xi32>
    tpu.vector_store %arg8[%swap3A_661, %swap3A_662], %swap3A_665 {strides = array<i32>} : memref<1x128xi32, #tpu.memory_space<vmem>>, vector<1x16xi32>,
    %get3A_666 = arith.constant 158 : i32
    %get3A_667 = arith.index_cast %get3A_666 : i32 to index
    %get3A_668 = arith.constant 112 : index
    %get3A_669 = tpu.vector_load %arg7[%get3A_667, %get3A_668] {strides = array<i32>} : memref<160x128xi32, #tpu.memory_space<vmem>>, vector<1x16xi32>,
    %get3A_670 = vector.shape_cast %get3A_669 : vector<1x16xi32> to vector<16xi32>
    %sub3A_671 = arith.constant 2560 : i32
    %sub3A_672 = vector.broadcast %sub3A_671 : i32 to vector<16xi32>
    %sub3A_673 = arith.subi %get3A_670, %sub3A_672 : vector<16xi32>
    %ge3A_674 = arith.constant 0 : i32
    %ge3A_675 = vector.broadcast %ge3A_674 : i32 to vector<16xi32>
    %ge3A_676 = arith.cmpi sge, %sub3A_673, %ge3A_675 : vector<16xi32>
    %lt3A_677 = arith.constant 2560 : i32
    %lt3A_678 = vector.broadcast %lt3A_677 : i32 to vector<16xi32>
    %lt3A_679 = arith.cmpi slt, %sub3A_673, %lt3A_678 : vector<16xi32>
    %and3A_680 = arith.andi %ge3A_676, %lt3A_679 : vector<16xi1>
    %jit3A_681 = arith.constant 2560 : i32
    %broadcast_in_dim3A_682 = vector.broadcast %jit3A_681 : i32 to vector<16xi32>
    %select_n3A_683 = arith.select %and3A_680, %sub3A_673, %broadcast_in_dim3A_682 : vector<16xi1>, vector<16xi32>
    %swap3A_684 = arith.constant 0 : i32
    %swap3A_685 = arith.index_cast %swap3A_684 : i32 to index
    %swap3A_686 = arith.constant 112 : index
    %swap3A_687 = tpu.vector_load %arg8[%swap3A_685, %swap3A_686] {strides = array<i32>} : memref<1x128xi32, #tpu.memory_space<vmem>>, vector<1x16xi32>,
    %swap3A_688 = vector.shape_cast %swap3A_687 : vector<1x16xi32> to vector<16xi32>
    %swap3A_689 = vector.shape_cast %select_n3A_683 : vector<16xi32> to vector<1x16xi32>
    tpu.vector_store %arg8[%swap3A_685, %swap3A_686], %swap3A_689 {strides = array<i32>} : memref<1x128xi32, #tpu.memory_space<vmem>>, vector<1x16xi32>,
    %run_scoped3A_690 = arith.constant 0 : i32
    "tpu.region"() ({
      %run_scoped3A_1807 = tpu.sem_alloc : memref<!tpu.dma_semaphore, #tpu.memory_space<semaphore_mem>>
      %dma_start3A_1808 = arith.constant 0 : i32
      %dma_start3A_1809 = tpu.memref_slice %arg8[%run_scoped3A_690, %dma_start3A_1808] : memref<1x128xi32, #tpu.memory_space<vmem>> -> memref<1x128xi32, #tpu.memory_space<vmem>>
      %dma_start3A_1810 = tpu.memref_squeeze %dma_start3A_1809 : memref<1x128xi32, #tpu.memory_space<vmem>> -> memref<128xi32, #tpu.memory_space<vmem>>
      %dma_start3A_1811 = arith.constant 0 : i32
      %dma_start3A_1812 = arith.constant 0 : i32
      %dma_start3A_1813 = tpu.memref_slice %arg14[%dma_start3A_1811, %dma_start3A_1812] : memref<3072x128xf32, #tpu.memory_space<vmem_shared>> -> memref<3072x128xf32, #tpu.memory_space<vmem_shared>>
      tpu.enqueue_indirect_dma source(%arg9 : memref<128x128xf32, #tpu.memory_space<vmem>>) target(%dma_start3A_1813 : memref<3072x128xf32, #tpu.memory_space<vmem_shared>>) offsets(%dma_start3A_1810 : memref<128xi32, #tpu.memory_space<vmem>>) semaphore(%run_scoped3A_1807 : memref<!tpu.dma_semaphore, #tpu.memory_space<semaphore_mem>>) {add = true}
      %dma_wait3A_1814 = arith.constant 0 : i32
      %dma_wait3A_1815 = tpu.memref_slice %arg8[%run_scoped3A_690, %dma_wait3A_1814] : memref<1x128xi32, #tpu.memory_space<vmem>> -> memref<1x128xi32, #tpu.memory_space<vmem>>
      %dma_wait3A_1816 = tpu.memref_squeeze %dma_wait3A_1815 : memref<1x128xi32, #tpu.memory_space<vmem>> -> memref<128xi32, #tpu.memory_space<vmem>>
      %dma_wait3A_1817 = arith.constant 0 : i32
      %dma_wait3A_1818 = arith.constant 0 : i32
      %dma_wait3A_1819 = tpu.memref_slice %arg14[%dma_wait3A_1817, %dma_wait3A_1818] : memref<3072x128xf32, #tpu.memory_space<vmem_shared>> -> memref<3072x128xf32, #tpu.memory_space<vmem_shared>>
      tpu.wait_indirect_dma semaphore(%run_scoped3A_1807 : memref<!tpu.dma_semaphore, #tpu.memory_space<semaphore_mem>>) src(%arg9 : memref<128x128xf32, #tpu.memory_space<vmem>>) dst(%dma_wait3A_1819 : memref<3072x128xf32, #tpu.memory_space<vmem_shared>>)
      tpu.yield
    }) : () -> ()
    %dma_wait3A_691 = arith.constant 159 : i32
    %dma_wait3A_692 = arith.constant 0 : i32
    %dma_wait3A_693 = tpu.memref_slice %arg6[%dma_wait3A_691, %dma_wait3A_692] : memref<160x128xi32, #tpu.memory_space<vmem>> -> memref<1x128xi32, #tpu.memory_space<vmem>>
    %dma_wait3A_694 = tpu.memref_squeeze %dma_wait3A_693 : memref<1x128xi32, #tpu.memory_space<vmem>> -> memref<128xi32, #tpu.memory_space<vmem>>
    %dma_wait3A_695 = arith.constant 0 : i32
    %dma_wait3A_696 = arith.constant 0 : i32
    %dma_wait3A_697 = tpu.memref_slice %arg2[%arg0, %dma_wait3A_695, %dma_wait3A_696] : memref<2x10240x128xf32, #tpu.memory_space<hbm>> -> memref<1x10240x128xf32, #tpu.memory_space<hbm>>
    %dma_wait3A_698 = tpu.memref_squeeze %dma_wait3A_697 : memref<1x10240x128xf32, #tpu.memory_space<hbm>> -> memref<10240x128xf32, #tpu.memory_space<hbm>>
    %dma_wait3A_699 = arith.constant 0 : i32
    %dma_wait3A_700 = arith.constant 0 : i32
    %dma_wait3A_701 = tpu.memref_slice %dma_wait3A_698[%dma_wait3A_699, %dma_wait3A_700] : memref<10240x128xf32, #tpu.memory_space<hbm>> -> memref<10240x128xf32, #tpu.memory_space<hbm>>
    tpu.wait_indirect_dma semaphore(%arg13 : memref<!tpu.dma_semaphore, #tpu.memory_space<semaphore_mem>>) src(%dma_wait3A_701 : memref<10240x128xf32, #tpu.memory_space<hbm>>) dst(%arg10 : memref<128x128xf32, #tpu.memory_space<vmem>>)
    %get3A_702 = arith.constant 159 : i32
    %get3A_703 = arith.index_cast %get3A_702 : i32 to index
    %get3A_704 = arith.constant 0 : index
    %get3A_705 = tpu.vector_load %arg7[%get3A_703, %get3A_704] {strides = array<i32>} : memref<160x128xi32, #tpu.memory_space<vmem>>, vector<1x16xi32>,
    %get3A_706 = vector.shape_cast %get3A_705 : vector<1x16xi32> to vector<16xi32>
    %sub3A_707 = arith.constant 2560 : i32
    %sub3A_708 = vector.broadcast %sub3A_707 : i32 to vector<16xi32>
    %sub3A_709 = arith.subi %get3A_706, %sub3A_708 : vector<16xi32>
    %ge3A_710 = arith.constant 0 : i32
    %ge3A_711 = vector.broadcast %ge3A_710 : i32 to vector<16xi32>
    %ge3A_712 = arith.cmpi sge, %sub3A_709, %ge3A_711 : vector<16xi32>
    %lt3A_713 = arith.constant 2560 : i32
    %lt3A_714 = vector.broadcast %lt3A_713 : i32 to vector<16xi32>
    %lt3A_715 = arith.cmpi slt, %sub3A_709, %lt3A_714 : vector<16xi32>
    %and3A_716 = arith.andi %ge3A_712, %lt3A_715 : vector<16xi1>
    %jit3A_717 = arith.constant 2560 : i32
    %broadcast_in_dim3A_718 = vector.broadcast %jit3A_717 : i32 to vector<16xi32>
    %select_n3A_719 = arith.select %and3A_716, %sub3A_709, %broadcast_in_dim3A_718 : vector<16xi1>, vector<16xi32>
    %swap3A_720 = arith.constant 0 : i32
    %swap3A_721 = arith.index_cast %swap3A_720 : i32 to index
    %swap3A_722 = arith.constant 0 : index
    %swap3A_723 = tpu.vector_load %arg8[%swap3A_721, %swap3A_722] {strides = array<i32>} : memref<1x128xi32, #tpu.memory_space<vmem>>, vector<1x16xi32>,
    %swap3A_724 = vector.shape_cast %swap3A_723 : vector<1x16xi32> to vector<16xi32>
    %swap3A_725 = vector.shape_cast %select_n3A_719 : vector<16xi32> to vector<1x16xi32>
    tpu.vector_store %arg8[%swap3A_721, %swap3A_722], %swap3A_725 {strides = array<i32>} : memref<1x128xi32, #tpu.memory_space<vmem>>, vector<1x16xi32>,
    %get3A_726 = arith.constant 159 : i32
    %get3A_727 = arith.index_cast %get3A_726 : i32 to index
    %get3A_728 = arith.constant 16 : index
    %get3A_729 = tpu.vector_load %arg7[%get3A_727, %get3A_728] {strides = array<i32>} : memref<160x128xi32, #tpu.memory_space<vmem>>, vector<1x16xi32>,
    %get3A_730 = vector.shape_cast %get3A_729 : vector<1x16xi32> to vector<16xi32>
    %sub3A_731 = arith.constant 2560 : i32
    %sub3A_732 = vector.broadcast %sub3A_731 : i32 to vector<16xi32>
    %sub3A_733 = arith.subi %get3A_730, %sub3A_732 : vector<16xi32>
    %ge3A_734 = arith.constant 0 : i32
    %ge3A_735 = vector.broadcast %ge3A_734 : i32 to vector<16xi32>
    %ge3A_736 = arith.cmpi sge, %sub3A_733, %ge3A_735 : vector<16xi32>
    %lt3A_737 = arith.constant 2560 : i32
    %lt3A_738 = vector.broadcast %lt3A_737 : i32 to vector<16xi32>
    %lt3A_739 = arith.cmpi slt, %sub3A_733, %lt3A_738 : vector<16xi32>
    %and3A_740 = arith.andi %ge3A_736, %lt3A_739 : vector<16xi1>
    %jit3A_741 = arith.constant 2560 : i32
    %broadcast_in_dim3A_742 = vector.broadcast %jit3A_741 : i32 to vector<16xi32>
    %select_n3A_743 = arith.select %and3A_740, %sub3A_733, %broadcast_in_dim3A_742 : vector<16xi1>, vector<16xi32>
    %swap3A_744 = arith.constant 0 : i32
    %swap3A_745 = arith.index_cast %swap3A_744 : i32 to index
    %swap3A_746 = arith.constant 16 : index
    %swap3A_747 = tpu.vector_load %arg8[%swap3A_745, %swap3A_746] {strides = array<i32>} : memref<1x128xi32, #tpu.memory_space<vmem>>, vector<1x16xi32>,
    %swap3A_748 = vector.shape_cast %swap3A_747 : vector<1x16xi32> to vector<16xi32>
    %swap3A_749 = vector.shape_cast %select_n3A_743 : vector<16xi32> to vector<1x16xi32>
    tpu.vector_store %arg8[%swap3A_745, %swap3A_746], %swap3A_749 {strides = array<i32>} : memref<1x128xi32, #tpu.memory_space<vmem>>, vector<1x16xi32>,
    %get3A_750 = arith.constant 159 : i32
    %get3A_751 = arith.index_cast %get3A_750 : i32 to index
    %get3A_752 = arith.constant 32 : index
    %get3A_753 = tpu.vector_load %arg7[%get3A_751, %get3A_752] {strides = array<i32>} : memref<160x128xi32, #tpu.memory_space<vmem>>, vector<1x16xi32>,
    %get3A_754 = vector.shape_cast %get3A_753 : vector<1x16xi32> to vector<16xi32>
    %sub3A_755 = arith.constant 2560 : i32
    %sub3A_756 = vector.broadcast %sub3A_755 : i32 to vector<16xi32>
    %sub3A_757 = arith.subi %get3A_754, %sub3A_756 : vector<16xi32>
    %ge3A_758 = arith.constant 0 : i32
    %ge3A_759 = vector.broadcast %ge3A_758 : i32 to vector<16xi32>
    %ge3A_760 = arith.cmpi sge, %sub3A_757, %ge3A_759 : vector<16xi32>
    %lt3A_761 = arith.constant 2560 : i32
    %lt3A_762 = vector.broadcast %lt3A_761 : i32 to vector<16xi32>
    %lt3A_763 = arith.cmpi slt, %sub3A_757, %lt3A_762 : vector<16xi32>
    %and3A_764 = arith.andi %ge3A_760, %lt3A_763 : vector<16xi1>
    %jit3A_765 = arith.constant 2560 : i32
    %broadcast_in_dim3A_766 = vector.broadcast %jit3A_765 : i32 to vector<16xi32>
    %select_n3A_767 = arith.select %and3A_764, %sub3A_757, %broadcast_in_dim3A_766 : vector<16xi1>, vector<16xi32>
    %swap3A_768 = arith.constant 0 : i32
    %swap3A_769 = arith.index_cast %swap3A_768 : i32 to index
    %swap3A_770 = arith.constant 32 : index
    %swap3A_771 = tpu.vector_load %arg8[%swap3A_769, %swap3A_770] {strides = array<i32>} : memref<1x128xi32, #tpu.memory_space<vmem>>, vector<1x16xi32>,
    %swap3A_772 = vector.shape_cast %swap3A_771 : vector<1x16xi32> to vector<16xi32>
    %swap3A_773 = vector.shape_cast %select_n3A_767 : vector<16xi32> to vector<1x16xi32>
    tpu.vector_store %arg8[%swap3A_769, %swap3A_770], %swap3A_773 {strides = array<i32>} : memref<1x128xi32, #tpu.memory_space<vmem>>, vector<1x16xi32>,
    %get3A_774 = arith.constant 159 : i32
    %get3A_775 = arith.index_cast %get3A_774 : i32 to index
    %get3A_776 = arith.constant 48 : index
    %get3A_777 = tpu.vector_load %arg7[%get3A_775, %get3A_776] {strides = array<i32>} : memref<160x128xi32, #tpu.memory_space<vmem>>, vector<1x16xi32>,
    %get3A_778 = vector.shape_cast %get3A_777 : vector<1x16xi32> to vector<16xi32>
    %sub3A_779 = arith.constant 2560 : i32
    %sub3A_780 = vector.broadcast %sub3A_779 : i32 to vector<16xi32>
    %sub3A_781 = arith.subi %get3A_778, %sub3A_780 : vector<16xi32>
    %ge3A_782 = arith.constant 0 : i32
    %ge3A_783 = vector.broadcast %ge3A_782 : i32 to vector<16xi32>
    %ge3A_784 = arith.cmpi sge, %sub3A_781, %ge3A_783 : vector<16xi32>
    %lt3A_785 = arith.constant 2560 : i32
    %lt3A_786 = vector.broadcast %lt3A_785 : i32 to vector<16xi32>
    %lt3A_787 = arith.cmpi slt, %sub3A_781, %lt3A_786 : vector<16xi32>
    %and3A_788 = arith.andi %ge3A_784, %lt3A_787 : vector<16xi1>
    %jit3A_789 = arith.constant 2560 : i32
    %broadcast_in_dim3A_790 = vector.broadcast %jit3A_789 : i32 to vector<16xi32>
    %select_n3A_791 = arith.select %and3A_788, %sub3A_781, %broadcast_in_dim3A_790 : vector<16xi1>, vector<16xi32>
    %swap3A_792 = arith.constant 0 : i32
    %swap3A_793 = arith.index_cast %swap3A_792 : i32 to index
    %swap3A_794 = arith.constant 48 : index
    %swap3A_795 = tpu.vector_load %arg8[%swap3A_793, %swap3A_794] {strides = array<i32>} : memref<1x128xi32, #tpu.memory_space<vmem>>, vector<1x16xi32>,
    %swap3A_796 = vector.shape_cast %swap3A_795 : vector<1x16xi32> to vector<16xi32>
    %swap3A_797 = vector.shape_cast %select_n3A_791 : vector<16xi32> to vector<1x16xi32>
    tpu.vector_store %arg8[%swap3A_793, %swap3A_794], %swap3A_797 {strides = array<i32>} : memref<1x128xi32, #tpu.memory_space<vmem>>, vector<1x16xi32>,
    %get3A_798 = arith.constant 159 : i32
    %get3A_799 = arith.index_cast %get3A_798 : i32 to index
    %get3A_800 = arith.constant 64 : index
    %get3A_801 = tpu.vector_load %arg7[%get3A_799, %get3A_800] {strides = array<i32>} : memref<160x128xi32, #tpu.memory_space<vmem>>, vector<1x16xi32>,
    %get3A_802 = vector.shape_cast %get3A_801 : vector<1x16xi32> to vector<16xi32>
    %sub3A_803 = arith.constant 2560 : i32
    %sub3A_804 = vector.broadcast %sub3A_803 : i32 to vector<16xi32>
    %sub3A_805 = arith.subi %get3A_802, %sub3A_804 : vector<16xi32>
    %ge3A_806 = arith.constant 0 : i32
    %ge3A_807 = vector.broadcast %ge3A_806 : i32 to vector<16xi32>
    %ge3A_808 = arith.cmpi sge, %sub3A_805, %ge3A_807 : vector<16xi32>
    %lt3A_809 = arith.constant 2560 : i32
    %lt3A_810 = vector.broadcast %lt3A_809 : i32 to vector<16xi32>
    %lt3A_811 = arith.cmpi slt, %sub3A_805, %lt3A_810 : vector<16xi32>
    %and3A_812 = arith.andi %ge3A_808, %lt3A_811 : vector<16xi1>
    %jit3A_813 = arith.constant 2560 : i32
    %broadcast_in_dim3A_814 = vector.broadcast %jit3A_813 : i32 to vector<16xi32>
    %select_n3A_815 = arith.select %and3A_812, %sub3A_805, %broadcast_in_dim3A_814 : vector<16xi1>, vector<16xi32>
    %swap3A_816 = arith.constant 0 : i32
    %swap3A_817 = arith.index_cast %swap3A_816 : i32 to index
    %swap3A_818 = arith.constant 64 : index
    %swap3A_819 = tpu.vector_load %arg8[%swap3A_817, %swap3A_818] {strides = array<i32>} : memref<1x128xi32, #tpu.memory_space<vmem>>, vector<1x16xi32>,
    %swap3A_820 = vector.shape_cast %swap3A_819 : vector<1x16xi32> to vector<16xi32>
    %swap3A_821 = vector.shape_cast %select_n3A_815 : vector<16xi32> to vector<1x16xi32>
    tpu.vector_store %arg8[%swap3A_817, %swap3A_818], %swap3A_821 {strides = array<i32>} : memref<1x128xi32, #tpu.memory_space<vmem>>, vector<1x16xi32>,
    %get3A_822 = arith.constant 159 : i32
    %get3A_823 = arith.index_cast %get3A_822 : i32 to index
    %get3A_824 = arith.constant 80 : index
    %get3A_825 = tpu.vector_load %arg7[%get3A_823, %get3A_824] {strides = array<i32>} : memref<160x128xi32, #tpu.memory_space<vmem>>, vector<1x16xi32>,
    %get3A_826 = vector.shape_cast %get3A_825 : vector<1x16xi32> to vector<16xi32>
    %sub3A_827 = arith.constant 2560 : i32
    %sub3A_828 = vector.broadcast %sub3A_827 : i32 to vector<16xi32>
    %sub3A_829 = arith.subi %get3A_826, %sub3A_828 : vector<16xi32>
    %ge3A_830 = arith.constant 0 : i32
    %ge3A_831 = vector.broadcast %ge3A_830 : i32 to vector<16xi32>
    %ge3A_832 = arith.cmpi sge, %sub3A_829, %ge3A_831 : vector<16xi32>
    %lt3A_833 = arith.constant 2560 : i32
    %lt3A_834 = vector.broadcast %lt3A_833 : i32 to vector<16xi32>
    %lt3A_835 = arith.cmpi slt, %sub3A_829, %lt3A_834 : vector<16xi32>
    %and3A_836 = arith.andi %ge3A_832, %lt3A_835 : vector<16xi1>
    %jit3A_837 = arith.constant 2560 : i32
    %broadcast_in_dim3A_838 = vector.broadcast %jit3A_837 : i32 to vector<16xi32>
    %select_n3A_839 = arith.select %and3A_836, %sub3A_829, %broadcast_in_dim3A_838 : vector<16xi1>, vector<16xi32>
    %swap3A_840 = arith.constant 0 : i32
    %swap3A_841 = arith.index_cast %swap3A_840 : i32 to index
    %swap3A_842 = arith.constant 80 : index
    %swap3A_843 = tpu.vector_load %arg8[%swap3A_841, %swap3A_842] {strides = array<i32>} : memref<1x128xi32, #tpu.memory_space<vmem>>, vector<1x16xi32>,
    %swap3A_844 = vector.shape_cast %swap3A_843 : vector<1x16xi32> to vector<16xi32>
    %swap3A_845 = vector.shape_cast %select_n3A_839 : vector<16xi32> to vector<1x16xi32>
    tpu.vector_store %arg8[%swap3A_841, %swap3A_842], %swap3A_845 {strides = array<i32>} : memref<1x128xi32, #tpu.memory_space<vmem>>, vector<1x16xi32>,
    %get3A_846 = arith.constant 159 : i32
    %get3A_847 = arith.index_cast %get3A_846 : i32 to index
    %get3A_848 = arith.constant 96 : index
    %get3A_849 = tpu.vector_load %arg7[%get3A_847, %get3A_848] {strides = array<i32>} : memref<160x128xi32, #tpu.memory_space<vmem>>, vector<1x16xi32>,
    %get3A_850 = vector.shape_cast %get3A_849 : vector<1x16xi32> to vector<16xi32>
    %sub3A_851 = arith.constant 2560 : i32
    %sub3A_852 = vector.broadcast %sub3A_851 : i32 to vector<16xi32>
    %sub3A_853 = arith.subi %get3A_850, %sub3A_852 : vector<16xi32>
    %ge3A_854 = arith.constant 0 : i32
    %ge3A_855 = vector.broadcast %ge3A_854 : i32 to vector<16xi32>
    %ge3A_856 = arith.cmpi sge, %sub3A_853, %ge3A_855 : vector<16xi32>
    %lt3A_857 = arith.constant 2560 : i32
    %lt3A_858 = vector.broadcast %lt3A_857 : i32 to vector<16xi32>
    %lt3A_859 = arith.cmpi slt, %sub3A_853, %lt3A_858 : vector<16xi32>
    %and3A_860 = arith.andi %ge3A_856, %lt3A_859 : vector<16xi1>
    %jit3A_861 = arith.constant 2560 : i32
    %broadcast_in_dim3A_862 = vector.broadcast %jit3A_861 : i32 to vector<16xi32>
    %select_n3A_863 = arith.select %and3A_860, %sub3A_853, %broadcast_in_dim3A_862 : vector<16xi1>, vector<16xi32>
    %swap3A_864 = arith.constant 0 : i32
    %swap3A_865 = arith.index_cast %swap3A_864 : i32 to index
    %swap3A_866 = arith.constant 96 : index
    %swap3A_867 = tpu.vector_load %arg8[%swap3A_865, %swap3A_866] {strides = array<i32>} : memref<1x128xi32, #tpu.memory_space<vmem>>, vector<1x16xi32>,
    %swap3A_868 = vector.shape_cast %swap3A_867 : vector<1x16xi32> to vector<16xi32>
    %swap3A_869 = vector.shape_cast %select_n3A_863 : vector<16xi32> to vector<1x16xi32>
    tpu.vector_store %arg8[%swap3A_865, %swap3A_866], %swap3A_869 {strides = array<i32>} : memref<1x128xi32, #tpu.memory_space<vmem>>, vector<1x16xi32>,
    %get3A_870 = arith.constant 159 : i32
    %get3A_871 = arith.index_cast %get3A_870 : i32 to index
    %get3A_872 = arith.constant 112 : index
    %get3A_873 = tpu.vector_load %arg7[%get3A_871, %get3A_872] {strides = array<i32>} : memref<160x128xi32, #tpu.memory_space<vmem>>, vector<1x16xi32>,
    %get3A_874 = vector.shape_cast %get3A_873 : vector<1x16xi32> to vector<16xi32>
    %sub3A_875 = arith.constant 2560 : i32
    %sub3A_876 = vector.broadcast %sub3A_875 : i32 to vector<16xi32>
    %sub3A_877 = arith.subi %get3A_874, %sub3A_876 : vector<16xi32>
    %ge3A_878 = arith.constant 0 : i32
    %ge3A_879 = vector.broadcast %ge3A_878 : i32 to vector<16xi32>
    %ge3A_880 = arith.cmpi sge, %sub3A_877, %ge3A_879 : vector<16xi32>
    %lt3A_881 = arith.constant 2560 : i32
    %lt3A_882 = vector.broadcast %lt3A_881 : i32 to vector<16xi32>
    %lt3A_883 = arith.cmpi slt, %sub3A_877, %lt3A_882 : vector<16xi32>
    %and3A_884 = arith.andi %ge3A_880, %lt3A_883 : vector<16xi1>
    %jit3A_885 = arith.constant 2560 : i32
    %broadcast_in_dim3A_886 = vector.broadcast %jit3A_885 : i32 to vector<16xi32>
    %select_n3A_887 = arith.select %and3A_884, %sub3A_877, %broadcast_in_dim3A_886 : vector<16xi1>, vector<16xi32>
    %swap3A_888 = arith.constant 0 : i32
    %swap3A_889 = arith.index_cast %swap3A_888 : i32 to index
    %swap3A_890 = arith.constant 112 : index
    %swap3A_891 = tpu.vector_load %arg8[%swap3A_889, %swap3A_890] {strides = array<i32>} : memref<1x128xi32, #tpu.memory_space<vmem>>, vector<1x16xi32>,
    %swap3A_892 = vector.shape_cast %swap3A_891 : vector<1x16xi32> to vector<16xi32>
    %swap3A_893 = vector.shape_cast %select_n3A_887 : vector<16xi32> to vector<1x16xi32>
    tpu.vector_store %arg8[%swap3A_889, %swap3A_890], %swap3A_893 {strides = array<i32>} : memref<1x128xi32, #tpu.memory_space<vmem>>, vector<1x16xi32>,
    %run_scoped3A_894 = arith.constant 0 : i32
    "tpu.region"() ({
      %run_scoped3A_1807 = tpu.sem_alloc : memref<!tpu.dma_semaphore, #tpu.memory_space<semaphore_mem>>
      %dma_start3A_1808 = arith.constant 0 : i32
      %dma_start3A_1809 = tpu.memref_slice %arg8[%run_scoped3A_894, %dma_start3A_1808] : memref<1x128xi32, #tpu.memory_space<vmem>> -> memref<1x128xi32, #tpu.memory_space<vmem>>
      %dma_start3A_1810 = tpu.memref_squeeze %dma_start3A_1809 : memref<1x128xi32, #tpu.memory_space<vmem>> -> memref<128xi32, #tpu.memory_space<vmem>>
      %dma_start3A_1811 = arith.constant 0 : i32
      %dma_start3A_1812 = arith.constant 0 : i32
      %dma_start3A_1813 = tpu.memref_slice %arg14[%dma_start3A_1811, %dma_start3A_1812] : memref<3072x128xf32, #tpu.memory_space<vmem_shared>> -> memref<3072x128xf32, #tpu.memory_space<vmem_shared>>
      tpu.enqueue_indirect_dma source(%arg10 : memref<128x128xf32, #tpu.memory_space<vmem>>) target(%dma_start3A_1813 : memref<3072x128xf32, #tpu.memory_space<vmem_shared>>) offsets(%dma_start3A_1810 : memref<128xi32, #tpu.memory_space<vmem>>) semaphore(%run_scoped3A_1807 : memref<!tpu.dma_semaphore, #tpu.memory_space<semaphore_mem>>) {add = true}
      %dma_wait3A_1814 = arith.constant 0 : i32
      %dma_wait3A_1815 = tpu.memref_slice %arg8[%run_scoped3A_894, %dma_wait3A_1814] : memref<1x128xi32, #tpu.memory_space<vmem>> -> memref<1x128xi32, #tpu.memory_space<vmem>>
      %dma_wait3A_1816 = tpu.memref_squeeze %dma_wait3A_1815 : memref<1x128xi32, #tpu.memory_space<vmem>> -> memref<128xi32, #tpu.memory_space<vmem>>
      %dma_wait3A_1817 = arith.constant 0 : i32
      %dma_wait3A_1818 = arith.constant 0 : i32
      %dma_wait3A_1819 = tpu.memref_slice %arg14[%dma_wait3A_1817, %dma_wait3A_1818] : memref<3072x128xf32, #tpu.memory_space<vmem_shared>> -> memref<3072x128xf32, #tpu.memory_space<vmem_shared>>
      tpu.wait_indirect_dma semaphore(%run_scoped3A_1807 : memref<!tpu.dma_semaphore, #tpu.memory_space<semaphore_mem>>) src(%arg10 : memref<128x128xf32, #tpu.memory_space<vmem>>) dst(%dma_wait3A_1819 : memref<3072x128xf32, #tpu.memory_space<vmem_shared>>)
      tpu.yield
    }) : () -> ()
    %barrier3A_895 = arith.constant 0 : index
    tpu.barrier barrier_id(%barrier3A_895)
    %mul3A_896 = arith.constant 160 : i32
    %mul3A_897 = arith.muli %arg1, %mul3A_896 : i32
    %add3A_898 = arith.constant 2560 : i32
    %add3A_899 = arith.addi %add3A_898, %mul3A_897 : i32
    "tpu.region"() ({
      %run_scoped3A_1807 = tpu.sem_alloc : memref<!tpu.dma_semaphore, #tpu.memory_space<semaphore_mem>>
      %dma_start3A_1808 = arith.constant 0 : i32
      %dma_start3A_1809 = tpu.memref_slice %arg5[%arg0, %add3A_899, %dma_start3A_1808] : memref<2x10240x128xf32, #tpu.memory_space<hbm>> -> memref<1x160x128xf32, #tpu.memory_space<hbm>>
      %dma_start3A_1810 = tpu.memref_squeeze %dma_start3A_1809 : memref<1x160x128xf32, #tpu.memory_space<hbm>> -> memref<160x128xf32, #tpu.memory_space<hbm>>
      %dma_start3A_1811 = arith.constant 0 : i32
      %dma_start3A_1812 = tpu.memref_slice %arg14[%mul3A_897, %dma_start3A_1811] : memref<3072x128xf32, #tpu.memory_space<vmem_shared>> -> memref<160x128xf32, #tpu.memory_space<vmem_shared>>
      tpu.enqueue_dma source(%dma_start3A_1812 : memref<160x128xf32, #tpu.memory_space<vmem_shared>>) target(%dma_start3A_1810 : memref<160x128xf32, #tpu.memory_space<hbm>>) target_semaphore(%run_scoped3A_1807 : memref<!tpu.dma_semaphore, #tpu.memory_space<semaphore_mem>>)
      %dma_wait3A_1813 = arith.constant 0 : i32
      %dma_wait3A_1814 = tpu.memref_slice %arg5[%arg0, %add3A_899, %dma_wait3A_1813] : memref<2x10240x128xf32, #tpu.memory_space<hbm>> -> memref<1x160x128xf32, #tpu.memory_space<hbm>>
      %dma_wait3A_1815 = tpu.memref_squeeze %dma_wait3A_1814 : memref<1x160x128xf32, #tpu.memory_space<hbm>> -> memref<160x128xf32, #tpu.memory_space<hbm>>
      %dma_wait3A_1816 = arith.constant 0 : i32
      %dma_wait3A_1817 = tpu.memref_slice %arg14[%mul3A_897, %dma_wait3A_1816] : memref<3072x128xf32, #tpu.memory_space<vmem_shared>> -> memref<160x128xf32, #tpu.memory_space<vmem_shared>>
      tpu.wait_dma2 semaphore(%run_scoped3A_1807 : memref<!tpu.dma_semaphore, #tpu.memory_space<semaphore_mem>>) src(%dma_wait3A_1817 : memref<160x128xf32, #tpu.memory_space<vmem_shared>>) dst(%dma_wait3A_1815 : memref<160x128xf32, #tpu.memory_space<hbm>>)
      tpu.yield
    }) : () -> ()
    %barrier3A_900 = arith.constant 0 : index
    tpu.barrier barrier_id(%barrier3A_900)
    %mul3A_901 = arith.constant 192 : i32
    %mul3A_902 = arith.muli %arg1, %mul3A_901 : i32
    %add3A_903 = arith.constant 0 : i32
    %add3A_904 = arith.addi %mul3A_902, %add3A_903 : i32
    "tpu.region"() ({
      %run_scoped3A_1807 = tpu.sem_alloc : memref<!tpu.dma_semaphore, #tpu.memory_space<semaphore_mem>>
      %dma_start3A_1808 = arith.constant 0 : i32
      %dma_start3A_1809 = arith.constant 0 : i32
      %dma_start3A_1810 = tpu.memref_slice %arg11[%dma_start3A_1808, %dma_start3A_1809] : memref<128x128xf32, #tpu.memory_space<vmem>> -> memref<128x128xf32, #tpu.memory_space<vmem>>
      %dma_start3A_1811 = arith.constant 0 : i32
      %dma_start3A_1812 = tpu.memref_slice %arg14[%add3A_904, %dma_start3A_1811] : memref<3072x128xf32, #tpu.memory_space<vmem_shared>> -> memref<128x128xf32, #tpu.memory_space<vmem_shared>>
      %dma_start3A_1813 = arith.constant 0 : i32
      %dma_start3A_1814 = tpu.memref_slice %arg14[%add3A_904, %dma_start3A_1813] : memref<3072x128xf32, #tpu.memory_space<vmem_shared>> -> memref<128x128xf32, #tpu.memory_space<vmem_shared>>
      %dma_start3A_1815 = arith.constant 0 : i32
      %dma_start3A_1816 = arith.constant 0 : i32
      %dma_start3A_1817 = tpu.memref_slice %arg11[%dma_start3A_1815, %dma_start3A_1816] : memref<128x128xf32, #tpu.memory_space<vmem>> -> memref<128x128xf32, #tpu.memory_space<vmem>>
      tpu.enqueue_dma source(%dma_start3A_1817 : memref<128x128xf32, #tpu.memory_space<vmem>>) target(%dma_start3A_1814 : memref<128x128xf32, #tpu.memory_space<vmem_shared>>) target_semaphore(%run_scoped3A_1807 : memref<!tpu.dma_semaphore, #tpu.memory_space<semaphore_mem>>)
      %dma_wait3A_1818 = arith.constant 0 : i32
      %dma_wait3A_1819 = arith.constant 0 : i32
      %dma_wait3A_1820 = tpu.memref_slice %arg11[%dma_wait3A_1818, %dma_wait3A_1819] : memref<128x128xf32, #tpu.memory_space<vmem>> -> memref<128x128xf32, #tpu.memory_space<vmem>>
      %dma_wait3A_1821 = arith.constant 0 : i32
      %dma_wait3A_1822 = tpu.memref_slice %arg14[%add3A_904, %dma_wait3A_1821] : memref<3072x128xf32, #tpu.memory_space<vmem_shared>> -> memref<128x128xf32, #tpu.memory_space<vmem_shared>>
      %dma_wait3A_1823 = arith.constant 0 : i32
      %dma_wait3A_1824 = tpu.memref_slice %arg14[%add3A_904, %dma_wait3A_1823] : memref<3072x128xf32, #tpu.memory_space<vmem_shared>> -> memref<128x128xf32, #tpu.memory_space<vmem_shared>>
      %dma_wait3A_1825 = arith.constant 0 : i32
      %dma_wait3A_1826 = arith.constant 0 : i32
      %dma_wait3A_1827 = tpu.memref_slice %arg11[%dma_wait3A_1825, %dma_wait3A_1826] : memref<128x128xf32, #tpu.memory_space<vmem>> -> memref<128x128xf32, #tpu.memory_space<vmem>>
      tpu.wait_dma2 semaphore(%run_scoped3A_1807 : memref<!tpu.dma_semaphore, #tpu.memory_space<semaphore_mem>>) src(%dma_wait3A_1827 : memref<128x128xf32, #tpu.memory_space<vmem>>) dst(%dma_wait3A_1824 : memref<128x128xf32, #tpu.memory_space<vmem_shared>>)
      tpu.yield
    }) : () -> ()
    %mul3A_905 = arith.constant 192 : i32
    %mul3A_906 = arith.muli %arg1, %mul3A_905 : i32
    %add3A_907 = arith.constant 128 : i32
    %add3A_908 = arith.addi %mul3A_906, %add3A_907 : i32
    "tpu.region"() ({
      %run_scoped3A_1807 = tpu.sem_alloc : memref<!tpu.dma_semaphore, #tpu.memory_space<semaphore_mem>>
      %dma_start3A_1808 = arith.constant 0 : i32
      %dma_start3A_1809 = arith.constant 0 : i32
      %dma_start3A_1810 = tpu.memref_slice %arg11[%dma_start3A_1808, %dma_start3A_1809] : memref<128x128xf32, #tpu.memory_space<vmem>> -> memref<64x128xf32, #tpu.memory_space<vmem>>
      %dma_start3A_1811 = arith.constant 0 : i32
      %dma_start3A_1812 = tpu.memref_slice %arg14[%add3A_908, %dma_start3A_1811] : memref<3072x128xf32, #tpu.memory_space<vmem_shared>> -> memref<64x128xf32, #tpu.memory_space<vmem_shared>>
      %dma_start3A_1813 = arith.constant 0 : i32
      %dma_start3A_1814 = tpu.memref_slice %arg14[%add3A_908, %dma_start3A_1813] : memref<3072x128xf32, #tpu.memory_space<vmem_shared>> -> memref<64x128xf32, #tpu.memory_space<vmem_shared>>
      %dma_start3A_1815 = arith.constant 0 : i32
      %dma_start3A_1816 = arith.constant 0 : i32
      %dma_start3A_1817 = tpu.memref_slice %arg11[%dma_start3A_1815, %dma_start3A_1816] : memref<128x128xf32, #tpu.memory_space<vmem>> -> memref<64x128xf32, #tpu.memory_space<vmem>>
      tpu.enqueue_dma source(%dma_start3A_1817 : memref<64x128xf32, #tpu.memory_space<vmem>>) target(%dma_start3A_1814 : memref<64x128xf32, #tpu.memory_space<vmem_shared>>) target_semaphore(%run_scoped3A_1807 : memref<!tpu.dma_semaphore, #tpu.memory_space<semaphore_mem>>)
      %dma_wait3A_1818 = arith.constant 0 : i32
      %dma_wait3A_1819 = arith.constant 0 : i32
      %dma_wait3A_1820 = tpu.memref_slice %arg11[%dma_wait3A_1818, %dma_wait3A_1819] : memref<128x128xf32, #tpu.memory_space<vmem>> -> memref<64x128xf32, #tpu.memory_space<vmem>>
      %dma_wait3A_1821 = arith.constant 0 : i32
      %dma_wait3A_1822 = tpu.memref_slice %arg14[%add3A_908, %dma_wait3A_1821] : memref<3072x128xf32, #tpu.memory_space<vmem_shared>> -> memref<64x128xf32, #tpu.memory_space<vmem_shared>>
      %dma_wait3A_1823 = arith.constant 0 : i32
      %dma_wait3A_1824 = tpu.memref_slice %arg14[%add3A_908, %dma_wait3A_1823] : memref<3072x128xf32, #tpu.memory_space<vmem_shared>> -> memref<64x128xf32, #tpu.memory_space<vmem_shared>>
      %dma_wait3A_1825 = arith.constant 0 : i32
      %dma_wait3A_1826 = arith.constant 0 : i32
      %dma_wait3A_1827 = tpu.memref_slice %arg11[%dma_wait3A_1825, %dma_wait3A_1826] : memref<128x128xf32, #tpu.memory_space<vmem>> -> memref<64x128xf32, #tpu.memory_space<vmem>>
      tpu.wait_dma2 semaphore(%run_scoped3A_1807 : memref<!tpu.dma_semaphore, #tpu.memory_space<semaphore_mem>>) src(%dma_wait3A_1827 : memref<64x128xf32, #tpu.memory_space<vmem>>) dst(%dma_wait3A_1824 : memref<64x128xf32, #tpu.memory_space<vmem_shared>>)
      tpu.yield
    }) : () -> ()
    %barrier3A_909 = arith.constant 0 : index
    tpu.barrier barrier_id(%barrier3A_909)
    %dma_start3A_910 = arith.constant 0 : i32
    %dma_start3A_911 = arith.constant 0 : i32
    %dma_start3A_912 = tpu.memref_slice %arg6[%dma_start3A_910, %dma_start3A_911] : memref<160x128xi32, #tpu.memory_space<vmem>> -> memref<1x128xi32, #tpu.memory_space<vmem>>
    %dma_start3A_913 = tpu.memref_squeeze %dma_start3A_912 : memref<1x128xi32, #tpu.memory_space<vmem>> -> memref<128xi32, #tpu.memory_space<vmem>>
    %dma_start3A_914 = arith.constant 0 : i32
    %dma_start3A_915 = arith.constant 0 : i32
    %dma_start3A_916 = tpu.memref_slice %arg2[%arg0, %dma_start3A_914, %dma_start3A_915] : memref<2x10240x128xf32, #tpu.memory_space<hbm>> -> memref<1x10240x128xf32, #tpu.memory_space<hbm>>
    %dma_start3A_917 = tpu.memref_squeeze %dma_start3A_916 : memref<1x10240x128xf32, #tpu.memory_space<hbm>> -> memref<10240x128xf32, #tpu.memory_space<hbm>>
    %dma_start3A_918 = arith.constant 0 : i32
    %dma_start3A_919 = arith.constant 0 : i32
    %dma_start3A_920 = tpu.memref_slice %dma_start3A_917[%dma_start3A_918, %dma_start3A_919] : memref<10240x128xf32, #tpu.memory_space<hbm>> -> memref<10240x128xf32, #tpu.memory_space<hbm>>
    tpu.enqueue_indirect_dma source(%dma_start3A_920 : memref<10240x128xf32, #tpu.memory_space<hbm>>) target(%arg9 : memref<128x128xf32, #tpu.memory_space<vmem>>) offsets(%dma_start3A_913 : memref<128xi32, #tpu.memory_space<vmem>>) semaphore(%arg12 : memref<!tpu.dma_semaphore, #tpu.memory_space<semaphore_mem>>)
    %dma_start3A_921 = arith.constant 1 : i32
    %dma_start3A_922 = arith.constant 0 : i32
    %dma_start3A_923 = tpu.memref_slice %arg6[%dma_start3A_921, %dma_start3A_922] : memref<160x128xi32, #tpu.memory_space<vmem>> -> memref<1x128xi32, #tpu.memory_space<vmem>>
    %dma_start3A_924 = tpu.memref_squeeze %dma_start3A_923 : memref<1x128xi32, #tpu.memory_space<vmem>> -> memref<128xi32, #tpu.memory_space<vmem>>
    %dma_start3A_925 = arith.constant 0 : i32
    %dma_start3A_926 = arith.constant 0 : i32
    %dma_start3A_927 = tpu.memref_slice %arg2[%arg0, %dma_start3A_925, %dma_start3A_926] : memref<2x10240x128xf32, #tpu.memory_space<hbm>> -> memref<1x10240x128xf32, #tpu.memory_space<hbm>>
    %dma_start3A_928 = tpu.memref_squeeze %dma_start3A_927 : memref<1x10240x128xf32, #tpu.memory_space<hbm>> -> memref<10240x128xf32, #tpu.memory_space<hbm>>
    %dma_start3A_929 = arith.constant 0 : i32
    %dma_start3A_930 = arith.constant 0 : i32
    %dma_start3A_931 = tpu.memref_slice %dma_start3A_928[%dma_start3A_929, %dma_start3A_930] : memref<10240x128xf32, #tpu.memory_space<hbm>> -> memref<10240x128xf32, #tpu.memory_space<hbm>>
    tpu.enqueue_indirect_dma source(%dma_start3A_931 : memref<10240x128xf32, #tpu.memory_space<hbm>>) target(%arg10 : memref<128x128xf32, #tpu.memory_space<vmem>>) offsets(%dma_start3A_924 : memref<128xi32, #tpu.memory_space<vmem>>) semaphore(%arg13 : memref<!tpu.dma_semaphore, #tpu.memory_space<semaphore_mem>>)
    %scan3A_932 = arith.constant 5120 : i32
    %scan3A_933 = arith.constant 0 : i32
    %scan3A_934 = arith.constant 0 : i32
    %scan3A_935 = arith.constant 79 : i32
    %scan3A_936 = arith.addi %scan3A_934, %scan3A_935 : i32
    %scan3A_937 = arith.constant 1 : i32
    %scan3A_938 = scf.for %scan3A_1807 = %scan3A_934 to %scan3A_936 step %scan3A_937 iter_args(%scan3A_1808 = %scan3A_933) -> (i32)  : i32 {
      %mul3A_1809 = arith.constant 2 : i32
      %mul3A_1810 = arith.muli %mul3A_1809, %scan3A_1807 : i32
      %dma_wait3A_1811 = arith.constant 0 : i32
      %dma_wait3A_1812 = tpu.memref_slice %arg6[%mul3A_1810, %dma_wait3A_1811] : memref<160x128xi32, #tpu.memory_space<vmem>> -> memref<1x128xi32, #tpu.memory_space<vmem>>
      %dma_wait3A_1813 = tpu.memref_squeeze %dma_wait3A_1812 : memref<1x128xi32, #tpu.memory_space<vmem>> -> memref<128xi32, #tpu.memory_space<vmem>>
      %dma_wait3A_1814 = arith.constant 0 : i32
      %dma_wait3A_1815 = arith.constant 0 : i32
      %dma_wait3A_1816 = tpu.memref_slice %arg2[%arg0, %dma_wait3A_1814, %dma_wait3A_1815] : memref<2x10240x128xf32, #tpu.memory_space<hbm>> -> memref<1x10240x128xf32, #tpu.memory_space<hbm>>
      %dma_wait3A_1817 = tpu.memref_squeeze %dma_wait3A_1816 : memref<1x10240x128xf32, #tpu.memory_space<hbm>> -> memref<10240x128xf32, #tpu.memory_space<hbm>>
      %dma_wait3A_1818 = arith.constant 0 : i32
      %dma_wait3A_1819 = arith.constant 0 : i32
      %dma_wait3A_1820 = tpu.memref_slice %dma_wait3A_1817[%dma_wait3A_1818, %dma_wait3A_1819] : memref<10240x128xf32, #tpu.memory_space<hbm>> -> memref<10240x128xf32, #tpu.memory_space<hbm>>
      tpu.wait_indirect_dma semaphore(%arg12 : memref<!tpu.dma_semaphore, #tpu.memory_space<semaphore_mem>>) src(%dma_wait3A_1820 : memref<10240x128xf32, #tpu.memory_space<hbm>>) dst(%arg9 : memref<128x128xf32, #tpu.memory_space<vmem>>)
      %get3A_1821 = arith.index_cast %mul3A_1810 : i32 to index
      %get3A_1822 = arith.constant 0 : index
      %get3A_1823 = tpu.vector_load %arg7[%get3A_1821, %get3A_1822] {strides = array<i32>} : memref<160x128xi32, #tpu.memory_space<vmem>>, vector<1x16xi32>,
      %get3A_1824 = vector.shape_cast %get3A_1823 : vector<1x16xi32> to vector<16xi32>
      %sub3A_1825 = vector.broadcast %scan3A_932 : i32 to vector<16xi32>
      %sub3A_1826 = arith.subi %get3A_1824, %sub3A_1825 : vector<16xi32>
      %ge3A_1827 = arith.constant 0 : i32
      %ge3A_1828 = vector.broadcast %ge3A_1827 : i32 to vector<16xi32>
      %ge3A_1829 = arith.cmpi sge, %sub3A_1826, %ge3A_1828 : vector<16xi32>
      %lt3A_1830 = arith.constant 2560 : i32
      %lt3A_1831 = vector.broadcast %lt3A_1830 : i32 to vector<16xi32>
      %lt3A_1832 = arith.cmpi slt, %sub3A_1826, %lt3A_1831 : vector<16xi32>
      %and3A_1833 = arith.andi %ge3A_1829, %lt3A_1832 : vector<16xi1>
      %jit3A_1834 = arith.constant 2560 : i32
      %broadcast_in_dim3A_1835 = vector.broadcast %jit3A_1834 : i32 to vector<16xi32>
      %select_n3A_1836 = arith.select %and3A_1833, %sub3A_1826, %broadcast_in_dim3A_1835 : vector<16xi1>, vector<16xi32>
      %swap3A_1837 = arith.constant 0 : i32
      %swap3A_1838 = arith.index_cast %swap3A_1837 : i32 to index
      %swap3A_1839 = arith.constant 0 : index
      %swap3A_1840 = tpu.vector_load %arg8[%swap3A_1838, %swap3A_1839] {strides = array<i32>} : memref<1x128xi32, #tpu.memory_space<vmem>>, vector<1x16xi32>,
      %swap3A_1841 = vector.shape_cast %swap3A_1840 : vector<1x16xi32> to vector<16xi32>
      %swap3A_1842 = vector.shape_cast %select_n3A_1836 : vector<16xi32> to vector<1x16xi32>
      tpu.vector_store %arg8[%swap3A_1838, %swap3A_1839], %swap3A_1842 {strides = array<i32>} : memref<1x128xi32, #tpu.memory_space<vmem>>, vector<1x16xi32>,
      %get3A_1843 = arith.index_cast %mul3A_1810 : i32 to index
      %get3A_1844 = arith.constant 16 : index
      %get3A_1845 = tpu.vector_load %arg7[%get3A_1843, %get3A_1844] {strides = array<i32>} : memref<160x128xi32, #tpu.memory_space<vmem>>, vector<1x16xi32>,
      %get3A_1846 = vector.shape_cast %get3A_1845 : vector<1x16xi32> to vector<16xi32>
      %sub3A_1847 = vector.broadcast %scan3A_932 : i32 to vector<16xi32>
      %sub3A_1848 = arith.subi %get3A_1846, %sub3A_1847 : vector<16xi32>
      %ge3A_1849 = arith.constant 0 : i32
      %ge3A_1850 = vector.broadcast %ge3A_1849 : i32 to vector<16xi32>
      %ge3A_1851 = arith.cmpi sge, %sub3A_1848, %ge3A_1850 : vector<16xi32>
      %lt3A_1852 = arith.constant 2560 : i32
      %lt3A_1853 = vector.broadcast %lt3A_1852 : i32 to vector<16xi32>
      %lt3A_1854 = arith.cmpi slt, %sub3A_1848, %lt3A_1853 : vector<16xi32>
      %and3A_1855 = arith.andi %ge3A_1851, %lt3A_1854 : vector<16xi1>
      %jit3A_1856 = arith.constant 2560 : i32
      %broadcast_in_dim3A_1857 = vector.broadcast %jit3A_1856 : i32 to vector<16xi32>
      %select_n3A_1858 = arith.select %and3A_1855, %sub3A_1848, %broadcast_in_dim3A_1857 : vector<16xi1>, vector<16xi32>
      %swap3A_1859 = arith.constant 0 : i32
      %swap3A_1860 = arith.index_cast %swap3A_1859 : i32 to index
      %swap3A_1861 = arith.constant 16 : index
      %swap3A_1862 = tpu.vector_load %arg8[%swap3A_1860, %swap3A_1861] {strides = array<i32>} : memref<1x128xi32, #tpu.memory_space<vmem>>, vector<1x16xi32>,
      %swap3A_1863 = vector.shape_cast %swap3A_1862 : vector<1x16xi32> to vector<16xi32>
      %swap3A_1864 = vector.shape_cast %select_n3A_1858 : vector<16xi32> to vector<1x16xi32>
      tpu.vector_store %arg8[%swap3A_1860, %swap3A_1861], %swap3A_1864 {strides = array<i32>} : memref<1x128xi32, #tpu.memory_space<vmem>>, vector<1x16xi32>,
      %get3A_1865 = arith.index_cast %mul3A_1810 : i32 to index
      %get3A_1866 = arith.constant 32 : index
      %get3A_1867 = tpu.vector_load %arg7[%get3A_1865, %get3A_1866] {strides = array<i32>} : memref<160x128xi32, #tpu.memory_space<vmem>>, vector<1x16xi32>,
      %get3A_1868 = vector.shape_cast %get3A_1867 : vector<1x16xi32> to vector<16xi32>
      %sub3A_1869 = vector.broadcast %scan3A_932 : i32 to vector<16xi32>
      %sub3A_1870 = arith.subi %get3A_1868, %sub3A_1869 : vector<16xi32>
      %ge3A_1871 = arith.constant 0 : i32
      %ge3A_1872 = vector.broadcast %ge3A_1871 : i32 to vector<16xi32>
      %ge3A_1873 = arith.cmpi sge, %sub3A_1870, %ge3A_1872 : vector<16xi32>
      %lt3A_1874 = arith.constant 2560 : i32
      %lt3A_1875 = vector.broadcast %lt3A_1874 : i32 to vector<16xi32>
      %lt3A_1876 = arith.cmpi slt, %sub3A_1870, %lt3A_1875 : vector<16xi32>
      %and3A_1877 = arith.andi %ge3A_1873, %lt3A_1876 : vector<16xi1>
      %jit3A_1878 = arith.constant 2560 : i32
      %broadcast_in_dim3A_1879 = vector.broadcast %jit3A_1878 : i32 to vector<16xi32>
      %select_n3A_1880 = arith.select %and3A_1877, %sub3A_1870, %broadcast_in_dim3A_1879 : vector<16xi1>, vector<16xi32>
      %swap3A_1881 = arith.constant 0 : i32
      %swap3A_1882 = arith.index_cast %swap3A_1881 : i32 to index
      %swap3A_1883 = arith.constant 32 : index
      %swap3A_1884 = tpu.vector_load %arg8[%swap3A_1882, %swap3A_1883] {strides = array<i32>} : memref<1x128xi32, #tpu.memory_space<vmem>>, vector<1x16xi32>,
      %swap3A_1885 = vector.shape_cast %swap3A_1884 : vector<1x16xi32> to vector<16xi32>
      %swap3A_1886 = vector.shape_cast %select_n3A_1880 : vector<16xi32> to vector<1x16xi32>
      tpu.vector_store %arg8[%swap3A_1882, %swap3A_1883], %swap3A_1886 {strides = array<i32>} : memref<1x128xi32, #tpu.memory_space<vmem>>, vector<1x16xi32>,
      %get3A_1887 = arith.index_cast %mul3A_1810 : i32 to index
      %get3A_1888 = arith.constant 48 : index
      %get3A_1889 = tpu.vector_load %arg7[%get3A_1887, %get3A_1888] {strides = array<i32>} : memref<160x128xi32, #tpu.memory_space<vmem>>, vector<1x16xi32>,
      %get3A_1890 = vector.shape_cast %get3A_1889 : vector<1x16xi32> to vector<16xi32>
      %sub3A_1891 = vector.broadcast %scan3A_932 : i32 to vector<16xi32>
      %sub3A_1892 = arith.subi %get3A_1890, %sub3A_1891 : vector<16xi32>
      %ge3A_1893 = arith.constant 0 : i32
      %ge3A_1894 = vector.broadcast %ge3A_1893 : i32 to vector<16xi32>
      %ge3A_1895 = arith.cmpi sge, %sub3A_1892, %ge3A_1894 : vector<16xi32>
      %lt3A_1896 = arith.constant 2560 : i32
      %lt3A_1897 = vector.broadcast %lt3A_1896 : i32 to vector<16xi32>
      %lt3A_1898 = arith.cmpi slt, %sub3A_1892, %lt3A_1897 : vector<16xi32>
      %and3A_1899 = arith.andi %ge3A_1895, %lt3A_1898 : vector<16xi1>
      %jit3A_1900 = arith.constant 2560 : i32
      %broadcast_in_dim3A_1901 = vector.broadcast %jit3A_1900 : i32 to vector<16xi32>
      %select_n3A_1902 = arith.select %and3A_1899, %sub3A_1892, %broadcast_in_dim3A_1901 : vector<16xi1>, vector<16xi32>
      %swap3A_1903 = arith.constant 0 : i32
      %swap3A_1904 = arith.index_cast %swap3A_1903 : i32 to index
      %swap3A_1905 = arith.constant 48 : index
      %swap3A_1906 = tpu.vector_load %arg8[%swap3A_1904, %swap3A_1905] {strides = array<i32>} : memref<1x128xi32, #tpu.memory_space<vmem>>, vector<1x16xi32>,
      %swap3A_1907 = vector.shape_cast %swap3A_1906 : vector<1x16xi32> to vector<16xi32>
      %swap3A_1908 = vector.shape_cast %select_n3A_1902 : vector<16xi32> to vector<1x16xi32>
      tpu.vector_store %arg8[%swap3A_1904, %swap3A_1905], %swap3A_1908 {strides = array<i32>} : memref<1x128xi32, #tpu.memory_space<vmem>>, vector<1x16xi32>,
      %get3A_1909 = arith.index_cast %mul3A_1810 : i32 to index
      %get3A_1910 = arith.constant 64 : index
      %get3A_1911 = tpu.vector_load %arg7[%get3A_1909, %get3A_1910] {strides = array<i32>} : memref<160x128xi32, #tpu.memory_space<vmem>>, vector<1x16xi32>,
      %get3A_1912 = vector.shape_cast %get3A_1911 : vector<1x16xi32> to vector<16xi32>
      %sub3A_1913 = vector.broadcast %scan3A_932 : i32 to vector<16xi32>
      %sub3A_1914 = arith.subi %get3A_1912, %sub3A_1913 : vector<16xi32>
      %ge3A_1915 = arith.constant 0 : i32
      %ge3A_1916 = vector.broadcast %ge3A_1915 : i32 to vector<16xi32>
      %ge3A_1917 = arith.cmpi sge, %sub3A_1914, %ge3A_1916 : vector<16xi32>
      %lt3A_1918 = arith.constant 2560 : i32
      %lt3A_1919 = vector.broadcast %lt3A_1918 : i32 to vector<16xi32>
      %lt3A_1920 = arith.cmpi slt, %sub3A_1914, %lt3A_1919 : vector<16xi32>
      %and3A_1921 = arith.andi %ge3A_1917, %lt3A_1920 : vector<16xi1>
      %jit3A_1922 = arith.constant 2560 : i32
      %broadcast_in_dim3A_1923 = vector.broadcast %jit3A_1922 : i32 to vector<16xi32>
      %select_n3A_1924 = arith.select %and3A_1921, %sub3A_1914, %broadcast_in_dim3A_1923 : vector<16xi1>, vector<16xi32>
      %swap3A_1925 = arith.constant 0 : i32
      %swap3A_1926 = arith.index_cast %swap3A_1925 : i32 to index
      %swap3A_1927 = arith.constant 64 : index
      %swap3A_1928 = tpu.vector_load %arg8[%swap3A_1926, %swap3A_1927] {strides = array<i32>} : memref<1x128xi32, #tpu.memory_space<vmem>>, vector<1x16xi32>,
      %swap3A_1929 = vector.shape_cast %swap3A_1928 : vector<1x16xi32> to vector<16xi32>
      %swap3A_1930 = vector.shape_cast %select_n3A_1924 : vector<16xi32> to vector<1x16xi32>
      tpu.vector_store %arg8[%swap3A_1926, %swap3A_1927], %swap3A_1930 {strides = array<i32>} : memref<1x128xi32, #tpu.memory_space<vmem>>, vector<1x16xi32>,
      %get3A_1931 = arith.index_cast %mul3A_1810 : i32 to index
      %get3A_1932 = arith.constant 80 : index
      %get3A_1933 = tpu.vector_load %arg7[%get3A_1931, %get3A_1932] {strides = array<i32>} : memref<160x128xi32, #tpu.memory_space<vmem>>, vector<1x16xi32>,
      %get3A_1934 = vector.shape_cast %get3A_1933 : vector<1x16xi32> to vector<16xi32>
      %sub3A_1935 = vector.broadcast %scan3A_932 : i32 to vector<16xi32>
      %sub3A_1936 = arith.subi %get3A_1934, %sub3A_1935 : vector<16xi32>
      %ge3A_1937 = arith.constant 0 : i32
      %ge3A_1938 = vector.broadcast %ge3A_1937 : i32 to vector<16xi32>
      %ge3A_1939 = arith.cmpi sge, %sub3A_1936, %ge3A_1938 : vector<16xi32>
      %lt3A_1940 = arith.constant 2560 : i32
      %lt3A_1941 = vector.broadcast %lt3A_1940 : i32 to vector<16xi32>
      %lt3A_1942 = arith.cmpi slt, %sub3A_1936, %lt3A_1941 : vector<16xi32>
      %and3A_1943 = arith.andi %ge3A_1939, %lt3A_1942 : vector<16xi1>
      %jit3A_1944 = arith.constant 2560 : i32
      %broadcast_in_dim3A_1945 = vector.broadcast %jit3A_1944 : i32 to vector<16xi32>
      %select_n3A_1946 = arith.select %and3A_1943, %sub3A_1936, %broadcast_in_dim3A_1945 : vector<16xi1>, vector<16xi32>
      %swap3A_1947 = arith.constant 0 : i32
      %swap3A_1948 = arith.index_cast %swap3A_1947 : i32 to index
      %swap3A_1949 = arith.constant 80 : index
      %swap3A_1950 = tpu.vector_load %arg8[%swap3A_1948, %swap3A_1949] {strides = array<i32>} : memref<1x128xi32, #tpu.memory_space<vmem>>, vector<1x16xi32>,
      %swap3A_1951 = vector.shape_cast %swap3A_1950 : vector<1x16xi32> to vector<16xi32>
      %swap3A_1952 = vector.shape_cast %select_n3A_1946 : vector<16xi32> to vector<1x16xi32>
      tpu.vector_store %arg8[%swap3A_1948, %swap3A_1949], %swap3A_1952 {strides = array<i32>} : memref<1x128xi32, #tpu.memory_space<vmem>>, vector<1x16xi32>,
      %get3A_1953 = arith.index_cast %mul3A_1810 : i32 to index
      %get3A_1954 = arith.constant 96 : index
      %get3A_1955 = tpu.vector_load %arg7[%get3A_1953, %get3A_1954] {strides = array<i32>} : memref<160x128xi32, #tpu.memory_space<vmem>>, vector<1x16xi32>,
      %get3A_1956 = vector.shape_cast %get3A_1955 : vector<1x16xi32> to vector<16xi32>
      %sub3A_1957 = vector.broadcast %scan3A_932 : i32 to vector<16xi32>
      %sub3A_1958 = arith.subi %get3A_1956, %sub3A_1957 : vector<16xi32>
      %ge3A_1959 = arith.constant 0 : i32
      %ge3A_1960 = vector.broadcast %ge3A_1959 : i32 to vector<16xi32>
      %ge3A_1961 = arith.cmpi sge, %sub3A_1958, %ge3A_1960 : vector<16xi32>
      %lt3A_1962 = arith.constant 2560 : i32
      %lt3A_1963 = vector.broadcast %lt3A_1962 : i32 to vector<16xi32>
      %lt3A_1964 = arith.cmpi slt, %sub3A_1958, %lt3A_1963 : vector<16xi32>
      %and3A_1965 = arith.andi %ge3A_1961, %lt3A_1964 : vector<16xi1>
      %jit3A_1966 = arith.constant 2560 : i32
      %broadcast_in_dim3A_1967 = vector.broadcast %jit3A_1966 : i32 to vector<16xi32>
      %select_n3A_1968 = arith.select %and3A_1965, %sub3A_1958, %broadcast_in_dim3A_1967 : vector<16xi1>, vector<16xi32>
      %swap3A_1969 = arith.constant 0 : i32
      %swap3A_1970 = arith.index_cast %swap3A_1969 : i32 to index
      %swap3A_1971 = arith.constant 96 : index
      %swap3A_1972 = tpu.vector_load %arg8[%swap3A_1970, %swap3A_1971] {strides = array<i32>} : memref<1x128xi32, #tpu.memory_space<vmem>>, vector<1x16xi32>,
      %swap3A_1973 = vector.shape_cast %swap3A_1972 : vector<1x16xi32> to vector<16xi32>
      %swap3A_1974 = vector.shape_cast %select_n3A_1968 : vector<16xi32> to vector<1x16xi32>
      tpu.vector_store %arg8[%swap3A_1970, %swap3A_1971], %swap3A_1974 {strides = array<i32>} : memref<1x128xi32, #tpu.memory_space<vmem>>, vector<1x16xi32>,
      %get3A_1975 = arith.index_cast %mul3A_1810 : i32 to index
      %get3A_1976 = arith.constant 112 : index
      %get3A_1977 = tpu.vector_load %arg7[%get3A_1975, %get3A_1976] {strides = array<i32>} : memref<160x128xi32, #tpu.memory_space<vmem>>, vector<1x16xi32>,
      %get3A_1978 = vector.shape_cast %get3A_1977 : vector<1x16xi32> to vector<16xi32>
      %sub3A_1979 = vector.broadcast %scan3A_932 : i32 to vector<16xi32>
      %sub3A_1980 = arith.subi %get3A_1978, %sub3A_1979 : vector<16xi32>
      %ge3A_1981 = arith.constant 0 : i32
      %ge3A_1982 = vector.broadcast %ge3A_1981 : i32 to vector<16xi32>
      %ge3A_1983 = arith.cmpi sge, %sub3A_1980, %ge3A_1982 : vector<16xi32>
      %lt3A_1984 = arith.constant 2560 : i32
      %lt3A_1985 = vector.broadcast %lt3A_1984 : i32 to vector<16xi32>
      %lt3A_1986 = arith.cmpi slt, %sub3A_1980, %lt3A_1985 : vector<16xi32>
      %and3A_1987 = arith.andi %ge3A_1983, %lt3A_1986 : vector<16xi1>
      %jit3A_1988 = arith.constant 2560 : i32
      %broadcast_in_dim3A_1989 = vector.broadcast %jit3A_1988 : i32 to vector<16xi32>
      %select_n3A_1990 = arith.select %and3A_1987, %sub3A_1980, %broadcast_in_dim3A_1989 : vector<16xi1>, vector<16xi32>
      %swap3A_1991 = arith.constant 0 : i32
      %swap3A_1992 = arith.index_cast %swap3A_1991 : i32 to index
      %swap3A_1993 = arith.constant 112 : index
      %swap3A_1994 = tpu.vector_load %arg8[%swap3A_1992, %swap3A_1993] {strides = array<i32>} : memref<1x128xi32, #tpu.memory_space<vmem>>, vector<1x16xi32>,
      %swap3A_1995 = vector.shape_cast %swap3A_1994 : vector<1x16xi32> to vector<16xi32>
      %swap3A_1996 = vector.shape_cast %select_n3A_1990 : vector<16xi32> to vector<1x16xi32>
      tpu.vector_store %arg8[%swap3A_1992, %swap3A_1993], %swap3A_1996 {strides = array<i32>} : memref<1x128xi32, #tpu.memory_space<vmem>>, vector<1x16xi32>,
      %run_scoped3A_1997 = arith.constant 0 : i32
      "tpu.region"() ({
        %run_scoped3A_2214 = tpu.sem_alloc : memref<!tpu.dma_semaphore, #tpu.memory_space<semaphore_mem>>
        %dma_start3A_2215 = arith.constant 0 : i32
        %dma_start3A_2216 = tpu.memref_slice %arg8[%run_scoped3A_1997, %dma_start3A_2215] : memref<1x128xi32, #tpu.memory_space<vmem>> -> memref<1x128xi32, #tpu.memory_space<vmem>>
        %dma_start3A_2217 = tpu.memref_squeeze %dma_start3A_2216 : memref<1x128xi32, #tpu.memory_space<vmem>> -> memref<128xi32, #tpu.memory_space<vmem>>
        %dma_start3A_2218 = arith.constant 0 : i32
        %dma_start3A_2219 = arith.constant 0 : i32
        %dma_start3A_2220 = tpu.memref_slice %arg14[%dma_start3A_2218, %dma_start3A_2219] : memref<3072x128xf32, #tpu.memory_space<vmem_shared>> -> memref<3072x128xf32, #tpu.memory_space<vmem_shared>>
        tpu.enqueue_indirect_dma source(%arg9 : memref<128x128xf32, #tpu.memory_space<vmem>>) target(%dma_start3A_2220 : memref<3072x128xf32, #tpu.memory_space<vmem_shared>>) offsets(%dma_start3A_2217 : memref<128xi32, #tpu.memory_space<vmem>>) semaphore(%run_scoped3A_2214 : memref<!tpu.dma_semaphore, #tpu.memory_space<semaphore_mem>>) {add = true}
        %dma_wait3A_2221 = arith.constant 0 : i32
        %dma_wait3A_2222 = tpu.memref_slice %arg8[%run_scoped3A_1997, %dma_wait3A_2221] : memref<1x128xi32, #tpu.memory_space<vmem>> -> memref<1x128xi32, #tpu.memory_space<vmem>>
        %dma_wait3A_2223 = tpu.memref_squeeze %dma_wait3A_2222 : memref<1x128xi32, #tpu.memory_space<vmem>> -> memref<128xi32, #tpu.memory_space<vmem>>
        %dma_wait3A_2224 = arith.constant 0 : i32
        %dma_wait3A_2225 = arith.constant 0 : i32
        %dma_wait3A_2226 = tpu.memref_slice %arg14[%dma_wait3A_2224, %dma_wait3A_2225] : memref<3072x128xf32, #tpu.memory_space<vmem_shared>> -> memref<3072x128xf32, #tpu.memory_space<vmem_shared>>
        tpu.wait_indirect_dma semaphore(%run_scoped3A_2214 : memref<!tpu.dma_semaphore, #tpu.memory_space<semaphore_mem>>) src(%arg9 : memref<128x128xf32, #tpu.memory_space<vmem>>) dst(%dma_wait3A_2226 : memref<3072x128xf32, #tpu.memory_space<vmem_shared>>)
        tpu.yield
      }) : () -> ()
      %add3A_1998 = arith.constant 2 : i32
      %add3A_1999 = arith.addi %mul3A_1810, %add3A_1998 : i32
      %dma_start3A_2000 = arith.constant 0 : i32
      %dma_start3A_2001 = tpu.memref_slice %arg6[%add3A_1999, %dma_start3A_2000] : memref<160x128xi32, #tpu.memory_space<vmem>> -> memref<1x128xi32, #tpu.memory_space<vmem>>
      %dma_start3A_2002 = tpu.memref_squeeze %dma_start3A_2001 : memref<1x128xi32, #tpu.memory_space<vmem>> -> memref<128xi32, #tpu.memory_space<vmem>>
      %dma_start3A_2003 = arith.constant 0 : i32
      %dma_start3A_2004 = arith.constant 0 : i32
      %dma_start3A_2005 = tpu.memref_slice %arg2[%arg0, %dma_start3A_2003, %dma_start3A_2004] : memref<2x10240x128xf32, #tpu.memory_space<hbm>> -> memref<1x10240x128xf32, #tpu.memory_space<hbm>>
      %dma_start3A_2006 = tpu.memref_squeeze %dma_start3A_2005 : memref<1x10240x128xf32, #tpu.memory_space<hbm>> -> memref<10240x128xf32, #tpu.memory_space<hbm>>
      %dma_start3A_2007 = arith.constant 0 : i32
      %dma_start3A_2008 = arith.constant 0 : i32
      %dma_start3A_2009 = tpu.memref_slice %dma_start3A_2006[%dma_start3A_2007, %dma_start3A_2008] : memref<10240x128xf32, #tpu.memory_space<hbm>> -> memref<10240x128xf32, #tpu.memory_space<hbm>>
      tpu.enqueue_indirect_dma source(%dma_start3A_2009 : memref<10240x128xf32, #tpu.memory_space<hbm>>) target(%arg9 : memref<128x128xf32, #tpu.memory_space<vmem>>) offsets(%dma_start3A_2002 : memref<128xi32, #tpu.memory_space<vmem>>) semaphore(%arg12 : memref<!tpu.dma_semaphore, #tpu.memory_space<semaphore_mem>>)
      %add3A_2010 = arith.constant 1 : i32
      %add3A_2011 = arith.addi %mul3A_1810, %add3A_2010 : i32
      %dma_wait3A_2012 = arith.constant 0 : i32
      %dma_wait3A_2013 = tpu.memref_slice %arg6[%add3A_2011, %dma_wait3A_2012] : memref<160x128xi32, #tpu.memory_space<vmem>> -> memref<1x128xi32, #tpu.memory_space<vmem>>
      %dma_wait3A_2014 = tpu.memref_squeeze %dma_wait3A_2013 : memref<1x128xi32, #tpu.memory_space<vmem>> -> memref<128xi32, #tpu.memory_space<vmem>>
      %dma_wait3A_2015 = arith.constant 0 : i32
      %dma_wait3A_2016 = arith.constant 0 : i32
      %dma_wait3A_2017 = tpu.memref_slice %arg2[%arg0, %dma_wait3A_2015, %dma_wait3A_2016] : memref<2x10240x128xf32, #tpu.memory_space<hbm>> -> memref<1x10240x128xf32, #tpu.memory_space<hbm>>
      %dma_wait3A_2018 = tpu.memref_squeeze %dma_wait3A_2017 : memref<1x10240x128xf32, #tpu.memory_space<hbm>> -> memref<10240x128xf32, #tpu.memory_space<hbm>>
      %dma_wait3A_2019 = arith.constant 0 : i32
      %dma_wait3A_2020 = arith.constant 0 : i32
      %dma_wait3A_2021 = tpu.memref_slice %dma_wait3A_2018[%dma_wait3A_2019, %dma_wait3A_2020] : memref<10240x128xf32, #tpu.memory_space<hbm>> -> memref<10240x128xf32, #tpu.memory_space<hbm>>
      tpu.wait_indirect_dma semaphore(%arg13 : memref<!tpu.dma_semaphore, #tpu.memory_space<semaphore_mem>>) src(%dma_wait3A_2021 : memref<10240x128xf32, #tpu.memory_space<hbm>>) dst(%arg10 : memref<128x128xf32, #tpu.memory_space<vmem>>)
      %add3A_2022 = arith.constant 1 : i32
      %add3A_2023 = arith.addi %mul3A_1810, %add3A_2022 : i32
      %get3A_2024 = arith.index_cast %add3A_2023 : i32 to index
      %get3A_2025 = arith.constant 0 : index
      %get3A_2026 = tpu.vector_load %arg7[%get3A_2024, %get3A_2025] {strides = array<i32>} : memref<160x128xi32, #tpu.memory_space<vmem>>, vector<1x16xi32>,
      %get3A_2027 = vector.shape_cast %get3A_2026 : vector<1x16xi32> to vector<16xi32>
      %sub3A_2028 = vector.broadcast %scan3A_932 : i32 to vector<16xi32>
      %sub3A_2029 = arith.subi %get3A_2027, %sub3A_2028 : vector<16xi32>
      %ge3A_2030 = arith.constant 0 : i32
      %ge3A_2031 = vector.broadcast %ge3A_2030 : i32 to vector<16xi32>
      %ge3A_2032 = arith.cmpi sge, %sub3A_2029, %ge3A_2031 : vector<16xi32>
      %lt3A_2033 = arith.constant 2560 : i32
      %lt3A_2034 = vector.broadcast %lt3A_2033 : i32 to vector<16xi32>
      %lt3A_2035 = arith.cmpi slt, %sub3A_2029, %lt3A_2034 : vector<16xi32>
      %and3A_2036 = arith.andi %ge3A_2032, %lt3A_2035 : vector<16xi1>
      %jit3A_2037 = arith.constant 2560 : i32
      %broadcast_in_dim3A_2038 = vector.broadcast %jit3A_2037 : i32 to vector<16xi32>
      %select_n3A_2039 = arith.select %and3A_2036, %sub3A_2029, %broadcast_in_dim3A_2038 : vector<16xi1>, vector<16xi32>
      %swap3A_2040 = arith.constant 0 : i32
      %swap3A_2041 = arith.index_cast %swap3A_2040 : i32 to index
      %swap3A_2042 = arith.constant 0 : index
      %swap3A_2043 = tpu.vector_load %arg8[%swap3A_2041, %swap3A_2042] {strides = array<i32>} : memref<1x128xi32, #tpu.memory_space<vmem>>, vector<1x16xi32>,
      %swap3A_2044 = vector.shape_cast %swap3A_2043 : vector<1x16xi32> to vector<16xi32>
      %swap3A_2045 = vector.shape_cast %select_n3A_2039 : vector<16xi32> to vector<1x16xi32>
      tpu.vector_store %arg8[%swap3A_2041, %swap3A_2042], %swap3A_2045 {strides = array<i32>} : memref<1x128xi32, #tpu.memory_space<vmem>>, vector<1x16xi32>,
      %get3A_2046 = arith.index_cast %add3A_2023 : i32 to index
      %get3A_2047 = arith.constant 16 : index
      %get3A_2048 = tpu.vector_load %arg7[%get3A_2046, %get3A_2047] {strides = array<i32>} : memref<160x128xi32, #tpu.memory_space<vmem>>, vector<1x16xi32>,
      %get3A_2049 = vector.shape_cast %get3A_2048 : vector<1x16xi32> to vector<16xi32>
      %sub3A_2050 = vector.broadcast %scan3A_932 : i32 to vector<16xi32>
      %sub3A_2051 = arith.subi %get3A_2049, %sub3A_2050 : vector<16xi32>
      %ge3A_2052 = arith.constant 0 : i32
      %ge3A_2053 = vector.broadcast %ge3A_2052 : i32 to vector<16xi32>
      %ge3A_2054 = arith.cmpi sge, %sub3A_2051, %ge3A_2053 : vector<16xi32>
      %lt3A_2055 = arith.constant 2560 : i32
      %lt3A_2056 = vector.broadcast %lt3A_2055 : i32 to vector<16xi32>
      %lt3A_2057 = arith.cmpi slt, %sub3A_2051, %lt3A_2056 : vector<16xi32>
      %and3A_2058 = arith.andi %ge3A_2054, %lt3A_2057 : vector<16xi1>
      %jit3A_2059 = arith.constant 2560 : i32
      %broadcast_in_dim3A_2060 = vector.broadcast %jit3A_2059 : i32 to vector<16xi32>
      %select_n3A_2061 = arith.select %and3A_2058, %sub3A_2051, %broadcast_in_dim3A_2060 : vector<16xi1>, vector<16xi32>
      %swap3A_2062 = arith.constant 0 : i32
      %swap3A_2063 = arith.index_cast %swap3A_2062 : i32 to index
      %swap3A_2064 = arith.constant 16 : index
      %swap3A_2065 = tpu.vector_load %arg8[%swap3A_2063, %swap3A_2064] {strides = array<i32>} : memref<1x128xi32, #tpu.memory_space<vmem>>, vector<1x16xi32>,
      %swap3A_2066 = vector.shape_cast %swap3A_2065 : vector<1x16xi32> to vector<16xi32>
      %swap3A_2067 = vector.shape_cast %select_n3A_2061 : vector<16xi32> to vector<1x16xi32>
      tpu.vector_store %arg8[%swap3A_2063, %swap3A_2064], %swap3A_2067 {strides = array<i32>} : memref<1x128xi32, #tpu.memory_space<vmem>>, vector<1x16xi32>,
      %get3A_2068 = arith.index_cast %add3A_2023 : i32 to index
      %get3A_2069 = arith.constant 32 : index
      %get3A_2070 = tpu.vector_load %arg7[%get3A_2068, %get3A_2069] {strides = array<i32>} : memref<160x128xi32, #tpu.memory_space<vmem>>, vector<1x16xi32>,
      %get3A_2071 = vector.shape_cast %get3A_2070 : vector<1x16xi32> to vector<16xi32>
      %sub3A_2072 = vector.broadcast %scan3A_932 : i32 to vector<16xi32>
      %sub3A_2073 = arith.subi %get3A_2071, %sub3A_2072 : vector<16xi32>
      %ge3A_2074 = arith.constant 0 : i32
      %ge3A_2075 = vector.broadcast %ge3A_2074 : i32 to vector<16xi32>
      %ge3A_2076 = arith.cmpi sge, %sub3A_2073, %ge3A_2075 : vector<16xi32>
      %lt3A_2077 = arith.constant 2560 : i32
      %lt3A_2078 = vector.broadcast %lt3A_2077 : i32 to vector<16xi32>
      %lt3A_2079 = arith.cmpi slt, %sub3A_2073, %lt3A_2078 : vector<16xi32>
      %and3A_2080 = arith.andi %ge3A_2076, %lt3A_2079 : vector<16xi1>
      %jit3A_2081 = arith.constant 2560 : i32
      %broadcast_in_dim3A_2082 = vector.broadcast %jit3A_2081 : i32 to vector<16xi32>
      %select_n3A_2083 = arith.select %and3A_2080, %sub3A_2073, %broadcast_in_dim3A_2082 : vector<16xi1>, vector<16xi32>
      %swap3A_2084 = arith.constant 0 : i32
      %swap3A_2085 = arith.index_cast %swap3A_2084 : i32 to index
      %swap3A_2086 = arith.constant 32 : index
      %swap3A_2087 = tpu.vector_load %arg8[%swap3A_2085, %swap3A_2086] {strides = array<i32>} : memref<1x128xi32, #tpu.memory_space<vmem>>, vector<1x16xi32>,
      %swap3A_2088 = vector.shape_cast %swap3A_2087 : vector<1x16xi32> to vector<16xi32>
      %swap3A_2089 = vector.shape_cast %select_n3A_2083 : vector<16xi32> to vector<1x16xi32>
      tpu.vector_store %arg8[%swap3A_2085, %swap3A_2086], %swap3A_2089 {strides = array<i32>} : memref<1x128xi32, #tpu.memory_space<vmem>>, vector<1x16xi32>,
      %get3A_2090 = arith.index_cast %add3A_2023 : i32 to index
      %get3A_2091 = arith.constant 48 : index
      %get3A_2092 = tpu.vector_load %arg7[%get3A_2090, %get3A_2091] {strides = array<i32>} : memref<160x128xi32, #tpu.memory_space<vmem>>, vector<1x16xi32>,
      %get3A_2093 = vector.shape_cast %get3A_2092 : vector<1x16xi32> to vector<16xi32>
      %sub3A_2094 = vector.broadcast %scan3A_932 : i32 to vector<16xi32>
      %sub3A_2095 = arith.subi %get3A_2093, %sub3A_2094 : vector<16xi32>
      %ge3A_2096 = arith.constant 0 : i32
      %ge3A_2097 = vector.broadcast %ge3A_2096 : i32 to vector<16xi32>
      %ge3A_2098 = arith.cmpi sge, %sub3A_2095, %ge3A_2097 : vector<16xi32>
      %lt3A_2099 = arith.constant 2560 : i32
      %lt3A_2100 = vector.broadcast %lt3A_2099 : i32 to vector<16xi32>
      %lt3A_2101 = arith.cmpi slt, %sub3A_2095, %lt3A_2100 : vector<16xi32>
      %and3A_2102 = arith.andi %ge3A_2098, %lt3A_2101 : vector<16xi1>
      %jit3A_2103 = arith.constant 2560 : i32
      %broadcast_in_dim3A_2104 = vector.broadcast %jit3A_2103 : i32 to vector<16xi32>
      %select_n3A_2105 = arith.select %and3A_2102, %sub3A_2095, %broadcast_in_dim3A_2104 : vector<16xi1>, vector<16xi32>
      %swap3A_2106 = arith.constant 0 : i32
      %swap3A_2107 = arith.index_cast %swap3A_2106 : i32 to index
      %swap3A_2108 = arith.constant 48 : index
      %swap3A_2109 = tpu.vector_load %arg8[%swap3A_2107, %swap3A_2108] {strides = array<i32>} : memref<1x128xi32, #tpu.memory_space<vmem>>, vector<1x16xi32>,
      %swap3A_2110 = vector.shape_cast %swap3A_2109 : vector<1x16xi32> to vector<16xi32>
      %swap3A_2111 = vector.shape_cast %select_n3A_2105 : vector<16xi32> to vector<1x16xi32>
      tpu.vector_store %arg8[%swap3A_2107, %swap3A_2108], %swap3A_2111 {strides = array<i32>} : memref<1x128xi32, #tpu.memory_space<vmem>>, vector<1x16xi32>,
      %get3A_2112 = arith.index_cast %add3A_2023 : i32 to index
      %get3A_2113 = arith.constant 64 : index
      %get3A_2114 = tpu.vector_load %arg7[%get3A_2112, %get3A_2113] {strides = array<i32>} : memref<160x128xi32, #tpu.memory_space<vmem>>, vector<1x16xi32>,
      %get3A_2115 = vector.shape_cast %get3A_2114 : vector<1x16xi32> to vector<16xi32>
      %sub3A_2116 = vector.broadcast %scan3A_932 : i32 to vector<16xi32>
      %sub3A_2117 = arith.subi %get3A_2115, %sub3A_2116 : vector<16xi32>
      %ge3A_2118 = arith.constant 0 : i32
      %ge3A_2119 = vector.broadcast %ge3A_2118 : i32 to vector<16xi32>
      %ge3A_2120 = arith.cmpi sge, %sub3A_2117, %ge3A_2119 : vector<16xi32>
      %lt3A_2121 = arith.constant 2560 : i32
      %lt3A_2122 = vector.broadcast %lt3A_2121 : i32 to vector<16xi32>
      %lt3A_2123 = arith.cmpi slt, %sub3A_2117, %lt3A_2122 : vector<16xi32>
      %and3A_2124 = arith.andi %ge3A_2120, %lt3A_2123 : vector<16xi1>
      %jit3A_2125 = arith.constant 2560 : i32
      %broadcast_in_dim3A_2126 = vector.broadcast %jit3A_2125 : i32 to vector<16xi32>
      %select_n3A_2127 = arith.select %and3A_2124, %sub3A_2117, %broadcast_in_dim3A_2126 : vector<16xi1>, vector<16xi32>
      %swap3A_2128 = arith.constant 0 : i32
      %swap3A_2129 = arith.index_cast %swap3A_2128 : i32 to index
      %swap3A_2130 = arith.constant 64 : index
      %swap3A_2131 = tpu.vector_load %arg8[%swap3A_2129, %swap3A_2130] {strides = array<i32>} : memref<1x128xi32, #tpu.memory_space<vmem>>, vector<1x16xi32>,
      %swap3A_2132 = vector.shape_cast %swap3A_2131 : vector<1x16xi32> to vector<16xi32>
      %swap3A_2133 = vector.shape_cast %select_n3A_2127 : vector<16xi32> to vector<1x16xi32>
      tpu.vector_store %arg8[%swap3A_2129, %swap3A_2130], %swap3A_2133 {strides = array<i32>} : memref<1x128xi32, #tpu.memory_space<vmem>>, vector<1x16xi32>,
      %get3A_2134 = arith.index_cast %add3A_2023 : i32 to index
      %get3A_2135 = arith.constant 80 : index
      %get3A_2136 = tpu.vector_load %arg7[%get3A_2134, %get3A_2135] {strides = array<i32>} : memref<160x128xi32, #tpu.memory_space<vmem>>, vector<1x16xi32>,
      %get3A_2137 = vector.shape_cast %get3A_2136 : vector<1x16xi32> to vector<16xi32>
      %sub3A_2138 = vector.broadcast %scan3A_932 : i32 to vector<16xi32>
      %sub3A_2139 = arith.subi %get3A_2137, %sub3A_2138 : vector<16xi32>
      %ge3A_2140 = arith.constant 0 : i32
      %ge3A_2141 = vector.broadcast %ge3A_2140 : i32 to vector<16xi32>
      %ge3A_2142 = arith.cmpi sge, %sub3A_2139, %ge3A_2141 : vector<16xi32>
      %lt3A_2143 = arith.constant 2560 : i32
      %lt3A_2144 = vector.broadcast %lt3A_2143 : i32 to vector<16xi32>
      %lt3A_2145 = arith.cmpi slt, %sub3A_2139, %lt3A_2144 : vector<16xi32>
      %and3A_2146 = arith.andi %ge3A_2142, %lt3A_2145 : vector<16xi1>
      %jit3A_2147 = arith.constant 2560 : i32
      %broadcast_in_dim3A_2148 = vector.broadcast %jit3A_2147 : i32 to vector<16xi32>
      %select_n3A_2149 = arith.select %and3A_2146, %sub3A_2139, %broadcast_in_dim3A_2148 : vector<16xi1>, vector<16xi32>
      %swap3A_2150 = arith.constant 0 : i32
      %swap3A_2151 = arith.index_cast %swap3A_2150 : i32 to index
      %swap3A_2152 = arith.constant 80 : index
      %swap3A_2153 = tpu.vector_load %arg8[%swap3A_2151, %swap3A_2152] {strides = array<i32>} : memref<1x128xi32, #tpu.memory_space<vmem>>, vector<1x16xi32>,
      %swap3A_2154 = vector.shape_cast %swap3A_2153 : vector<1x16xi32> to vector<16xi32>
      %swap3A_2155 = vector.shape_cast %select_n3A_2149 : vector<16xi32> to vector<1x16xi32>
      tpu.vector_store %arg8[%swap3A_2151, %swap3A_2152], %swap3A_2155 {strides = array<i32>} : memref<1x128xi32, #tpu.memory_space<vmem>>, vector<1x16xi32>,
      %get3A_2156 = arith.index_cast %add3A_2023 : i32 to index
      %get3A_2157 = arith.constant 96 : index
      %get3A_2158 = tpu.vector_load %arg7[%get3A_2156, %get3A_2157] {strides = array<i32>} : memref<160x128xi32, #tpu.memory_space<vmem>>, vector<1x16xi32>,
      %get3A_2159 = vector.shape_cast %get3A_2158 : vector<1x16xi32> to vector<16xi32>
      %sub3A_2160 = vector.broadcast %scan3A_932 : i32 to vector<16xi32>
      %sub3A_2161 = arith.subi %get3A_2159, %sub3A_2160 : vector<16xi32>
      %ge3A_2162 = arith.constant 0 : i32
      %ge3A_2163 = vector.broadcast %ge3A_2162 : i32 to vector<16xi32>
      %ge3A_2164 = arith.cmpi sge, %sub3A_2161, %ge3A_2163 : vector<16xi32>
      %lt3A_2165 = arith.constant 2560 : i32
      %lt3A_2166 = vector.broadcast %lt3A_2165 : i32 to vector<16xi32>
      %lt3A_2167 = arith.cmpi slt, %sub3A_2161, %lt3A_2166 : vector<16xi32>
      %and3A_2168 = arith.andi %ge3A_2164, %lt3A_2167 : vector<16xi1>
      %jit3A_2169 = arith.constant 2560 : i32
      %broadcast_in_dim3A_2170 = vector.broadcast %jit3A_2169 : i32 to vector<16xi32>
      %select_n3A_2171 = arith.select %and3A_2168, %sub3A_2161, %broadcast_in_dim3A_2170 : vector<16xi1>, vector<16xi32>
      %swap3A_2172 = arith.constant 0 : i32
      %swap3A_2173 = arith.index_cast %swap3A_2172 : i32 to index
      %swap3A_2174 = arith.constant 96 : index
      %swap3A_2175 = tpu.vector_load %arg8[%swap3A_2173, %swap3A_2174] {strides = array<i32>} : memref<1x128xi32, #tpu.memory_space<vmem>>, vector<1x16xi32>,
      %swap3A_2176 = vector.shape_cast %swap3A_2175 : vector<1x16xi32> to vector<16xi32>
      %swap3A_2177 = vector.shape_cast %select_n3A_2171 : vector<16xi32> to vector<1x16xi32>
      tpu.vector_store %arg8[%swap3A_2173, %swap3A_2174], %swap3A_2177 {strides = array<i32>} : memref<1x128xi32, #tpu.memory_space<vmem>>, vector<1x16xi32>,
      %get3A_2178 = arith.index_cast %add3A_2023 : i32 to index
      %get3A_2179 = arith.constant 112 : index
      %get3A_2180 = tpu.vector_load %arg7[%get3A_2178, %get3A_2179] {strides = array<i32>} : memref<160x128xi32, #tpu.memory_space<vmem>>, vector<1x16xi32>,
      %get3A_2181 = vector.shape_cast %get3A_2180 : vector<1x16xi32> to vector<16xi32>
      %sub3A_2182 = vector.broadcast %scan3A_932 : i32 to vector<16xi32>
      %sub3A_2183 = arith.subi %get3A_2181, %sub3A_2182 : vector<16xi32>
      %ge3A_2184 = arith.constant 0 : i32
      %ge3A_2185 = vector.broadcast %ge3A_2184 : i32 to vector<16xi32>
      %ge3A_2186 = arith.cmpi sge, %sub3A_2183, %ge3A_2185 : vector<16xi32>
      %lt3A_2187 = arith.constant 2560 : i32
      %lt3A_2188 = vector.broadcast %lt3A_2187 : i32 to vector<16xi32>
      %lt3A_2189 = arith.cmpi slt, %sub3A_2183, %lt3A_2188 : vector<16xi32>
      %and3A_2190 = arith.andi %ge3A_2186, %lt3A_2189 : vector<16xi1>
      %jit3A_2191 = arith.constant 2560 : i32
      %broadcast_in_dim3A_2192 = vector.broadcast %jit3A_2191 : i32 to vector<16xi32>
      %select_n3A_2193 = arith.select %and3A_2190, %sub3A_2183, %broadcast_in_dim3A_2192 : vector<16xi1>, vector<16xi32>
      %swap3A_2194 = arith.constant 0 : i32
      %swap3A_2195 = arith.index_cast %swap3A_2194 : i32 to index
      %swap3A_2196 = arith.constant 112 : index
      %swap3A_2197 = tpu.vector_load %arg8[%swap3A_2195, %swap3A_2196] {strides = array<i32>} : memref<1x128xi32, #tpu.memory_space<vmem>>, vector<1x16xi32>,
      %swap3A_2198 = vector.shape_cast %swap3A_2197 : vector<1x16xi32> to vector<16xi32>
      %swap3A_2199 = vector.shape_cast %select_n3A_2193 : vector<16xi32> to vector<1x16xi32>
      tpu.vector_store %arg8[%swap3A_2195, %swap3A_2196], %swap3A_2199 {strides = array<i32>} : memref<1x128xi32, #tpu.memory_space<vmem>>, vector<1x16xi32>,
      %run_scoped3A_2200 = arith.constant 0 : i32
      "tpu.region"() ({
        %run_scoped3A_2214 = tpu.sem_alloc : memref<!tpu.dma_semaphore, #tpu.memory_space<semaphore_mem>>
        %dma_start3A_2215 = arith.constant 0 : i32
        %dma_start3A_2216 = tpu.memref_slice %arg8[%run_scoped3A_2200, %dma_start3A_2215] : memref<1x128xi32, #tpu.memory_space<vmem>> -> memref<1x128xi32, #tpu.memory_space<vmem>>
        %dma_start3A_2217 = tpu.memref_squeeze %dma_start3A_2216 : memref<1x128xi32, #tpu.memory_space<vmem>> -> memref<128xi32, #tpu.memory_space<vmem>>
        %dma_start3A_2218 = arith.constant 0 : i32
        %dma_start3A_2219 = arith.constant 0 : i32
        %dma_start3A_2220 = tpu.memref_slice %arg14[%dma_start3A_2218, %dma_start3A_2219] : memref<3072x128xf32, #tpu.memory_space<vmem_shared>> -> memref<3072x128xf32, #tpu.memory_space<vmem_shared>>
        tpu.enqueue_indirect_dma source(%arg10 : memref<128x128xf32, #tpu.memory_space<vmem>>) target(%dma_start3A_2220 : memref<3072x128xf32, #tpu.memory_space<vmem_shared>>) offsets(%dma_start3A_2217 : memref<128xi32, #tpu.memory_space<vmem>>) semaphore(%run_scoped3A_2214 : memref<!tpu.dma_semaphore, #tpu.memory_space<semaphore_mem>>) {add = true}
        %dma_wait3A_2221 = arith.constant 0 : i32
        %dma_wait3A_2222 = tpu.memref_slice %arg8[%run_scoped3A_2200, %dma_wait3A_2221] : memref<1x128xi32, #tpu.memory_space<vmem>> -> memref<1x128xi32, #tpu.memory_space<vmem>>
        %dma_wait3A_2223 = tpu.memref_squeeze %dma_wait3A_2222 : memref<1x128xi32, #tpu.memory_space<vmem>> -> memref<128xi32, #tpu.memory_space<vmem>>
        %dma_wait3A_2224 = arith.constant 0 : i32
        %dma_wait3A_2225 = arith.constant 0 : i32
        %dma_wait3A_2226 = tpu.memref_slice %arg14[%dma_wait3A_2224, %dma_wait3A_2225] : memref<3072x128xf32, #tpu.memory_space<vmem_shared>> -> memref<3072x128xf32, #tpu.memory_space<vmem_shared>>
        tpu.wait_indirect_dma semaphore(%run_scoped3A_2214 : memref<!tpu.dma_semaphore, #tpu.memory_space<semaphore_mem>>) src(%arg10 : memref<128x128xf32, #tpu.memory_space<vmem>>) dst(%dma_wait3A_2226 : memref<3072x128xf32, #tpu.memory_space<vmem_shared>>)
        tpu.yield
      }) : () -> ()
      %add3A_2201 = arith.constant 3 : i32
      %add3A_2202 = arith.addi %mul3A_1810, %add3A_2201 : i32
      %dma_start3A_2203 = arith.constant 0 : i32
      %dma_start3A_2204 = tpu.memref_slice %arg6[%add3A_2202, %dma_start3A_2203] : memref<160x128xi32, #tpu.memory_space<vmem>> -> memref<1x128xi32, #tpu.memory_space<vmem>>
      %dma_start3A_2205 = tpu.memref_squeeze %dma_start3A_2204 : memref<1x128xi32, #tpu.memory_space<vmem>> -> memref<128xi32, #tpu.memory_space<vmem>>
      %dma_start3A_2206 = arith.constant 0 : i32
      %dma_start3A_2207 = arith.constant 0 : i32
      %dma_start3A_2208 = tpu.memref_slice %arg2[%arg0, %dma_start3A_2206, %dma_start3A_2207] : memref<2x10240x128xf32, #tpu.memory_space<hbm>> -> memref<1x10240x128xf32, #tpu.memory_space<hbm>>
      %dma_start3A_2209 = tpu.memref_squeeze %dma_start3A_2208 : memref<1x10240x128xf32, #tpu.memory_space<hbm>> -> memref<10240x128xf32, #tpu.memory_space<hbm>>
      %dma_start3A_2210 = arith.constant 0 : i32
      %dma_start3A_2211 = arith.constant 0 : i32
      %dma_start3A_2212 = tpu.memref_slice %dma_start3A_2209[%dma_start3A_2210, %dma_start3A_2211] : memref<10240x128xf32, #tpu.memory_space<hbm>> -> memref<10240x128xf32, #tpu.memory_space<hbm>>
      tpu.enqueue_indirect_dma source(%dma_start3A_2212 : memref<10240x128xf32, #tpu.memory_space<hbm>>) target(%arg10 : memref<128x128xf32, #tpu.memory_space<vmem>>) offsets(%dma_start3A_2205 : memref<128xi32, #tpu.memory_space<vmem>>) semaphore(%arg13 : memref<!tpu.dma_semaphore, #tpu.memory_space<semaphore_mem>>)
      %scan3A_2213 = arith.constant 0 : i32
      scf.yield %scan3A_2213 : i32
    }
    %scan3A_939 = arith.constant 79 : i32
    %dma_wait3A_940 = arith.constant 158 : i32
    %dma_wait3A_941 = arith.constant 0 : i32
    %dma_wait3A_942 = tpu.memref_slice %arg6[%dma_wait3A_940, %dma_wait3A_941] : memref<160x128xi32, #tpu.memory_space<vmem>> -> memref<1x128xi32, #tpu.memory_space<vmem>>
    %dma_wait3A_943 = tpu.memref_squeeze %dma_wait3A_942 : memref<1x128xi32, #tpu.memory_space<vmem>> -> memref<128xi32, #tpu.memory_space<vmem>>
    %dma_wait3A_944 = arith.constant 0 : i32
    %dma_wait3A_945 = arith.constant 0 : i32
    %dma_wait3A_946 = tpu.memref_slice %arg2[%arg0, %dma_wait3A_944, %dma_wait3A_945] : memref<2x10240x128xf32, #tpu.memory_space<hbm>> -> memref<1x10240x128xf32, #tpu.memory_space<hbm>>
    %dma_wait3A_947 = tpu.memref_squeeze %dma_wait3A_946 : memref<1x10240x128xf32, #tpu.memory_space<hbm>> -> memref<10240x128xf32, #tpu.memory_space<hbm>>
    %dma_wait3A_948 = arith.constant 0 : i32
    %dma_wait3A_949 = arith.constant 0 : i32
    %dma_wait3A_950 = tpu.memref_slice %dma_wait3A_947[%dma_wait3A_948, %dma_wait3A_949] : memref<10240x128xf32, #tpu.memory_space<hbm>> -> memref<10240x128xf32, #tpu.memory_space<hbm>>
    tpu.wait_indirect_dma semaphore(%arg12 : memref<!tpu.dma_semaphore, #tpu.memory_space<semaphore_mem>>) src(%dma_wait3A_950 : memref<10240x128xf32, #tpu.memory_space<hbm>>) dst(%arg9 : memref<128x128xf32, #tpu.memory_space<vmem>>)
    %get3A_951 = arith.constant 158 : i32
    %get3A_952 = arith.index_cast %get3A_951 : i32 to index
    %get3A_953 = arith.constant 0 : index
    %get3A_954 = tpu.vector_load %arg7[%get3A_952, %get3A_953] {strides = array<i32>} : memref<160x128xi32, #tpu.memory_space<vmem>>, vector<1x16xi32>,
    %get3A_955 = vector.shape_cast %get3A_954 : vector<1x16xi32> to vector<16xi32>
    %sub3A_956 = arith.constant 5120 : i32
    %sub3A_957 = vector.broadcast %sub3A_956 : i32 to vector<16xi32>
    %sub3A_958 = arith.subi %get3A_955, %sub3A_957 : vector<16xi32>
    %ge3A_959 = arith.constant 0 : i32
    %ge3A_960 = vector.broadcast %ge3A_959 : i32 to vector<16xi32>
    %ge3A_961 = arith.cmpi sge, %sub3A_958, %ge3A_960 : vector<16xi32>
    %lt3A_962 = arith.constant 2560 : i32
    %lt3A_963 = vector.broadcast %lt3A_962 : i32 to vector<16xi32>
    %lt3A_964 = arith.cmpi slt, %sub3A_958, %lt3A_963 : vector<16xi32>
    %and3A_965 = arith.andi %ge3A_961, %lt3A_964 : vector<16xi1>
    %jit3A_966 = arith.constant 2560 : i32
    %broadcast_in_dim3A_967 = vector.broadcast %jit3A_966 : i32 to vector<16xi32>
    %select_n3A_968 = arith.select %and3A_965, %sub3A_958, %broadcast_in_dim3A_967 : vector<16xi1>, vector<16xi32>
    %swap3A_969 = arith.constant 0 : i32
    %swap3A_970 = arith.index_cast %swap3A_969 : i32 to index
    %swap3A_971 = arith.constant 0 : index
    %swap3A_972 = tpu.vector_load %arg8[%swap3A_970, %swap3A_971] {strides = array<i32>} : memref<1x128xi32, #tpu.memory_space<vmem>>, vector<1x16xi32>,
    %swap3A_973 = vector.shape_cast %swap3A_972 : vector<1x16xi32> to vector<16xi32>
    %swap3A_974 = vector.shape_cast %select_n3A_968 : vector<16xi32> to vector<1x16xi32>
    tpu.vector_store %arg8[%swap3A_970, %swap3A_971], %swap3A_974 {strides = array<i32>} : memref<1x128xi32, #tpu.memory_space<vmem>>, vector<1x16xi32>,
    %get3A_975 = arith.constant 158 : i32
    %get3A_976 = arith.index_cast %get3A_975 : i32 to index
    %get3A_977 = arith.constant 16 : index
    %get3A_978 = tpu.vector_load %arg7[%get3A_976, %get3A_977] {strides = array<i32>} : memref<160x128xi32, #tpu.memory_space<vmem>>, vector<1x16xi32>,
    %get3A_979 = vector.shape_cast %get3A_978 : vector<1x16xi32> to vector<16xi32>
    %sub3A_980 = arith.constant 5120 : i32
    %sub3A_981 = vector.broadcast %sub3A_980 : i32 to vector<16xi32>
    %sub3A_982 = arith.subi %get3A_979, %sub3A_981 : vector<16xi32>
    %ge3A_983 = arith.constant 0 : i32
    %ge3A_984 = vector.broadcast %ge3A_983 : i32 to vector<16xi32>
    %ge3A_985 = arith.cmpi sge, %sub3A_982, %ge3A_984 : vector<16xi32>
    %lt3A_986 = arith.constant 2560 : i32
    %lt3A_987 = vector.broadcast %lt3A_986 : i32 to vector<16xi32>
    %lt3A_988 = arith.cmpi slt, %sub3A_982, %lt3A_987 : vector<16xi32>
    %and3A_989 = arith.andi %ge3A_985, %lt3A_988 : vector<16xi1>
    %jit3A_990 = arith.constant 2560 : i32
    %broadcast_in_dim3A_991 = vector.broadcast %jit3A_990 : i32 to vector<16xi32>
    %select_n3A_992 = arith.select %and3A_989, %sub3A_982, %broadcast_in_dim3A_991 : vector<16xi1>, vector<16xi32>
    %swap3A_993 = arith.constant 0 : i32
    %swap3A_994 = arith.index_cast %swap3A_993 : i32 to index
    %swap3A_995 = arith.constant 16 : index
    %swap3A_996 = tpu.vector_load %arg8[%swap3A_994, %swap3A_995] {strides = array<i32>} : memref<1x128xi32, #tpu.memory_space<vmem>>, vector<1x16xi32>,
    %swap3A_997 = vector.shape_cast %swap3A_996 : vector<1x16xi32> to vector<16xi32>
    %swap3A_998 = vector.shape_cast %select_n3A_992 : vector<16xi32> to vector<1x16xi32>
    tpu.vector_store %arg8[%swap3A_994, %swap3A_995], %swap3A_998 {strides = array<i32>} : memref<1x128xi32, #tpu.memory_space<vmem>>, vector<1x16xi32>,
    %get3A_999 = arith.constant 158 : i32
    %get3A_1000 = arith.index_cast %get3A_999 : i32 to index
    %get3A_1001 = arith.constant 32 : index
    %get3A_1002 = tpu.vector_load %arg7[%get3A_1000, %get3A_1001] {strides = array<i32>} : memref<160x128xi32, #tpu.memory_space<vmem>>, vector<1x16xi32>,
    %get3A_1003 = vector.shape_cast %get3A_1002 : vector<1x16xi32> to vector<16xi32>
    %sub3A_1004 = arith.constant 5120 : i32
    %sub3A_1005 = vector.broadcast %sub3A_1004 : i32 to vector<16xi32>
    %sub3A_1006 = arith.subi %get3A_1003, %sub3A_1005 : vector<16xi32>
    %ge3A_1007 = arith.constant 0 : i32
    %ge3A_1008 = vector.broadcast %ge3A_1007 : i32 to vector<16xi32>
    %ge3A_1009 = arith.cmpi sge, %sub3A_1006, %ge3A_1008 : vector<16xi32>
    %lt3A_1010 = arith.constant 2560 : i32
    %lt3A_1011 = vector.broadcast %lt3A_1010 : i32 to vector<16xi32>
    %lt3A_1012 = arith.cmpi slt, %sub3A_1006, %lt3A_1011 : vector<16xi32>
    %and3A_1013 = arith.andi %ge3A_1009, %lt3A_1012 : vector<16xi1>
    %jit3A_1014 = arith.constant 2560 : i32
    %broadcast_in_dim3A_1015 = vector.broadcast %jit3A_1014 : i32 to vector<16xi32>
    %select_n3A_1016 = arith.select %and3A_1013, %sub3A_1006, %broadcast_in_dim3A_1015 : vector<16xi1>, vector<16xi32>
    %swap3A_1017 = arith.constant 0 : i32
    %swap3A_1018 = arith.index_cast %swap3A_1017 : i32 to index
    %swap3A_1019 = arith.constant 32 : index
    %swap3A_1020 = tpu.vector_load %arg8[%swap3A_1018, %swap3A_1019] {strides = array<i32>} : memref<1x128xi32, #tpu.memory_space<vmem>>, vector<1x16xi32>,
    %swap3A_1021 = vector.shape_cast %swap3A_1020 : vector<1x16xi32> to vector<16xi32>
    %swap3A_1022 = vector.shape_cast %select_n3A_1016 : vector<16xi32> to vector<1x16xi32>
    tpu.vector_store %arg8[%swap3A_1018, %swap3A_1019], %swap3A_1022 {strides = array<i32>} : memref<1x128xi32, #tpu.memory_space<vmem>>, vector<1x16xi32>,
    %get3A_1023 = arith.constant 158 : i32
    %get3A_1024 = arith.index_cast %get3A_1023 : i32 to index
    %get3A_1025 = arith.constant 48 : index
    %get3A_1026 = tpu.vector_load %arg7[%get3A_1024, %get3A_1025] {strides = array<i32>} : memref<160x128xi32, #tpu.memory_space<vmem>>, vector<1x16xi32>,
    %get3A_1027 = vector.shape_cast %get3A_1026 : vector<1x16xi32> to vector<16xi32>
    %sub3A_1028 = arith.constant 5120 : i32
    %sub3A_1029 = vector.broadcast %sub3A_1028 : i32 to vector<16xi32>
    %sub3A_1030 = arith.subi %get3A_1027, %sub3A_1029 : vector<16xi32>
    %ge3A_1031 = arith.constant 0 : i32
    %ge3A_1032 = vector.broadcast %ge3A_1031 : i32 to vector<16xi32>
    %ge3A_1033 = arith.cmpi sge, %sub3A_1030, %ge3A_1032 : vector<16xi32>
    %lt3A_1034 = arith.constant 2560 : i32
    %lt3A_1035 = vector.broadcast %lt3A_1034 : i32 to vector<16xi32>
    %lt3A_1036 = arith.cmpi slt, %sub3A_1030, %lt3A_1035 : vector<16xi32>
    %and3A_1037 = arith.andi %ge3A_1033, %lt3A_1036 : vector<16xi1>
    %jit3A_1038 = arith.constant 2560 : i32
    %broadcast_in_dim3A_1039 = vector.broadcast %jit3A_1038 : i32 to vector<16xi32>
    %select_n3A_1040 = arith.select %and3A_1037, %sub3A_1030, %broadcast_in_dim3A_1039 : vector<16xi1>, vector<16xi32>
    %swap3A_1041 = arith.constant 0 : i32
    %swap3A_1042 = arith.index_cast %swap3A_1041 : i32 to index
    %swap3A_1043 = arith.constant 48 : index
    %swap3A_1044 = tpu.vector_load %arg8[%swap3A_1042, %swap3A_1043] {strides = array<i32>} : memref<1x128xi32, #tpu.memory_space<vmem>>, vector<1x16xi32>,
    %swap3A_1045 = vector.shape_cast %swap3A_1044 : vector<1x16xi32> to vector<16xi32>
    %swap3A_1046 = vector.shape_cast %select_n3A_1040 : vector<16xi32> to vector<1x16xi32>
    tpu.vector_store %arg8[%swap3A_1042, %swap3A_1043], %swap3A_1046 {strides = array<i32>} : memref<1x128xi32, #tpu.memory_space<vmem>>, vector<1x16xi32>,
    %get3A_1047 = arith.constant 158 : i32
    %get3A_1048 = arith.index_cast %get3A_1047 : i32 to index
    %get3A_1049 = arith.constant 64 : index
    %get3A_1050 = tpu.vector_load %arg7[%get3A_1048, %get3A_1049] {strides = array<i32>} : memref<160x128xi32, #tpu.memory_space<vmem>>, vector<1x16xi32>,
    %get3A_1051 = vector.shape_cast %get3A_1050 : vector<1x16xi32> to vector<16xi32>
    %sub3A_1052 = arith.constant 5120 : i32
    %sub3A_1053 = vector.broadcast %sub3A_1052 : i32 to vector<16xi32>
    %sub3A_1054 = arith.subi %get3A_1051, %sub3A_1053 : vector<16xi32>
    %ge3A_1055 = arith.constant 0 : i32
    %ge3A_1056 = vector.broadcast %ge3A_1055 : i32 to vector<16xi32>
    %ge3A_1057 = arith.cmpi sge, %sub3A_1054, %ge3A_1056 : vector<16xi32>
    %lt3A_1058 = arith.constant 2560 : i32
    %lt3A_1059 = vector.broadcast %lt3A_1058 : i32 to vector<16xi32>
    %lt3A_1060 = arith.cmpi slt, %sub3A_1054, %lt3A_1059 : vector<16xi32>
    %and3A_1061 = arith.andi %ge3A_1057, %lt3A_1060 : vector<16xi1>
    %jit3A_1062 = arith.constant 2560 : i32
    %broadcast_in_dim3A_1063 = vector.broadcast %jit3A_1062 : i32 to vector<16xi32>
    %select_n3A_1064 = arith.select %and3A_1061, %sub3A_1054, %broadcast_in_dim3A_1063 : vector<16xi1>, vector<16xi32>
    %swap3A_1065 = arith.constant 0 : i32
    %swap3A_1066 = arith.index_cast %swap3A_1065 : i32 to index
    %swap3A_1067 = arith.constant 64 : index
    %swap3A_1068 = tpu.vector_load %arg8[%swap3A_1066, %swap3A_1067] {strides = array<i32>} : memref<1x128xi32, #tpu.memory_space<vmem>>, vector<1x16xi32>,
    %swap3A_1069 = vector.shape_cast %swap3A_1068 : vector<1x16xi32> to vector<16xi32>
    %swap3A_1070 = vector.shape_cast %select_n3A_1064 : vector<16xi32> to vector<1x16xi32>
    tpu.vector_store %arg8[%swap3A_1066, %swap3A_1067], %swap3A_1070 {strides = array<i32>} : memref<1x128xi32, #tpu.memory_space<vmem>>, vector<1x16xi32>,
    %get3A_1071 = arith.constant 158 : i32
    %get3A_1072 = arith.index_cast %get3A_1071 : i32 to index
    %get3A_1073 = arith.constant 80 : index
    %get3A_1074 = tpu.vector_load %arg7[%get3A_1072, %get3A_1073] {strides = array<i32>} : memref<160x128xi32, #tpu.memory_space<vmem>>, vector<1x16xi32>,
    %get3A_1075 = vector.shape_cast %get3A_1074 : vector<1x16xi32> to vector<16xi32>
    %sub3A_1076 = arith.constant 5120 : i32
    %sub3A_1077 = vector.broadcast %sub3A_1076 : i32 to vector<16xi32>
    %sub3A_1078 = arith.subi %get3A_1075, %sub3A_1077 : vector<16xi32>
    %ge3A_1079 = arith.constant 0 : i32
    %ge3A_1080 = vector.broadcast %ge3A_1079 : i32 to vector<16xi32>
    %ge3A_1081 = arith.cmpi sge, %sub3A_1078, %ge3A_1080 : vector<16xi32>
    %lt3A_1082 = arith.constant 2560 : i32
    %lt3A_1083 = vector.broadcast %lt3A_1082 : i32 to vector<16xi32>
    %lt3A_1084 = arith.cmpi slt, %sub3A_1078, %lt3A_1083 : vector<16xi32>
    %and3A_1085 = arith.andi %ge3A_1081, %lt3A_1084 : vector<16xi1>
    %jit3A_1086 = arith.constant 2560 : i32
    %broadcast_in_dim3A_1087 = vector.broadcast %jit3A_1086 : i32 to vector<16xi32>
    %select_n3A_1088 = arith.select %and3A_1085, %sub3A_1078, %broadcast_in_dim3A_1087 : vector<16xi1>, vector<16xi32>
    %swap3A_1089 = arith.constant 0 : i32
    %swap3A_1090 = arith.index_cast %swap3A_1089 : i32 to index
    %swap3A_1091 = arith.constant 80 : index
    %swap3A_1092 = tpu.vector_load %arg8[%swap3A_1090, %swap3A_1091] {strides = array<i32>} : memref<1x128xi32, #tpu.memory_space<vmem>>, vector<1x16xi32>,
    %swap3A_1093 = vector.shape_cast %swap3A_1092 : vector<1x16xi32> to vector<16xi32>
    %swap3A_1094 = vector.shape_cast %select_n3A_1088 : vector<16xi32> to vector<1x16xi32>
    tpu.vector_store %arg8[%swap3A_1090, %swap3A_1091], %swap3A_1094 {strides = array<i32>} : memref<1x128xi32, #tpu.memory_space<vmem>>, vector<1x16xi32>,
    %get3A_1095 = arith.constant 158 : i32
    %get3A_1096 = arith.index_cast %get3A_1095 : i32 to index
    %get3A_1097 = arith.constant 96 : index
    %get3A_1098 = tpu.vector_load %arg7[%get3A_1096, %get3A_1097] {strides = array<i32>} : memref<160x128xi32, #tpu.memory_space<vmem>>, vector<1x16xi32>,
    %get3A_1099 = vector.shape_cast %get3A_1098 : vector<1x16xi32> to vector<16xi32>
    %sub3A_1100 = arith.constant 5120 : i32
    %sub3A_1101 = vector.broadcast %sub3A_1100 : i32 to vector<16xi32>
    %sub3A_1102 = arith.subi %get3A_1099, %sub3A_1101 : vector<16xi32>
    %ge3A_1103 = arith.constant 0 : i32
    %ge3A_1104 = vector.broadcast %ge3A_1103 : i32 to vector<16xi32>
    %ge3A_1105 = arith.cmpi sge, %sub3A_1102, %ge3A_1104 : vector<16xi32>
    %lt3A_1106 = arith.constant 2560 : i32
    %lt3A_1107 = vector.broadcast %lt3A_1106 : i32 to vector<16xi32>
    %lt3A_1108 = arith.cmpi slt, %sub3A_1102, %lt3A_1107 : vector<16xi32>
    %and3A_1109 = arith.andi %ge3A_1105, %lt3A_1108 : vector<16xi1>
    %jit3A_1110 = arith.constant 2560 : i32
    %broadcast_in_dim3A_1111 = vector.broadcast %jit3A_1110 : i32 to vector<16xi32>
    %select_n3A_1112 = arith.select %and3A_1109, %sub3A_1102, %broadcast_in_dim3A_1111 : vector<16xi1>, vector<16xi32>
    %swap3A_1113 = arith.constant 0 : i32
    %swap3A_1114 = arith.index_cast %swap3A_1113 : i32 to index
    %swap3A_1115 = arith.constant 96 : index
    %swap3A_1116 = tpu.vector_load %arg8[%swap3A_1114, %swap3A_1115] {strides = array<i32>} : memref<1x128xi32, #tpu.memory_space<vmem>>, vector<1x16xi32>,
    %swap3A_1117 = vector.shape_cast %swap3A_1116 : vector<1x16xi32> to vector<16xi32>
    %swap3A_1118 = vector.shape_cast %select_n3A_1112 : vector<16xi32> to vector<1x16xi32>
    tpu.vector_store %arg8[%swap3A_1114, %swap3A_1115], %swap3A_1118 {strides = array<i32>} : memref<1x128xi32, #tpu.memory_space<vmem>>, vector<1x16xi32>,
    %get3A_1119 = arith.constant 158 : i32
    %get3A_1120 = arith.index_cast %get3A_1119 : i32 to index
    %get3A_1121 = arith.constant 112 : index
    %get3A_1122 = tpu.vector_load %arg7[%get3A_1120, %get3A_1121] {strides = array<i32>} : memref<160x128xi32, #tpu.memory_space<vmem>>, vector<1x16xi32>,
    %get3A_1123 = vector.shape_cast %get3A_1122 : vector<1x16xi32> to vector<16xi32>
    %sub3A_1124 = arith.constant 5120 : i32
    %sub3A_1125 = vector.broadcast %sub3A_1124 : i32 to vector<16xi32>
    %sub3A_1126 = arith.subi %get3A_1123, %sub3A_1125 : vector<16xi32>
    %ge3A_1127 = arith.constant 0 : i32
    %ge3A_1128 = vector.broadcast %ge3A_1127 : i32 to vector<16xi32>
    %ge3A_1129 = arith.cmpi sge, %sub3A_1126, %ge3A_1128 : vector<16xi32>
    %lt3A_1130 = arith.constant 2560 : i32
    %lt3A_1131 = vector.broadcast %lt3A_1130 : i32 to vector<16xi32>
    %lt3A_1132 = arith.cmpi slt, %sub3A_1126, %lt3A_1131 : vector<16xi32>
    %and3A_1133 = arith.andi %ge3A_1129, %lt3A_1132 : vector<16xi1>
    %jit3A_1134 = arith.constant 2560 : i32
    %broadcast_in_dim3A_1135 = vector.broadcast %jit3A_1134 : i32 to vector<16xi32>
    %select_n3A_1136 = arith.select %and3A_1133, %sub3A_1126, %broadcast_in_dim3A_1135 : vector<16xi1>, vector<16xi32>
    %swap3A_1137 = arith.constant 0 : i32
    %swap3A_1138 = arith.index_cast %swap3A_1137 : i32 to index
    %swap3A_1139 = arith.constant 112 : index
    %swap3A_1140 = tpu.vector_load %arg8[%swap3A_1138, %swap3A_1139] {strides = array<i32>} : memref<1x128xi32, #tpu.memory_space<vmem>>, vector<1x16xi32>,
    %swap3A_1141 = vector.shape_cast %swap3A_1140 : vector<1x16xi32> to vector<16xi32>
    %swap3A_1142 = vector.shape_cast %select_n3A_1136 : vector<16xi32> to vector<1x16xi32>
    tpu.vector_store %arg8[%swap3A_1138, %swap3A_1139], %swap3A_1142 {strides = array<i32>} : memref<1x128xi32, #tpu.memory_space<vmem>>, vector<1x16xi32>,
    %run_scoped3A_1143 = arith.constant 0 : i32
    "tpu.region"() ({
      %run_scoped3A_1807 = tpu.sem_alloc : memref<!tpu.dma_semaphore, #tpu.memory_space<semaphore_mem>>
      %dma_start3A_1808 = arith.constant 0 : i32
      %dma_start3A_1809 = tpu.memref_slice %arg8[%run_scoped3A_1143, %dma_start3A_1808] : memref<1x128xi32, #tpu.memory_space<vmem>> -> memref<1x128xi32, #tpu.memory_space<vmem>>
      %dma_start3A_1810 = tpu.memref_squeeze %dma_start3A_1809 : memref<1x128xi32, #tpu.memory_space<vmem>> -> memref<128xi32, #tpu.memory_space<vmem>>
      %dma_start3A_1811 = arith.constant 0 : i32
      %dma_start3A_1812 = arith.constant 0 : i32
      %dma_start3A_1813 = tpu.memref_slice %arg14[%dma_start3A_1811, %dma_start3A_1812] : memref<3072x128xf32, #tpu.memory_space<vmem_shared>> -> memref<3072x128xf32, #tpu.memory_space<vmem_shared>>
      tpu.enqueue_indirect_dma source(%arg9 : memref<128x128xf32, #tpu.memory_space<vmem>>) target(%dma_start3A_1813 : memref<3072x128xf32, #tpu.memory_space<vmem_shared>>) offsets(%dma_start3A_1810 : memref<128xi32, #tpu.memory_space<vmem>>) semaphore(%run_scoped3A_1807 : memref<!tpu.dma_semaphore, #tpu.memory_space<semaphore_mem>>) {add = true}
      %dma_wait3A_1814 = arith.constant 0 : i32
      %dma_wait3A_1815 = tpu.memref_slice %arg8[%run_scoped3A_1143, %dma_wait3A_1814] : memref<1x128xi32, #tpu.memory_space<vmem>> -> memref<1x128xi32, #tpu.memory_space<vmem>>
      %dma_wait3A_1816 = tpu.memref_squeeze %dma_wait3A_1815 : memref<1x128xi32, #tpu.memory_space<vmem>> -> memref<128xi32, #tpu.memory_space<vmem>>
      %dma_wait3A_1817 = arith.constant 0 : i32
      %dma_wait3A_1818 = arith.constant 0 : i32
      %dma_wait3A_1819 = tpu.memref_slice %arg14[%dma_wait3A_1817, %dma_wait3A_1818] : memref<3072x128xf32, #tpu.memory_space<vmem_shared>> -> memref<3072x128xf32, #tpu.memory_space<vmem_shared>>
      tpu.wait_indirect_dma semaphore(%run_scoped3A_1807 : memref<!tpu.dma_semaphore, #tpu.memory_space<semaphore_mem>>) src(%arg9 : memref<128x128xf32, #tpu.memory_space<vmem>>) dst(%dma_wait3A_1819 : memref<3072x128xf32, #tpu.memory_space<vmem_shared>>)
      tpu.yield
    }) : () -> ()
    %dma_wait3A_1144 = arith.constant 159 : i32
    %dma_wait3A_1145 = arith.constant 0 : i32
    %dma_wait3A_1146 = tpu.memref_slice %arg6[%dma_wait3A_1144, %dma_wait3A_1145] : memref<160x128xi32, #tpu.memory_space<vmem>> -> memref<1x128xi32, #tpu.memory_space<vmem>>
    %dma_wait3A_1147 = tpu.memref_squeeze %dma_wait3A_1146 : memref<1x128xi32, #tpu.memory_space<vmem>> -> memref<128xi32, #tpu.memory_space<vmem>>
    %dma_wait3A_1148 = arith.constant 0 : i32
    %dma_wait3A_1149 = arith.constant 0 : i32
    %dma_wait3A_1150 = tpu.memref_slice %arg2[%arg0, %dma_wait3A_1148, %dma_wait3A_1149] : memref<2x10240x128xf32, #tpu.memory_space<hbm>> -> memref<1x10240x128xf32, #tpu.memory_space<hbm>>
    %dma_wait3A_1151 = tpu.memref_squeeze %dma_wait3A_1150 : memref<1x10240x128xf32, #tpu.memory_space<hbm>> -> memref<10240x128xf32, #tpu.memory_space<hbm>>
    %dma_wait3A_1152 = arith.constant 0 : i32
    %dma_wait3A_1153 = arith.constant 0 : i32
    %dma_wait3A_1154 = tpu.memref_slice %dma_wait3A_1151[%dma_wait3A_1152, %dma_wait3A_1153] : memref<10240x128xf32, #tpu.memory_space<hbm>> -> memref<10240x128xf32, #tpu.memory_space<hbm>>
    tpu.wait_indirect_dma semaphore(%arg13 : memref<!tpu.dma_semaphore, #tpu.memory_space<semaphore_mem>>) src(%dma_wait3A_1154 : memref<10240x128xf32, #tpu.memory_space<hbm>>) dst(%arg10 : memref<128x128xf32, #tpu.memory_space<vmem>>)
    %get3A_1155 = arith.constant 159 : i32
    %get3A_1156 = arith.index_cast %get3A_1155 : i32 to index
    %get3A_1157 = arith.constant 0 : index
    %get3A_1158 = tpu.vector_load %arg7[%get3A_1156, %get3A_1157] {strides = array<i32>} : memref<160x128xi32, #tpu.memory_space<vmem>>, vector<1x16xi32>,
    %get3A_1159 = vector.shape_cast %get3A_1158 : vector<1x16xi32> to vector<16xi32>
    %sub3A_1160 = arith.constant 5120 : i32
    %sub3A_1161 = vector.broadcast %sub3A_1160 : i32 to vector<16xi32>
    %sub3A_1162 = arith.subi %get3A_1159, %sub3A_1161 : vector<16xi32>
    %ge3A_1163 = arith.constant 0 : i32
    %ge3A_1164 = vector.broadcast %ge3A_1163 : i32 to vector<16xi32>
    %ge3A_1165 = arith.cmpi sge, %sub3A_1162, %ge3A_1164 : vector<16xi32>
    %lt3A_1166 = arith.constant 2560 : i32
    %lt3A_1167 = vector.broadcast %lt3A_1166 : i32 to vector<16xi32>
    %lt3A_1168 = arith.cmpi slt, %sub3A_1162, %lt3A_1167 : vector<16xi32>
    %and3A_1169 = arith.andi %ge3A_1165, %lt3A_1168 : vector<16xi1>
    %jit3A_1170 = arith.constant 2560 : i32
    %broadcast_in_dim3A_1171 = vector.broadcast %jit3A_1170 : i32 to vector<16xi32>
    %select_n3A_1172 = arith.select %and3A_1169, %sub3A_1162, %broadcast_in_dim3A_1171 : vector<16xi1>, vector<16xi32>
    %swap3A_1173 = arith.constant 0 : i32
    %swap3A_1174 = arith.index_cast %swap3A_1173 : i32 to index
    %swap3A_1175 = arith.constant 0 : index
    %swap3A_1176 = tpu.vector_load %arg8[%swap3A_1174, %swap3A_1175] {strides = array<i32>} : memref<1x128xi32, #tpu.memory_space<vmem>>, vector<1x16xi32>,
    %swap3A_1177 = vector.shape_cast %swap3A_1176 : vector<1x16xi32> to vector<16xi32>
    %swap3A_1178 = vector.shape_cast %select_n3A_1172 : vector<16xi32> to vector<1x16xi32>
    tpu.vector_store %arg8[%swap3A_1174, %swap3A_1175], %swap3A_1178 {strides = array<i32>} : memref<1x128xi32, #tpu.memory_space<vmem>>, vector<1x16xi32>,
    %get3A_1179 = arith.constant 159 : i32
    %get3A_1180 = arith.index_cast %get3A_1179 : i32 to index
    %get3A_1181 = arith.constant 16 : index
    %get3A_1182 = tpu.vector_load %arg7[%get3A_1180, %get3A_1181] {strides = array<i32>} : memref<160x128xi32, #tpu.memory_space<vmem>>, vector<1x16xi32>,
    %get3A_1183 = vector.shape_cast %get3A_1182 : vector<1x16xi32> to vector<16xi32>
    %sub3A_1184 = arith.constant 5120 : i32
    %sub3A_1185 = vector.broadcast %sub3A_1184 : i32 to vector<16xi32>
    %sub3A_1186 = arith.subi %get3A_1183, %sub3A_1185 : vector<16xi32>
    %ge3A_1187 = arith.constant 0 : i32
    %ge3A_1188 = vector.broadcast %ge3A_1187 : i32 to vector<16xi32>
    %ge3A_1189 = arith.cmpi sge, %sub3A_1186, %ge3A_1188 : vector<16xi32>
    %lt3A_1190 = arith.constant 2560 : i32
    %lt3A_1191 = vector.broadcast %lt3A_1190 : i32 to vector<16xi32>
    %lt3A_1192 = arith.cmpi slt, %sub3A_1186, %lt3A_1191 : vector<16xi32>
    %and3A_1193 = arith.andi %ge3A_1189, %lt3A_1192 : vector<16xi1>
    %jit3A_1194 = arith.constant 2560 : i32
    %broadcast_in_dim3A_1195 = vector.broadcast %jit3A_1194 : i32 to vector<16xi32>
    %select_n3A_1196 = arith.select %and3A_1193, %sub3A_1186, %broadcast_in_dim3A_1195 : vector<16xi1>, vector<16xi32>
    %swap3A_1197 = arith.constant 0 : i32
    %swap3A_1198 = arith.index_cast %swap3A_1197 : i32 to index
    %swap3A_1199 = arith.constant 16 : index
    %swap3A_1200 = tpu.vector_load %arg8[%swap3A_1198, %swap3A_1199] {strides = array<i32>} : memref<1x128xi32, #tpu.memory_space<vmem>>, vector<1x16xi32>,
    %swap3A_1201 = vector.shape_cast %swap3A_1200 : vector<1x16xi32> to vector<16xi32>
    %swap3A_1202 = vector.shape_cast %select_n3A_1196 : vector<16xi32> to vector<1x16xi32>
    tpu.vector_store %arg8[%swap3A_1198, %swap3A_1199], %swap3A_1202 {strides = array<i32>} : memref<1x128xi32, #tpu.memory_space<vmem>>, vector<1x16xi32>,
    %get3A_1203 = arith.constant 159 : i32
    %get3A_1204 = arith.index_cast %get3A_1203 : i32 to index
    %get3A_1205 = arith.constant 32 : index
    %get3A_1206 = tpu.vector_load %arg7[%get3A_1204, %get3A_1205] {strides = array<i32>} : memref<160x128xi32, #tpu.memory_space<vmem>>, vector<1x16xi32>,
    %get3A_1207 = vector.shape_cast %get3A_1206 : vector<1x16xi32> to vector<16xi32>
    %sub3A_1208 = arith.constant 5120 : i32
    %sub3A_1209 = vector.broadcast %sub3A_1208 : i32 to vector<16xi32>
    %sub3A_1210 = arith.subi %get3A_1207, %sub3A_1209 : vector<16xi32>
    %ge3A_1211 = arith.constant 0 : i32
    %ge3A_1212 = vector.broadcast %ge3A_1211 : i32 to vector<16xi32>
    %ge3A_1213 = arith.cmpi sge, %sub3A_1210, %ge3A_1212 : vector<16xi32>
    %lt3A_1214 = arith.constant 2560 : i32
    %lt3A_1215 = vector.broadcast %lt3A_1214 : i32 to vector<16xi32>
    %lt3A_1216 = arith.cmpi slt, %sub3A_1210, %lt3A_1215 : vector<16xi32>
    %and3A_1217 = arith.andi %ge3A_1213, %lt3A_1216 : vector<16xi1>
    %jit3A_1218 = arith.constant 2560 : i32
    %broadcast_in_dim3A_1219 = vector.broadcast %jit3A_1218 : i32 to vector<16xi32>
    %select_n3A_1220 = arith.select %and3A_1217, %sub3A_1210, %broadcast_in_dim3A_1219 : vector<16xi1>, vector<16xi32>
    %swap3A_1221 = arith.constant 0 : i32
    %swap3A_1222 = arith.index_cast %swap3A_1221 : i32 to index
    %swap3A_1223 = arith.constant 32 : index
    %swap3A_1224 = tpu.vector_load %arg8[%swap3A_1222, %swap3A_1223] {strides = array<i32>} : memref<1x128xi32, #tpu.memory_space<vmem>>, vector<1x16xi32>,
    %swap3A_1225 = vector.shape_cast %swap3A_1224 : vector<1x16xi32> to vector<16xi32>
    %swap3A_1226 = vector.shape_cast %select_n3A_1220 : vector<16xi32> to vector<1x16xi32>
    tpu.vector_store %arg8[%swap3A_1222, %swap3A_1223], %swap3A_1226 {strides = array<i32>} : memref<1x128xi32, #tpu.memory_space<vmem>>, vector<1x16xi32>,
    %get3A_1227 = arith.constant 159 : i32
    %get3A_1228 = arith.index_cast %get3A_1227 : i32 to index
    %get3A_1229 = arith.constant 48 : index
    %get3A_1230 = tpu.vector_load %arg7[%get3A_1228, %get3A_1229] {strides = array<i32>} : memref<160x128xi32, #tpu.memory_space<vmem>>, vector<1x16xi32>,
    %get3A_1231 = vector.shape_cast %get3A_1230 : vector<1x16xi32> to vector<16xi32>
    %sub3A_1232 = arith.constant 5120 : i32
    %sub3A_1233 = vector.broadcast %sub3A_1232 : i32 to vector<16xi32>
    %sub3A_1234 = arith.subi %get3A_1231, %sub3A_1233 : vector<16xi32>
    %ge3A_1235 = arith.constant 0 : i32
    %ge3A_1236 = vector.broadcast %ge3A_1235 : i32 to vector<16xi32>
    %ge3A_1237 = arith.cmpi sge, %sub3A_1234, %ge3A_1236 : vector<16xi32>
    %lt3A_1238 = arith.constant 2560 : i32
    %lt3A_1239 = vector.broadcast %lt3A_1238 : i32 to vector<16xi32>
    %lt3A_1240 = arith.cmpi slt, %sub3A_1234, %lt3A_1239 : vector<16xi32>
    %and3A_1241 = arith.andi %ge3A_1237, %lt3A_1240 : vector<16xi1>
    %jit3A_1242 = arith.constant 2560 : i32
    %broadcast_in_dim3A_1243 = vector.broadcast %jit3A_1242 : i32 to vector<16xi32>
    %select_n3A_1244 = arith.select %and3A_1241, %sub3A_1234, %broadcast_in_dim3A_1243 : vector<16xi1>, vector<16xi32>
    %swap3A_1245 = arith.constant 0 : i32
    %swap3A_1246 = arith.index_cast %swap3A_1245 : i32 to index
    %swap3A_1247 = arith.constant 48 : index
    %swap3A_1248 = tpu.vector_load %arg8[%swap3A_1246, %swap3A_1247] {strides = array<i32>} : memref<1x128xi32, #tpu.memory_space<vmem>>, vector<1x16xi32>,
    %swap3A_1249 = vector.shape_cast %swap3A_1248 : vector<1x16xi32> to vector<16xi32>
    %swap3A_1250 = vector.shape_cast %select_n3A_1244 : vector<16xi32> to vector<1x16xi32>
    tpu.vector_store %arg8[%swap3A_1246, %swap3A_1247], %swap3A_1250 {strides = array<i32>} : memref<1x128xi32, #tpu.memory_space<vmem>>, vector<1x16xi32>,
    %get3A_1251 = arith.constant 159 : i32
    %get3A_1252 = arith.index_cast %get3A_1251 : i32 to index
    %get3A_1253 = arith.constant 64 : index
    %get3A_1254 = tpu.vector_load %arg7[%get3A_1252, %get3A_1253] {strides = array<i32>} : memref<160x128xi32, #tpu.memory_space<vmem>>, vector<1x16xi32>,
    %get3A_1255 = vector.shape_cast %get3A_1254 : vector<1x16xi32> to vector<16xi32>
    %sub3A_1256 = arith.constant 5120 : i32
    %sub3A_1257 = vector.broadcast %sub3A_1256 : i32 to vector<16xi32>
    %sub3A_1258 = arith.subi %get3A_1255, %sub3A_1257 : vector<16xi32>
    %ge3A_1259 = arith.constant 0 : i32
    %ge3A_1260 = vector.broadcast %ge3A_1259 : i32 to vector<16xi32>
    %ge3A_1261 = arith.cmpi sge, %sub3A_1258, %ge3A_1260 : vector<16xi32>
    %lt3A_1262 = arith.constant 2560 : i32
    %lt3A_1263 = vector.broadcast %lt3A_1262 : i32 to vector<16xi32>
    %lt3A_1264 = arith.cmpi slt, %sub3A_1258, %lt3A_1263 : vector<16xi32>
    %and3A_1265 = arith.andi %ge3A_1261, %lt3A_1264 : vector<16xi1>
    %jit3A_1266 = arith.constant 2560 : i32
    %broadcast_in_dim3A_1267 = vector.broadcast %jit3A_1266 : i32 to vector<16xi32>
    %select_n3A_1268 = arith.select %and3A_1265, %sub3A_1258, %broadcast_in_dim3A_1267 : vector<16xi1>, vector<16xi32>
    %swap3A_1269 = arith.constant 0 : i32
    %swap3A_1270 = arith.index_cast %swap3A_1269 : i32 to index
    %swap3A_1271 = arith.constant 64 : index
    %swap3A_1272 = tpu.vector_load %arg8[%swap3A_1270, %swap3A_1271] {strides = array<i32>} : memref<1x128xi32, #tpu.memory_space<vmem>>, vector<1x16xi32>,
    %swap3A_1273 = vector.shape_cast %swap3A_1272 : vector<1x16xi32> to vector<16xi32>
    %swap3A_1274 = vector.shape_cast %select_n3A_1268 : vector<16xi32> to vector<1x16xi32>
    tpu.vector_store %arg8[%swap3A_1270, %swap3A_1271], %swap3A_1274 {strides = array<i32>} : memref<1x128xi32, #tpu.memory_space<vmem>>, vector<1x16xi32>,
    %get3A_1275 = arith.constant 159 : i32
    %get3A_1276 = arith.index_cast %get3A_1275 : i32 to index
    %get3A_1277 = arith.constant 80 : index
    %get3A_1278 = tpu.vector_load %arg7[%get3A_1276, %get3A_1277] {strides = array<i32>} : memref<160x128xi32, #tpu.memory_space<vmem>>, vector<1x16xi32>,
    %get3A_1279 = vector.shape_cast %get3A_1278 : vector<1x16xi32> to vector<16xi32>
    %sub3A_1280 = arith.constant 5120 : i32
    %sub3A_1281 = vector.broadcast %sub3A_1280 : i32 to vector<16xi32>
    %sub3A_1282 = arith.subi %get3A_1279, %sub3A_1281 : vector<16xi32>
    %ge3A_1283 = arith.constant 0 : i32
    %ge3A_1284 = vector.broadcast %ge3A_1283 : i32 to vector<16xi32>
    %ge3A_1285 = arith.cmpi sge, %sub3A_1282, %ge3A_1284 : vector<16xi32>
    %lt3A_1286 = arith.constant 2560 : i32
    %lt3A_1287 = vector.broadcast %lt3A_1286 : i32 to vector<16xi32>
    %lt3A_1288 = arith.cmpi slt, %sub3A_1282, %lt3A_1287 : vector<16xi32>
    %and3A_1289 = arith.andi %ge3A_1285, %lt3A_1288 : vector<16xi1>
    %jit3A_1290 = arith.constant 2560 : i32
    %broadcast_in_dim3A_1291 = vector.broadcast %jit3A_1290 : i32 to vector<16xi32>
    %select_n3A_1292 = arith.select %and3A_1289, %sub3A_1282, %broadcast_in_dim3A_1291 : vector<16xi1>, vector<16xi32>
    %swap3A_1293 = arith.constant 0 : i32
    %swap3A_1294 = arith.index_cast %swap3A_1293 : i32 to index
    %swap3A_1295 = arith.constant 80 : index
    %swap3A_1296 = tpu.vector_load %arg8[%swap3A_1294, %swap3A_1295] {strides = array<i32>} : memref<1x128xi32, #tpu.memory_space<vmem>>, vector<1x16xi32>,
    %swap3A_1297 = vector.shape_cast %swap3A_1296 : vector<1x16xi32> to vector<16xi32>
    %swap3A_1298 = vector.shape_cast %select_n3A_1292 : vector<16xi32> to vector<1x16xi32>
    tpu.vector_store %arg8[%swap3A_1294, %swap3A_1295], %swap3A_1298 {strides = array<i32>} : memref<1x128xi32, #tpu.memory_space<vmem>>, vector<1x16xi32>,
    %get3A_1299 = arith.constant 159 : i32
    %get3A_1300 = arith.index_cast %get3A_1299 : i32 to index
    %get3A_1301 = arith.constant 96 : index
    %get3A_1302 = tpu.vector_load %arg7[%get3A_1300, %get3A_1301] {strides = array<i32>} : memref<160x128xi32, #tpu.memory_space<vmem>>, vector<1x16xi32>,
    %get3A_1303 = vector.shape_cast %get3A_1302 : vector<1x16xi32> to vector<16xi32>
    %sub3A_1304 = arith.constant 5120 : i32
    %sub3A_1305 = vector.broadcast %sub3A_1304 : i32 to vector<16xi32>
    %sub3A_1306 = arith.subi %get3A_1303, %sub3A_1305 : vector<16xi32>
    %ge3A_1307 = arith.constant 0 : i32
    %ge3A_1308 = vector.broadcast %ge3A_1307 : i32 to vector<16xi32>
    %ge3A_1309 = arith.cmpi sge, %sub3A_1306, %ge3A_1308 : vector<16xi32>
    %lt3A_1310 = arith.constant 2560 : i32
    %lt3A_1311 = vector.broadcast %lt3A_1310 : i32 to vector<16xi32>
    %lt3A_1312 = arith.cmpi slt, %sub3A_1306, %lt3A_1311 : vector<16xi32>
    %and3A_1313 = arith.andi %ge3A_1309, %lt3A_1312 : vector<16xi1>
    %jit3A_1314 = arith.constant 2560 : i32
    %broadcast_in_dim3A_1315 = vector.broadcast %jit3A_1314 : i32 to vector<16xi32>
    %select_n3A_1316 = arith.select %and3A_1313, %sub3A_1306, %broadcast_in_dim3A_1315 : vector<16xi1>, vector<16xi32>
    %swap3A_1317 = arith.constant 0 : i32
    %swap3A_1318 = arith.index_cast %swap3A_1317 : i32 to index
    %swap3A_1319 = arith.constant 96 : index
    %swap3A_1320 = tpu.vector_load %arg8[%swap3A_1318, %swap3A_1319] {strides = array<i32>} : memref<1x128xi32, #tpu.memory_space<vmem>>, vector<1x16xi32>,
    %swap3A_1321 = vector.shape_cast %swap3A_1320 : vector<1x16xi32> to vector<16xi32>
    %swap3A_1322 = vector.shape_cast %select_n3A_1316 : vector<16xi32> to vector<1x16xi32>
    tpu.vector_store %arg8[%swap3A_1318, %swap3A_1319], %swap3A_1322 {strides = array<i32>} : memref<1x128xi32, #tpu.memory_space<vmem>>, vector<1x16xi32>,
    %get3A_1323 = arith.constant 159 : i32
    %get3A_1324 = arith.index_cast %get3A_1323 : i32 to index
    %get3A_1325 = arith.constant 112 : index
    %get3A_1326 = tpu.vector_load %arg7[%get3A_1324, %get3A_1325] {strides = array<i32>} : memref<160x128xi32, #tpu.memory_space<vmem>>, vector<1x16xi32>,
    %get3A_1327 = vector.shape_cast %get3A_1326 : vector<1x16xi32> to vector<16xi32>
    %sub3A_1328 = arith.constant 5120 : i32
    %sub3A_1329 = vector.broadcast %sub3A_1328 : i32 to vector<16xi32>
    %sub3A_1330 = arith.subi %get3A_1327, %sub3A_1329 : vector<16xi32>
    %ge3A_1331 = arith.constant 0 : i32
    %ge3A_1332 = vector.broadcast %ge3A_1331 : i32 to vector<16xi32>
    %ge3A_1333 = arith.cmpi sge, %sub3A_1330, %ge3A_1332 : vector<16xi32>
    %lt3A_1334 = arith.constant 2560 : i32
    %lt3A_1335 = vector.broadcast %lt3A_1334 : i32 to vector<16xi32>
    %lt3A_1336 = arith.cmpi slt, %sub3A_1330, %lt3A_1335 : vector<16xi32>
    %and3A_1337 = arith.andi %ge3A_1333, %lt3A_1336 : vector<16xi1>
    %jit3A_1338 = arith.constant 2560 : i32
    %broadcast_in_dim3A_1339 = vector.broadcast %jit3A_1338 : i32 to vector<16xi32>
    %select_n3A_1340 = arith.select %and3A_1337, %sub3A_1330, %broadcast_in_dim3A_1339 : vector<16xi1>, vector<16xi32>
    %swap3A_1341 = arith.constant 0 : i32
    %swap3A_1342 = arith.index_cast %swap3A_1341 : i32 to index
    %swap3A_1343 = arith.constant 112 : index
    %swap3A_1344 = tpu.vector_load %arg8[%swap3A_1342, %swap3A_1343] {strides = array<i32>} : memref<1x128xi32, #tpu.memory_space<vmem>>, vector<1x16xi32>,
    %swap3A_1345 = vector.shape_cast %swap3A_1344 : vector<1x16xi32> to vector<16xi32>
    %swap3A_1346 = vector.shape_cast %select_n3A_1340 : vector<16xi32> to vector<1x16xi32>
    tpu.vector_store %arg8[%swap3A_1342, %swap3A_1343], %swap3A_1346 {strides = array<i32>} : memref<1x128xi32, #tpu.memory_space<vmem>>, vector<1x16xi32>,
    %run_scoped3A_1347 = arith.constant 0 : i32
    "tpu.region"() ({
      %run_scoped3A_1807 = tpu.sem_alloc : memref<!tpu.dma_semaphore, #tpu.memory_space<semaphore_mem>>
      %dma_start3A_1808 = arith.constant 0 : i32
      %dma_start3A_1809 = tpu.memref_slice %arg8[%run_scoped3A_1347, %dma_start3A_1808] : memref<1x128xi32, #tpu.memory_space<vmem>> -> memref<1x128xi32, #tpu.memory_space<vmem>>
      %dma_start3A_1810 = tpu.memref_squeeze %dma_start3A_1809 : memref<1x128xi32, #tpu.memory_space<vmem>> -> memref<128xi32, #tpu.memory_space<vmem>>
      %dma_start3A_1811 = arith.constant 0 : i32
      %dma_start3A_1812 = arith.constant 0 : i32
      %dma_start3A_1813 = tpu.memref_slice %arg14[%dma_start3A_1811, %dma_start3A_1812] : memref<3072x128xf32, #tpu.memory_space<vmem_shared>> -> memref<3072x128xf32, #tpu.memory_space<vmem_shared>>
      tpu.enqueue_indirect_dma source(%arg10 : memref<128x128xf32, #tpu.memory_space<vmem>>) target(%dma_start3A_1813 : memref<3072x128xf32, #tpu.memory_space<vmem_shared>>) offsets(%dma_start3A_1810 : memref<128xi32, #tpu.memory_space<vmem>>) semaphore(%run_scoped3A_1807 : memref<!tpu.dma_semaphore, #tpu.memory_space<semaphore_mem>>) {add = true}
      %dma_wait3A_1814 = arith.constant 0 : i32
      %dma_wait3A_1815 = tpu.memref_slice %arg8[%run_scoped3A_1347, %dma_wait3A_1814] : memref<1x128xi32, #tpu.memory_space<vmem>> -> memref<1x128xi32, #tpu.memory_space<vmem>>
      %dma_wait3A_1816 = tpu.memref_squeeze %dma_wait3A_1815 : memref<1x128xi32, #tpu.memory_space<vmem>> -> memref<128xi32, #tpu.memory_space<vmem>>
      %dma_wait3A_1817 = arith.constant 0 : i32
      %dma_wait3A_1818 = arith.constant 0 : i32
      %dma_wait3A_1819 = tpu.memref_slice %arg14[%dma_wait3A_1817, %dma_wait3A_1818] : memref<3072x128xf32, #tpu.memory_space<vmem_shared>> -> memref<3072x128xf32, #tpu.memory_space<vmem_shared>>
      tpu.wait_indirect_dma semaphore(%run_scoped3A_1807 : memref<!tpu.dma_semaphore, #tpu.memory_space<semaphore_mem>>) src(%arg10 : memref<128x128xf32, #tpu.memory_space<vmem>>) dst(%dma_wait3A_1819 : memref<3072x128xf32, #tpu.memory_space<vmem_shared>>)
      tpu.yield
    }) : () -> ()
    %barrier3A_1348 = arith.constant 0 : index
    tpu.barrier barrier_id(%barrier3A_1348)
    %mul3A_1349 = arith.constant 160 : i32
    %mul3A_1350 = arith.muli %arg1, %mul3A_1349 : i32
    %add3A_1351 = arith.constant 5120 : i32
    %add3A_1352 = arith.addi %add3A_1351, %mul3A_1350 : i32
    "tpu.region"() ({
      %run_scoped3A_1807 = tpu.sem_alloc : memref<!tpu.dma_semaphore, #tpu.memory_space<semaphore_mem>>
      %dma_start3A_1808 = arith.constant 0 : i32
      %dma_start3A_1809 = tpu.memref_slice %arg5[%arg0, %add3A_1352, %dma_start3A_1808] : memref<2x10240x128xf32, #tpu.memory_space<hbm>> -> memref<1x160x128xf32, #tpu.memory_space<hbm>>
      %dma_start3A_1810 = tpu.memref_squeeze %dma_start3A_1809 : memref<1x160x128xf32, #tpu.memory_space<hbm>> -> memref<160x128xf32, #tpu.memory_space<hbm>>
      %dma_start3A_1811 = arith.constant 0 : i32
      %dma_start3A_1812 = tpu.memref_slice %arg14[%mul3A_1350, %dma_start3A_1811] : memref<3072x128xf32, #tpu.memory_space<vmem_shared>> -> memref<160x128xf32, #tpu.memory_space<vmem_shared>>
      tpu.enqueue_dma source(%dma_start3A_1812 : memref<160x128xf32, #tpu.memory_space<vmem_shared>>) target(%dma_start3A_1810 : memref<160x128xf32, #tpu.memory_space<hbm>>) target_semaphore(%run_scoped3A_1807 : memref<!tpu.dma_semaphore, #tpu.memory_space<semaphore_mem>>)
      %dma_wait3A_1813 = arith.constant 0 : i32
      %dma_wait3A_1814 = tpu.memref_slice %arg5[%arg0, %add3A_1352, %dma_wait3A_1813] : memref<2x10240x128xf32, #tpu.memory_space<hbm>> -> memref<1x160x128xf32, #tpu.memory_space<hbm>>
      %dma_wait3A_1815 = tpu.memref_squeeze %dma_wait3A_1814 : memref<1x160x128xf32, #tpu.memory_space<hbm>> -> memref<160x128xf32, #tpu.memory_space<hbm>>
      %dma_wait3A_1816 = arith.constant 0 : i32
      %dma_wait3A_1817 = tpu.memref_slice %arg14[%mul3A_1350, %dma_wait3A_1816] : memref<3072x128xf32, #tpu.memory_space<vmem_shared>> -> memref<160x128xf32, #tpu.memory_space<vmem_shared>>
      tpu.wait_dma2 semaphore(%run_scoped3A_1807 : memref<!tpu.dma_semaphore, #tpu.memory_space<semaphore_mem>>) src(%dma_wait3A_1817 : memref<160x128xf32, #tpu.memory_space<vmem_shared>>) dst(%dma_wait3A_1815 : memref<160x128xf32, #tpu.memory_space<hbm>>)
      tpu.yield
    }) : () -> ()
    %barrier3A_1353 = arith.constant 0 : index
    tpu.barrier barrier_id(%barrier3A_1353)
    %mul3A_1354 = arith.constant 192 : i32
    %mul3A_1355 = arith.muli %arg1, %mul3A_1354 : i32
    %add3A_1356 = arith.constant 0 : i32
    %add3A_1357 = arith.addi %mul3A_1355, %add3A_1356 : i32
    "tpu.region"() ({
      %run_scoped3A_1807 = tpu.sem_alloc : memref<!tpu.dma_semaphore, #tpu.memory_space<semaphore_mem>>
      %dma_start3A_1808 = arith.constant 0 : i32
      %dma_start3A_1809 = arith.constant 0 : i32
      %dma_start3A_1810 = tpu.memref_slice %arg11[%dma_start3A_1808, %dma_start3A_1809] : memref<128x128xf32, #tpu.memory_space<vmem>> -> memref<128x128xf32, #tpu.memory_space<vmem>>
      %dma_start3A_1811 = arith.constant 0 : i32
      %dma_start3A_1812 = tpu.memref_slice %arg14[%add3A_1357, %dma_start3A_1811] : memref<3072x128xf32, #tpu.memory_space<vmem_shared>> -> memref<128x128xf32, #tpu.memory_space<vmem_shared>>
      %dma_start3A_1813 = arith.constant 0 : i32
      %dma_start3A_1814 = tpu.memref_slice %arg14[%add3A_1357, %dma_start3A_1813] : memref<3072x128xf32, #tpu.memory_space<vmem_shared>> -> memref<128x128xf32, #tpu.memory_space<vmem_shared>>
      %dma_start3A_1815 = arith.constant 0 : i32
      %dma_start3A_1816 = arith.constant 0 : i32
      %dma_start3A_1817 = tpu.memref_slice %arg11[%dma_start3A_1815, %dma_start3A_1816] : memref<128x128xf32, #tpu.memory_space<vmem>> -> memref<128x128xf32, #tpu.memory_space<vmem>>
      tpu.enqueue_dma source(%dma_start3A_1817 : memref<128x128xf32, #tpu.memory_space<vmem>>) target(%dma_start3A_1814 : memref<128x128xf32, #tpu.memory_space<vmem_shared>>) target_semaphore(%run_scoped3A_1807 : memref<!tpu.dma_semaphore, #tpu.memory_space<semaphore_mem>>)
      %dma_wait3A_1818 = arith.constant 0 : i32
      %dma_wait3A_1819 = arith.constant 0 : i32
      %dma_wait3A_1820 = tpu.memref_slice %arg11[%dma_wait3A_1818, %dma_wait3A_1819] : memref<128x128xf32, #tpu.memory_space<vmem>> -> memref<128x128xf32, #tpu.memory_space<vmem>>
      %dma_wait3A_1821 = arith.constant 0 : i32
      %dma_wait3A_1822 = tpu.memref_slice %arg14[%add3A_1357, %dma_wait3A_1821] : memref<3072x128xf32, #tpu.memory_space<vmem_shared>> -> memref<128x128xf32, #tpu.memory_space<vmem_shared>>
      %dma_wait3A_1823 = arith.constant 0 : i32
      %dma_wait3A_1824 = tpu.memref_slice %arg14[%add3A_1357, %dma_wait3A_1823] : memref<3072x128xf32, #tpu.memory_space<vmem_shared>> -> memref<128x128xf32, #tpu.memory_space<vmem_shared>>
      %dma_wait3A_1825 = arith.constant 0 : i32
      %dma_wait3A_1826 = arith.constant 0 : i32
      %dma_wait3A_1827 = tpu.memref_slice %arg11[%dma_wait3A_1825, %dma_wait3A_1826] : memref<128x128xf32, #tpu.memory_space<vmem>> -> memref<128x128xf32, #tpu.memory_space<vmem>>
      tpu.wait_dma2 semaphore(%run_scoped3A_1807 : memref<!tpu.dma_semaphore, #tpu.memory_space<semaphore_mem>>) src(%dma_wait3A_1827 : memref<128x128xf32, #tpu.memory_space<vmem>>) dst(%dma_wait3A_1824 : memref<128x128xf32, #tpu.memory_space<vmem_shared>>)
      tpu.yield
    }) : () -> ()
    %mul3A_1358 = arith.constant 192 : i32
    %mul3A_1359 = arith.muli %arg1, %mul3A_1358 : i32
    %add3A_1360 = arith.constant 128 : i32
    %add3A_1361 = arith.addi %mul3A_1359, %add3A_1360 : i32
    "tpu.region"() ({
      %run_scoped3A_1807 = tpu.sem_alloc : memref<!tpu.dma_semaphore, #tpu.memory_space<semaphore_mem>>
      %dma_start3A_1808 = arith.constant 0 : i32
      %dma_start3A_1809 = arith.constant 0 : i32
      %dma_start3A_1810 = tpu.memref_slice %arg11[%dma_start3A_1808, %dma_start3A_1809] : memref<128x128xf32, #tpu.memory_space<vmem>> -> memref<64x128xf32, #tpu.memory_space<vmem>>
      %dma_start3A_1811 = arith.constant 0 : i32
      %dma_start3A_1812 = tpu.memref_slice %arg14[%add3A_1361, %dma_start3A_1811] : memref<3072x128xf32, #tpu.memory_space<vmem_shared>> -> memref<64x128xf32, #tpu.memory_space<vmem_shared>>
      %dma_start3A_1813 = arith.constant 0 : i32
      %dma_start3A_1814 = tpu.memref_slice %arg14[%add3A_1361, %dma_start3A_1813] : memref<3072x128xf32, #tpu.memory_space<vmem_shared>> -> memref<64x128xf32, #tpu.memory_space<vmem_shared>>
      %dma_start3A_1815 = arith.constant 0 : i32
      %dma_start3A_1816 = arith.constant 0 : i32
      %dma_start3A_1817 = tpu.memref_slice %arg11[%dma_start3A_1815, %dma_start3A_1816] : memref<128x128xf32, #tpu.memory_space<vmem>> -> memref<64x128xf32, #tpu.memory_space<vmem>>
      tpu.enqueue_dma source(%dma_start3A_1817 : memref<64x128xf32, #tpu.memory_space<vmem>>) target(%dma_start3A_1814 : memref<64x128xf32, #tpu.memory_space<vmem_shared>>) target_semaphore(%run_scoped3A_1807 : memref<!tpu.dma_semaphore, #tpu.memory_space<semaphore_mem>>)
      %dma_wait3A_1818 = arith.constant 0 : i32
      %dma_wait3A_1819 = arith.constant 0 : i32
      %dma_wait3A_1820 = tpu.memref_slice %arg11[%dma_wait3A_1818, %dma_wait3A_1819] : memref<128x128xf32, #tpu.memory_space<vmem>> -> memref<64x128xf32, #tpu.memory_space<vmem>>
      %dma_wait3A_1821 = arith.constant 0 : i32
      %dma_wait3A_1822 = tpu.memref_slice %arg14[%add3A_1361, %dma_wait3A_1821] : memref<3072x128xf32, #tpu.memory_space<vmem_shared>> -> memref<64x128xf32, #tpu.memory_space<vmem_shared>>
      %dma_wait3A_1823 = arith.constant 0 : i32
      %dma_wait3A_1824 = tpu.memref_slice %arg14[%add3A_1361, %dma_wait3A_1823] : memref<3072x128xf32, #tpu.memory_space<vmem_shared>> -> memref<64x128xf32, #tpu.memory_space<vmem_shared>>
      %dma_wait3A_1825 = arith.constant 0 : i32
      %dma_wait3A_1826 = arith.constant 0 : i32
      %dma_wait3A_1827 = tpu.memref_slice %arg11[%dma_wait3A_1825, %dma_wait3A_1826] : memref<128x128xf32, #tpu.memory_space<vmem>> -> memref<64x128xf32, #tpu.memory_space<vmem>>
      tpu.wait_dma2 semaphore(%run_scoped3A_1807 : memref<!tpu.dma_semaphore, #tpu.memory_space<semaphore_mem>>) src(%dma_wait3A_1827 : memref<64x128xf32, #tpu.memory_space<vmem>>) dst(%dma_wait3A_1824 : memref<64x128xf32, #tpu.memory_space<vmem_shared>>)
      tpu.yield
    }) : () -> ()
    %barrier3A_1362 = arith.constant 0 : index
    tpu.barrier barrier_id(%barrier3A_1362)
    %dma_start3A_1363 = arith.constant 0 : i32
    %dma_start3A_1364 = arith.constant 0 : i32
    %dma_start3A_1365 = tpu.memref_slice %arg6[%dma_start3A_1363, %dma_start3A_1364] : memref<160x128xi32, #tpu.memory_space<vmem>> -> memref<1x128xi32, #tpu.memory_space<vmem>>
    %dma_start3A_1366 = tpu.memref_squeeze %dma_start3A_1365 : memref<1x128xi32, #tpu.memory_space<vmem>> -> memref<128xi32, #tpu.memory_space<vmem>>
    %dma_start3A_1367 = arith.constant 0 : i32
    %dma_start3A_1368 = arith.constant 0 : i32
    %dma_start3A_1369 = tpu.memref_slice %arg2[%arg0, %dma_start3A_1367, %dma_start3A_1368] : memref<2x10240x128xf32, #tpu.memory_space<hbm>> -> memref<1x10240x128xf32, #tpu.memory_space<hbm>>
    %dma_start3A_1370 = tpu.memref_squeeze %dma_start3A_1369 : memref<1x10240x128xf32, #tpu.memory_space<hbm>> -> memref<10240x128xf32, #tpu.memory_space<hbm>>
    %dma_start3A_1371 = arith.constant 0 : i32
    %dma_start3A_1372 = arith.constant 0 : i32
    %dma_start3A_1373 = tpu.memref_slice %dma_start3A_1370[%dma_start3A_1371, %dma_start3A_1372] : memref<10240x128xf32, #tpu.memory_space<hbm>> -> memref<10240x128xf32, #tpu.memory_space<hbm>>
    tpu.enqueue_indirect_dma source(%dma_start3A_1373 : memref<10240x128xf32, #tpu.memory_space<hbm>>) target(%arg9 : memref<128x128xf32, #tpu.memory_space<vmem>>) offsets(%dma_start3A_1366 : memref<128xi32, #tpu.memory_space<vmem>>) semaphore(%arg12 : memref<!tpu.dma_semaphore, #tpu.memory_space<semaphore_mem>>)
    %dma_start3A_1374 = arith.constant 1 : i32
    %dma_start3A_1375 = arith.constant 0 : i32
    %dma_start3A_1376 = tpu.memref_slice %arg6[%dma_start3A_1374, %dma_start3A_1375] : memref<160x128xi32, #tpu.memory_space<vmem>> -> memref<1x128xi32, #tpu.memory_space<vmem>>
    %dma_start3A_1377 = tpu.memref_squeeze %dma_start3A_1376 : memref<1x128xi32, #tpu.memory_space<vmem>> -> memref<128xi32, #tpu.memory_space<vmem>>
    %dma_start3A_1378 = arith.constant 0 : i32
    %dma_start3A_1379 = arith.constant 0 : i32
    %dma_start3A_1380 = tpu.memref_slice %arg2[%arg0, %dma_start3A_1378, %dma_start3A_1379] : memref<2x10240x128xf32, #tpu.memory_space<hbm>> -> memref<1x10240x128xf32, #tpu.memory_space<hbm>>
    %dma_start3A_1381 = tpu.memref_squeeze %dma_start3A_1380 : memref<1x10240x128xf32, #tpu.memory_space<hbm>> -> memref<10240x128xf32, #tpu.memory_space<hbm>>
    %dma_start3A_1382 = arith.constant 0 : i32
    %dma_start3A_1383 = arith.constant 0 : i32
    %dma_start3A_1384 = tpu.memref_slice %dma_start3A_1381[%dma_start3A_1382, %dma_start3A_1383] : memref<10240x128xf32, #tpu.memory_space<hbm>> -> memref<10240x128xf32, #tpu.memory_space<hbm>>
    tpu.enqueue_indirect_dma source(%dma_start3A_1384 : memref<10240x128xf32, #tpu.memory_space<hbm>>) target(%arg10 : memref<128x128xf32, #tpu.memory_space<vmem>>) offsets(%dma_start3A_1377 : memref<128xi32, #tpu.memory_space<vmem>>) semaphore(%arg13 : memref<!tpu.dma_semaphore, #tpu.memory_space<semaphore_mem>>)
    %scan3A_1385 = arith.constant 7680 : i32
    %scan3A_1386 = arith.constant 0 : i32
    %scan3A_1387 = arith.constant 0 : i32
    %scan3A_1388 = arith.constant 79 : i32
    %scan3A_1389 = arith.addi %scan3A_1387, %scan3A_1388 : i32
    %scan3A_1390 = arith.constant 1 : i32
    %scan3A_1391 = scf.for %scan3A_1807 = %scan3A_1387 to %scan3A_1389 step %scan3A_1390 iter_args(%scan3A_1808 = %scan3A_1386) -> (i32)  : i32 {
      %mul3A_1809 = arith.constant 2 : i32
      %mul3A_1810 = arith.muli %mul3A_1809, %scan3A_1807 : i32
      %dma_wait3A_1811 = arith.constant 0 : i32
      %dma_wait3A_1812 = tpu.memref_slice %arg6[%mul3A_1810, %dma_wait3A_1811] : memref<160x128xi32, #tpu.memory_space<vmem>> -> memref<1x128xi32, #tpu.memory_space<vmem>>
      %dma_wait3A_1813 = tpu.memref_squeeze %dma_wait3A_1812 : memref<1x128xi32, #tpu.memory_space<vmem>> -> memref<128xi32, #tpu.memory_space<vmem>>
      %dma_wait3A_1814 = arith.constant 0 : i32
      %dma_wait3A_1815 = arith.constant 0 : i32
      %dma_wait3A_1816 = tpu.memref_slice %arg2[%arg0, %dma_wait3A_1814, %dma_wait3A_1815] : memref<2x10240x128xf32, #tpu.memory_space<hbm>> -> memref<1x10240x128xf32, #tpu.memory_space<hbm>>
      %dma_wait3A_1817 = tpu.memref_squeeze %dma_wait3A_1816 : memref<1x10240x128xf32, #tpu.memory_space<hbm>> -> memref<10240x128xf32, #tpu.memory_space<hbm>>
      %dma_wait3A_1818 = arith.constant 0 : i32
      %dma_wait3A_1819 = arith.constant 0 : i32
      %dma_wait3A_1820 = tpu.memref_slice %dma_wait3A_1817[%dma_wait3A_1818, %dma_wait3A_1819] : memref<10240x128xf32, #tpu.memory_space<hbm>> -> memref<10240x128xf32, #tpu.memory_space<hbm>>
      tpu.wait_indirect_dma semaphore(%arg12 : memref<!tpu.dma_semaphore, #tpu.memory_space<semaphore_mem>>) src(%dma_wait3A_1820 : memref<10240x128xf32, #tpu.memory_space<hbm>>) dst(%arg9 : memref<128x128xf32, #tpu.memory_space<vmem>>)
      %get3A_1821 = arith.index_cast %mul3A_1810 : i32 to index
      %get3A_1822 = arith.constant 0 : index
      %get3A_1823 = tpu.vector_load %arg7[%get3A_1821, %get3A_1822] {strides = array<i32>} : memref<160x128xi32, #tpu.memory_space<vmem>>, vector<1x16xi32>,
      %get3A_1824 = vector.shape_cast %get3A_1823 : vector<1x16xi32> to vector<16xi32>
      %sub3A_1825 = vector.broadcast %scan3A_1385 : i32 to vector<16xi32>
      %sub3A_1826 = arith.subi %get3A_1824, %sub3A_1825 : vector<16xi32>
      %ge3A_1827 = arith.constant 0 : i32
      %ge3A_1828 = vector.broadcast %ge3A_1827 : i32 to vector<16xi32>
      %ge3A_1829 = arith.cmpi sge, %sub3A_1826, %ge3A_1828 : vector<16xi32>
      %lt3A_1830 = arith.constant 2560 : i32
      %lt3A_1831 = vector.broadcast %lt3A_1830 : i32 to vector<16xi32>
      %lt3A_1832 = arith.cmpi slt, %sub3A_1826, %lt3A_1831 : vector<16xi32>
      %and3A_1833 = arith.andi %ge3A_1829, %lt3A_1832 : vector<16xi1>
      %jit3A_1834 = arith.constant 2560 : i32
      %broadcast_in_dim3A_1835 = vector.broadcast %jit3A_1834 : i32 to vector<16xi32>
      %select_n3A_1836 = arith.select %and3A_1833, %sub3A_1826, %broadcast_in_dim3A_1835 : vector<16xi1>, vector<16xi32>
      %swap3A_1837 = arith.constant 0 : i32
      %swap3A_1838 = arith.index_cast %swap3A_1837 : i32 to index
      %swap3A_1839 = arith.constant 0 : index
      %swap3A_1840 = tpu.vector_load %arg8[%swap3A_1838, %swap3A_1839] {strides = array<i32>} : memref<1x128xi32, #tpu.memory_space<vmem>>, vector<1x16xi32>,
      %swap3A_1841 = vector.shape_cast %swap3A_1840 : vector<1x16xi32> to vector<16xi32>
      %swap3A_1842 = vector.shape_cast %select_n3A_1836 : vector<16xi32> to vector<1x16xi32>
      tpu.vector_store %arg8[%swap3A_1838, %swap3A_1839], %swap3A_1842 {strides = array<i32>} : memref<1x128xi32, #tpu.memory_space<vmem>>, vector<1x16xi32>,
      %get3A_1843 = arith.index_cast %mul3A_1810 : i32 to index
      %get3A_1844 = arith.constant 16 : index
      %get3A_1845 = tpu.vector_load %arg7[%get3A_1843, %get3A_1844] {strides = array<i32>} : memref<160x128xi32, #tpu.memory_space<vmem>>, vector<1x16xi32>,
      %get3A_1846 = vector.shape_cast %get3A_1845 : vector<1x16xi32> to vector<16xi32>
      %sub3A_1847 = vector.broadcast %scan3A_1385 : i32 to vector<16xi32>
      %sub3A_1848 = arith.subi %get3A_1846, %sub3A_1847 : vector<16xi32>
      %ge3A_1849 = arith.constant 0 : i32
      %ge3A_1850 = vector.broadcast %ge3A_1849 : i32 to vector<16xi32>
      %ge3A_1851 = arith.cmpi sge, %sub3A_1848, %ge3A_1850 : vector<16xi32>
      %lt3A_1852 = arith.constant 2560 : i32
      %lt3A_1853 = vector.broadcast %lt3A_1852 : i32 to vector<16xi32>
      %lt3A_1854 = arith.cmpi slt, %sub3A_1848, %lt3A_1853 : vector<16xi32>
      %and3A_1855 = arith.andi %ge3A_1851, %lt3A_1854 : vector<16xi1>
      %jit3A_1856 = arith.constant 2560 : i32
      %broadcast_in_dim3A_1857 = vector.broadcast %jit3A_1856 : i32 to vector<16xi32>
      %select_n3A_1858 = arith.select %and3A_1855, %sub3A_1848, %broadcast_in_dim3A_1857 : vector<16xi1>, vector<16xi32>
      %swap3A_1859 = arith.constant 0 : i32
      %swap3A_1860 = arith.index_cast %swap3A_1859 : i32 to index
      %swap3A_1861 = arith.constant 16 : index
      %swap3A_1862 = tpu.vector_load %arg8[%swap3A_1860, %swap3A_1861] {strides = array<i32>} : memref<1x128xi32, #tpu.memory_space<vmem>>, vector<1x16xi32>,
      %swap3A_1863 = vector.shape_cast %swap3A_1862 : vector<1x16xi32> to vector<16xi32>
      %swap3A_1864 = vector.shape_cast %select_n3A_1858 : vector<16xi32> to vector<1x16xi32>
      tpu.vector_store %arg8[%swap3A_1860, %swap3A_1861], %swap3A_1864 {strides = array<i32>} : memref<1x128xi32, #tpu.memory_space<vmem>>, vector<1x16xi32>,
      %get3A_1865 = arith.index_cast %mul3A_1810 : i32 to index
      %get3A_1866 = arith.constant 32 : index
      %get3A_1867 = tpu.vector_load %arg7[%get3A_1865, %get3A_1866] {strides = array<i32>} : memref<160x128xi32, #tpu.memory_space<vmem>>, vector<1x16xi32>,
      %get3A_1868 = vector.shape_cast %get3A_1867 : vector<1x16xi32> to vector<16xi32>
      %sub3A_1869 = vector.broadcast %scan3A_1385 : i32 to vector<16xi32>
      %sub3A_1870 = arith.subi %get3A_1868, %sub3A_1869 : vector<16xi32>
      %ge3A_1871 = arith.constant 0 : i32
      %ge3A_1872 = vector.broadcast %ge3A_1871 : i32 to vector<16xi32>
      %ge3A_1873 = arith.cmpi sge, %sub3A_1870, %ge3A_1872 : vector<16xi32>
      %lt3A_1874 = arith.constant 2560 : i32
      %lt3A_1875 = vector.broadcast %lt3A_1874 : i32 to vector<16xi32>
      %lt3A_1876 = arith.cmpi slt, %sub3A_1870, %lt3A_1875 : vector<16xi32>
      %and3A_1877 = arith.andi %ge3A_1873, %lt3A_1876 : vector<16xi1>
      %jit3A_1878 = arith.constant 2560 : i32
      %broadcast_in_dim3A_1879 = vector.broadcast %jit3A_1878 : i32 to vector<16xi32>
      %select_n3A_1880 = arith.select %and3A_1877, %sub3A_1870, %broadcast_in_dim3A_1879 : vector<16xi1>, vector<16xi32>
      %swap3A_1881 = arith.constant 0 : i32
      %swap3A_1882 = arith.index_cast %swap3A_1881 : i32 to index
      %swap3A_1883 = arith.constant 32 : index
      %swap3A_1884 = tpu.vector_load %arg8[%swap3A_1882, %swap3A_1883] {strides = array<i32>} : memref<1x128xi32, #tpu.memory_space<vmem>>, vector<1x16xi32>,
      %swap3A_1885 = vector.shape_cast %swap3A_1884 : vector<1x16xi32> to vector<16xi32>
      %swap3A_1886 = vector.shape_cast %select_n3A_1880 : vector<16xi32> to vector<1x16xi32>
      tpu.vector_store %arg8[%swap3A_1882, %swap3A_1883], %swap3A_1886 {strides = array<i32>} : memref<1x128xi32, #tpu.memory_space<vmem>>, vector<1x16xi32>,
      %get3A_1887 = arith.index_cast %mul3A_1810 : i32 to index
      %get3A_1888 = arith.constant 48 : index
      %get3A_1889 = tpu.vector_load %arg7[%get3A_1887, %get3A_1888] {strides = array<i32>} : memref<160x128xi32, #tpu.memory_space<vmem>>, vector<1x16xi32>,
      %get3A_1890 = vector.shape_cast %get3A_1889 : vector<1x16xi32> to vector<16xi32>
      %sub3A_1891 = vector.broadcast %scan3A_1385 : i32 to vector<16xi32>
      %sub3A_1892 = arith.subi %get3A_1890, %sub3A_1891 : vector<16xi32>
      %ge3A_1893 = arith.constant 0 : i32
      %ge3A_1894 = vector.broadcast %ge3A_1893 : i32 to vector<16xi32>
      %ge3A_1895 = arith.cmpi sge, %sub3A_1892, %ge3A_1894 : vector<16xi32>
      %lt3A_1896 = arith.constant 2560 : i32
      %lt3A_1897 = vector.broadcast %lt3A_1896 : i32 to vector<16xi32>
      %lt3A_1898 = arith.cmpi slt, %sub3A_1892, %lt3A_1897 : vector<16xi32>
      %and3A_1899 = arith.andi %ge3A_1895, %lt3A_1898 : vector<16xi1>
      %jit3A_1900 = arith.constant 2560 : i32
      %broadcast_in_dim3A_1901 = vector.broadcast %jit3A_1900 : i32 to vector<16xi32>
      %select_n3A_1902 = arith.select %and3A_1899, %sub3A_1892, %broadcast_in_dim3A_1901 : vector<16xi1>, vector<16xi32>
      %swap3A_1903 = arith.constant 0 : i32
      %swap3A_1904 = arith.index_cast %swap3A_1903 : i32 to index
      %swap3A_1905 = arith.constant 48 : index
      %swap3A_1906 = tpu.vector_load %arg8[%swap3A_1904, %swap3A_1905] {strides = array<i32>} : memref<1x128xi32, #tpu.memory_space<vmem>>, vector<1x16xi32>,
      %swap3A_1907 = vector.shape_cast %swap3A_1906 : vector<1x16xi32> to vector<16xi32>
      %swap3A_1908 = vector.shape_cast %select_n3A_1902 : vector<16xi32> to vector<1x16xi32>
      tpu.vector_store %arg8[%swap3A_1904, %swap3A_1905], %swap3A_1908 {strides = array<i32>} : memref<1x128xi32, #tpu.memory_space<vmem>>, vector<1x16xi32>,
      %get3A_1909 = arith.index_cast %mul3A_1810 : i32 to index
      %get3A_1910 = arith.constant 64 : index
      %get3A_1911 = tpu.vector_load %arg7[%get3A_1909, %get3A_1910] {strides = array<i32>} : memref<160x128xi32, #tpu.memory_space<vmem>>, vector<1x16xi32>,
      %get3A_1912 = vector.shape_cast %get3A_1911 : vector<1x16xi32> to vector<16xi32>
      %sub3A_1913 = vector.broadcast %scan3A_1385 : i32 to vector<16xi32>
      %sub3A_1914 = arith.subi %get3A_1912, %sub3A_1913 : vector<16xi32>
      %ge3A_1915 = arith.constant 0 : i32
      %ge3A_1916 = vector.broadcast %ge3A_1915 : i32 to vector<16xi32>
      %ge3A_1917 = arith.cmpi sge, %sub3A_1914, %ge3A_1916 : vector<16xi32>
      %lt3A_1918 = arith.constant 2560 : i32
      %lt3A_1919 = vector.broadcast %lt3A_1918 : i32 to vector<16xi32>
      %lt3A_1920 = arith.cmpi slt, %sub3A_1914, %lt3A_1919 : vector<16xi32>
      %and3A_1921 = arith.andi %ge3A_1917, %lt3A_1920 : vector<16xi1>
      %jit3A_1922 = arith.constant 2560 : i32
      %broadcast_in_dim3A_1923 = vector.broadcast %jit3A_1922 : i32 to vector<16xi32>
      %select_n3A_1924 = arith.select %and3A_1921, %sub3A_1914, %broadcast_in_dim3A_1923 : vector<16xi1>, vector<16xi32>
      %swap3A_1925 = arith.constant 0 : i32
      %swap3A_1926 = arith.index_cast %swap3A_1925 : i32 to index
      %swap3A_1927 = arith.constant 64 : index
      %swap3A_1928 = tpu.vector_load %arg8[%swap3A_1926, %swap3A_1927] {strides = array<i32>} : memref<1x128xi32, #tpu.memory_space<vmem>>, vector<1x16xi32>,
      %swap3A_1929 = vector.shape_cast %swap3A_1928 : vector<1x16xi32> to vector<16xi32>
      %swap3A_1930 = vector.shape_cast %select_n3A_1924 : vector<16xi32> to vector<1x16xi32>
      tpu.vector_store %arg8[%swap3A_1926, %swap3A_1927], %swap3A_1930 {strides = array<i32>} : memref<1x128xi32, #tpu.memory_space<vmem>>, vector<1x16xi32>,
      %get3A_1931 = arith.index_cast %mul3A_1810 : i32 to index
      %get3A_1932 = arith.constant 80 : index
      %get3A_1933 = tpu.vector_load %arg7[%get3A_1931, %get3A_1932] {strides = array<i32>} : memref<160x128xi32, #tpu.memory_space<vmem>>, vector<1x16xi32>,
      %get3A_1934 = vector.shape_cast %get3A_1933 : vector<1x16xi32> to vector<16xi32>
      %sub3A_1935 = vector.broadcast %scan3A_1385 : i32 to vector<16xi32>
      %sub3A_1936 = arith.subi %get3A_1934, %sub3A_1935 : vector<16xi32>
      %ge3A_1937 = arith.constant 0 : i32
      %ge3A_1938 = vector.broadcast %ge3A_1937 : i32 to vector<16xi32>
      %ge3A_1939 = arith.cmpi sge, %sub3A_1936, %ge3A_1938 : vector<16xi32>
      %lt3A_1940 = arith.constant 2560 : i32
      %lt3A_1941 = vector.broadcast %lt3A_1940 : i32 to vector<16xi32>
      %lt3A_1942 = arith.cmpi slt, %sub3A_1936, %lt3A_1941 : vector<16xi32>
      %and3A_1943 = arith.andi %ge3A_1939, %lt3A_1942 : vector<16xi1>
      %jit3A_1944 = arith.constant 2560 : i32
      %broadcast_in_dim3A_1945 = vector.broadcast %jit3A_1944 : i32 to vector<16xi32>
      %select_n3A_1946 = arith.select %and3A_1943, %sub3A_1936, %broadcast_in_dim3A_1945 : vector<16xi1>, vector<16xi32>
      %swap3A_1947 = arith.constant 0 : i32
      %swap3A_1948 = arith.index_cast %swap3A_1947 : i32 to index
      %swap3A_1949 = arith.constant 80 : index
      %swap3A_1950 = tpu.vector_load %arg8[%swap3A_1948, %swap3A_1949] {strides = array<i32>} : memref<1x128xi32, #tpu.memory_space<vmem>>, vector<1x16xi32>,
      %swap3A_1951 = vector.shape_cast %swap3A_1950 : vector<1x16xi32> to vector<16xi32>
      %swap3A_1952 = vector.shape_cast %select_n3A_1946 : vector<16xi32> to vector<1x16xi32>
      tpu.vector_store %arg8[%swap3A_1948, %swap3A_1949], %swap3A_1952 {strides = array<i32>} : memref<1x128xi32, #tpu.memory_space<vmem>>, vector<1x16xi32>,
      %get3A_1953 = arith.index_cast %mul3A_1810 : i32 to index
      %get3A_1954 = arith.constant 96 : index
      %get3A_1955 = tpu.vector_load %arg7[%get3A_1953, %get3A_1954] {strides = array<i32>} : memref<160x128xi32, #tpu.memory_space<vmem>>, vector<1x16xi32>,
      %get3A_1956 = vector.shape_cast %get3A_1955 : vector<1x16xi32> to vector<16xi32>
      %sub3A_1957 = vector.broadcast %scan3A_1385 : i32 to vector<16xi32>
      %sub3A_1958 = arith.subi %get3A_1956, %sub3A_1957 : vector<16xi32>
      %ge3A_1959 = arith.constant 0 : i32
      %ge3A_1960 = vector.broadcast %ge3A_1959 : i32 to vector<16xi32>
      %ge3A_1961 = arith.cmpi sge, %sub3A_1958, %ge3A_1960 : vector<16xi32>
      %lt3A_1962 = arith.constant 2560 : i32
      %lt3A_1963 = vector.broadcast %lt3A_1962 : i32 to vector<16xi32>
      %lt3A_1964 = arith.cmpi slt, %sub3A_1958, %lt3A_1963 : vector<16xi32>
      %and3A_1965 = arith.andi %ge3A_1961, %lt3A_1964 : vector<16xi1>
      %jit3A_1966 = arith.constant 2560 : i32
      %broadcast_in_dim3A_1967 = vector.broadcast %jit3A_1966 : i32 to vector<16xi32>
      %select_n3A_1968 = arith.select %and3A_1965, %sub3A_1958, %broadcast_in_dim3A_1967 : vector<16xi1>, vector<16xi32>
      %swap3A_1969 = arith.constant 0 : i32
      %swap3A_1970 = arith.index_cast %swap3A_1969 : i32 to index
      %swap3A_1971 = arith.constant 96 : index
      %swap3A_1972 = tpu.vector_load %arg8[%swap3A_1970, %swap3A_1971] {strides = array<i32>} : memref<1x128xi32, #tpu.memory_space<vmem>>, vector<1x16xi32>,
      %swap3A_1973 = vector.shape_cast %swap3A_1972 : vector<1x16xi32> to vector<16xi32>
      %swap3A_1974 = vector.shape_cast %select_n3A_1968 : vector<16xi32> to vector<1x16xi32>
      tpu.vector_store %arg8[%swap3A_1970, %swap3A_1971], %swap3A_1974 {strides = array<i32>} : memref<1x128xi32, #tpu.memory_space<vmem>>, vector<1x16xi32>,
      %get3A_1975 = arith.index_cast %mul3A_1810 : i32 to index
      %get3A_1976 = arith.constant 112 : index
      %get3A_1977 = tpu.vector_load %arg7[%get3A_1975, %get3A_1976] {strides = array<i32>} : memref<160x128xi32, #tpu.memory_space<vmem>>, vector<1x16xi32>,
      %get3A_1978 = vector.shape_cast %get3A_1977 : vector<1x16xi32> to vector<16xi32>
      %sub3A_1979 = vector.broadcast %scan3A_1385 : i32 to vector<16xi32>
      %sub3A_1980 = arith.subi %get3A_1978, %sub3A_1979 : vector<16xi32>
      %ge3A_1981 = arith.constant 0 : i32
      %ge3A_1982 = vector.broadcast %ge3A_1981 : i32 to vector<16xi32>
      %ge3A_1983 = arith.cmpi sge, %sub3A_1980, %ge3A_1982 : vector<16xi32>
      %lt3A_1984 = arith.constant 2560 : i32
      %lt3A_1985 = vector.broadcast %lt3A_1984 : i32 to vector<16xi32>
      %lt3A_1986 = arith.cmpi slt, %sub3A_1980, %lt3A_1985 : vector<16xi32>
      %and3A_1987 = arith.andi %ge3A_1983, %lt3A_1986 : vector<16xi1>
      %jit3A_1988 = arith.constant 2560 : i32
      %broadcast_in_dim3A_1989 = vector.broadcast %jit3A_1988 : i32 to vector<16xi32>
      %select_n3A_1990 = arith.select %and3A_1987, %sub3A_1980, %broadcast_in_dim3A_1989 : vector<16xi1>, vector<16xi32>
      %swap3A_1991 = arith.constant 0 : i32
      %swap3A_1992 = arith.index_cast %swap3A_1991 : i32 to index
      %swap3A_1993 = arith.constant 112 : index
      %swap3A_1994 = tpu.vector_load %arg8[%swap3A_1992, %swap3A_1993] {strides = array<i32>} : memref<1x128xi32, #tpu.memory_space<vmem>>, vector<1x16xi32>,
      %swap3A_1995 = vector.shape_cast %swap3A_1994 : vector<1x16xi32> to vector<16xi32>
      %swap3A_1996 = vector.shape_cast %select_n3A_1990 : vector<16xi32> to vector<1x16xi32>
      tpu.vector_store %arg8[%swap3A_1992, %swap3A_1993], %swap3A_1996 {strides = array<i32>} : memref<1x128xi32, #tpu.memory_space<vmem>>, vector<1x16xi32>,
      %run_scoped3A_1997 = arith.constant 0 : i32
      "tpu.region"() ({
        %run_scoped3A_2214 = tpu.sem_alloc : memref<!tpu.dma_semaphore, #tpu.memory_space<semaphore_mem>>
        %dma_start3A_2215 = arith.constant 0 : i32
        %dma_start3A_2216 = tpu.memref_slice %arg8[%run_scoped3A_1997, %dma_start3A_2215] : memref<1x128xi32, #tpu.memory_space<vmem>> -> memref<1x128xi32, #tpu.memory_space<vmem>>
        %dma_start3A_2217 = tpu.memref_squeeze %dma_start3A_2216 : memref<1x128xi32, #tpu.memory_space<vmem>> -> memref<128xi32, #tpu.memory_space<vmem>>
        %dma_start3A_2218 = arith.constant 0 : i32
        %dma_start3A_2219 = arith.constant 0 : i32
        %dma_start3A_2220 = tpu.memref_slice %arg14[%dma_start3A_2218, %dma_start3A_2219] : memref<3072x128xf32, #tpu.memory_space<vmem_shared>> -> memref<3072x128xf32, #tpu.memory_space<vmem_shared>>
        tpu.enqueue_indirect_dma source(%arg9 : memref<128x128xf32, #tpu.memory_space<vmem>>) target(%dma_start3A_2220 : memref<3072x128xf32, #tpu.memory_space<vmem_shared>>) offsets(%dma_start3A_2217 : memref<128xi32, #tpu.memory_space<vmem>>) semaphore(%run_scoped3A_2214 : memref<!tpu.dma_semaphore, #tpu.memory_space<semaphore_mem>>) {add = true}
        %dma_wait3A_2221 = arith.constant 0 : i32
        %dma_wait3A_2222 = tpu.memref_slice %arg8[%run_scoped3A_1997, %dma_wait3A_2221] : memref<1x128xi32, #tpu.memory_space<vmem>> -> memref<1x128xi32, #tpu.memory_space<vmem>>
        %dma_wait3A_2223 = tpu.memref_squeeze %dma_wait3A_2222 : memref<1x128xi32, #tpu.memory_space<vmem>> -> memref<128xi32, #tpu.memory_space<vmem>>
        %dma_wait3A_2224 = arith.constant 0 : i32
        %dma_wait3A_2225 = arith.constant 0 : i32
        %dma_wait3A_2226 = tpu.memref_slice %arg14[%dma_wait3A_2224, %dma_wait3A_2225] : memref<3072x128xf32, #tpu.memory_space<vmem_shared>> -> memref<3072x128xf32, #tpu.memory_space<vmem_shared>>
        tpu.wait_indirect_dma semaphore(%run_scoped3A_2214 : memref<!tpu.dma_semaphore, #tpu.memory_space<semaphore_mem>>) src(%arg9 : memref<128x128xf32, #tpu.memory_space<vmem>>) dst(%dma_wait3A_2226 : memref<3072x128xf32, #tpu.memory_space<vmem_shared>>)
        tpu.yield
      }) : () -> ()
      %add3A_1998 = arith.constant 2 : i32
      %add3A_1999 = arith.addi %mul3A_1810, %add3A_1998 : i32
      %dma_start3A_2000 = arith.constant 0 : i32
      %dma_start3A_2001 = tpu.memref_slice %arg6[%add3A_1999, %dma_start3A_2000] : memref<160x128xi32, #tpu.memory_space<vmem>> -> memref<1x128xi32, #tpu.memory_space<vmem>>
      %dma_start3A_2002 = tpu.memref_squeeze %dma_start3A_2001 : memref<1x128xi32, #tpu.memory_space<vmem>> -> memref<128xi32, #tpu.memory_space<vmem>>
      %dma_start3A_2003 = arith.constant 0 : i32
      %dma_start3A_2004 = arith.constant 0 : i32
      %dma_start3A_2005 = tpu.memref_slice %arg2[%arg0, %dma_start3A_2003, %dma_start3A_2004] : memref<2x10240x128xf32, #tpu.memory_space<hbm>> -> memref<1x10240x128xf32, #tpu.memory_space<hbm>>
      %dma_start3A_2006 = tpu.memref_squeeze %dma_start3A_2005 : memref<1x10240x128xf32, #tpu.memory_space<hbm>> -> memref<10240x128xf32, #tpu.memory_space<hbm>>
      %dma_start3A_2007 = arith.constant 0 : i32
      %dma_start3A_2008 = arith.constant 0 : i32
      %dma_start3A_2009 = tpu.memref_slice %dma_start3A_2006[%dma_start3A_2007, %dma_start3A_2008] : memref<10240x128xf32, #tpu.memory_space<hbm>> -> memref<10240x128xf32, #tpu.memory_space<hbm>>
      tpu.enqueue_indirect_dma source(%dma_start3A_2009 : memref<10240x128xf32, #tpu.memory_space<hbm>>) target(%arg9 : memref<128x128xf32, #tpu.memory_space<vmem>>) offsets(%dma_start3A_2002 : memref<128xi32, #tpu.memory_space<vmem>>) semaphore(%arg12 : memref<!tpu.dma_semaphore, #tpu.memory_space<semaphore_mem>>)
      %add3A_2010 = arith.constant 1 : i32
      %add3A_2011 = arith.addi %mul3A_1810, %add3A_2010 : i32
      %dma_wait3A_2012 = arith.constant 0 : i32
      %dma_wait3A_2013 = tpu.memref_slice %arg6[%add3A_2011, %dma_wait3A_2012] : memref<160x128xi32, #tpu.memory_space<vmem>> -> memref<1x128xi32, #tpu.memory_space<vmem>>
      %dma_wait3A_2014 = tpu.memref_squeeze %dma_wait3A_2013 : memref<1x128xi32, #tpu.memory_space<vmem>> -> memref<128xi32, #tpu.memory_space<vmem>>
      %dma_wait3A_2015 = arith.constant 0 : i32
      %dma_wait3A_2016 = arith.constant 0 : i32
      %dma_wait3A_2017 = tpu.memref_slice %arg2[%arg0, %dma_wait3A_2015, %dma_wait3A_2016] : memref<2x10240x128xf32, #tpu.memory_space<hbm>> -> memref<1x10240x128xf32, #tpu.memory_space<hbm>>
      %dma_wait3A_2018 = tpu.memref_squeeze %dma_wait3A_2017 : memref<1x10240x128xf32, #tpu.memory_space<hbm>> -> memref<10240x128xf32, #tpu.memory_space<hbm>>
      %dma_wait3A_2019 = arith.constant 0 : i32
      %dma_wait3A_2020 = arith.constant 0 : i32
      %dma_wait3A_2021 = tpu.memref_slice %dma_wait3A_2018[%dma_wait3A_2019, %dma_wait3A_2020] : memref<10240x128xf32, #tpu.memory_space<hbm>> -> memref<10240x128xf32, #tpu.memory_space<hbm>>
      tpu.wait_indirect_dma semaphore(%arg13 : memref<!tpu.dma_semaphore, #tpu.memory_space<semaphore_mem>>) src(%dma_wait3A_2021 : memref<10240x128xf32, #tpu.memory_space<hbm>>) dst(%arg10 : memref<128x128xf32, #tpu.memory_space<vmem>>)
      %add3A_2022 = arith.constant 1 : i32
      %add3A_2023 = arith.addi %mul3A_1810, %add3A_2022 : i32
      %get3A_2024 = arith.index_cast %add3A_2023 : i32 to index
      %get3A_2025 = arith.constant 0 : index
      %get3A_2026 = tpu.vector_load %arg7[%get3A_2024, %get3A_2025] {strides = array<i32>} : memref<160x128xi32, #tpu.memory_space<vmem>>, vector<1x16xi32>,
      %get3A_2027 = vector.shape_cast %get3A_2026 : vector<1x16xi32> to vector<16xi32>
      %sub3A_2028 = vector.broadcast %scan3A_1385 : i32 to vector<16xi32>
      %sub3A_2029 = arith.subi %get3A_2027, %sub3A_2028 : vector<16xi32>
      %ge3A_2030 = arith.constant 0 : i32
      %ge3A_2031 = vector.broadcast %ge3A_2030 : i32 to vector<16xi32>
      %ge3A_2032 = arith.cmpi sge, %sub3A_2029, %ge3A_2031 : vector<16xi32>
      %lt3A_2033 = arith.constant 2560 : i32
      %lt3A_2034 = vector.broadcast %lt3A_2033 : i32 to vector<16xi32>
      %lt3A_2035 = arith.cmpi slt, %sub3A_2029, %lt3A_2034 : vector<16xi32>
      %and3A_2036 = arith.andi %ge3A_2032, %lt3A_2035 : vector<16xi1>
      %jit3A_2037 = arith.constant 2560 : i32
      %broadcast_in_dim3A_2038 = vector.broadcast %jit3A_2037 : i32 to vector<16xi32>
      %select_n3A_2039 = arith.select %and3A_2036, %sub3A_2029, %broadcast_in_dim3A_2038 : vector<16xi1>, vector<16xi32>
      %swap3A_2040 = arith.constant 0 : i32
      %swap3A_2041 = arith.index_cast %swap3A_2040 : i32 to index
      %swap3A_2042 = arith.constant 0 : index
      %swap3A_2043 = tpu.vector_load %arg8[%swap3A_2041, %swap3A_2042] {strides = array<i32>} : memref<1x128xi32, #tpu.memory_space<vmem>>, vector<1x16xi32>,
      %swap3A_2044 = vector.shape_cast %swap3A_2043 : vector<1x16xi32> to vector<16xi32>
      %swap3A_2045 = vector.shape_cast %select_n3A_2039 : vector<16xi32> to vector<1x16xi32>
      tpu.vector_store %arg8[%swap3A_2041, %swap3A_2042], %swap3A_2045 {strides = array<i32>} : memref<1x128xi32, #tpu.memory_space<vmem>>, vector<1x16xi32>,
      %get3A_2046 = arith.index_cast %add3A_2023 : i32 to index
      %get3A_2047 = arith.constant 16 : index
      %get3A_2048 = tpu.vector_load %arg7[%get3A_2046, %get3A_2047] {strides = array<i32>} : memref<160x128xi32, #tpu.memory_space<vmem>>, vector<1x16xi32>,
      %get3A_2049 = vector.shape_cast %get3A_2048 : vector<1x16xi32> to vector<16xi32>
      %sub3A_2050 = vector.broadcast %scan3A_1385 : i32 to vector<16xi32>
      %sub3A_2051 = arith.subi %get3A_2049, %sub3A_2050 : vector<16xi32>
      %ge3A_2052 = arith.constant 0 : i32
      %ge3A_2053 = vector.broadcast %ge3A_2052 : i32 to vector<16xi32>
      %ge3A_2054 = arith.cmpi sge, %sub3A_2051, %ge3A_2053 : vector<16xi32>
      %lt3A_2055 = arith.constant 2560 : i32
      %lt3A_2056 = vector.broadcast %lt3A_2055 : i32 to vector<16xi32>
      %lt3A_2057 = arith.cmpi slt, %sub3A_2051, %lt3A_2056 : vector<16xi32>
      %and3A_2058 = arith.andi %ge3A_2054, %lt3A_2057 : vector<16xi1>
      %jit3A_2059 = arith.constant 2560 : i32
      %broadcast_in_dim3A_2060 = vector.broadcast %jit3A_2059 : i32 to vector<16xi32>
      %select_n3A_2061 = arith.select %and3A_2058, %sub3A_2051, %broadcast_in_dim3A_2060 : vector<16xi1>, vector<16xi32>
      %swap3A_2062 = arith.constant 0 : i32
      %swap3A_2063 = arith.index_cast %swap3A_2062 : i32 to index
      %swap3A_2064 = arith.constant 16 : index
      %swap3A_2065 = tpu.vector_load %arg8[%swap3A_2063, %swap3A_2064] {strides = array<i32>} : memref<1x128xi32, #tpu.memory_space<vmem>>, vector<1x16xi32>,
      %swap3A_2066 = vector.shape_cast %swap3A_2065 : vector<1x16xi32> to vector<16xi32>
      %swap3A_2067 = vector.shape_cast %select_n3A_2061 : vector<16xi32> to vector<1x16xi32>
      tpu.vector_store %arg8[%swap3A_2063, %swap3A_2064], %swap3A_2067 {strides = array<i32>} : memref<1x128xi32, #tpu.memory_space<vmem>>, vector<1x16xi32>,
      %get3A_2068 = arith.index_cast %add3A_2023 : i32 to index
      %get3A_2069 = arith.constant 32 : index
      %get3A_2070 = tpu.vector_load %arg7[%get3A_2068, %get3A_2069] {strides = array<i32>} : memref<160x128xi32, #tpu.memory_space<vmem>>, vector<1x16xi32>,
      %get3A_2071 = vector.shape_cast %get3A_2070 : vector<1x16xi32> to vector<16xi32>
      %sub3A_2072 = vector.broadcast %scan3A_1385 : i32 to vector<16xi32>
      %sub3A_2073 = arith.subi %get3A_2071, %sub3A_2072 : vector<16xi32>
      %ge3A_2074 = arith.constant 0 : i32
      %ge3A_2075 = vector.broadcast %ge3A_2074 : i32 to vector<16xi32>
      %ge3A_2076 = arith.cmpi sge, %sub3A_2073, %ge3A_2075 : vector<16xi32>
      %lt3A_2077 = arith.constant 2560 : i32
      %lt3A_2078 = vector.broadcast %lt3A_2077 : i32 to vector<16xi32>
      %lt3A_2079 = arith.cmpi slt, %sub3A_2073, %lt3A_2078 : vector<16xi32>
      %and3A_2080 = arith.andi %ge3A_2076, %lt3A_2079 : vector<16xi1>
      %jit3A_2081 = arith.constant 2560 : i32
      %broadcast_in_dim3A_2082 = vector.broadcast %jit3A_2081 : i32 to vector<16xi32>
      %select_n3A_2083 = arith.select %and3A_2080, %sub3A_2073, %broadcast_in_dim3A_2082 : vector<16xi1>, vector<16xi32>
      %swap3A_2084 = arith.constant 0 : i32
      %swap3A_2085 = arith.index_cast %swap3A_2084 : i32 to index
      %swap3A_2086 = arith.constant 32 : index
      %swap3A_2087 = tpu.vector_load %arg8[%swap3A_2085, %swap3A_2086] {strides = array<i32>} : memref<1x128xi32, #tpu.memory_space<vmem>>, vector<1x16xi32>,
      %swap3A_2088 = vector.shape_cast %swap3A_2087 : vector<1x16xi32> to vector<16xi32>
      %swap3A_2089 = vector.shape_cast %select_n3A_2083 : vector<16xi32> to vector<1x16xi32>
      tpu.vector_store %arg8[%swap3A_2085, %swap3A_2086], %swap3A_2089 {strides = array<i32>} : memref<1x128xi32, #tpu.memory_space<vmem>>, vector<1x16xi32>,
      %get3A_2090 = arith.index_cast %add3A_2023 : i32 to index
      %get3A_2091 = arith.constant 48 : index
      %get3A_2092 = tpu.vector_load %arg7[%get3A_2090, %get3A_2091] {strides = array<i32>} : memref<160x128xi32, #tpu.memory_space<vmem>>, vector<1x16xi32>,
      %get3A_2093 = vector.shape_cast %get3A_2092 : vector<1x16xi32> to vector<16xi32>
      %sub3A_2094 = vector.broadcast %scan3A_1385 : i32 to vector<16xi32>
      %sub3A_2095 = arith.subi %get3A_2093, %sub3A_2094 : vector<16xi32>
      %ge3A_2096 = arith.constant 0 : i32
      %ge3A_2097 = vector.broadcast %ge3A_2096 : i32 to vector<16xi32>
      %ge3A_2098 = arith.cmpi sge, %sub3A_2095, %ge3A_2097 : vector<16xi32>
      %lt3A_2099 = arith.constant 2560 : i32
      %lt3A_2100 = vector.broadcast %lt3A_2099 : i32 to vector<16xi32>
      %lt3A_2101 = arith.cmpi slt, %sub3A_2095, %lt3A_2100 : vector<16xi32>
      %and3A_2102 = arith.andi %ge3A_2098, %lt3A_2101 : vector<16xi1>
      %jit3A_2103 = arith.constant 2560 : i32
      %broadcast_in_dim3A_2104 = vector.broadcast %jit3A_2103 : i32 to vector<16xi32>
      %select_n3A_2105 = arith.select %and3A_2102, %sub3A_2095, %broadcast_in_dim3A_2104 : vector<16xi1>, vector<16xi32>
      %swap3A_2106 = arith.constant 0 : i32
      %swap3A_2107 = arith.index_cast %swap3A_2106 : i32 to index
      %swap3A_2108 = arith.constant 48 : index
      %swap3A_2109 = tpu.vector_load %arg8[%swap3A_2107, %swap3A_2108] {strides = array<i32>} : memref<1x128xi32, #tpu.memory_space<vmem>>, vector<1x16xi32>,
      %swap3A_2110 = vector.shape_cast %swap3A_2109 : vector<1x16xi32> to vector<16xi32>
      %swap3A_2111 = vector.shape_cast %select_n3A_2105 : vector<16xi32> to vector<1x16xi32>
      tpu.vector_store %arg8[%swap3A_2107, %swap3A_2108], %swap3A_2111 {strides = array<i32>} : memref<1x128xi32, #tpu.memory_space<vmem>>, vector<1x16xi32>,
      %get3A_2112 = arith.index_cast %add3A_2023 : i32 to index
      %get3A_2113 = arith.constant 64 : index
      %get3A_2114 = tpu.vector_load %arg7[%get3A_2112, %get3A_2113] {strides = array<i32>} : memref<160x128xi32, #tpu.memory_space<vmem>>, vector<1x16xi32>,
      %get3A_2115 = vector.shape_cast %get3A_2114 : vector<1x16xi32> to vector<16xi32>
      %sub3A_2116 = vector.broadcast %scan3A_1385 : i32 to vector<16xi32>
      %sub3A_2117 = arith.subi %get3A_2115, %sub3A_2116 : vector<16xi32>
      %ge3A_2118 = arith.constant 0 : i32
      %ge3A_2119 = vector.broadcast %ge3A_2118 : i32 to vector<16xi32>
      %ge3A_2120 = arith.cmpi sge, %sub3A_2117, %ge3A_2119 : vector<16xi32>
      %lt3A_2121 = arith.constant 2560 : i32
      %lt3A_2122 = vector.broadcast %lt3A_2121 : i32 to vector<16xi32>
      %lt3A_2123 = arith.cmpi slt, %sub3A_2117, %lt3A_2122 : vector<16xi32>
      %and3A_2124 = arith.andi %ge3A_2120, %lt3A_2123 : vector<16xi1>
      %jit3A_2125 = arith.constant 2560 : i32
      %broadcast_in_dim3A_2126 = vector.broadcast %jit3A_2125 : i32 to vector<16xi32>
      %select_n3A_2127 = arith.select %and3A_2124, %sub3A_2117, %broadcast_in_dim3A_2126 : vector<16xi1>, vector<16xi32>
      %swap3A_2128 = arith.constant 0 : i32
      %swap3A_2129 = arith.index_cast %swap3A_2128 : i32 to index
      %swap3A_2130 = arith.constant 64 : index
      %swap3A_2131 = tpu.vector_load %arg8[%swap3A_2129, %swap3A_2130] {strides = array<i32>} : memref<1x128xi32, #tpu.memory_space<vmem>>, vector<1x16xi32>,
      %swap3A_2132 = vector.shape_cast %swap3A_2131 : vector<1x16xi32> to vector<16xi32>
      %swap3A_2133 = vector.shape_cast %select_n3A_2127 : vector<16xi32> to vector<1x16xi32>
      tpu.vector_store %arg8[%swap3A_2129, %swap3A_2130], %swap3A_2133 {strides = array<i32>} : memref<1x128xi32, #tpu.memory_space<vmem>>, vector<1x16xi32>,
      %get3A_2134 = arith.index_cast %add3A_2023 : i32 to index
      %get3A_2135 = arith.constant 80 : index
      %get3A_2136 = tpu.vector_load %arg7[%get3A_2134, %get3A_2135] {strides = array<i32>} : memref<160x128xi32, #tpu.memory_space<vmem>>, vector<1x16xi32>,
      %get3A_2137 = vector.shape_cast %get3A_2136 : vector<1x16xi32> to vector<16xi32>
      %sub3A_2138 = vector.broadcast %scan3A_1385 : i32 to vector<16xi32>
      %sub3A_2139 = arith.subi %get3A_2137, %sub3A_2138 : vector<16xi32>
      %ge3A_2140 = arith.constant 0 : i32
      %ge3A_2141 = vector.broadcast %ge3A_2140 : i32 to vector<16xi32>
      %ge3A_2142 = arith.cmpi sge, %sub3A_2139, %ge3A_2141 : vector<16xi32>
      %lt3A_2143 = arith.constant 2560 : i32
      %lt3A_2144 = vector.broadcast %lt3A_2143 : i32 to vector<16xi32>
      %lt3A_2145 = arith.cmpi slt, %sub3A_2139, %lt3A_2144 : vector<16xi32>
      %and3A_2146 = arith.andi %ge3A_2142, %lt3A_2145 : vector<16xi1>
      %jit3A_2147 = arith.constant 2560 : i32
      %broadcast_in_dim3A_2148 = vector.broadcast %jit3A_2147 : i32 to vector<16xi32>
      %select_n3A_2149 = arith.select %and3A_2146, %sub3A_2139, %broadcast_in_dim3A_2148 : vector<16xi1>, vector<16xi32>
      %swap3A_2150 = arith.constant 0 : i32
      %swap3A_2151 = arith.index_cast %swap3A_2150 : i32 to index
      %swap3A_2152 = arith.constant 80 : index
      %swap3A_2153 = tpu.vector_load %arg8[%swap3A_2151, %swap3A_2152] {strides = array<i32>} : memref<1x128xi32, #tpu.memory_space<vmem>>, vector<1x16xi32>,
      %swap3A_2154 = vector.shape_cast %swap3A_2153 : vector<1x16xi32> to vector<16xi32>
      %swap3A_2155 = vector.shape_cast %select_n3A_2149 : vector<16xi32> to vector<1x16xi32>
      tpu.vector_store %arg8[%swap3A_2151, %swap3A_2152], %swap3A_2155 {strides = array<i32>} : memref<1x128xi32, #tpu.memory_space<vmem>>, vector<1x16xi32>,
      %get3A_2156 = arith.index_cast %add3A_2023 : i32 to index
      %get3A_2157 = arith.constant 96 : index
      %get3A_2158 = tpu.vector_load %arg7[%get3A_2156, %get3A_2157] {strides = array<i32>} : memref<160x128xi32, #tpu.memory_space<vmem>>, vector<1x16xi32>,
      %get3A_2159 = vector.shape_cast %get3A_2158 : vector<1x16xi32> to vector<16xi32>
      %sub3A_2160 = vector.broadcast %scan3A_1385 : i32 to vector<16xi32>
      %sub3A_2161 = arith.subi %get3A_2159, %sub3A_2160 : vector<16xi32>
      %ge3A_2162 = arith.constant 0 : i32
      %ge3A_2163 = vector.broadcast %ge3A_2162 : i32 to vector<16xi32>
      %ge3A_2164 = arith.cmpi sge, %sub3A_2161, %ge3A_2163 : vector<16xi32>
      %lt3A_2165 = arith.constant 2560 : i32
      %lt3A_2166 = vector.broadcast %lt3A_2165 : i32 to vector<16xi32>
      %lt3A_2167 = arith.cmpi slt, %sub3A_2161, %lt3A_2166 : vector<16xi32>
      %and3A_2168 = arith.andi %ge3A_2164, %lt3A_2167 : vector<16xi1>
      %jit3A_2169 = arith.constant 2560 : i32
      %broadcast_in_dim3A_2170 = vector.broadcast %jit3A_2169 : i32 to vector<16xi32>
      %select_n3A_2171 = arith.select %and3A_2168, %sub3A_2161, %broadcast_in_dim3A_2170 : vector<16xi1>, vector<16xi32>
      %swap3A_2172 = arith.constant 0 : i32
      %swap3A_2173 = arith.index_cast %swap3A_2172 : i32 to index
      %swap3A_2174 = arith.constant 96 : index
      %swap3A_2175 = tpu.vector_load %arg8[%swap3A_2173, %swap3A_2174] {strides = array<i32>} : memref<1x128xi32, #tpu.memory_space<vmem>>, vector<1x16xi32>,
      %swap3A_2176 = vector.shape_cast %swap3A_2175 : vector<1x16xi32> to vector<16xi32>
      %swap3A_2177 = vector.shape_cast %select_n3A_2171 : vector<16xi32> to vector<1x16xi32>
      tpu.vector_store %arg8[%swap3A_2173, %swap3A_2174], %swap3A_2177 {strides = array<i32>} : memref<1x128xi32, #tpu.memory_space<vmem>>, vector<1x16xi32>,
      %get3A_2178 = arith.index_cast %add3A_2023 : i32 to index
      %get3A_2179 = arith.constant 112 : index
      %get3A_2180 = tpu.vector_load %arg7[%get3A_2178, %get3A_2179] {strides = array<i32>} : memref<160x128xi32, #tpu.memory_space<vmem>>, vector<1x16xi32>,
      %get3A_2181 = vector.shape_cast %get3A_2180 : vector<1x16xi32> to vector<16xi32>
      %sub3A_2182 = vector.broadcast %scan3A_1385 : i32 to vector<16xi32>
      %sub3A_2183 = arith.subi %get3A_2181, %sub3A_2182 : vector<16xi32>
      %ge3A_2184 = arith.constant 0 : i32
      %ge3A_2185 = vector.broadcast %ge3A_2184 : i32 to vector<16xi32>
      %ge3A_2186 = arith.cmpi sge, %sub3A_2183, %ge3A_2185 : vector<16xi32>
      %lt3A_2187 = arith.constant 2560 : i32
      %lt3A_2188 = vector.broadcast %lt3A_2187 : i32 to vector<16xi32>
      %lt3A_2189 = arith.cmpi slt, %sub3A_2183, %lt3A_2188 : vector<16xi32>
      %and3A_2190 = arith.andi %ge3A_2186, %lt3A_2189 : vector<16xi1>
      %jit3A_2191 = arith.constant 2560 : i32
      %broadcast_in_dim3A_2192 = vector.broadcast %jit3A_2191 : i32 to vector<16xi32>
      %select_n3A_2193 = arith.select %and3A_2190, %sub3A_2183, %broadcast_in_dim3A_2192 : vector<16xi1>, vector<16xi32>
      %swap3A_2194 = arith.constant 0 : i32
      %swap3A_2195 = arith.index_cast %swap3A_2194 : i32 to index
      %swap3A_2196 = arith.constant 112 : index
      %swap3A_2197 = tpu.vector_load %arg8[%swap3A_2195, %swap3A_2196] {strides = array<i32>} : memref<1x128xi32, #tpu.memory_space<vmem>>, vector<1x16xi32>,
      %swap3A_2198 = vector.shape_cast %swap3A_2197 : vector<1x16xi32> to vector<16xi32>
      %swap3A_2199 = vector.shape_cast %select_n3A_2193 : vector<16xi32> to vector<1x16xi32>
      tpu.vector_store %arg8[%swap3A_2195, %swap3A_2196], %swap3A_2199 {strides = array<i32>} : memref<1x128xi32, #tpu.memory_space<vmem>>, vector<1x16xi32>,
      %run_scoped3A_2200 = arith.constant 0 : i32
      "tpu.region"() ({
        %run_scoped3A_2214 = tpu.sem_alloc : memref<!tpu.dma_semaphore, #tpu.memory_space<semaphore_mem>>
        %dma_start3A_2215 = arith.constant 0 : i32
        %dma_start3A_2216 = tpu.memref_slice %arg8[%run_scoped3A_2200, %dma_start3A_2215] : memref<1x128xi32, #tpu.memory_space<vmem>> -> memref<1x128xi32, #tpu.memory_space<vmem>>
        %dma_start3A_2217 = tpu.memref_squeeze %dma_start3A_2216 : memref<1x128xi32, #tpu.memory_space<vmem>> -> memref<128xi32, #tpu.memory_space<vmem>>
        %dma_start3A_2218 = arith.constant 0 : i32
        %dma_start3A_2219 = arith.constant 0 : i32
        %dma_start3A_2220 = tpu.memref_slice %arg14[%dma_start3A_2218, %dma_start3A_2219] : memref<3072x128xf32, #tpu.memory_space<vmem_shared>> -> memref<3072x128xf32, #tpu.memory_space<vmem_shared>>
        tpu.enqueue_indirect_dma source(%arg10 : memref<128x128xf32, #tpu.memory_space<vmem>>) target(%dma_start3A_2220 : memref<3072x128xf32, #tpu.memory_space<vmem_shared>>) offsets(%dma_start3A_2217 : memref<128xi32, #tpu.memory_space<vmem>>) semaphore(%run_scoped3A_2214 : memref<!tpu.dma_semaphore, #tpu.memory_space<semaphore_mem>>) {add = true}
        %dma_wait3A_2221 = arith.constant 0 : i32
        %dma_wait3A_2222 = tpu.memref_slice %arg8[%run_scoped3A_2200, %dma_wait3A_2221] : memref<1x128xi32, #tpu.memory_space<vmem>> -> memref<1x128xi32, #tpu.memory_space<vmem>>
        %dma_wait3A_2223 = tpu.memref_squeeze %dma_wait3A_2222 : memref<1x128xi32, #tpu.memory_space<vmem>> -> memref<128xi32, #tpu.memory_space<vmem>>
        %dma_wait3A_2224 = arith.constant 0 : i32
        %dma_wait3A_2225 = arith.constant 0 : i32
        %dma_wait3A_2226 = tpu.memref_slice %arg14[%dma_wait3A_2224, %dma_wait3A_2225] : memref<3072x128xf32, #tpu.memory_space<vmem_shared>> -> memref<3072x128xf32, #tpu.memory_space<vmem_shared>>
        tpu.wait_indirect_dma semaphore(%run_scoped3A_2214 : memref<!tpu.dma_semaphore, #tpu.memory_space<semaphore_mem>>) src(%arg10 : memref<128x128xf32, #tpu.memory_space<vmem>>) dst(%dma_wait3A_2226 : memref<3072x128xf32, #tpu.memory_space<vmem_shared>>)
        tpu.yield
      }) : () -> ()
      %add3A_2201 = arith.constant 3 : i32
      %add3A_2202 = arith.addi %mul3A_1810, %add3A_2201 : i32
      %dma_start3A_2203 = arith.constant 0 : i32
      %dma_start3A_2204 = tpu.memref_slice %arg6[%add3A_2202, %dma_start3A_2203] : memref<160x128xi32, #tpu.memory_space<vmem>> -> memref<1x128xi32, #tpu.memory_space<vmem>>
      %dma_start3A_2205 = tpu.memref_squeeze %dma_start3A_2204 : memref<1x128xi32, #tpu.memory_space<vmem>> -> memref<128xi32, #tpu.memory_space<vmem>>
      %dma_start3A_2206 = arith.constant 0 : i32
      %dma_start3A_2207 = arith.constant 0 : i32
      %dma_start3A_2208 = tpu.memref_slice %arg2[%arg0, %dma_start3A_2206, %dma_start3A_2207] : memref<2x10240x128xf32, #tpu.memory_space<hbm>> -> memref<1x10240x128xf32, #tpu.memory_space<hbm>>
      %dma_start3A_2209 = tpu.memref_squeeze %dma_start3A_2208 : memref<1x10240x128xf32, #tpu.memory_space<hbm>> -> memref<10240x128xf32, #tpu.memory_space<hbm>>
      %dma_start3A_2210 = arith.constant 0 : i32
      %dma_start3A_2211 = arith.constant 0 : i32
      %dma_start3A_2212 = tpu.memref_slice %dma_start3A_2209[%dma_start3A_2210, %dma_start3A_2211] : memref<10240x128xf32, #tpu.memory_space<hbm>> -> memref<10240x128xf32, #tpu.memory_space<hbm>>
      tpu.enqueue_indirect_dma source(%dma_start3A_2212 : memref<10240x128xf32, #tpu.memory_space<hbm>>) target(%arg10 : memref<128x128xf32, #tpu.memory_space<vmem>>) offsets(%dma_start3A_2205 : memref<128xi32, #tpu.memory_space<vmem>>) semaphore(%arg13 : memref<!tpu.dma_semaphore, #tpu.memory_space<semaphore_mem>>)
      %scan3A_2213 = arith.constant 0 : i32
      scf.yield %scan3A_2213 : i32
    }
    %scan3A_1392 = arith.constant 79 : i32
    %dma_wait3A_1393 = arith.constant 158 : i32
    %dma_wait3A_1394 = arith.constant 0 : i32
    %dma_wait3A_1395 = tpu.memref_slice %arg6[%dma_wait3A_1393, %dma_wait3A_1394] : memref<160x128xi32, #tpu.memory_space<vmem>> -> memref<1x128xi32, #tpu.memory_space<vmem>>
    %dma_wait3A_1396 = tpu.memref_squeeze %dma_wait3A_1395 : memref<1x128xi32, #tpu.memory_space<vmem>> -> memref<128xi32, #tpu.memory_space<vmem>>
    %dma_wait3A_1397 = arith.constant 0 : i32
    %dma_wait3A_1398 = arith.constant 0 : i32
    %dma_wait3A_1399 = tpu.memref_slice %arg2[%arg0, %dma_wait3A_1397, %dma_wait3A_1398] : memref<2x10240x128xf32, #tpu.memory_space<hbm>> -> memref<1x10240x128xf32, #tpu.memory_space<hbm>>
    %dma_wait3A_1400 = tpu.memref_squeeze %dma_wait3A_1399 : memref<1x10240x128xf32, #tpu.memory_space<hbm>> -> memref<10240x128xf32, #tpu.memory_space<hbm>>
    %dma_wait3A_1401 = arith.constant 0 : i32
    %dma_wait3A_1402 = arith.constant 0 : i32
    %dma_wait3A_1403 = tpu.memref_slice %dma_wait3A_1400[%dma_wait3A_1401, %dma_wait3A_1402] : memref<10240x128xf32, #tpu.memory_space<hbm>> -> memref<10240x128xf32, #tpu.memory_space<hbm>>
    tpu.wait_indirect_dma semaphore(%arg12 : memref<!tpu.dma_semaphore, #tpu.memory_space<semaphore_mem>>) src(%dma_wait3A_1403 : memref<10240x128xf32, #tpu.memory_space<hbm>>) dst(%arg9 : memref<128x128xf32, #tpu.memory_space<vmem>>)
    %get3A_1404 = arith.constant 158 : i32
    %get3A_1405 = arith.index_cast %get3A_1404 : i32 to index
    %get3A_1406 = arith.constant 0 : index
    %get3A_1407 = tpu.vector_load %arg7[%get3A_1405, %get3A_1406] {strides = array<i32>} : memref<160x128xi32, #tpu.memory_space<vmem>>, vector<1x16xi32>,
    %get3A_1408 = vector.shape_cast %get3A_1407 : vector<1x16xi32> to vector<16xi32>
    %sub3A_1409 = arith.constant 7680 : i32
    %sub3A_1410 = vector.broadcast %sub3A_1409 : i32 to vector<16xi32>
    %sub3A_1411 = arith.subi %get3A_1408, %sub3A_1410 : vector<16xi32>
    %ge3A_1412 = arith.constant 0 : i32
    %ge3A_1413 = vector.broadcast %ge3A_1412 : i32 to vector<16xi32>
    %ge3A_1414 = arith.cmpi sge, %sub3A_1411, %ge3A_1413 : vector<16xi32>
    %lt3A_1415 = arith.constant 2560 : i32
    %lt3A_1416 = vector.broadcast %lt3A_1415 : i32 to vector<16xi32>
    %lt3A_1417 = arith.cmpi slt, %sub3A_1411, %lt3A_1416 : vector<16xi32>
    %and3A_1418 = arith.andi %ge3A_1414, %lt3A_1417 : vector<16xi1>
    %jit3A_1419 = arith.constant 2560 : i32
    %broadcast_in_dim3A_1420 = vector.broadcast %jit3A_1419 : i32 to vector<16xi32>
    %select_n3A_1421 = arith.select %and3A_1418, %sub3A_1411, %broadcast_in_dim3A_1420 : vector<16xi1>, vector<16xi32>
    %swap3A_1422 = arith.constant 0 : i32
    %swap3A_1423 = arith.index_cast %swap3A_1422 : i32 to index
    %swap3A_1424 = arith.constant 0 : index
    %swap3A_1425 = tpu.vector_load %arg8[%swap3A_1423, %swap3A_1424] {strides = array<i32>} : memref<1x128xi32, #tpu.memory_space<vmem>>, vector<1x16xi32>,
    %swap3A_1426 = vector.shape_cast %swap3A_1425 : vector<1x16xi32> to vector<16xi32>
    %swap3A_1427 = vector.shape_cast %select_n3A_1421 : vector<16xi32> to vector<1x16xi32>
    tpu.vector_store %arg8[%swap3A_1423, %swap3A_1424], %swap3A_1427 {strides = array<i32>} : memref<1x128xi32, #tpu.memory_space<vmem>>, vector<1x16xi32>,
    %get3A_1428 = arith.constant 158 : i32
    %get3A_1429 = arith.index_cast %get3A_1428 : i32 to index
    %get3A_1430 = arith.constant 16 : index
    %get3A_1431 = tpu.vector_load %arg7[%get3A_1429, %get3A_1430] {strides = array<i32>} : memref<160x128xi32, #tpu.memory_space<vmem>>, vector<1x16xi32>,
    %get3A_1432 = vector.shape_cast %get3A_1431 : vector<1x16xi32> to vector<16xi32>
    %sub3A_1433 = arith.constant 7680 : i32
    %sub3A_1434 = vector.broadcast %sub3A_1433 : i32 to vector<16xi32>
    %sub3A_1435 = arith.subi %get3A_1432, %sub3A_1434 : vector<16xi32>
    %ge3A_1436 = arith.constant 0 : i32
    %ge3A_1437 = vector.broadcast %ge3A_1436 : i32 to vector<16xi32>
    %ge3A_1438 = arith.cmpi sge, %sub3A_1435, %ge3A_1437 : vector<16xi32>
    %lt3A_1439 = arith.constant 2560 : i32
    %lt3A_1440 = vector.broadcast %lt3A_1439 : i32 to vector<16xi32>
    %lt3A_1441 = arith.cmpi slt, %sub3A_1435, %lt3A_1440 : vector<16xi32>
    %and3A_1442 = arith.andi %ge3A_1438, %lt3A_1441 : vector<16xi1>
    %jit3A_1443 = arith.constant 2560 : i32
    %broadcast_in_dim3A_1444 = vector.broadcast %jit3A_1443 : i32 to vector<16xi32>
    %select_n3A_1445 = arith.select %and3A_1442, %sub3A_1435, %broadcast_in_dim3A_1444 : vector<16xi1>, vector<16xi32>
    %swap3A_1446 = arith.constant 0 : i32
    %swap3A_1447 = arith.index_cast %swap3A_1446 : i32 to index
    %swap3A_1448 = arith.constant 16 : index
    %swap3A_1449 = tpu.vector_load %arg8[%swap3A_1447, %swap3A_1448] {strides = array<i32>} : memref<1x128xi32, #tpu.memory_space<vmem>>, vector<1x16xi32>,
    %swap3A_1450 = vector.shape_cast %swap3A_1449 : vector<1x16xi32> to vector<16xi32>
    %swap3A_1451 = vector.shape_cast %select_n3A_1445 : vector<16xi32> to vector<1x16xi32>
    tpu.vector_store %arg8[%swap3A_1447, %swap3A_1448], %swap3A_1451 {strides = array<i32>} : memref<1x128xi32, #tpu.memory_space<vmem>>, vector<1x16xi32>,
    %get3A_1452 = arith.constant 158 : i32
    %get3A_1453 = arith.index_cast %get3A_1452 : i32 to index
    %get3A_1454 = arith.constant 32 : index
    %get3A_1455 = tpu.vector_load %arg7[%get3A_1453, %get3A_1454] {strides = array<i32>} : memref<160x128xi32, #tpu.memory_space<vmem>>, vector<1x16xi32>,
    %get3A_1456 = vector.shape_cast %get3A_1455 : vector<1x16xi32> to vector<16xi32>
    %sub3A_1457 = arith.constant 7680 : i32
    %sub3A_1458 = vector.broadcast %sub3A_1457 : i32 to vector<16xi32>
    %sub3A_1459 = arith.subi %get3A_1456, %sub3A_1458 : vector<16xi32>
    %ge3A_1460 = arith.constant 0 : i32
    %ge3A_1461 = vector.broadcast %ge3A_1460 : i32 to vector<16xi32>
    %ge3A_1462 = arith.cmpi sge, %sub3A_1459, %ge3A_1461 : vector<16xi32>
    %lt3A_1463 = arith.constant 2560 : i32
    %lt3A_1464 = vector.broadcast %lt3A_1463 : i32 to vector<16xi32>
    %lt3A_1465 = arith.cmpi slt, %sub3A_1459, %lt3A_1464 : vector<16xi32>
    %and3A_1466 = arith.andi %ge3A_1462, %lt3A_1465 : vector<16xi1>
    %jit3A_1467 = arith.constant 2560 : i32
    %broadcast_in_dim3A_1468 = vector.broadcast %jit3A_1467 : i32 to vector<16xi32>
    %select_n3A_1469 = arith.select %and3A_1466, %sub3A_1459, %broadcast_in_dim3A_1468 : vector<16xi1>, vector<16xi32>
    %swap3A_1470 = arith.constant 0 : i32
    %swap3A_1471 = arith.index_cast %swap3A_1470 : i32 to index
    %swap3A_1472 = arith.constant 32 : index
    %swap3A_1473 = tpu.vector_load %arg8[%swap3A_1471, %swap3A_1472] {strides = array<i32>} : memref<1x128xi32, #tpu.memory_space<vmem>>, vector<1x16xi32>,
    %swap3A_1474 = vector.shape_cast %swap3A_1473 : vector<1x16xi32> to vector<16xi32>
    %swap3A_1475 = vector.shape_cast %select_n3A_1469 : vector<16xi32> to vector<1x16xi32>
    tpu.vector_store %arg8[%swap3A_1471, %swap3A_1472], %swap3A_1475 {strides = array<i32>} : memref<1x128xi32, #tpu.memory_space<vmem>>, vector<1x16xi32>,
    %get3A_1476 = arith.constant 158 : i32
    %get3A_1477 = arith.index_cast %get3A_1476 : i32 to index
    %get3A_1478 = arith.constant 48 : index
    %get3A_1479 = tpu.vector_load %arg7[%get3A_1477, %get3A_1478] {strides = array<i32>} : memref<160x128xi32, #tpu.memory_space<vmem>>, vector<1x16xi32>,
    %get3A_1480 = vector.shape_cast %get3A_1479 : vector<1x16xi32> to vector<16xi32>
    %sub3A_1481 = arith.constant 7680 : i32
    %sub3A_1482 = vector.broadcast %sub3A_1481 : i32 to vector<16xi32>
    %sub3A_1483 = arith.subi %get3A_1480, %sub3A_1482 : vector<16xi32>
    %ge3A_1484 = arith.constant 0 : i32
    %ge3A_1485 = vector.broadcast %ge3A_1484 : i32 to vector<16xi32>
    %ge3A_1486 = arith.cmpi sge, %sub3A_1483, %ge3A_1485 : vector<16xi32>
    %lt3A_1487 = arith.constant 2560 : i32
    %lt3A_1488 = vector.broadcast %lt3A_1487 : i32 to vector<16xi32>
    %lt3A_1489 = arith.cmpi slt, %sub3A_1483, %lt3A_1488 : vector<16xi32>
    %and3A_1490 = arith.andi %ge3A_1486, %lt3A_1489 : vector<16xi1>
    %jit3A_1491 = arith.constant 2560 : i32
    %broadcast_in_dim3A_1492 = vector.broadcast %jit3A_1491 : i32 to vector<16xi32>
    %select_n3A_1493 = arith.select %and3A_1490, %sub3A_1483, %broadcast_in_dim3A_1492 : vector<16xi1>, vector<16xi32>
    %swap3A_1494 = arith.constant 0 : i32
    %swap3A_1495 = arith.index_cast %swap3A_1494 : i32 to index
    %swap3A_1496 = arith.constant 48 : index
    %swap3A_1497 = tpu.vector_load %arg8[%swap3A_1495, %swap3A_1496] {strides = array<i32>} : memref<1x128xi32, #tpu.memory_space<vmem>>, vector<1x16xi32>,
    %swap3A_1498 = vector.shape_cast %swap3A_1497 : vector<1x16xi32> to vector<16xi32>
    %swap3A_1499 = vector.shape_cast %select_n3A_1493 : vector<16xi32> to vector<1x16xi32>
    tpu.vector_store %arg8[%swap3A_1495, %swap3A_1496], %swap3A_1499 {strides = array<i32>} : memref<1x128xi32, #tpu.memory_space<vmem>>, vector<1x16xi32>,
    %get3A_1500 = arith.constant 158 : i32
    %get3A_1501 = arith.index_cast %get3A_1500 : i32 to index
    %get3A_1502 = arith.constant 64 : index
    %get3A_1503 = tpu.vector_load %arg7[%get3A_1501, %get3A_1502] {strides = array<i32>} : memref<160x128xi32, #tpu.memory_space<vmem>>, vector<1x16xi32>,
    %get3A_1504 = vector.shape_cast %get3A_1503 : vector<1x16xi32> to vector<16xi32>
    %sub3A_1505 = arith.constant 7680 : i32
    %sub3A_1506 = vector.broadcast %sub3A_1505 : i32 to vector<16xi32>
    %sub3A_1507 = arith.subi %get3A_1504, %sub3A_1506 : vector<16xi32>
    %ge3A_1508 = arith.constant 0 : i32
    %ge3A_1509 = vector.broadcast %ge3A_1508 : i32 to vector<16xi32>
    %ge3A_1510 = arith.cmpi sge, %sub3A_1507, %ge3A_1509 : vector<16xi32>
    %lt3A_1511 = arith.constant 2560 : i32
    %lt3A_1512 = vector.broadcast %lt3A_1511 : i32 to vector<16xi32>
    %lt3A_1513 = arith.cmpi slt, %sub3A_1507, %lt3A_1512 : vector<16xi32>
    %and3A_1514 = arith.andi %ge3A_1510, %lt3A_1513 : vector<16xi1>
    %jit3A_1515 = arith.constant 2560 : i32
    %broadcast_in_dim3A_1516 = vector.broadcast %jit3A_1515 : i32 to vector<16xi32>
    %select_n3A_1517 = arith.select %and3A_1514, %sub3A_1507, %broadcast_in_dim3A_1516 : vector<16xi1>, vector<16xi32>
    %swap3A_1518 = arith.constant 0 : i32
    %swap3A_1519 = arith.index_cast %swap3A_1518 : i32 to index
    %swap3A_1520 = arith.constant 64 : index
    %swap3A_1521 = tpu.vector_load %arg8[%swap3A_1519, %swap3A_1520] {strides = array<i32>} : memref<1x128xi32, #tpu.memory_space<vmem>>, vector<1x16xi32>,
    %swap3A_1522 = vector.shape_cast %swap3A_1521 : vector<1x16xi32> to vector<16xi32>
    %swap3A_1523 = vector.shape_cast %select_n3A_1517 : vector<16xi32> to vector<1x16xi32>
    tpu.vector_store %arg8[%swap3A_1519, %swap3A_1520], %swap3A_1523 {strides = array<i32>} : memref<1x128xi32, #tpu.memory_space<vmem>>, vector<1x16xi32>,
    %get3A_1524 = arith.constant 158 : i32
    %get3A_1525 = arith.index_cast %get3A_1524 : i32 to index
    %get3A_1526 = arith.constant 80 : index
    %get3A_1527 = tpu.vector_load %arg7[%get3A_1525, %get3A_1526] {strides = array<i32>} : memref<160x128xi32, #tpu.memory_space<vmem>>, vector<1x16xi32>,
    %get3A_1528 = vector.shape_cast %get3A_1527 : vector<1x16xi32> to vector<16xi32>
    %sub3A_1529 = arith.constant 7680 : i32
    %sub3A_1530 = vector.broadcast %sub3A_1529 : i32 to vector<16xi32>
    %sub3A_1531 = arith.subi %get3A_1528, %sub3A_1530 : vector<16xi32>
    %ge3A_1532 = arith.constant 0 : i32
    %ge3A_1533 = vector.broadcast %ge3A_1532 : i32 to vector<16xi32>
    %ge3A_1534 = arith.cmpi sge, %sub3A_1531, %ge3A_1533 : vector<16xi32>
    %lt3A_1535 = arith.constant 2560 : i32
    %lt3A_1536 = vector.broadcast %lt3A_1535 : i32 to vector<16xi32>
    %lt3A_1537 = arith.cmpi slt, %sub3A_1531, %lt3A_1536 : vector<16xi32>
    %and3A_1538 = arith.andi %ge3A_1534, %lt3A_1537 : vector<16xi1>
    %jit3A_1539 = arith.constant 2560 : i32
    %broadcast_in_dim3A_1540 = vector.broadcast %jit3A_1539 : i32 to vector<16xi32>
    %select_n3A_1541 = arith.select %and3A_1538, %sub3A_1531, %broadcast_in_dim3A_1540 : vector<16xi1>, vector<16xi32>
    %swap3A_1542 = arith.constant 0 : i32
    %swap3A_1543 = arith.index_cast %swap3A_1542 : i32 to index
    %swap3A_1544 = arith.constant 80 : index
    %swap3A_1545 = tpu.vector_load %arg8[%swap3A_1543, %swap3A_1544] {strides = array<i32>} : memref<1x128xi32, #tpu.memory_space<vmem>>, vector<1x16xi32>,
    %swap3A_1546 = vector.shape_cast %swap3A_1545 : vector<1x16xi32> to vector<16xi32>
    %swap3A_1547 = vector.shape_cast %select_n3A_1541 : vector<16xi32> to vector<1x16xi32>
    tpu.vector_store %arg8[%swap3A_1543, %swap3A_1544], %swap3A_1547 {strides = array<i32>} : memref<1x128xi32, #tpu.memory_space<vmem>>, vector<1x16xi32>,
    %get3A_1548 = arith.constant 158 : i32
    %get3A_1549 = arith.index_cast %get3A_1548 : i32 to index
    %get3A_1550 = arith.constant 96 : index
    %get3A_1551 = tpu.vector_load %arg7[%get3A_1549, %get3A_1550] {strides = array<i32>} : memref<160x128xi32, #tpu.memory_space<vmem>>, vector<1x16xi32>,
    %get3A_1552 = vector.shape_cast %get3A_1551 : vector<1x16xi32> to vector<16xi32>
    %sub3A_1553 = arith.constant 7680 : i32
    %sub3A_1554 = vector.broadcast %sub3A_1553 : i32 to vector<16xi32>
    %sub3A_1555 = arith.subi %get3A_1552, %sub3A_1554 : vector<16xi32>
    %ge3A_1556 = arith.constant 0 : i32
    %ge3A_1557 = vector.broadcast %ge3A_1556 : i32 to vector<16xi32>
    %ge3A_1558 = arith.cmpi sge, %sub3A_1555, %ge3A_1557 : vector<16xi32>
    %lt3A_1559 = arith.constant 2560 : i32
    %lt3A_1560 = vector.broadcast %lt3A_1559 : i32 to vector<16xi32>
    %lt3A_1561 = arith.cmpi slt, %sub3A_1555, %lt3A_1560 : vector<16xi32>
    %and3A_1562 = arith.andi %ge3A_1558, %lt3A_1561 : vector<16xi1>
    %jit3A_1563 = arith.constant 2560 : i32
    %broadcast_in_dim3A_1564 = vector.broadcast %jit3A_1563 : i32 to vector<16xi32>
    %select_n3A_1565 = arith.select %and3A_1562, %sub3A_1555, %broadcast_in_dim3A_1564 : vector<16xi1>, vector<16xi32>
    %swap3A_1566 = arith.constant 0 : i32
    %swap3A_1567 = arith.index_cast %swap3A_1566 : i32 to index
    %swap3A_1568 = arith.constant 96 : index
    %swap3A_1569 = tpu.vector_load %arg8[%swap3A_1567, %swap3A_1568] {strides = array<i32>} : memref<1x128xi32, #tpu.memory_space<vmem>>, vector<1x16xi32>,
    %swap3A_1570 = vector.shape_cast %swap3A_1569 : vector<1x16xi32> to vector<16xi32>
    %swap3A_1571 = vector.shape_cast %select_n3A_1565 : vector<16xi32> to vector<1x16xi32>
    tpu.vector_store %arg8[%swap3A_1567, %swap3A_1568], %swap3A_1571 {strides = array<i32>} : memref<1x128xi32, #tpu.memory_space<vmem>>, vector<1x16xi32>,
    %get3A_1572 = arith.constant 158 : i32
    %get3A_1573 = arith.index_cast %get3A_1572 : i32 to index
    %get3A_1574 = arith.constant 112 : index
    %get3A_1575 = tpu.vector_load %arg7[%get3A_1573, %get3A_1574] {strides = array<i32>} : memref<160x128xi32, #tpu.memory_space<vmem>>, vector<1x16xi32>,
    %get3A_1576 = vector.shape_cast %get3A_1575 : vector<1x16xi32> to vector<16xi32>
    %sub3A_1577 = arith.constant 7680 : i32
    %sub3A_1578 = vector.broadcast %sub3A_1577 : i32 to vector<16xi32>
    %sub3A_1579 = arith.subi %get3A_1576, %sub3A_1578 : vector<16xi32>
    %ge3A_1580 = arith.constant 0 : i32
    %ge3A_1581 = vector.broadcast %ge3A_1580 : i32 to vector<16xi32>
    %ge3A_1582 = arith.cmpi sge, %sub3A_1579, %ge3A_1581 : vector<16xi32>
    %lt3A_1583 = arith.constant 2560 : i32
    %lt3A_1584 = vector.broadcast %lt3A_1583 : i32 to vector<16xi32>
    %lt3A_1585 = arith.cmpi slt, %sub3A_1579, %lt3A_1584 : vector<16xi32>
    %and3A_1586 = arith.andi %ge3A_1582, %lt3A_1585 : vector<16xi1>
    %jit3A_1587 = arith.constant 2560 : i32
    %broadcast_in_dim3A_1588 = vector.broadcast %jit3A_1587 : i32 to vector<16xi32>
    %select_n3A_1589 = arith.select %and3A_1586, %sub3A_1579, %broadcast_in_dim3A_1588 : vector<16xi1>, vector<16xi32>
    %swap3A_1590 = arith.constant 0 : i32
    %swap3A_1591 = arith.index_cast %swap3A_1590 : i32 to index
    %swap3A_1592 = arith.constant 112 : index
    %swap3A_1593 = tpu.vector_load %arg8[%swap3A_1591, %swap3A_1592] {strides = array<i32>} : memref<1x128xi32, #tpu.memory_space<vmem>>, vector<1x16xi32>,
    %swap3A_1594 = vector.shape_cast %swap3A_1593 : vector<1x16xi32> to vector<16xi32>
    %swap3A_1595 = vector.shape_cast %select_n3A_1589 : vector<16xi32> to vector<1x16xi32>
    tpu.vector_store %arg8[%swap3A_1591, %swap3A_1592], %swap3A_1595 {strides = array<i32>} : memref<1x128xi32, #tpu.memory_space<vmem>>, vector<1x16xi32>,
    %run_scoped3A_1596 = arith.constant 0 : i32
    "tpu.region"() ({
      %run_scoped3A_1807 = tpu.sem_alloc : memref<!tpu.dma_semaphore, #tpu.memory_space<semaphore_mem>>
      %dma_start3A_1808 = arith.constant 0 : i32
      %dma_start3A_1809 = tpu.memref_slice %arg8[%run_scoped3A_1596, %dma_start3A_1808] : memref<1x128xi32, #tpu.memory_space<vmem>> -> memref<1x128xi32, #tpu.memory_space<vmem>>
      %dma_start3A_1810 = tpu.memref_squeeze %dma_start3A_1809 : memref<1x128xi32, #tpu.memory_space<vmem>> -> memref<128xi32, #tpu.memory_space<vmem>>
      %dma_start3A_1811 = arith.constant 0 : i32
      %dma_start3A_1812 = arith.constant 0 : i32
      %dma_start3A_1813 = tpu.memref_slice %arg14[%dma_start3A_1811, %dma_start3A_1812] : memref<3072x128xf32, #tpu.memory_space<vmem_shared>> -> memref<3072x128xf32, #tpu.memory_space<vmem_shared>>
      tpu.enqueue_indirect_dma source(%arg9 : memref<128x128xf32, #tpu.memory_space<vmem>>) target(%dma_start3A_1813 : memref<3072x128xf32, #tpu.memory_space<vmem_shared>>) offsets(%dma_start3A_1810 : memref<128xi32, #tpu.memory_space<vmem>>) semaphore(%run_scoped3A_1807 : memref<!tpu.dma_semaphore, #tpu.memory_space<semaphore_mem>>) {add = true}
      %dma_wait3A_1814 = arith.constant 0 : i32
      %dma_wait3A_1815 = tpu.memref_slice %arg8[%run_scoped3A_1596, %dma_wait3A_1814] : memref<1x128xi32, #tpu.memory_space<vmem>> -> memref<1x128xi32, #tpu.memory_space<vmem>>
      %dma_wait3A_1816 = tpu.memref_squeeze %dma_wait3A_1815 : memref<1x128xi32, #tpu.memory_space<vmem>> -> memref<128xi32, #tpu.memory_space<vmem>>
      %dma_wait3A_1817 = arith.constant 0 : i32
      %dma_wait3A_1818 = arith.constant 0 : i32
      %dma_wait3A_1819 = tpu.memref_slice %arg14[%dma_wait3A_1817, %dma_wait3A_1818] : memref<3072x128xf32, #tpu.memory_space<vmem_shared>> -> memref<3072x128xf32, #tpu.memory_space<vmem_shared>>
      tpu.wait_indirect_dma semaphore(%run_scoped3A_1807 : memref<!tpu.dma_semaphore, #tpu.memory_space<semaphore_mem>>) src(%arg9 : memref<128x128xf32, #tpu.memory_space<vmem>>) dst(%dma_wait3A_1819 : memref<3072x128xf32, #tpu.memory_space<vmem_shared>>)
      tpu.yield
    }) : () -> ()
    %dma_wait3A_1597 = arith.constant 159 : i32
    %dma_wait3A_1598 = arith.constant 0 : i32
    %dma_wait3A_1599 = tpu.memref_slice %arg6[%dma_wait3A_1597, %dma_wait3A_1598] : memref<160x128xi32, #tpu.memory_space<vmem>> -> memref<1x128xi32, #tpu.memory_space<vmem>>
    %dma_wait3A_1600 = tpu.memref_squeeze %dma_wait3A_1599 : memref<1x128xi32, #tpu.memory_space<vmem>> -> memref<128xi32, #tpu.memory_space<vmem>>
    %dma_wait3A_1601 = arith.constant 0 : i32
    %dma_wait3A_1602 = arith.constant 0 : i32
    %dma_wait3A_1603 = tpu.memref_slice %arg2[%arg0, %dma_wait3A_1601, %dma_wait3A_1602] : memref<2x10240x128xf32, #tpu.memory_space<hbm>> -> memref<1x10240x128xf32, #tpu.memory_space<hbm>>
    %dma_wait3A_1604 = tpu.memref_squeeze %dma_wait3A_1603 : memref<1x10240x128xf32, #tpu.memory_space<hbm>> -> memref<10240x128xf32, #tpu.memory_space<hbm>>
    %dma_wait3A_1605 = arith.constant 0 : i32
    %dma_wait3A_1606 = arith.constant 0 : i32
    %dma_wait3A_1607 = tpu.memref_slice %dma_wait3A_1604[%dma_wait3A_1605, %dma_wait3A_1606] : memref<10240x128xf32, #tpu.memory_space<hbm>> -> memref<10240x128xf32, #tpu.memory_space<hbm>>
    tpu.wait_indirect_dma semaphore(%arg13 : memref<!tpu.dma_semaphore, #tpu.memory_space<semaphore_mem>>) src(%dma_wait3A_1607 : memref<10240x128xf32, #tpu.memory_space<hbm>>) dst(%arg10 : memref<128x128xf32, #tpu.memory_space<vmem>>)
    %get3A_1608 = arith.constant 159 : i32
    %get3A_1609 = arith.index_cast %get3A_1608 : i32 to index
    %get3A_1610 = arith.constant 0 : index
    %get3A_1611 = tpu.vector_load %arg7[%get3A_1609, %get3A_1610] {strides = array<i32>} : memref<160x128xi32, #tpu.memory_space<vmem>>, vector<1x16xi32>,
    %get3A_1612 = vector.shape_cast %get3A_1611 : vector<1x16xi32> to vector<16xi32>
    %sub3A_1613 = arith.constant 7680 : i32
    %sub3A_1614 = vector.broadcast %sub3A_1613 : i32 to vector<16xi32>
    %sub3A_1615 = arith.subi %get3A_1612, %sub3A_1614 : vector<16xi32>
    %ge3A_1616 = arith.constant 0 : i32
    %ge3A_1617 = vector.broadcast %ge3A_1616 : i32 to vector<16xi32>
    %ge3A_1618 = arith.cmpi sge, %sub3A_1615, %ge3A_1617 : vector<16xi32>
    %lt3A_1619 = arith.constant 2560 : i32
    %lt3A_1620 = vector.broadcast %lt3A_1619 : i32 to vector<16xi32>
    %lt3A_1621 = arith.cmpi slt, %sub3A_1615, %lt3A_1620 : vector<16xi32>
    %and3A_1622 = arith.andi %ge3A_1618, %lt3A_1621 : vector<16xi1>
    %jit3A_1623 = arith.constant 2560 : i32
    %broadcast_in_dim3A_1624 = vector.broadcast %jit3A_1623 : i32 to vector<16xi32>
    %select_n3A_1625 = arith.select %and3A_1622, %sub3A_1615, %broadcast_in_dim3A_1624 : vector<16xi1>, vector<16xi32>
    %swap3A_1626 = arith.constant 0 : i32
    %swap3A_1627 = arith.index_cast %swap3A_1626 : i32 to index
    %swap3A_1628 = arith.constant 0 : index
    %swap3A_1629 = tpu.vector_load %arg8[%swap3A_1627, %swap3A_1628] {strides = array<i32>} : memref<1x128xi32, #tpu.memory_space<vmem>>, vector<1x16xi32>,
    %swap3A_1630 = vector.shape_cast %swap3A_1629 : vector<1x16xi32> to vector<16xi32>
    %swap3A_1631 = vector.shape_cast %select_n3A_1625 : vector<16xi32> to vector<1x16xi32>
    tpu.vector_store %arg8[%swap3A_1627, %swap3A_1628], %swap3A_1631 {strides = array<i32>} : memref<1x128xi32, #tpu.memory_space<vmem>>, vector<1x16xi32>,
    %get3A_1632 = arith.constant 159 : i32
    %get3A_1633 = arith.index_cast %get3A_1632 : i32 to index
    %get3A_1634 = arith.constant 16 : index
    %get3A_1635 = tpu.vector_load %arg7[%get3A_1633, %get3A_1634] {strides = array<i32>} : memref<160x128xi32, #tpu.memory_space<vmem>>, vector<1x16xi32>,
    %get3A_1636 = vector.shape_cast %get3A_1635 : vector<1x16xi32> to vector<16xi32>
    %sub3A_1637 = arith.constant 7680 : i32
    %sub3A_1638 = vector.broadcast %sub3A_1637 : i32 to vector<16xi32>
    %sub3A_1639 = arith.subi %get3A_1636, %sub3A_1638 : vector<16xi32>
    %ge3A_1640 = arith.constant 0 : i32
    %ge3A_1641 = vector.broadcast %ge3A_1640 : i32 to vector<16xi32>
    %ge3A_1642 = arith.cmpi sge, %sub3A_1639, %ge3A_1641 : vector<16xi32>
    %lt3A_1643 = arith.constant 2560 : i32
    %lt3A_1644 = vector.broadcast %lt3A_1643 : i32 to vector<16xi32>
    %lt3A_1645 = arith.cmpi slt, %sub3A_1639, %lt3A_1644 : vector<16xi32>
    %and3A_1646 = arith.andi %ge3A_1642, %lt3A_1645 : vector<16xi1>
    %jit3A_1647 = arith.constant 2560 : i32
    %broadcast_in_dim3A_1648 = vector.broadcast %jit3A_1647 : i32 to vector<16xi32>
    %select_n3A_1649 = arith.select %and3A_1646, %sub3A_1639, %broadcast_in_dim3A_1648 : vector<16xi1>, vector<16xi32>
    %swap3A_1650 = arith.constant 0 : i32
    %swap3A_1651 = arith.index_cast %swap3A_1650 : i32 to index
    %swap3A_1652 = arith.constant 16 : index
    %swap3A_1653 = tpu.vector_load %arg8[%swap3A_1651, %swap3A_1652] {strides = array<i32>} : memref<1x128xi32, #tpu.memory_space<vmem>>, vector<1x16xi32>,
    %swap3A_1654 = vector.shape_cast %swap3A_1653 : vector<1x16xi32> to vector<16xi32>
    %swap3A_1655 = vector.shape_cast %select_n3A_1649 : vector<16xi32> to vector<1x16xi32>
    tpu.vector_store %arg8[%swap3A_1651, %swap3A_1652], %swap3A_1655 {strides = array<i32>} : memref<1x128xi32, #tpu.memory_space<vmem>>, vector<1x16xi32>,
    %get3A_1656 = arith.constant 159 : i32
    %get3A_1657 = arith.index_cast %get3A_1656 : i32 to index
    %get3A_1658 = arith.constant 32 : index
    %get3A_1659 = tpu.vector_load %arg7[%get3A_1657, %get3A_1658] {strides = array<i32>} : memref<160x128xi32, #tpu.memory_space<vmem>>, vector<1x16xi32>,
    %get3A_1660 = vector.shape_cast %get3A_1659 : vector<1x16xi32> to vector<16xi32>
    %sub3A_1661 = arith.constant 7680 : i32
    %sub3A_1662 = vector.broadcast %sub3A_1661 : i32 to vector<16xi32>
    %sub3A_1663 = arith.subi %get3A_1660, %sub3A_1662 : vector<16xi32>
    %ge3A_1664 = arith.constant 0 : i32
    %ge3A_1665 = vector.broadcast %ge3A_1664 : i32 to vector<16xi32>
    %ge3A_1666 = arith.cmpi sge, %sub3A_1663, %ge3A_1665 : vector<16xi32>
    %lt3A_1667 = arith.constant 2560 : i32
    %lt3A_1668 = vector.broadcast %lt3A_1667 : i32 to vector<16xi32>
    %lt3A_1669 = arith.cmpi slt, %sub3A_1663, %lt3A_1668 : vector<16xi32>
    %and3A_1670 = arith.andi %ge3A_1666, %lt3A_1669 : vector<16xi1>
    %jit3A_1671 = arith.constant 2560 : i32
    %broadcast_in_dim3A_1672 = vector.broadcast %jit3A_1671 : i32 to vector<16xi32>
    %select_n3A_1673 = arith.select %and3A_1670, %sub3A_1663, %broadcast_in_dim3A_1672 : vector<16xi1>, vector<16xi32>
    %swap3A_1674 = arith.constant 0 : i32
    %swap3A_1675 = arith.index_cast %swap3A_1674 : i32 to index
    %swap3A_1676 = arith.constant 32 : index
    %swap3A_1677 = tpu.vector_load %arg8[%swap3A_1675, %swap3A_1676] {strides = array<i32>} : memref<1x128xi32, #tpu.memory_space<vmem>>, vector<1x16xi32>,
    %swap3A_1678 = vector.shape_cast %swap3A_1677 : vector<1x16xi32> to vector<16xi32>
    %swap3A_1679 = vector.shape_cast %select_n3A_1673 : vector<16xi32> to vector<1x16xi32>
    tpu.vector_store %arg8[%swap3A_1675, %swap3A_1676], %swap3A_1679 {strides = array<i32>} : memref<1x128xi32, #tpu.memory_space<vmem>>, vector<1x16xi32>,
    %get3A_1680 = arith.constant 159 : i32
    %get3A_1681 = arith.index_cast %get3A_1680 : i32 to index
    %get3A_1682 = arith.constant 48 : index
    %get3A_1683 = tpu.vector_load %arg7[%get3A_1681, %get3A_1682] {strides = array<i32>} : memref<160x128xi32, #tpu.memory_space<vmem>>, vector<1x16xi32>,
    %get3A_1684 = vector.shape_cast %get3A_1683 : vector<1x16xi32> to vector<16xi32>
    %sub3A_1685 = arith.constant 7680 : i32
    %sub3A_1686 = vector.broadcast %sub3A_1685 : i32 to vector<16xi32>
    %sub3A_1687 = arith.subi %get3A_1684, %sub3A_1686 : vector<16xi32>
    %ge3A_1688 = arith.constant 0 : i32
    %ge3A_1689 = vector.broadcast %ge3A_1688 : i32 to vector<16xi32>
    %ge3A_1690 = arith.cmpi sge, %sub3A_1687, %ge3A_1689 : vector<16xi32>
    %lt3A_1691 = arith.constant 2560 : i32
    %lt3A_1692 = vector.broadcast %lt3A_1691 : i32 to vector<16xi32>
    %lt3A_1693 = arith.cmpi slt, %sub3A_1687, %lt3A_1692 : vector<16xi32>
    %and3A_1694 = arith.andi %ge3A_1690, %lt3A_1693 : vector<16xi1>
    %jit3A_1695 = arith.constant 2560 : i32
    %broadcast_in_dim3A_1696 = vector.broadcast %jit3A_1695 : i32 to vector<16xi32>
    %select_n3A_1697 = arith.select %and3A_1694, %sub3A_1687, %broadcast_in_dim3A_1696 : vector<16xi1>, vector<16xi32>
    %swap3A_1698 = arith.constant 0 : i32
    %swap3A_1699 = arith.index_cast %swap3A_1698 : i32 to index
    %swap3A_1700 = arith.constant 48 : index
    %swap3A_1701 = tpu.vector_load %arg8[%swap3A_1699, %swap3A_1700] {strides = array<i32>} : memref<1x128xi32, #tpu.memory_space<vmem>>, vector<1x16xi32>,
    %swap3A_1702 = vector.shape_cast %swap3A_1701 : vector<1x16xi32> to vector<16xi32>
    %swap3A_1703 = vector.shape_cast %select_n3A_1697 : vector<16xi32> to vector<1x16xi32>
    tpu.vector_store %arg8[%swap3A_1699, %swap3A_1700], %swap3A_1703 {strides = array<i32>} : memref<1x128xi32, #tpu.memory_space<vmem>>, vector<1x16xi32>,
    %get3A_1704 = arith.constant 159 : i32
    %get3A_1705 = arith.index_cast %get3A_1704 : i32 to index
    %get3A_1706 = arith.constant 64 : index
    %get3A_1707 = tpu.vector_load %arg7[%get3A_1705, %get3A_1706] {strides = array<i32>} : memref<160x128xi32, #tpu.memory_space<vmem>>, vector<1x16xi32>,
    %get3A_1708 = vector.shape_cast %get3A_1707 : vector<1x16xi32> to vector<16xi32>
    %sub3A_1709 = arith.constant 7680 : i32
    %sub3A_1710 = vector.broadcast %sub3A_1709 : i32 to vector<16xi32>
    %sub3A_1711 = arith.subi %get3A_1708, %sub3A_1710 : vector<16xi32>
    %ge3A_1712 = arith.constant 0 : i32
    %ge3A_1713 = vector.broadcast %ge3A_1712 : i32 to vector<16xi32>
    %ge3A_1714 = arith.cmpi sge, %sub3A_1711, %ge3A_1713 : vector<16xi32>
    %lt3A_1715 = arith.constant 2560 : i32
    %lt3A_1716 = vector.broadcast %lt3A_1715 : i32 to vector<16xi32>
    %lt3A_1717 = arith.cmpi slt, %sub3A_1711, %lt3A_1716 : vector<16xi32>
    %and3A_1718 = arith.andi %ge3A_1714, %lt3A_1717 : vector<16xi1>
    %jit3A_1719 = arith.constant 2560 : i32
    %broadcast_in_dim3A_1720 = vector.broadcast %jit3A_1719 : i32 to vector<16xi32>
    %select_n3A_1721 = arith.select %and3A_1718, %sub3A_1711, %broadcast_in_dim3A_1720 : vector<16xi1>, vector<16xi32>
    %swap3A_1722 = arith.constant 0 : i32
    %swap3A_1723 = arith.index_cast %swap3A_1722 : i32 to index
    %swap3A_1724 = arith.constant 64 : index
    %swap3A_1725 = tpu.vector_load %arg8[%swap3A_1723, %swap3A_1724] {strides = array<i32>} : memref<1x128xi32, #tpu.memory_space<vmem>>, vector<1x16xi32>,
    %swap3A_1726 = vector.shape_cast %swap3A_1725 : vector<1x16xi32> to vector<16xi32>
    %swap3A_1727 = vector.shape_cast %select_n3A_1721 : vector<16xi32> to vector<1x16xi32>
    tpu.vector_store %arg8[%swap3A_1723, %swap3A_1724], %swap3A_1727 {strides = array<i32>} : memref<1x128xi32, #tpu.memory_space<vmem>>, vector<1x16xi32>,
    %get3A_1728 = arith.constant 159 : i32
    %get3A_1729 = arith.index_cast %get3A_1728 : i32 to index
    %get3A_1730 = arith.constant 80 : index
    %get3A_1731 = tpu.vector_load %arg7[%get3A_1729, %get3A_1730] {strides = array<i32>} : memref<160x128xi32, #tpu.memory_space<vmem>>, vector<1x16xi32>,
    %get3A_1732 = vector.shape_cast %get3A_1731 : vector<1x16xi32> to vector<16xi32>
    %sub3A_1733 = arith.constant 7680 : i32
    %sub3A_1734 = vector.broadcast %sub3A_1733 : i32 to vector<16xi32>
    %sub3A_1735 = arith.subi %get3A_1732, %sub3A_1734 : vector<16xi32>
    %ge3A_1736 = arith.constant 0 : i32
    %ge3A_1737 = vector.broadcast %ge3A_1736 : i32 to vector<16xi32>
    %ge3A_1738 = arith.cmpi sge, %sub3A_1735, %ge3A_1737 : vector<16xi32>
    %lt3A_1739 = arith.constant 2560 : i32
    %lt3A_1740 = vector.broadcast %lt3A_1739 : i32 to vector<16xi32>
    %lt3A_1741 = arith.cmpi slt, %sub3A_1735, %lt3A_1740 : vector<16xi32>
    %and3A_1742 = arith.andi %ge3A_1738, %lt3A_1741 : vector<16xi1>
    %jit3A_1743 = arith.constant 2560 : i32
    %broadcast_in_dim3A_1744 = vector.broadcast %jit3A_1743 : i32 to vector<16xi32>
    %select_n3A_1745 = arith.select %and3A_1742, %sub3A_1735, %broadcast_in_dim3A_1744 : vector<16xi1>, vector<16xi32>
    %swap3A_1746 = arith.constant 0 : i32
    %swap3A_1747 = arith.index_cast %swap3A_1746 : i32 to index
    %swap3A_1748 = arith.constant 80 : index
    %swap3A_1749 = tpu.vector_load %arg8[%swap3A_1747, %swap3A_1748] {strides = array<i32>} : memref<1x128xi32, #tpu.memory_space<vmem>>, vector<1x16xi32>,
    %swap3A_1750 = vector.shape_cast %swap3A_1749 : vector<1x16xi32> to vector<16xi32>
    %swap3A_1751 = vector.shape_cast %select_n3A_1745 : vector<16xi32> to vector<1x16xi32>
    tpu.vector_store %arg8[%swap3A_1747, %swap3A_1748], %swap3A_1751 {strides = array<i32>} : memref<1x128xi32, #tpu.memory_space<vmem>>, vector<1x16xi32>,
    %get3A_1752 = arith.constant 159 : i32
    %get3A_1753 = arith.index_cast %get3A_1752 : i32 to index
    %get3A_1754 = arith.constant 96 : index
    %get3A_1755 = tpu.vector_load %arg7[%get3A_1753, %get3A_1754] {strides = array<i32>} : memref<160x128xi32, #tpu.memory_space<vmem>>, vector<1x16xi32>,
    %get3A_1756 = vector.shape_cast %get3A_1755 : vector<1x16xi32> to vector<16xi32>
    %sub3A_1757 = arith.constant 7680 : i32
    %sub3A_1758 = vector.broadcast %sub3A_1757 : i32 to vector<16xi32>
    %sub3A_1759 = arith.subi %get3A_1756, %sub3A_1758 : vector<16xi32>
    %ge3A_1760 = arith.constant 0 : i32
    %ge3A_1761 = vector.broadcast %ge3A_1760 : i32 to vector<16xi32>
    %ge3A_1762 = arith.cmpi sge, %sub3A_1759, %ge3A_1761 : vector<16xi32>
    %lt3A_1763 = arith.constant 2560 : i32
    %lt3A_1764 = vector.broadcast %lt3A_1763 : i32 to vector<16xi32>
    %lt3A_1765 = arith.cmpi slt, %sub3A_1759, %lt3A_1764 : vector<16xi32>
    %and3A_1766 = arith.andi %ge3A_1762, %lt3A_1765 : vector<16xi1>
    %jit3A_1767 = arith.constant 2560 : i32
    %broadcast_in_dim3A_1768 = vector.broadcast %jit3A_1767 : i32 to vector<16xi32>
    %select_n3A_1769 = arith.select %and3A_1766, %sub3A_1759, %broadcast_in_dim3A_1768 : vector<16xi1>, vector<16xi32>
    %swap3A_1770 = arith.constant 0 : i32
    %swap3A_1771 = arith.index_cast %swap3A_1770 : i32 to index
    %swap3A_1772 = arith.constant 96 : index
    %swap3A_1773 = tpu.vector_load %arg8[%swap3A_1771, %swap3A_1772] {strides = array<i32>} : memref<1x128xi32, #tpu.memory_space<vmem>>, vector<1x16xi32>,
    %swap3A_1774 = vector.shape_cast %swap3A_1773 : vector<1x16xi32> to vector<16xi32>
    %swap3A_1775 = vector.shape_cast %select_n3A_1769 : vector<16xi32> to vector<1x16xi32>
    tpu.vector_store %arg8[%swap3A_1771, %swap3A_1772], %swap3A_1775 {strides = array<i32>} : memref<1x128xi32, #tpu.memory_space<vmem>>, vector<1x16xi32>,
    %get3A_1776 = arith.constant 159 : i32
    %get3A_1777 = arith.index_cast %get3A_1776 : i32 to index
    %get3A_1778 = arith.constant 112 : index
    %get3A_1779 = tpu.vector_load %arg7[%get3A_1777, %get3A_1778] {strides = array<i32>} : memref<160x128xi32, #tpu.memory_space<vmem>>, vector<1x16xi32>,
    %get3A_1780 = vector.shape_cast %get3A_1779 : vector<1x16xi32> to vector<16xi32>
    %sub3A_1781 = arith.constant 7680 : i32
    %sub3A_1782 = vector.broadcast %sub3A_1781 : i32 to vector<16xi32>
    %sub3A_1783 = arith.subi %get3A_1780, %sub3A_1782 : vector<16xi32>
    %ge3A_1784 = arith.constant 0 : i32
    %ge3A_1785 = vector.broadcast %ge3A_1784 : i32 to vector<16xi32>
    %ge3A_1786 = arith.cmpi sge, %sub3A_1783, %ge3A_1785 : vector<16xi32>
    %lt3A_1787 = arith.constant 2560 : i32
    %lt3A_1788 = vector.broadcast %lt3A_1787 : i32 to vector<16xi32>
    %lt3A_1789 = arith.cmpi slt, %sub3A_1783, %lt3A_1788 : vector<16xi32>
    %and3A_1790 = arith.andi %ge3A_1786, %lt3A_1789 : vector<16xi1>
    %jit3A_1791 = arith.constant 2560 : i32
    %broadcast_in_dim3A_1792 = vector.broadcast %jit3A_1791 : i32 to vector<16xi32>
    %select_n3A_1793 = arith.select %and3A_1790, %sub3A_1783, %broadcast_in_dim3A_1792 : vector<16xi1>, vector<16xi32>
    %swap3A_1794 = arith.constant 0 : i32
    %swap3A_1795 = arith.index_cast %swap3A_1794 : i32 to index
    %swap3A_1796 = arith.constant 112 : index
    %swap3A_1797 = tpu.vector_load %arg8[%swap3A_1795, %swap3A_1796] {strides = array<i32>} : memref<1x128xi32, #tpu.memory_space<vmem>>, vector<1x16xi32>,
    %swap3A_1798 = vector.shape_cast %swap3A_1797 : vector<1x16xi32> to vector<16xi32>
    %swap3A_1799 = vector.shape_cast %select_n3A_1793 : vector<16xi32> to vector<1x16xi32>
    tpu.vector_store %arg8[%swap3A_1795, %swap3A_1796], %swap3A_1799 {strides = array<i32>} : memref<1x128xi32, #tpu.memory_space<vmem>>, vector<1x16xi32>,
    %run_scoped3A_1800 = arith.constant 0 : i32
    "tpu.region"() ({
      %run_scoped3A_1807 = tpu.sem_alloc : memref<!tpu.dma_semaphore, #tpu.memory_space<semaphore_mem>>
      %dma_start3A_1808 = arith.constant 0 : i32
      %dma_start3A_1809 = tpu.memref_slice %arg8[%run_scoped3A_1800, %dma_start3A_1808] : memref<1x128xi32, #tpu.memory_space<vmem>> -> memref<1x128xi32, #tpu.memory_space<vmem>>
      %dma_start3A_1810 = tpu.memref_squeeze %dma_start3A_1809 : memref<1x128xi32, #tpu.memory_space<vmem>> -> memref<128xi32, #tpu.memory_space<vmem>>
      %dma_start3A_1811 = arith.constant 0 : i32
      %dma_start3A_1812 = arith.constant 0 : i32
      %dma_start3A_1813 = tpu.memref_slice %arg14[%dma_start3A_1811, %dma_start3A_1812] : memref<3072x128xf32, #tpu.memory_space<vmem_shared>> -> memref<3072x128xf32, #tpu.memory_space<vmem_shared>>
      tpu.enqueue_indirect_dma source(%arg10 : memref<128x128xf32, #tpu.memory_space<vmem>>) target(%dma_start3A_1813 : memref<3072x128xf32, #tpu.memory_space<vmem_shared>>) offsets(%dma_start3A_1810 : memref<128xi32, #tpu.memory_space<vmem>>) semaphore(%run_scoped3A_1807 : memref<!tpu.dma_semaphore, #tpu.memory_space<semaphore_mem>>) {add = true}
      %dma_wait3A_1814 = arith.constant 0 : i32
      %dma_wait3A_1815 = tpu.memref_slice %arg8[%run_scoped3A_1800, %dma_wait3A_1814] : memref<1x128xi32, #tpu.memory_space<vmem>> -> memref<1x128xi32, #tpu.memory_space<vmem>>
      %dma_wait3A_1816 = tpu.memref_squeeze %dma_wait3A_1815 : memref<1x128xi32, #tpu.memory_space<vmem>> -> memref<128xi32, #tpu.memory_space<vmem>>
      %dma_wait3A_1817 = arith.constant 0 : i32
      %dma_wait3A_1818 = arith.constant 0 : i32
      %dma_wait3A_1819 = tpu.memref_slice %arg14[%dma_wait3A_1817, %dma_wait3A_1818] : memref<3072x128xf32, #tpu.memory_space<vmem_shared>> -> memref<3072x128xf32, #tpu.memory_space<vmem_shared>>
      tpu.wait_indirect_dma semaphore(%run_scoped3A_1807 : memref<!tpu.dma_semaphore, #tpu.memory_space<semaphore_mem>>) src(%arg10 : memref<128x128xf32, #tpu.memory_space<vmem>>) dst(%dma_wait3A_1819 : memref<3072x128xf32, #tpu.memory_space<vmem_shared>>)
      tpu.yield
    }) : () -> ()
    %barrier3A_1801 = arith.constant 0 : index
    tpu.barrier barrier_id(%barrier3A_1801)
    %mul3A_1802 = arith.constant 160 : i32
    %mul3A_1803 = arith.muli %arg1, %mul3A_1802 : i32
    %add3A_1804 = arith.constant 7680 : i32
    %add3A_1805 = arith.addi %add3A_1804, %mul3A_1803 : i32
    "tpu.region"() ({
      %run_scoped3A_1807 = tpu.sem_alloc : memref<!tpu.dma_semaphore, #tpu.memory_space<semaphore_mem>>
      %dma_start3A_1808 = arith.constant 0 : i32
      %dma_start3A_1809 = tpu.memref_slice %arg5[%arg0, %add3A_1805, %dma_start3A_1808] : memref<2x10240x128xf32, #tpu.memory_space<hbm>> -> memref<1x160x128xf32, #tpu.memory_space<hbm>>
      %dma_start3A_1810 = tpu.memref_squeeze %dma_start3A_1809 : memref<1x160x128xf32, #tpu.memory_space<hbm>> -> memref<160x128xf32, #tpu.memory_space<hbm>>
      %dma_start3A_1811 = arith.constant 0 : i32
      %dma_start3A_1812 = tpu.memref_slice %arg14[%mul3A_1803, %dma_start3A_1811] : memref<3072x128xf32, #tpu.memory_space<vmem_shared>> -> memref<160x128xf32, #tpu.memory_space<vmem_shared>>
      tpu.enqueue_dma source(%dma_start3A_1812 : memref<160x128xf32, #tpu.memory_space<vmem_shared>>) target(%dma_start3A_1810 : memref<160x128xf32, #tpu.memory_space<hbm>>) target_semaphore(%run_scoped3A_1807 : memref<!tpu.dma_semaphore, #tpu.memory_space<semaphore_mem>>)
      %dma_wait3A_1813 = arith.constant 0 : i32
      %dma_wait3A_1814 = tpu.memref_slice %arg5[%arg0, %add3A_1805, %dma_wait3A_1813] : memref<2x10240x128xf32, #tpu.memory_space<hbm>> -> memref<1x160x128xf32, #tpu.memory_space<hbm>>
      %dma_wait3A_1815 = tpu.memref_squeeze %dma_wait3A_1814 : memref<1x160x128xf32, #tpu.memory_space<hbm>> -> memref<160x128xf32, #tpu.memory_space<hbm>>
      %dma_wait3A_1816 = arith.constant 0 : i32
      %dma_wait3A_1817 = tpu.memref_slice %arg14[%mul3A_1803, %dma_wait3A_1816] : memref<3072x128xf32, #tpu.memory_space<vmem_shared>> -> memref<160x128xf32, #tpu.memory_space<vmem_shared>>
      tpu.wait_dma2 semaphore(%run_scoped3A_1807 : memref<!tpu.dma_semaphore, #tpu.memory_space<semaphore_mem>>) src(%dma_wait3A_1817 : memref<160x128xf32, #tpu.memory_space<vmem_shared>>) dst(%dma_wait3A_1815 : memref<160x128xf32, #tpu.memory_space<hbm>>)
      tpu.yield
    }) : () -> ()
    %barrier3A_1806 = arith.constant 0 : index
    tpu.barrier barrier_id(%barrier3A_1806)
    return
  }
}

module attributes {stable_mosaic.version = 14 : i64} {
  func.func @_dinv_body(%arg0: i32, %arg1: memref<2x512x16xf32, #tpu.memory_space<vmem>>, %arg2: memref<512x128xf32, #tpu.memory_space<vmem>>) attributes {dimension_semantics = [#tpu.dimension_semantics<arbitrary>], iteration_bounds = array<i64: 20>, scalar_prefetch = 0 : i64, scratch_operands = 0 : i64, tpu.core_type = #tpu.core_type<tc>, window_params = [{transform_indices = @transform_0, window_bounds = array<i64: 2, 512, 16>}, {transform_indices = @transform_1, window_bounds = array<i64: 512, 128>}]} {
    %get3A = arith.constant 0 : index
    %get3A_0 = arith.constant 0 : index
    %get3A_1 = arith.constant 0 : index
    %get3A_2 = vector.load %arg1[%get3A, %get3A_0, %get3A_1] : memref<2x512x16xf32, #tpu.memory_space<vmem>>, vector<1x512x1xf32>
    %get3A_3 = vector.shape_cast %get3A_2 : vector<1x512x1xf32> to vector<512x1xf32>
    %get3A_4 = arith.constant 1 : index
    %get3A_5 = arith.constant 0 : index
    %get3A_6 = arith.constant 0 : index
    %get3A_7 = vector.load %arg1[%get3A_4, %get3A_5, %get3A_6] : memref<2x512x16xf32, #tpu.memory_space<vmem>>, vector<1x512x1xf32>
    %get3A_8 = vector.shape_cast %get3A_7 : vector<1x512x1xf32> to vector<512x1xf32>
    %add3A = arith.addf %get3A_3, %get3A_8 : vector<512x1xf32>
    %add3A_9 = arith.constant 1.000000e+00 : f32
    %add3A_10 = vector.broadcast %add3A_9 : f32 to vector<512x1xf32>
    %add3A_11 = arith.addf %add3A, %add3A_10 : vector<512x1xf32>
    %rsqrt3A = math.rsqrt %add3A_11 : vector<512x1xf32>
    %broadcast_in_dim3A = vector.shape_cast %rsqrt3A : vector<512x1xf32> to vector<512x1xf32>
    %broadcast_in_dim3A_12 = vector.broadcast %broadcast_in_dim3A : vector<512x1xf32> to vector<512x128xf32>
    %swap3A = arith.constant 0 : index
    %swap3A_13 = arith.constant 0 : index
    %swap3A_14 = vector.load %arg2[%swap3A, %swap3A_13] : memref<512x128xf32, #tpu.memory_space<vmem>>, vector<512x128xf32>
    tpu.vector_store %arg2[%swap3A, %swap3A_13], %broadcast_in_dim3A_12 {strides = array<i32>} : memref<512x128xf32, #tpu.memory_space<vmem>>, vector<512x128xf32>,
    return
  }
  func.func @transform_0(%arg0: i32) -> (i32, i32, i32) {
    %c0_i32 = arith.constant 0 : i32
    %c0_i32_0 = arith.constant 0 : i32
    %c0_i32_1 = arith.constant 0 : i32
    return %c0_i32, %arg0, %c0_i32_0 : i32, i32, i32
  }
  func.func @transform_1(%arg0: i32) -> (i32, i32) {
    %c0_i32 = arith.constant 0 : i32
    %c0_i32_0 = arith.constant 0 : i32
    return %arg0, %c0_i32 : i32, i32
  }
}

module attributes {stable_mosaic.version = 14 : i64} {
  func.func @_pre_body(%arg0: i32, %arg1: memref<512x256xf32, #tpu.memory_space<vmem>>, %arg2: memref<256x256xf32, #tpu.memory_space<vmem>>, %arg3: memref<512x128xf32, #tpu.memory_space<vmem>>, %arg4: memref<2x512x128xf32, #tpu.memory_space<vmem>>) attributes {dimension_semantics = [#tpu.dimension_semantics<arbitrary>], iteration_bounds = array<i64: 20>, scalar_prefetch = 0 : i64, scratch_operands = 0 : i64, tpu.core_type = #tpu.core_type<tc>, window_params = [{transform_indices = @transform_0, window_bounds = array<i64: 512, 256>}, {pipeline_mode = #tpu.pipeline_mode<synchronous>, transform_indices = @transform_1, window_bounds = array<i64: 256, 256>}, {transform_indices = @transform_2, window_bounds = array<i64: 512, 128>}, {transform_indices = @transform_3, window_bounds = array<i64: 2, 512, 128>}]} {
    %get3A = arith.constant 0 : index
    %get3A_0 = arith.constant 0 : index
    %get3A_1 = vector.load %arg1[%get3A, %get3A_0] : memref<512x256xf32, #tpu.memory_space<vmem>>, vector<512x256xf32>
    %get3A_2 = arith.constant 0 : index
    %get3A_3 = arith.constant 0 : index
    %get3A_4 = vector.load %arg2[%get3A_2, %get3A_3] : memref<256x256xf32, #tpu.memory_space<vmem>>, vector<256x256xf32>
    %dot_general3A = arith.constant dense<0.000000e+00> : vector<512x256xf32>
    %dot_general3A_5 = tpu.matmul %get3A_1, %get3A_4, %dot_general3A {dimension_numbers = #tpu.dot_dimension_numbers<[1], [0], [0], [1], [0, 0, 1, 1], [], []>, transpose_lhs_hint = false} : vector<512x256xf32>, vector<256x256xf32>, vector<512x256xf32> -> vector<512x256xf32>
    %get3A_6 = arith.constant 0 : index
    %get3A_7 = arith.constant 0 : index
    %get3A_8 = vector.load %arg3[%get3A_6, %get3A_7] : memref<512x128xf32, #tpu.memory_space<vmem>>, vector<512x1xf32>
    %mul3A = vector.broadcast %get3A_8 : vector<512x1xf32> to vector<512x256xf32>
    %mul3A_9 = arith.mulf %dot_general3A_5, %mul3A : vector<512x256xf32>
    %slice3A = vector.extract_strided_slice %mul3A_9 {offsets = [0, 0], sizes = [512, 128], strides = [1, 1]} : vector<512x256xf32> to vector<512x128xf32>
    %swap3A = arith.constant 0 : index
    %swap3A_10 = arith.constant 0 : index
    %swap3A_11 = arith.constant 0 : index
    %swap3A_12 = vector.load %arg4[%swap3A, %swap3A_10, %swap3A_11] : memref<2x512x128xf32, #tpu.memory_space<vmem>>, vector<1x512x128xf32>
    %swap3A_13 = vector.shape_cast %swap3A_12 : vector<1x512x128xf32> to vector<512x128xf32>
    %swap3A_14 = vector.shape_cast %slice3A : vector<512x128xf32> to vector<1x512x128xf32>
    tpu.vector_store %arg4[%swap3A, %swap3A_10, %swap3A_11], %swap3A_14 {strides = array<i32>} : memref<2x512x128xf32, #tpu.memory_space<vmem>>, vector<1x512x128xf32>,
    %slice3A_15 = vector.extract_strided_slice %mul3A_9 {offsets = [0, 128], sizes = [512, 128], strides = [1, 1]} : vector<512x256xf32> to vector<512x128xf32>
    %swap3A_16 = arith.constant 1 : index
    %swap3A_17 = arith.constant 0 : index
    %swap3A_18 = arith.constant 0 : index
    %swap3A_19 = vector.load %arg4[%swap3A_16, %swap3A_17, %swap3A_18] : memref<2x512x128xf32, #tpu.memory_space<vmem>>, vector<1x512x128xf32>
    %swap3A_20 = vector.shape_cast %swap3A_19 : vector<1x512x128xf32> to vector<512x128xf32>
    %swap3A_21 = vector.shape_cast %slice3A_15 : vector<512x128xf32> to vector<1x512x128xf32>
    tpu.vector_store %arg4[%swap3A_16, %swap3A_17, %swap3A_18], %swap3A_21 {strides = array<i32>} : memref<2x512x128xf32, #tpu.memory_space<vmem>>, vector<1x512x128xf32>,
    return
  }
  func.func @transform_0(%arg0: i32) -> (i32, i32) {
    %c0_i32 = arith.constant 0 : i32
    %c0_i32_0 = arith.constant 0 : i32
    return %arg0, %c0_i32 : i32, i32
  }
  func.func @transform_1(%arg0: i32) -> (i32, i32) {
    %c0_i32 = arith.constant 0 : i32
    %c0_i32_0 = arith.constant 0 : i32
    %c0_i32_1 = arith.constant 0 : i32
    return %c0_i32, %c0_i32_0 : i32, i32
  }
  func.func @transform_2(%arg0: i32) -> (i32, i32) {
    %c0_i32 = arith.constant 0 : i32
    %c0_i32_0 = arith.constant 0 : i32
    return %arg0, %c0_i32 : i32, i32
  }
  func.func @transform_3(%arg0: i32) -> (i32, i32, i32) {
    %c0_i32 = arith.constant 0 : i32
    %c0_i32_0 = arith.constant 0 : i32
    %c0_i32_1 = arith.constant 0 : i32
    return %c0_i32, %arg0, %c0_i32_0 : i32, i32, i32
  }
}

module attributes {stable_mosaic.version = 14 : i64} {
  func.func @_post_body(%arg0: i32, %arg1: memref<2x512x128xf32, #tpu.memory_space<vmem>>, %arg2: memref<2x512x128xf32, #tpu.memory_space<vmem>>, %arg3: memref<512x128xf32, #tpu.memory_space<vmem>>, %arg4: memref<1x256xf32, #tpu.memory_space<vmem>>, %arg5: memref<512x256xf32, #tpu.memory_space<vmem>>) attributes {dimension_semantics = [#tpu.dimension_semantics<arbitrary>], iteration_bounds = array<i64: 20>, scalar_prefetch = 0 : i64, scratch_operands = 0 : i64, tpu.core_type = #tpu.core_type<tc>, window_params = [{transform_indices = @transform_0, window_bounds = array<i64: 2, 512, 128>}, {transform_indices = @transform_1, window_bounds = array<i64: 2, 512, 128>}, {transform_indices = @transform_2, window_bounds = array<i64: 512, 128>}, {pipeline_mode = #tpu.pipeline_mode<synchronous>, transform_indices = @transform_3, window_bounds = array<i64: 1, 256>}, {transform_indices = @transform_4, window_bounds = array<i64: 512, 256>}]} {
    %get3A = arith.constant 0 : index
    %get3A_0 = arith.constant 0 : index
    %get3A_1 = vector.load %arg3[%get3A, %get3A_0] : memref<512x128xf32, #tpu.memory_space<vmem>>, vector<512x1xf32>
    %get3A_2 = arith.constant 0 : index
    %get3A_3 = arith.constant 0 : index
    %get3A_4 = arith.constant 0 : index
    %get3A_5 = vector.load %arg1[%get3A_2, %get3A_3, %get3A_4] : memref<2x512x128xf32, #tpu.memory_space<vmem>>, vector<1x512x128xf32>
    %get3A_6 = vector.shape_cast %get3A_5 : vector<1x512x128xf32> to vector<512x128xf32>
    %get3A_7 = arith.constant 0 : index
    %get3A_8 = arith.constant 0 : index
    %get3A_9 = arith.constant 0 : index
    %get3A_10 = vector.load %arg2[%get3A_7, %get3A_8, %get3A_9] : memref<2x512x128xf32, #tpu.memory_space<vmem>>, vector<1x512x128xf32>
    %get3A_11 = vector.shape_cast %get3A_10 : vector<1x512x128xf32> to vector<512x128xf32>
    %add3A = arith.addf %get3A_6, %get3A_11 : vector<512x128xf32>
    %mul3A = vector.broadcast %get3A_1 : vector<512x1xf32> to vector<512x128xf32>
    %mul3A_12 = arith.mulf %add3A, %mul3A : vector<512x128xf32>
    %get3A_13 = arith.constant 1 : index
    %get3A_14 = arith.constant 0 : index
    %get3A_15 = arith.constant 0 : index
    %get3A_16 = vector.load %arg1[%get3A_13, %get3A_14, %get3A_15] : memref<2x512x128xf32, #tpu.memory_space<vmem>>, vector<1x512x128xf32>
    %get3A_17 = vector.shape_cast %get3A_16 : vector<1x512x128xf32> to vector<512x128xf32>
    %get3A_18 = arith.constant 1 : index
    %get3A_19 = arith.constant 0 : index
    %get3A_20 = arith.constant 0 : index
    %get3A_21 = vector.load %arg2[%get3A_18, %get3A_19, %get3A_20] : memref<2x512x128xf32, #tpu.memory_space<vmem>>, vector<1x512x128xf32>
    %get3A_22 = vector.shape_cast %get3A_21 : vector<1x512x128xf32> to vector<512x128xf32>
    %add3A_23 = arith.addf %get3A_17, %get3A_22 : vector<512x128xf32>
    %mul3A_24 = vector.broadcast %get3A_1 : vector<512x1xf32> to vector<512x128xf32>
    %mul3A_25 = arith.mulf %add3A_23, %mul3A_24 : vector<512x128xf32>
    %concatenate3A = tpu.concatenate %mul3A_12, %mul3A_25 in 1 : vector<512x128xf32>, vector<512x128xf32> -> vector<512x256xf32>
    %get3A_26 = arith.constant 0 : index
    %get3A_27 = arith.constant 0 : index
    %get3A_28 = vector.load %arg4[%get3A_26, %get3A_27] : memref<1x256xf32, #tpu.memory_space<vmem>>, vector<1x256xf32>
    %add3A_29 = vector.broadcast %get3A_28 : vector<1x256xf32> to vector<512x256xf32>
    %add3A_30 = arith.addf %concatenate3A, %add3A_29 : vector<512x256xf32>
    %max3A = arith.constant 0.000000e+00 : f32
    %max3A_31 = vector.broadcast %max3A : f32 to vector<512x256xf32>
    %max3A_32 = arith.maximumf %add3A_30, %max3A_31 : vector<512x256xf32>
    %swap3A = arith.constant 0 : index
    %swap3A_33 = arith.constant 0 : index
    %swap3A_34 = vector.load %arg5[%swap3A, %swap3A_33] : memref<512x256xf32, #tpu.memory_space<vmem>>, vector<512x256xf32>
    tpu.vector_store %arg5[%swap3A, %swap3A_33], %max3A_32 {strides = array<i32>} : memref<512x256xf32, #tpu.memory_space<vmem>>, vector<512x256xf32>,
    return
  }
  func.func @transform_0(%arg0: i32) -> (i32, i32, i32) {
    %c0_i32 = arith.constant 0 : i32
    %c0_i32_0 = arith.constant 0 : i32
    %c0_i32_1 = arith.constant 0 : i32
    return %c0_i32, %arg0, %c0_i32_0 : i32, i32, i32
  }
  func.func @transform_1(%arg0: i32) -> (i32, i32, i32) {
    %c0_i32 = arith.constant 0 : i32
    %c0_i32_0 = arith.constant 0 : i32
    %c0_i32_1 = arith.constant 0 : i32
    return %c0_i32, %arg0, %c0_i32_0 : i32, i32, i32
  }
  func.func @transform_2(%arg0: i32) -> (i32, i32) {
    %c0_i32 = arith.constant 0 : i32
    %c0_i32_0 = arith.constant 0 : i32
    return %arg0, %c0_i32 : i32, i32
  }
  func.func @transform_3(%arg0: i32) -> (i32, i32) {
    %c0_i32 = arith.constant 0 : i32
    %c0_i32_0 = arith.constant 0 : i32
    %c0_i32_1 = arith.constant 0 : i32
    return %c0_i32, %c0_i32_0 : i32, i32
  }
  func.func @transform_4(%arg0: i32) -> (i32, i32) {
    %c0_i32 = arith.constant 0 : i32
    %c0_i32_0 = arith.constant 0 : i32
    return %arg0, %c0_i32 : i32, i32
  }
}

module attributes {stable_mosaic.version = 14 : i64} {
  func.func @_final_body(%arg0: i32, %arg1: memref<512x128xf32, #tpu.memory_space<vmem>>, %arg2: memref<512x256xf32, #tpu.memory_space<vmem>>, %arg3: memref<512x256xf32, #tpu.memory_space<vmem>>, %arg4: memref<640x128xf32, #tpu.memory_space<vmem>>, %arg5: memref<1x128xf32, #tpu.memory_space<vmem>>, %arg6: memref<512x128xf32, #tpu.memory_space<vmem>>) attributes {dimension_semantics = [#tpu.dimension_semantics<arbitrary>], iteration_bounds = array<i64: 20>, scalar_prefetch = 0 : i64, scratch_operands = 0 : i64, tpu.core_type = #tpu.core_type<tc>, window_params = [{transform_indices = @transform_0, window_bounds = array<i64: 512, 128>}, {transform_indices = @transform_1, window_bounds = array<i64: 512, 256>}, {transform_indices = @transform_2, window_bounds = array<i64: 512, 256>}, {pipeline_mode = #tpu.pipeline_mode<synchronous>, transform_indices = @transform_3, window_bounds = array<i64: 640, 128>}, {pipeline_mode = #tpu.pipeline_mode<synchronous>, transform_indices = @transform_4, window_bounds = array<i64: 1, 128>}, {transform_indices = @transform_5, window_bounds = array<i64: 512, 128>}]} {
    %get3A = arith.constant 0 : index
    %get3A_0 = arith.constant 0 : index
    %get3A_1 = vector.load %arg1[%get3A, %get3A_0] : memref<512x128xf32, #tpu.memory_space<vmem>>, vector<512x128xf32>
    %get3A_2 = arith.constant 0 : index
    %get3A_3 = arith.constant 0 : index
    %get3A_4 = vector.load %arg2[%get3A_2, %get3A_3] : memref<512x256xf32, #tpu.memory_space<vmem>>, vector<512x256xf32>
    %get3A_5 = arith.constant 0 : index
    %get3A_6 = arith.constant 0 : index
    %get3A_7 = vector.load %arg3[%get3A_5, %get3A_6] : memref<512x256xf32, #tpu.memory_space<vmem>>, vector<512x256xf32>
    %concatenate3A = tpu.concatenate %get3A_1, %get3A_4, %get3A_7 in 1 : vector<512x128xf32>, vector<512x256xf32>, vector<512x256xf32> -> vector<512x640xf32>
    %get3A_8 = arith.constant 0 : index
    %get3A_9 = arith.constant 0 : index
    %get3A_10 = vector.load %arg4[%get3A_8, %get3A_9] : memref<640x128xf32, #tpu.memory_space<vmem>>, vector<640x128xf32>
    %dot_general3A = arith.constant dense<0.000000e+00> : vector<512x128xf32>
    %dot_general3A_11 = tpu.matmul %concatenate3A, %get3A_10, %dot_general3A {dimension_numbers = #tpu.dot_dimension_numbers<[1], [0], [0], [1], [0, 0, 1, 1], [], []>, transpose_lhs_hint = false} : vector<512x640xf32>, vector<640x128xf32>, vector<512x128xf32> -> vector<512x128xf32>
    %get3A_12 = arith.constant 0 : index
    %get3A_13 = arith.constant 0 : index
    %get3A_14 = vector.load %arg5[%get3A_12, %get3A_13] : memref<1x128xf32, #tpu.memory_space<vmem>>, vector<1x128xf32>
    %add3A = vector.broadcast %get3A_14 : vector<1x128xf32> to vector<512x128xf32>
    %add3A_15 = arith.addf %dot_general3A_11, %add3A : vector<512x128xf32>
    %swap3A = arith.constant 0 : index
    %swap3A_16 = arith.constant 0 : index
    %swap3A_17 = vector.load %arg6[%swap3A, %swap3A_16] : memref<512x128xf32, #tpu.memory_space<vmem>>, vector<512x128xf32>
    tpu.vector_store %arg6[%swap3A, %swap3A_16], %add3A_15 {strides = array<i32>} : memref<512x128xf32, #tpu.memory_space<vmem>>, vector<512x128xf32>,
    return
  }
  func.func @transform_0(%arg0: i32) -> (i32, i32) {
    %c0_i32 = arith.constant 0 : i32
    %c0_i32_0 = arith.constant 0 : i32
    return %arg0, %c0_i32 : i32, i32
  }
  func.func @transform_1(%arg0: i32) -> (i32, i32) {
    %c0_i32 = arith.constant 0 : i32
    %c0_i32_0 = arith.constant 0 : i32
    return %arg0, %c0_i32 : i32, i32
  }
  func.func @transform_2(%arg0: i32) -> (i32, i32) {
    %c0_i32 = arith.constant 0 : i32
    %c0_i32_0 = arith.constant 0 : i32
    return %arg0, %c0_i32 : i32, i32
  }
  func.func @transform_3(%arg0: i32) -> (i32, i32) {
    %c0_i32 = arith.constant 0 : i32
    %c0_i32_0 = arith.constant 0 : i32
    %c0_i32_1 = arith.constant 0 : i32
    return %c0_i32, %c0_i32_0 : i32, i32
  }
  func.func @transform_4(%arg0: i32) -> (i32, i32) {
    %c0_i32 = arith.constant 0 : i32
    %c0_i32_0 = arith.constant 0 : i32
    %c0_i32_1 = arith.constant 0 : i32
    return %c0_i32, %c0_i32_0 : i32, i32
  }
  func.func @transform_5(%arg0: i32) -> (i32, i32) {
    %c0_i32 = arith.constant 0 : i32
    %c0_i32_0 = arith.constant 0 : i32
    return %arg0, %c0_i32 : i32, i32
  }
}

</mosaic_0001>

<sc_bundles>
// kernel: closed_call.14.cloned.1.call-start
scs
__scs_entry_jumppad:
0x0: {  	(pc) =	sbr.rel $0x88, $3  }
0x1: {  	(tag) =	ssettag $0x0;
	lr =	simm.s32 $0x1  }
0x2: {  	[smem:$0x3F99] =	sst lr;
	_ =	strace $0xD0000000  }
0x3: {  	_ = 	snop  }
0x4: {  	_ = 	snop  }
0x5: {  	_ = 	snop  }
0x6: {  	_ = 	snop  }
0x7: {  	_ = 	snop  }
__scs_overlays_trampoline_lowered:
0x8: {  	[smem:$0x3FA8] =	sst s0  }
0x9: {  	[smem:$0x3FA9] =	sst s1  }
0xa: {  	[smem:$0x3FAA] =	sst s2  }
0xb: {  	[smem:$0x3FAB] =	sst s3  }
0xc: {  	[smem:$0x3FAC] =	sst s4  }
0xd: {  	[smem:$0x3FAD] =	sst s5  }
0xe: {  	[smem:$0x3FAE] =	sst s6  }
0xf: {  	[smem:$0x3FAF] =	sst s7  }
0x10: {  	[smem:$0x3FB0] =	sst s8  }
0x11: {  	[smem:$0x3FB1] =	sst s9;
	s0 =	simm.s32 @!p0 $0x0  }
0x12: {  	s1 =	sld [smem:$0x3F97];
	s0 =	simm.s32 @p0 $0x1  }
0x13: {  	[smem:$0x3FB2] =	sst s0;
	s0 =	simm.s32 @!p1 $0x0  }
0x14: {  	s2 =	sld [smem:$0x3F96];
	s0 =	simm.s32 @p1 $0x1  }
0x15: {  	[smem:$0x3FB3] =	sst s0;
	s0 =	simm.s32 @!p2 $0x0  }
0x16: {  	s3 =	sld [smem:$0x3FDB];
	s0 =	simm.s32 @p2 $0x1  }
0x17: {  	s4 =	simm.s32 $0x1BF5;
	[smem:$0x3FB5] =	sst s0  }
0x18: {  	s0 =	sld [smem:$0x3F98];
	_ =	swait.ge [sflag:s4], $0x0  }
0x19: {  	s7 =	sld [smem:$0x3F99]  }
0x1a: {  	s8 =	sadd.s32 $0xFFFFE003, lr  }
0x1b: {  	s9 =	sadd.s32 $0xFFFFFEF7, lr;
	s5 =	simm.s32 $0xFFFFFFFF;
	p2 =	slt.u32 s8, $0xFFFFF086  }
0x1c: {  	p1 =	slt.u32 s9, $0xF7A;
	s5 =	simm.s32 @!p2 $0x0  }
0x1d: {  	s5 =	simm.s32 @p1 $0x1;
	p0 =	seq.s32 s7, s2  }
0x1e: {  	s7 =	smul.u32 @!p0 $0xF7A, s2;
	p2 =	seq.s32 @!p0 s5, $0x0  }
0x1f: {  	s9 =	smul.u32 $0xF7A, s1;
	s8 =	simm.s32 @!p0 $0x1BF5;
	p2 =	por !p2, p0  }
0x20: {  	[sflag:s8] =	ssyncset.s32 @!p0 $0xFFFFF086;
	s6 =	sadd.s32 @!p0 s3, s7;
	s7 =	simm.s32 @!p0 $0x108  }
0x21: {  	s3 =	sadd.s32 s3, s9;
	s6 =	sadd.s32 @!p0 $0x88, s6;
	s7 =	simm.s32 @p2 $0x1082  }
0x22: {  	[simem:s7], [sflag:s8] =	dma.local @!p0 [hbm:s6], $0xF7A  }
0x23: {  	s9 =	sor.u32 $0xD0000000, s2;
	s6 =	simm.s32 $0x108;
	_ =	swait.ge @!p0 [sflag:s8], $0x0  }
0x24: {  	s3 =	sadd.s32 $0x88, s3;
	s6 =	simm.s32 @!p1 $0x1082;
	[sflag:s4] =	ssyncset.s32 $0xFFFFF086  }
0x25: {  	[simem:s6], [sflag:s4] =	dma.local [hbm:s3], $0xF7A  }
0x26: {  	[smem:$0x3F99] =	sst s1;
	(tag) =	ssettag s2;
	_ =	strace s9  }
0x27: {  	s1 =	sld [smem:$0x3FA9]  }
0x28: {  	s2 =	sld [smem:$0x3FAA]  }
0x29: {  	s4 =	sld [smem:$0x3FAC]  }
0x2a: {  	p0 =	seq.s32 s5, $0x0;
	s5 =	sld [smem:$0x3FAD]  }
0x2b: {  	s6 =	sld [smem:$0x3FAE]  }
0x2c: {  	s7 =	sld [smem:$0x3FAF]  }
0x2d: {  	s3 =	simm.s32 $0x108;
	s8 =	sld [smem:$0x3FB0]  }
0x2e: {  	s3 =	simm.s32 @!p0 $0x1082;
	s9 =	sld [smem:$0x3FB1]  }
0x2f: {  	lr =	sadd.s32 s0, s3;
	s0 =	sld [smem:$0x3FA8]  }
0x30: {  	s3 =	sld [smem:$0x3FAB]  }
0x31: {  	[smem:$0x3FB4] =	sst s10  }
0x32: {  	s10 =	sld [smem:$0x3FB2];
	_ =	sdelay $0x3  }
0x33: {  	p0 =	seq.s32 s10, $0x1;
	s10 =	sld [smem:$0x3FB4];
	_ =	sdelay $0x3  }
0x34: {  	[smem:$0x3FB4] =	sst s10  }
0x35: {  	s10 =	sld [smem:$0x3FB3];
	_ =	sdelay $0x3  }
0x36: {  	p1 =	seq.s32 s10, $0x1;
	s10 =	sld [smem:$0x3FB4];
	_ =	sdelay $0x3  }
0x37: {  	[smem:$0x3FB4] =	sst s10  }
0x38: {  	s10 =	sld [smem:$0x3FB5]  }
0x39: {  	_ = 	snop;
	(pc) =	sbr.ind lr, $3  }
0x3a: {  	_ = 	snop  }
0x3b: {  	_ = 	snop  }
0x3c: {  	p2 =	seq.s32 s10, $0x1;
	s10 =	sld [smem:$0x3FB4]  }
0x3d: {  	_ =	shalt  }
0x3e: {  	_ =	shalt  }
0x3f: {  	_ =	shalt  }
0x40: {  	_ =	shalt  }
0x41: {  	_ =	shalt  }
0x42: {  	_ =	shalt  }
0x43: {  	_ =	shalt  }
0x44: {  	_ =	shalt  }
0x45: {  	_ =	shalt  }
0x46: {  	_ =	shalt  }
0x47: {  	_ =	shalt  }
0x48: {  	_ =	shalt  }
0x49: {  	_ =	shalt  }
0x4a: {  	_ =	shalt  }
0x4b: {  	_ =	shalt  }
0x4c: {  	_ =	shalt  }
0x4d: {  	_ =	shalt  }
0x4e: {  	_ =	shalt  }
0x4f: {  	_ =	shalt  }
0x50: {  	_ =	shalt  }
0x51: {  	_ =	shalt  }
0x52: {  	_ =	shalt  }
0x53: {  	_ =	shalt  }
0x54: {  	_ =	shalt  }
0x55: {  	_ =	shalt  }
0x56: {  	_ =	shalt  }
0x57: {  	_ =	shalt  }
0x58: {  	_ =	shalt  }
0x59: {  	_ =	shalt  }
0x5a: {  	_ =	shalt  }
0x5b: {  	_ =	shalt  }
0x5c: {  	_ =	shalt  }
0x5d: {  	_ =	shalt  }
0x5e: {  	_ =	shalt  }
0x5f: {  	_ =	shalt  }
0x60: {  	_ =	shalt  }
0x61: {  	_ =	shalt  }
0x62: {  	_ =	shalt  }
0x63: {  	_ =	shalt  }
0x64: {  	_ =	shalt  }
0x65: {  	_ =	shalt  }
0x66: {  	_ =	shalt  }
0x67: {  	_ =	shalt  }
0x68: {  	_ =	shalt  }
0x69: {  	_ =	shalt  }
0x6a: {  	_ =	shalt  }
0x6b: {  	_ =	shalt  }
0x6c: {  	_ =	shalt  }
0x6d: {  	_ =	shalt  }
0x6e: {  	_ =	shalt  }
0x6f: {  	_ =	shalt  }
0x70: {  	_ =	shalt  }
0x71: {  	_ =	shalt  }
0x72: {  	_ =	shalt  }
0x73: {  	_ =	shalt  }
0x74: {  	_ =	shalt  }
0x75: {  	_ =	shalt  }
0x76: {  	_ =	shalt  }
0x77: {  	_ =	shalt  }
0x78: {  	_ =	shalt  }
0x79: {  	_ =	shalt  }
0x7a: {  	_ =	shalt  }
0x7b: {  	_ =	shalt  }
0x7c: {  	_ =	shalt  }
0x7d: {  	_ =	shalt  }
0x7e: {  	_ =	shalt  }
0x7f: {  	_ =	shalt  }
0x80: {  	_ =	shalt  }
0x81: {  	_ =	shalt  }
0x82: {  	_ =	shalt  }
0x83: {  	_ =	shalt  }
0x84: {  	_ =	shalt  }
0x85: {  	_ =	shalt  }
0x86: {  	_ =	shalt  }
0x87: {  	_ =	shalt  }
.Lfunc_end0:
.L_simem_size_0:
called_computation_lowered:
.L_overlay_start_0:
0x88: {  	s2 =	sld [smem:$0x3FD9]  }
0x89: {  	s3 =	sld [smem:$0x3FFE];
	_ =	sdelay $0x1  }
0x8a: {  	s1 =	srdreg.scid  }
0x8b: {  	s0 =	sand.u32 $0x1, s1  }
0x8c: {  	s17 =	sshll.u32 s0, $0xA;
	s2 =	sadd.s32 s3, s2  }
0x8d: {  	s2 =	sadd.s32 s2, s17  }
0x8e: {  	[smem:$0x3FC0] =	sst s2  }
0x8f: {  	_ = 	snop  }
0x90: {  	s2 =	sld [smem:$0x3FD0];
	(tm) =	ssettm $0x1  }
0x91: {  	s18 =	sld [smem:$0x3FFB];
	_ =	sdelay $0x3  }
0x92: {  	_ =	strace s18  }
0x93: {  	s3 =	sld [smem:$0x3FFC];
	_ =	sdelay $0x3  }
0x94: {  	_ =	strace s3  }
0x95: {  	s3 =	sld [smem:$0x3FFD];
	_ =	sdelay $0x3  }
0x96: {  	_ =	strace s3  }
0x97: {  	_ =	strace $0x8FFFFFFF  }
0x98: {  	s19 =	sld [smem:$0x3FDB];
	_ =	sdelay $0x1  }
0x99: {  	s4 =	simm.s32 $_scs_section_size  }
0x9a: {  	s5 =	simm.s32 $_size__tile_overlayer_lowered;
	s6 =	simm.s32 $_tile_overlayer_lowered  }
0x9b: {  	s22 =	simm.s32 $0x1BFF;
	s21 =	sshll.u32 s6, $0x1;
	s3 =	sadd.s32 s4, s19  }
0x9c: {  	s7 =	simm.s32 $0x0;
	s20 =	sshll.u32 s5, $0x1;
	s5 =	sadd.s32 s21, s3  }
0x9d: {  	[timem:s7], [sflag:s22] =	dma.local [hbm:s5], s20  }
0x9e: {  	_ =	swait.ge [sflag:s22], s20  }
0x9f: {  	s4 =	ssub.s32 $0x0, s20;
	[sflag:s22] =	ssyncset.done $0x0  }
0xa0: {  	[sflag:s22] =	ssyncadd.s32 s4;
	_ =	sdelay $0x1  }
0xa1: {  	s23 =	simm.s32 $0x1B8B  }
0xa2: {  	_ =	swait.ge [sflag:s23], $0x1  }
0xa3: {  	[sflag:s23] =	ssyncset.done $0x0  }
0xa4: {  	s25 =	simm.s32 $0x1B8E;
	s24 =	sld [smem:$0x3FFE];
	[sflag:s23] =	ssyncadd.s32 $0xFFFFFFFF  }
0xa5: {  	s26 =	simm.s32 $execute0_lowered;
	[smem:$0x3FD2] =	sst s25  }
0xa6: {  	s5 =	sshll.u32 s26, $0x1;
	_ =	strace $0x80000049;
	[dreg:$0x1] =	wrdreg $0xFFFFFFFF  }
0xa7: {  	s28 =	simm.s32 $_size_execute0_lowered;
	s3 =	sadd.s32 s3, s5;
	[dreg:$0x0] =	wrdreg $0x0  }
0xa8: {  	s5 =	sshll.u32 s28, $0x1;
	[dreg:$0x2] =	wrdreg s3  }
0xa9: {  	[dreg:$0x3] =	wrdreg s5  }
0xaa: {  	[dreg:$0x4] =	wrdreg $0xC0  }
0xab: {  	_ =	task [dreg:s7], $0x5FFFF  }
0xac: {  	[dreg:$0x1] =	wrdreg $0xFFFFFFFF  }
0xad: {  	[dreg:$0x0] =	wrdreg $0x60  }
0xae: {  	[dreg:$0x2] =	wrdreg s24  }
0xaf: {  	[dreg:$0x3] =	wrdreg s2  }
0xb0: {  	[dreg:$0x4] =	wrdreg $0x160800  }
0xb1: {  	[dreg:$0x5] =	wrdreg $0x9  }
0xb2: {  	_ =	task.clear_ibuf [dreg:s7], $0x6FFFF;
	_ =	strace $0x90000049  }
0xb3: {  	s29 =	simm.s32 $0x9;
	_ =	strace $0x8000004B  }
0xb4: {  	_ =	swait.ge [sflag:s29], $0x1  }
0xb5: {  	[sflag:s29] =	ssyncadd.s32 $0xFFFFFFFF  }
0xb6: {  	_ =	strace $0x9000004B  }
0xb7: {  	_ =	sfence  }
0xb8: {  	s30 =	sld [smem:$0x0];
	_ =	sdelay $0x2  }
0xb9: {  	s31 =	sshll.u32 s1, $0xD;
	s1 =	sshrl.u32 s1, $0x2  }
0xba: {  	s3 =	sand.u32 $0x4000, s31;
	s1 =	sadd.s32 s1, s30  }
0xbb: {  	s0 =	sor.u32 s3, s0;
	s1 =	sshll.u32 s1, $0x11  }
0xbc: {  	s0 =	sor.u32 s1, s0  }
0xbd: {  	s0 =	sadd.s32 $0x8F2B, s0  }
0xbe: {  	[sflag:s0] =	ssyncadd.remote.s32 $0x1  }
0xbf: {  	_ =	sfence.sel $0xFFFF  }
0xc0: {  	[dreg:$0x0] =	wrdreg $0xFFFFFFFF;
	(pc) =	sbr.abs _section_cstart, $3  }
0xc1: {  	[dreg:$0x1] =	wrdreg $0xFFFFFFFF  }
0xc2: {  	_ =	task.clear_ibuf [dreg:s7], $0x2FFFF;
	_ =	strace $0x9FFFFFFF  }
0xc3: {  	(tm) =	ssettm $0x7FFFFFFF  }
tec
execute0_lowered:
.L_overlay_start_1:
0x0: {  	(tag) =	ssettag $0x1  }
0x1: {  	s4 =	rddreg [dreg:$0x0]  }
0x2: {  	s5 =	rddreg [dreg:$0x1]  }
0x3: {  	s1 =	rddreg [dreg:$0x2];
	s2 =	srdreg.scid  }
0x4: {  	s0 =	rddreg [dreg:$0x3];
	s3 =	simm.s32 $0x0;
	s15 =	simm.s32 $0x3  }
0x5: {  	s16 =	simm.s32 $0x5000;
	s17 =	simm.s32 $0x12080;
	s18 =	simm.s32 $0x80  }
0x6: {  	s19 =	simm.s32 $0xA080;
	s20 =	simm.s32 $0xE080;
	s6 =	sand.u32 $0x1, s2  }
0x7: {  	s21 =	simm.s32 $0x1;
	s2 =	stileid.u32;
	s7 =	smul.u32 $0x140000, s6  }
0x8: {  	s22 =	simm.s32 $0xA000;
	s23 =	simm.s32 $0x2;
	s8 =	smul.u32 $0x5000, s2  }
0x9: {  	[smem:$0x7FF] =	sst s3;
	s6 =	ssub.s32 $0x2, s6;
	s28 =	smul.u32 $0x18000, s2  }
0xa: {  	_ =	strace $0x8000004A;
	s12 =	smul.u32 $0x14000, s2;
	s29 =	sshrl.u32 s6, $0x1  }
0xb: {  	s9 =	sshrl.u32 s7, $0x3;
	s10 =	sshrl.u32 s8, $0x3;
	s7 =	sadd.s32 s8, s7  }
0xc: {  	s14 =	ssub.s32 s6, s29;
	s30 =	sshrl.u32 s28, $0x2;
	s31 =	sshrl.u32 s12, $0x2  }
0xd: {  	s9 =	sadd.s32 s9, s4;
	s7 =	sshrl.u32 s7, $0x3;
	s11 =	sadd.s32 s10, s4  }
0xe: {  	s5 =	sadd.s32 s5, s10;
	s6 =	sadd.s32 s30, s1;
	s13 =	sadd.s32 s7, s4  }
0xf: {  	s4 =	sadd.s32 $0x2B200, s11;
	s7 =	sadd.s32 $0x4000, s6;
	s8 =	sadd.s32 $0x11B600, s9  }
0x10: {  	s10 =	sadd.s32 s31, s1;
	s9 =	sadd.s32 $0x16B600, s13;
	s11 =	sadd.s32 $0x175600, s13  }
0x11: {  	v0 =	vimm.f32 $0.0e+00;
	s14 =	smax.u32 s14, $0x1;
	s12 =	sadd.s32 $0x17F600, s13;
	s13 =	sadd.s32 $0x189600, s13  }
.LBB2_1:
0x12: {  	s24 =	simm.s32 $0x0;
	s25 =	simm.s32 $0x200  }
.LBB2_2:
0x13: {  	p0 =	sne.s32 s25, $0xFE00;
	[tilespmem:s24+$0x120F0] =	vst v0  }
0x14: {  	[tilespmem:s24+$0x12080] =	vst v0  }
0x15: {  	[tilespmem:s24+$0x12090] =	vst v0  }
.Ltmp0:
0x16: {  	[tilespmem:s24+$0x120A0] =	vst v0;
	(pc) =	sbr.rel @p0 .LBB2_2-.Ltmp0, $4  }
0x17: {  	[tilespmem:s24+$0x120B0] =	vst v0  }
0x18: {  	[tilespmem:s24+$0x120C0] =	vst v0  }
0x19: {  	[tilespmem:s24+$0x120D0] =	vst v0  }
0x1a: {  	[tilespmem:s24+$0x120E0] =	vst v0;
	s24 =	sshra.s32 s25, $0x2;
	s25 =	sadd.s32 $0x200, s25  }
0x1b: {  	[tilespmem:s24+$0x120F0] =	vst v0  }
0x1c: {  	[tilespmem:s24+$0x12080] =	vst v0  }
0x1d: {  	[tilespmem:s24+$0x12090] =	vst v0  }
0x1e: {  	[tilespmem:s24+$0x120A0] =	vst v0  }
0x1f: {  	[tilespmem:s24+$0x120B0] =	vst v0  }
0x20: {  	[tilespmem:s24+$0x120C0] =	vst v0  }
0x21: {  	[tilespmem:s24+$0x120D0] =	vst v0  }
0x22: {  	[tilespmem:s24+$0x120E0] =	vst v0;
	s30 =	simm.s32 $0x0  }
0x23: {  	[tilespmem:s30], [sflag:$0x3] =	stream.linear.gather [hbm4b:s4+s30], $0x5000, $0x38;
	[tilespmem:$0x1C080] =	vst v63  }
0x24: {  	_ =	swait.ge [sflag:s15], $0x5000  }
0x25: {  	[sflag:s15] =	ssyncset.done $0x0  }
0x26: {  	[sflag:s15] =	ssyncadd.s32 $0xFFFFB000  }
0x27: {  	[tilespmem:s16], [sflag:$0x3] =	stream.linear.gather [hbm4b:s5+s30], $0x5000, $0x38;
	[tilespmem:$0x1C080] =	vst v63  }
0x28: {  	_ =	swait.ge [sflag:s15], $0x5000  }
0x29: {  	[sflag:s15] =	ssyncset.done $0x0  }
0x2a: {  	[sflag:s15] =	ssyncadd.s32 $0xFFFFB000  }
0x2b: {  	[spmem:s6] =	stream.linear.scatter [tilespmem:s17], [sflag:$0x3], $0x4000, $0x38;
	[tilespmem:$0x1C080] =	vst v63  }
0x2c: {  	_ =	swait.ge [sflag:s15], $0x4000  }
0x2d: {  	[sflag:s15] =	ssyncset.done $0x0  }
0x2e: {  	[sflag:s15] =	ssyncadd.s32 $0xFFFFC000  }
0x2f: {  	[spmem:s7] =	stream.linear.scatter [tilespmem:s17], [sflag:$0x3], $0x2000, $0x38;
	[tilespmem:$0x1C080] =	vst v63  }
0x30: {  	_ =	swait.ge [sflag:s15], $0x2000  }
0x31: {  	[sflag:s15] =	ssyncset.done $0x0  }
0x32: {  	[sflag:s15] =	ssyncadd.s32 $0xFFFFE000  }
0x33: {  	[bflag:$0x0] =	sbarrier.arrive $0xFFFF  }
0x34: {  	[tilespmem:s19], [sflag:$0x1] =	stream.indirect.gather [hbm4b:s8+s18], $0x80, s30, s18, $0xb8;
	[tilespmem:$0x1C080] =	vst v63  }
0x35: {  	_ = 	snop  }
0x36: {  	[tilespmem:s20], [sflag:$0x2] =	stream.indirect.gather [hbm4b:s8+s18], $0x80, s18, s18, $0xb8;
	[tilespmem:$0x1C080] =	vst v63  }
0x37: {  	_ =	swait.ge [sflag:s21], $0x4000  }
0x38: {  	[sflag:s21] =	ssyncset.done $0x0  }
0x39: {  	s31 =	simm.s32 $0x0;
	[sflag:s21] =	ssyncadd.s32 $0xFFFFC000  }
0x3a: {  	v1 =	vld [tilespmem:s31+$0x5000];
	_ =	sdelay $0x4  }
0x3b: {  	v1 =	vmin.u32 v1, $0xA00  }
0x3c: {  	[tilespmem:$0xA000] =	vst v1  }
0x3d: {  	v1 =	vld [tilespmem:s31+$0x5010];
	_ =	sdelay $0x4  }
0x3e: {  	v1 =	vmin.u32 v1, $0xA00  }
0x3f: {  	[tilespmem:$0xA010] =	vst v1  }
0x40: {  	v1 =	vld [tilespmem:s31+$0x5020];
	_ =	sdelay $0x4  }
0x41: {  	v1 =	vmin.u32 v1, $0xA00  }
0x42: {  	[tilespmem:$0xA020] =	vst v1  }
0x43: {  	v1 =	vld [tilespmem:s31+$0x5030];
	_ =	sdelay $0x4  }
0x44: {  	v1 =	vmin.u32 v1, $0xA00  }
0x45: {  	[tilespmem:$0xA030] =	vst v1  }
0x46: {  	v1 =	vld [tilespmem:s31+$0x5040];
	_ =	sdelay $0x4  }
0x47: {  	v1 =	vmin.u32 v1, $0xA00  }
0x48: {  	[tilespmem:$0xA040] =	vst v1  }
0x49: {  	v1 =	vld [tilespmem:s31+$0x5050];
	_ =	sdelay $0x4  }
0x4a: {  	v1 =	vmin.u32 v1, $0xA00  }
0x4b: {  	[tilespmem:$0xA050] =	vst v1  }
0x4c: {  	v1 =	vld [tilespmem:s31+$0x5060];
	_ =	sdelay $0x4  }
0x4d: {  	v1 =	vmin.u32 v1, $0xA00  }
0x4e: {  	[tilespmem:$0xA060] =	vst v1  }
0x4f: {  	v1 =	vld [tilespmem:s31+$0x5070];
	_ =	sdelay $0x4  }
0x50: {  	v1 =	vmin.u32 v1, $0xA00  }
0x51: {  	[tilespmem:$0xA070] =	vst v1  }
0x52: {  	[spmem:s1] =	stream.indirect.scatter.add.f32 [tilespmem:s19], [sflag:$0x3], $0x80, s22, s18, $0xb8;
	[tilespmem:$0x1C080] =	vst v63  }
0x53: {  	_ =	swait.ge [sflag:s15], $0x4000  }
0x54: {  	[sflag:s15] =	ssyncset.done $0x0  }
0x55: {  	s25 =	simm.s32 $0x100;
	[sflag:s15] =	ssyncadd.s32 $0xFFFFC000  }
0x56: {  	[tilespmem:s19], [sflag:$0x1] =	stream.indirect.gather [hbm4b:s8+s18], $0x80, s25, s18, $0xb8;
	[tilespmem:$0x1C080] =	vst v63  }
0x57: {  	_ =	swait.ge [sflag:s23], $0x4000  }
0x58: {  	[sflag:s23] =	ssyncset.done $0x0  }
0x59: {  	[sflag:s23] =	ssyncadd.s32 $0xFFFFC000  }
0x5a: {  	v1 =	vld [tilespmem:s31+$0x5080];
	_ =	sdelay $0x4  }
0x5b: {  	v1 =	vmin.u32 v1, $0xA00  }
0x5c: {  	[tilespmem:$0xA000] =	vst v1  }
0x5d: {  	v1 =	vld [tilespmem:s31+$0x5090];
	_ =	sdelay $0x4  }
0x5e: {  	v1 =	vmin.u32 v1, $0xA00  }
0x5f: {  	[tilespmem:$0xA010] =	vst v1  }
0x60: {  	v1 =	vld [tilespmem:s31+$0x50A0];
	_ =	sdelay $0x4  }
0x61: {  	v1 =	vmin.u32 v1, $0xA00  }
0x62: {  	[tilespmem:$0xA020] =	vst v1  }
0x63: {  	v1 =	vld [tilespmem:s31+$0x50B0];
	_ =	sdelay $0x4  }
0x64: {  	v1 =	vmin.u32 v1, $0xA00  }
0x65: {  	[tilespmem:$0xA030] =	vst v1  }
0x66: {  	v1 =	vld [tilespmem:s31+$0x50C0];
	_ =	sdelay $0x4  }
0x67: {  	v1 =	vmin.u32 v1, $0xA00  }
0x68: {  	[tilespmem:$0xA040] =	vst v1  }
0x69: {  	v1 =	vld [tilespmem:s31+$0x50D0];
	_ =	sdelay $0x4  }
0x6a: {  	v1 =	vmin.u32 v1, $0xA00  }
0x6b: {  	[tilespmem:$0xA050] =	vst v1  }
0x6c: {  	v1 =	vld [tilespmem:s31+$0x50E0];
	_ =	sdelay $0x4  }
0x6d: {  	v1 =	vmin.u32 v1, $0xA00  }
0x6e: {  	[tilespmem:$0xA060] =	vst v1  }
0x6f: {  	v1 =	vld [tilespmem:s31+$0x50F0];
	_ =	sdelay $0x4  }
0x70: {  	v1 =	vmin.u32 v1, $0xA00  }
0x71: {  	[tilespmem:$0xA070] =	vst v1  }
0x72: {  	[spmem:s1] =	stream.indirect.scatter.add.f32 [tilespmem:s20], [sflag:$0x3], $0x80, s22, s18, $0xb8;
	[tilespmem:$0x1C080] =	vst v63  }
0x73: {  	_ =	swait.ge [sflag:s15], $0x4000  }
0x74: {  	[sflag:s15] =	ssyncset.done $0x0  }
0x75: {  	s24 =	simm.s32 $0x400;
	s25 =	simm.s32 $0x180;
	[sflag:s15] =	ssyncadd.s32 $0xFFFFC000  }
.LBB2_4:
0x76: {  	[tilespmem:s20], [sflag:$0x2] =	stream.indirect.gather [hbm4b:s8+s18], $0x80, s25, s18, $0xb8;
	[tilespmem:$0x1C080] =	vst v63  }
0x77: {  	s25 =	smov.u32 s24  }
0x78: {  	p0 =	sne.s32 s24, $0x13800;
	s24 =	sadd.s32 $0x400, s24;
	_ =	swait.ge [sflag:s21], $0x4000  }
0x79: {  	[sflag:s21] =	ssyncset.done $0x0  }
0x7a: {  	s25 =	sshra.s32 s25, $0x2;
	[sflag:s21] =	ssyncadd.s32 $0xFFFFC000  }
0x7b: {  	v1 =	vld [tilespmem:s25+$0x5000];
	_ =	sdelay $0x4  }
0x7c: {  	v1 =	vmin.u32 v1, $0xA00  }
0x7d: {  	[tilespmem:$0xA000] =	vst v1  }
0x7e: {  	v1 =	vld [tilespmem:s25+$0x5010];
	_ =	sdelay $0x4  }
0x7f: {  	v1 =	vmin.u32 v1, $0xA00  }
0x80: {  	[tilespmem:$0xA010] =	vst v1  }
0x81: {  	v1 =	vld [tilespmem:s25+$0x5020];
	_ =	sdelay $0x4  }
0x82: {  	v1 =	vmin.u32 v1, $0xA00  }
0x83: {  	[tilespmem:$0xA020] =	vst v1  }
0x84: {  	v1 =	vld [tilespmem:s25+$0x5030];
	_ =	sdelay $0x4  }
0x85: {  	v1 =	vmin.u32 v1, $0xA00  }
0x86: {  	[tilespmem:$0xA030] =	vst v1  }
0x87: {  	v1 =	vld [tilespmem:s25+$0x5040];
	_ =	sdelay $0x4  }
0x88: {  	v1 =	vmin.u32 v1, $0xA00  }
0x89: {  	[tilespmem:$0xA040] =	vst v1  }
0x8a: {  	v1 =	vld [tilespmem:s25+$0x5050];
	_ =	sdelay $0x4  }
0x8b: {  	v1 =	vmin.u32 v1, $0xA00  }
0x8c: {  	[tilespmem:$0xA050] =	vst v1  }
0x8d: {  	v1 =	vld [tilespmem:s25+$0x5060];
	_ =	sdelay $0x4  }
0x8e: {  	v1 =	vmin.u32 v1, $0xA00  }
0x8f: {  	[tilespmem:$0xA060] =	vst v1  }
0x90: {  	v1 =	vld [tilespmem:s25+$0x5070];
	_ =	sdelay $0x4  }
0x91: {  	v1 =	vmin.u32 v1, $0xA00  }
0x92: {  	[tilespmem:$0xA070] =	vst v1  }
0x93: {  	[spmem:s1] =	stream.indirect.scatter.add.f32 [tilespmem:s19], [sflag:$0x3], $0x80, s22, s18, $0xb8;
	[tilespmem:$0x1C080] =	vst v63  }
0x94: {  	_ =	swait.ge [sflag:s15], $0x4000  }
0x95: {  	[sflag:s15] =	ssyncset.done $0x0  }
0x96: {  	s26 =	sadd.s32 $0x100, s25;
	[sflag:s15] =	ssyncadd.s32 $0xFFFFC000  }
0x97: {  	[tilespmem:s19], [sflag:$0x1] =	stream.indirect.gather [hbm4b:s8+s18], $0x80, s26, s18, $0xb8;
	[tilespmem:$0x1C080] =	vst v63  }
0x98: {  	_ =	swait.ge [sflag:s23], $0x4000  }
0x99: {  	[sflag:s23] =	ssyncset.done $0x0  }
0x9a: {  	[sflag:s23] =	ssyncadd.s32 $0xFFFFC000  }
0x9b: {  	v1 =	vld [tilespmem:s25+$0x5080];
	_ =	sdelay $0x4  }
0x9c: {  	v1 =	vmin.u32 v1, $0xA00  }
0x9d: {  	[tilespmem:$0xA000] =	vst v1  }
0x9e: {  	v1 =	vld [tilespmem:s25+$0x5090];
	_ =	sdelay $0x4  }
0x9f: {  	v1 =	vmin.u32 v1, $0xA00  }
0xa0: {  	[tilespmem:$0xA010] =	vst v1  }
0xa1: {  	v1 =	vld [tilespmem:s25+$0x50A0];
	_ =	sdelay $0x4  }
0xa2: {  	v1 =	vmin.u32 v1, $0xA00  }
0xa3: {  	[tilespmem:$0xA020] =	vst v1  }
0xa4: {  	v1 =	vld [tilespmem:s25+$0x50B0];
	_ =	sdelay $0x4  }
0xa5: {  	v1 =	vmin.u32 v1, $0xA00  }
0xa6: {  	[tilespmem:$0xA030] =	vst v1  }
0xa7: {  	v1 =	vld [tilespmem:s25+$0x50C0];
	_ =	sdelay $0x4  }
0xa8: {  	v1 =	vmin.u32 v1, $0xA00  }
0xa9: {  	[tilespmem:$0xA040] =	vst v1  }
0xaa: {  	v1 =	vld [tilespmem:s25+$0x50D0];
	_ =	sdelay $0x4  }
0xab: {  	v1 =	vmin.u32 v1, $0xA00  }
0xac: {  	[tilespmem:$0xA050] =	vst v1  }
0xad: {  	v1 =	vld [tilespmem:s25+$0x50E0];
	_ =	sdelay $0x4  }
0xae: {  	v1 =	vmin.u32 v1, $0xA00  }
0xaf: {  	[tilespmem:$0xA060] =	vst v1  }
0xb0: {  	v1 =	vld [tilespmem:s25+$0x50F0];
	_ =	sdelay $0x4  }
0xb1: {  	v1 =	vmin.u32 v1, $0xA00  }
.Ltmp1:
0xb2: {  	[tilespmem:$0xA070] =	vst v1;
	(pc) =	sbr.rel @p0 .LBB2_4-.Ltmp1, $4  }
0xb3: {  	[spmem:s1] =	stream.indirect.scatter.add.f32 [tilespmem:s20], [sflag:$0x3], $0x80, s22, s18, $0xb8;
	[tilespmem:$0x1C080] =	vst v63  }
0xb4: {  	_ =	swait.ge [sflag:s15], $0x4000  }
0xb5: {  	[sflag:s15] =	ssyncset.done $0x0  }
0xb6: {  	s25 =	sadd.s32 $0x180, s25;
	[sflag:s15] =	ssyncadd.s32 $0xFFFFC000  }
0xb7: {  	[tilespmem:s20], [sflag:$0x2] =	stream.indirect.gather [hbm4b:s8+s18], $0x80, s25, s18, $0xb8;
	[tilespmem:$0x1C080] =	vst v63  }
0xb8: {  	_ =	swait.ge [sflag:s21], $0x4000  }
0xb9: {  	[sflag:s21] =	ssyncset.done $0x0  }
0xba: {  	[sflag:s21] =	ssyncadd.s32 $0xFFFFC000  }
0xbb: {  	v1 =	vld [tilespmem:$0x9F00]  }
0xbc: {  	v2 =	vld [tilespmem:$0x9F10]  }
0xbd: {  	v3 =	vld [tilespmem:$0x9F20]  }
0xbe: {  	v4 =	vld [tilespmem:$0x9F30]  }
0xbf: {  	v5 =	vld [tilespmem:$0x9F40]  }
0xc0: {  	v6 =	vld [tilespmem:$0x9F50];
	v1 =	vmin.u32 v1, $0xA00  }
0xc1: {  	[tilespmem:$0xA000] =	vst v1;
	v1 =	vmin.u32 v2, $0xA00;
	v2 =	vld [tilespmem:$0x9F60]  }
0xc2: {  	[tilespmem:$0xA010] =	vst v1;
	v1 =	vmin.u32 v3, $0xA00;
	v3 =	vld [tilespmem:$0x9F70]  }
0xc3: {  	[tilespmem:$0xA020] =	vst v1;
	v1 =	vmin.u32 v4, $0xA00  }
0xc4: {  	[tilespmem:$0xA030] =	vst v1;
	v1 =	vmin.u32 v5, $0xA00  }
0xc5: {  	[tilespmem:$0xA040] =	vst v1;
	v1 =	vmin.u32 v6, $0xA00  }
0xc6: {  	[tilespmem:$0xA050] =	vst v1;
	v1 =	vmin.u32 v2, $0xA00  }
0xc7: {  	[tilespmem:$0xA060] =	vst v1;
	v1 =	vmin.u32 v3, $0xA00  }
0xc8: {  	[tilespmem:$0xA070] =	vst v1  }
0xc9: {  	[spmem:s1] =	stream.indirect.scatter.add.f32 [tilespmem:s19], [sflag:$0x3], $0x80, s22, s18, $0xb8;
	[tilespmem:$0x1C080] =	vst v63  }
0xca: {  	_ =	swait.ge [sflag:s15], $0x4000  }
0xcb: {  	[sflag:s15] =	ssyncset.done $0x0  }
0xcc: {  	[sflag:s15] =	ssyncadd.s32 $0xFFFFC000  }
0xcd: {  	_ =	swait.ge [sflag:s23], $0x4000  }
0xce: {  	[sflag:s23] =	ssyncset.done $0x0  }
0xcf: {  	[sflag:s23] =	ssyncadd.s32 $0xFFFFC000  }
0xd0: {  	v1 =	vld [tilespmem:$0x9F80]  }
0xd1: {  	v2 =	vld [tilespmem:$0x9F90]  }
0xd2: {  	v3 =	vld [tilespmem:$0x9FA0]  }
0xd3: {  	v61 =	vld [tilespmem:$0x9FB0]  }
0xd4: {  	v62 =	vld [tilespmem:$0x9FC0]  }
0xd5: {  	v63 =	vld [tilespmem:$0x9FD0];
	v1 =	vmin.u32 v1, $0xA00  }
0xd6: {  	[tilespmem:$0xA000] =	vst v1;
	v1 =	vmin.u32 v2, $0xA00;
	v2 =	vld [tilespmem:$0x9FE0]  }
0xd7: {  	[tilespmem:$0xA010] =	vst v1;
	v1 =	vmin.u32 v3, $0xA00;
	v3 =	vld [tilespmem:$0x9FF0]  }
0xd8: {  	[tilespmem:$0xA020] =	vst v1;
	v1 =	vmin.u32 v61, $0xA00  }
0xd9: {  	[tilespmem:$0xA030] =	vst v1;
	v1 =	vmin.u32 v62, $0xA00  }
0xda: {  	[tilespmem:$0xA040] =	vst v1;
	v1 =	vmin.u32 v63, $0xA00  }
0xdb: {  	[tilespmem:$0xA050] =	vst v1;
	v1 =	vmin.u32 v2, $0xA00  }
0xdc: {  	[tilespmem:$0xA060] =	vst v1;
	v1 =	vmin.u32 v3, $0xA00  }
0xdd: {  	[tilespmem:$0xA070] =	vst v1  }
0xde: {  	[spmem:s1] =	stream.indirect.scatter.add.f32 [tilespmem:s20], [sflag:$0x3], $0x80, s22, s18, $0xb8;
	[tilespmem:$0x1C080] =	vst v63  }
0xdf: {  	_ =	swait.ge [sflag:s15], $0x4000  }
0xe0: {  	[sflag:s15] =	ssyncset.done $0x0  }
0xe1: {  	s24 =	sshll.u32 s2, $0x6;
	[sflag:s15] =	ssyncadd.s32 $0xFFFFC000  }
0xe2: {  	s25 =	sshrl.u32 s10, $0x3;
	s24 =	sor.u32 $0x1C03, s24;
	[bflag:$0x0] =	sbarrier.arrive $0xFFFF  }
0xe3: {  	[hbm:s9], [sflag:s24] =	dma.local [spmem:s25], $0xA00  }
0xe4: {  	_ =	swait.ge [sflag:s15], $0xA00  }
0xe5: {  	[sflag:s15] =	ssyncset.done $0x0  }
0xe6: {  	[sflag:s15] =	ssyncadd.s32 $0xFFFFF600  }
0xe7: {  	[bflag:$0x0] =	sbarrier.arrive $0xFFFF  }
0xe8: {  	[spmem:s6] =	stream.linear.scatter [tilespmem:s17], [sflag:$0x3], $0x4000, $0x38;
	[tilespmem:$0x1C080] =	vst v63  }
0xe9: {  	_ =	swait.ge [sflag:s15], $0x4000  }
0xea: {  	[sflag:s15] =	ssyncset.done $0x0  }
0xeb: {  	[sflag:s15] =	ssyncadd.s32 $0xFFFFC000  }
0xec: {  	[spmem:s7] =	stream.linear.scatter [tilespmem:s17], [sflag:$0x3], $0x2000, $0x38;
	[tilespmem:$0x1C080] =	vst v63  }
0xed: {  	_ =	swait.ge [sflag:s15], $0x2000  }
0xee: {  	[sflag:s15] =	ssyncset.done $0x0  }
0xef: {  	[sflag:s15] =	ssyncadd.s32 $0xFFFFE000  }
0xf0: {  	s26 =	simm.s32 $0x0;
	[bflag:$0x0] =	sbarrier.arrive $0xFFFF  }
0xf1: {  	[tilespmem:s19], [sflag:$0x1] =	stream.indirect.gather [hbm4b:s8+s18], $0x80, s26, s18, $0xb8;
	[tilespmem:$0x1C080] =	vst v63  }
0xf2: {  	_ = 	snop  }
0xf3: {  	[tilespmem:s20], [sflag:$0x2] =	stream.indirect.gather [hbm4b:s8+s18], $0x80, s18, s18, $0xb8;
	[tilespmem:$0x1C080] =	vst v63  }
0xf4: {  	_ =	swait.ge [sflag:s21], $0x4000  }
0xf5: {  	[sflag:s21] =	ssyncset.done $0x0  }
0xf6: {  	s31 =	simm.s32 $0x0;
	[sflag:s21] =	ssyncadd.s32 $0xFFFFC000  }
0xf7: {  	v1 =	vld [tilespmem:s31+$0x5000];
	_ =	sdelay $0x4  }
0xf8: {  	v1 =	vadd.s32 $0xFFFFF600, v1  }
0xf9: {  	v1 =	vmin.u32 v1, $0xA00  }
0xfa: {  	[tilespmem:$0xA000] =	vst v1  }
0xfb: {  	v1 =	vld [tilespmem:s31+$0x5010];
	_ =	sdelay $0x4  }
0xfc: {  	v1 =	vadd.s32 $0xFFFFF600, v1  }
0xfd: {  	v1 =	vmin.u32 v1, $0xA00  }
0xfe: {  	[tilespmem:$0xA010] =	vst v1  }
0xff: {  	v1 =	vld [tilespmem:s31+$0x5020];
	_ =	sdelay $0x4  }
0x100: {  	v1 =	vadd.s32 $0xFFFFF600, v1  }
0x101: {  	v1 =	vmin.u32 v1, $0xA00  }
0x102: {  	[tilespmem:$0xA020] =	vst v1  }
0x103: {  	v1 =	vld [tilespmem:s31+$0x5030];
	_ =	sdelay $0x4  }
0x104: {  	v1 =	vadd.s32 $0xFFFFF600, v1  }
0x105: {  	v1 =	vmin.u32 v1, $0xA00  }
0x106: {  	[tilespmem:$0xA030] =	vst v1  }
0x107: {  	v1 =	vld [tilespmem:s31+$0x5040];
	_ =	sdelay $0x4  }
0x108: {  	v1 =	vadd.s32 $0xFFFFF600, v1  }
0x109: {  	v1 =	vmin.u32 v1, $0xA00  }
0x10a: {  	[tilespmem:$0xA040] =	vst v1  }
0x10b: {  	v1 =	vld [tilespmem:s31+$0x5050];
	_ =	sdelay $0x4  }
0x10c: {  	v1 =	vadd.s32 $0xFFFFF600, v1  }
0x10d: {  	v1 =	vmin.u32 v1, $0xA00  }
0x10e: {  	[tilespmem:$0xA050] =	vst v1  }
0x10f: {  	v1 =	vld [tilespmem:s31+$0x5060];
	_ =	sdelay $0x4  }
0x110: {  	v1 =	vadd.s32 $0xFFFFF600, v1  }
0x111: {  	v1 =	vmin.u32 v1, $0xA00  }
0x112: {  	[tilespmem:$0xA060] =	vst v1  }
0x113: {  	v1 =	vld [tilespmem:s31+$0x5070];
	_ =	sdelay $0x4  }
0x114: {  	v1 =	vadd.s32 $0xFFFFF600, v1  }
0x115: {  	v1 =	vmin.u32 v1, $0xA00  }
0x116: {  	[tilespmem:$0xA070] =	vst v1  }
0x117: {  	[spmem:s1] =	stream.indirect.scatter.add.f32 [tilespmem:s19], [sflag:$0x3], $0x80, s22, s18, $0xb8;
	[tilespmem:$0x1C080] =	vst v63  }
0x118: {  	_ =	swait.ge [sflag:s15], $0x4000  }
0x119: {  	[sflag:s15] =	ssyncset.done $0x0  }
0x11a: {  	s28 =	simm.s32 $0x100;
	[sflag:s15] =	ssyncadd.s32 $0xFFFFC000  }
0x11b: {  	[tilespmem:s19], [sflag:$0x1] =	stream.indirect.gather [hbm4b:s8+s18], $0x80, s28, s18, $0xb8;
	[tilespmem:$0x1C080] =	vst v63  }
0x11c: {  	_ =	swait.ge [sflag:s23], $0x4000  }
0x11d: {  	[sflag:s23] =	ssyncset.done $0x0  }
0x11e: {  	[sflag:s23] =	ssyncadd.s32 $0xFFFFC000  }
0x11f: {  	v1 =	vld [tilespmem:s31+$0x5080];
	_ =	sdelay $0x4  }
0x120: {  	v1 =	vadd.s32 $0xFFFFF600, v1  }
0x121: {  	v1 =	vmin.u32 v1, $0xA00  }
0x122: {  	[tilespmem:$0xA000] =	vst v1  }
0x123: {  	v1 =	vld [tilespmem:s31+$0x5090];
	_ =	sdelay $0x4  }
0x124: {  	v1 =	vadd.s32 $0xFFFFF600, v1  }
0x125: {  	v1 =	vmin.u32 v1, $0xA00  }
0x126: {  	[tilespmem:$0xA010] =	vst v1  }
0x127: {  	v1 =	vld [tilespmem:s31+$0x50A0];
	_ =	sdelay $0x4  }
0x128: {  	v1 =	vadd.s32 $0xFFFFF600, v1  }
0x129: {  	v1 =	vmin.u32 v1, $0xA00  }
0x12a: {  	[tilespmem:$0xA020] =	vst v1  }
0x12b: {  	v1 =	vld [tilespmem:s31+$0x50B0];
	_ =	sdelay $0x4  }
0x12c: {  	v1 =	vadd.s32 $0xFFFFF600, v1  }
0x12d: {  	v1 =	vmin.u32 v1, $0xA00  }
0x12e: {  	[tilespmem:$0xA030] =	vst v1  }
0x12f: {  	v1 =	vld [tilespmem:s31+$0x50C0];
	_ =	sdelay $0x4  }
0x130: {  	v1 =	vadd.s32 $0xFFFFF600, v1  }
0x131: {  	v1 =	vmin.u32 v1, $0xA00  }
0x132: {  	[tilespmem:$0xA040] =	vst v1  }
0x133: {  	v1 =	vld [tilespmem:s31+$0x50D0];
	_ =	sdelay $0x4  }
0x134: {  	v1 =	vadd.s32 $0xFFFFF600, v1  }
0x135: {  	v1 =	vmin.u32 v1, $0xA00  }
0x136: {  	[tilespmem:$0xA050] =	vst v1  }
0x137: {  	v1 =	vld [tilespmem:s31+$0x50E0];
	_ =	sdelay $0x4  }
0x138: {  	v1 =	vadd.s32 $0xFFFFF600, v1  }
0x139: {  	v1 =	vmin.u32 v1, $0xA00  }
0x13a: {  	[tilespmem:$0xA060] =	vst v1  }
0x13b: {  	v1 =	vld [tilespmem:s31+$0x50F0];
	_ =	sdelay $0x4  }
0x13c: {  	v1 =	vadd.s32 $0xFFFFF600, v1  }
0x13d: {  	v1 =	vmin.u32 v1, $0xA00  }
0x13e: {  	[tilespmem:$0xA070] =	vst v1  }
0x13f: {  	[spmem:s1] =	stream.indirect.scatter.add.f32 [tilespmem:s20], [sflag:$0x3], $0x80, s22, s18, $0xb8;
	[tilespmem:$0x1C080] =	vst v63  }
0x140: {  	_ =	swait.ge [sflag:s15], $0x4000  }
0x141: {  	[sflag:s15] =	ssyncset.done $0x0  }
0x142: {  	s26 =	simm.s32 $0x400;
	s28 =	simm.s32 $0x180;
	[sflag:s15] =	ssyncadd.s32 $0xFFFFC000  }
.LBB2_6:
0x143: {  	[tilespmem:s20], [sflag:$0x2] =	stream.indirect.gather [hbm4b:s8+s18], $0x80, s28, s18, $0xb8;
	[tilespmem:$0x1C080] =	vst v63  }
0x144: {  	s28 =	smov.u32 s26  }
0x145: {  	p0 =	sne.s32 s26, $0x13800;
	s26 =	sadd.s32 $0x400, s26;
	_ =	swait.ge [sflag:s21], $0x4000  }
0x146: {  	[sflag:s21] =	ssyncset.done $0x0  }
0x147: {  	s28 =	sshra.s32 s28, $0x2;
	[sflag:s21] =	ssyncadd.s32 $0xFFFFC000  }
0x148: {  	v1 =	vld [tilespmem:s28+$0x5000];
	_ =	sdelay $0x4  }
0x149: {  	v1 =	vadd.s32 $0xFFFFF600, v1  }
0x14a: {  	v1 =	vmin.u32 v1, $0xA00  }
0x14b: {  	[tilespmem:$0xA000] =	vst v1  }
0x14c: {  	v1 =	vld [tilespmem:s28+$0x5010];
	_ =	sdelay $0x4  }
0x14d: {  	v1 =	vadd.s32 $0xFFFFF600, v1  }
0x14e: {  	v1 =	vmin.u32 v1, $0xA00  }
0x14f: {  	[tilespmem:$0xA010] =	vst v1  }
0x150: {  	v1 =	vld [tilespmem:s28+$0x5020];
	_ =	sdelay $0x4  }
0x151: {  	v1 =	vadd.s32 $0xFFFFF600, v1  }
0x152: {  	v1 =	vmin.u32 v1, $0xA00  }
0x153: {  	[tilespmem:$0xA020] =	vst v1  }
0x154: {  	v1 =	vld [tilespmem:s28+$0x5030];
	_ =	sdelay $0x4  }
0x155: {  	v1 =	vadd.s32 $0xFFFFF600, v1  }
0x156: {  	v1 =	vmin.u32 v1, $0xA00  }
0x157: {  	[tilespmem:$0xA030] =	vst v1  }
0x158: {  	v1 =	vld [tilespmem:s28+$0x5040];
	_ =	sdelay $0x4  }
0x159: {  	v1 =	vadd.s32 $0xFFFFF600, v1  }
0x15a: {  	v1 =	vmin.u32 v1, $0xA00  }
0x15b: {  	[tilespmem:$0xA040] =	vst v1  }
0x15c: {  	v1 =	vld [tilespmem:s28+$0x5050];
	_ =	sdelay $0x4  }
0x15d: {  	v1 =	vadd.s32 $0xFFFFF600, v1  }
0x15e: {  	v1 =	vmin.u32 v1, $0xA00  }
0x15f: {  	[tilespmem:$0xA050] =	vst v1  }
0x160: {  	v1 =	vld [tilespmem:s28+$0x5060];
	_ =	sdelay $0x4  }
0x161: {  	v1 =	vadd.s32 $0xFFFFF600, v1  }
0x162: {  	v1 =	vmin.u32 v1, $0xA00  }
0x163: {  	[tilespmem:$0xA060] =	vst v1  }
0x164: {  	v1 =	vld [tilespmem:s28+$0x5070];
	_ =	sdelay $0x4  }
0x165: {  	v1 =	vadd.s32 $0xFFFFF600, v1  }
0x166: {  	v1 =	vmin.u32 v1, $0xA00  }
0x167: {  	[tilespmem:$0xA070] =	vst v1  }
0x168: {  	[spmem:s1] =	stream.indirect.scatter.add.f32 [tilespmem:s19], [sflag:$0x3], $0x80, s22, s18, $0xb8;
	[tilespmem:$0x1C080] =	vst v63  }
0x169: {  	_ =	swait.ge [sflag:s15], $0x4000  }
0x16a: {  	[sflag:s15] =	ssyncset.done $0x0  }
0x16b: {  	s29 =	sadd.s32 $0x100, s28;
	[sflag:s15] =	ssyncadd.s32 $0xFFFFC000  }
0x16c: {  	[tilespmem:s19], [sflag:$0x1] =	stream.indirect.gather [hbm4b:s8+s18], $0x80, s29, s18, $0xb8;
	[tilespmem:$0x1C080] =	vst v63  }
0x16d: {  	_ =	swait.ge [sflag:s23], $0x4000  }
0x16e: {  	[sflag:s23] =	ssyncset.done $0x0  }
0x16f: {  	[sflag:s23] =	ssyncadd.s32 $0xFFFFC000  }
0x170: {  	v1 =	vld [tilespmem:s28+$0x5080];
	_ =	sdelay $0x4  }
0x171: {  	v1 =	vadd.s32 $0xFFFFF600, v1  }
0x172: {  	v1 =	vmin.u32 v1, $0xA00  }
0x173: {  	[tilespmem:$0xA000] =	vst v1  }
0x174: {  	v1 =	vld [tilespmem:s28+$0x5090];
	_ =	sdelay $0x4  }
0x175: {  	v1 =	vadd.s32 $0xFFFFF600, v1  }
0x176: {  	v1 =	vmin.u32 v1, $0xA00  }
0x177: {  	[tilespmem:$0xA010] =	vst v1  }
0x178: {  	v1 =	vld [tilespmem:s28+$0x50A0];
	_ =	sdelay $0x4  }
0x179: {  	v1 =	vadd.s32 $0xFFFFF600, v1  }
0x17a: {  	v1 =	vmin.u32 v1, $0xA00  }
0x17b: {  	[tilespmem:$0xA020] =	vst v1  }
0x17c: {  	v1 =	vld [tilespmem:s28+$0x50B0];
	_ =	sdelay $0x4  }
0x17d: {  	v1 =	vadd.s32 $0xFFFFF600, v1  }
0x17e: {  	v1 =	vmin.u32 v1, $0xA00  }
0x17f: {  	[tilespmem:$0xA030] =	vst v1  }
0x180: {  	v1 =	vld [tilespmem:s28+$0x50C0];
	_ =	sdelay $0x4  }
0x181: {  	v1 =	vadd.s32 $0xFFFFF600, v1  }
0x182: {  	v1 =	vmin.u32 v1, $0xA00  }
0x183: {  	[tilespmem:$0xA040] =	vst v1  }
0x184: {  	v1 =	vld [tilespmem:s28+$0x50D0];
	_ =	sdelay $0x4  }
0x185: {  	v1 =	vadd.s32 $0xFFFFF600, v1  }
0x186: {  	v1 =	vmin.u32 v1, $0xA00  }
0x187: {  	[tilespmem:$0xA050] =	vst v1  }
0x188: {  	v1 =	vld [tilespmem:s28+$0x50E0];
	_ =	sdelay $0x4  }
0x189: {  	v1 =	vadd.s32 $0xFFFFF600, v1  }
0x18a: {  	v1 =	vmin.u32 v1, $0xA00  }
0x18b: {  	[tilespmem:$0xA060] =	vst v1  }
0x18c: {  	v1 =	vld [tilespmem:s28+$0x50F0];
	_ =	sdelay $0x4  }
0x18d: {  	v1 =	vadd.s32 $0xFFFFF600, v1  }
0x18e: {  	v1 =	vmin.u32 v1, $0xA00  }
.Ltmp2:
0x18f: {  	[tilespmem:$0xA070] =	vst v1;
	(pc) =	sbr.rel @p0 .LBB2_6-.Ltmp2, $4  }
0x190: {  	[spmem:s1] =	stream.indirect.scatter.add.f32 [tilespmem:s20], [sflag:$0x3], $0x80, s22, s18, $0xb8;
	[tilespmem:$0x1C080] =	vst v63  }
0x191: {  	_ =	swait.ge [sflag:s15], $0x4000  }
0x192: {  	[sflag:s15] =	ssyncset.done $0x0  }
0x193: {  	s28 =	sadd.s32 $0x180, s28;
	[sflag:s15] =	ssyncadd.s32 $0xFFFFC000  }
0x194: {  	[tilespmem:s20], [sflag:$0x2] =	stream.indirect.gather [hbm4b:s8+s18], $0x80, s28, s18, $0xb8;
	[tilespmem:$0x1C080] =	vst v63  }
0x195: {  	_ =	swait.ge [sflag:s21], $0x4000  }
0x196: {  	[sflag:s21] =	ssyncset.done $0x0  }
0x197: {  	[sflag:s21] =	ssyncadd.s32 $0xFFFFC000  }
0x198: {  	v1 =	vld [tilespmem:$0x9F00]  }
0x199: {  	v2 =	vld [tilespmem:$0x9F10]  }
0x19a: {  	v3 =	vld [tilespmem:$0x9F20]  }
0x19b: {  	v4 =	vld [tilespmem:$0x9F30]  }
0x19c: {  	v5 =	vld [tilespmem:$0x9F40]  }
0x19d: {  	v6 =	vld [tilespmem:$0x9F50];
	v1 =	vadd.s32 $0xFFFFF600, v1  }
0x19e: {  	v7 =	vld [tilespmem:$0x9F60];
	v2 =	vadd.s32 $0xFFFFF600, v2;
	v1 =	vmin.u32 v1, $0xA00  }
0x19f: {  	[tilespmem:$0xA000] =	vst v1;
	v1 =	vmin.u32 v2, $0xA00;
	v2 =	vadd.s32 $0xFFFFF600, v3;
	v3 =	vld [tilespmem:$0x9F70]  }
0x1a0: {  	[tilespmem:$0xA010] =	vst v1;
	v1 =	vmin.u32 v2, $0xA00;
	v2 =	vadd.s32 $0xFFFFF600, v4  }
0x1a1: {  	[tilespmem:$0xA020] =	vst v1;
	v1 =	vmin.u32 v2, $0xA00;
	v2 =	vadd.s32 $0xFFFFF600, v5  }
0x1a2: {  	[tilespmem:$0xA030] =	vst v1;
	v1 =	vmin.u32 v2, $0xA00;
	v2 =	vadd.s32 $0xFFFFF600, v6  }
0x1a3: {  	[tilespmem:$0xA040] =	vst v1;
	v1 =	vmin.u32 v2, $0xA00;
	v2 =	vadd.s32 $0xFFFFF600, v7  }
0x1a4: {  	[tilespmem:$0xA050] =	vst v1;
	v1 =	vmin.u32 v2, $0xA00;
	v2 =	vadd.s32 $0xFFFFF600, v3  }
0x1a5: {  	[tilespmem:$0xA060] =	vst v1;
	v1 =	vmin.u32 v2, $0xA00  }
0x1a6: {  	[tilespmem:$0xA070] =	vst v1  }
0x1a7: {  	[spmem:s1] =	stream.indirect.scatter.add.f32 [tilespmem:s19], [sflag:$0x3], $0x80, s22, s18, $0xb8;
	[tilespmem:$0x1C080] =	vst v63  }
0x1a8: {  	_ =	swait.ge [sflag:s15], $0x4000  }
0x1a9: {  	[sflag:s15] =	ssyncset.done $0x0  }
0x1aa: {  	[sflag:s15] =	ssyncadd.s32 $0xFFFFC000  }
0x1ab: {  	_ =	swait.ge [sflag:s23], $0x4000  }
0x1ac: {  	[sflag:s23] =	ssyncset.done $0x0  }
0x1ad: {  	[sflag:s23] =	ssyncadd.s32 $0xFFFFC000  }
0x1ae: {  	v1 =	vld [tilespmem:$0x9F80]  }
0x1af: {  	v2 =	vld [tilespmem:$0x9F90]  }
0x1b0: {  	v3 =	vld [tilespmem:$0x9FA0]  }
0x1b1: {  	v60 =	vld [tilespmem:$0x9FB0]  }
0x1b2: {  	v61 =	vld [tilespmem:$0x9FC0]  }
0x1b3: {  	v62 =	vld [tilespmem:$0x9FD0];
	v1 =	vadd.s32 $0xFFFFF600, v1  }
0x1b4: {  	v63 =	vld [tilespmem:$0x9FE0];
	v2 =	vadd.s32 $0xFFFFF600, v2;
	v1 =	vmin.u32 v1, $0xA00  }
0x1b5: {  	[tilespmem:$0xA000] =	vst v1;
	v1 =	vmin.u32 v2, $0xA00;
	v2 =	vadd.s32 $0xFFFFF600, v3;
	v3 =	vld [tilespmem:$0x9FF0]  }
0x1b6: {  	[tilespmem:$0xA010] =	vst v1;
	v1 =	vmin.u32 v2, $0xA00;
	v2 =	vadd.s32 $0xFFFFF600, v60  }
0x1b7: {  	[tilespmem:$0xA020] =	vst v1;
	v1 =	vmin.u32 v2, $0xA00;
	v2 =	vadd.s32 $0xFFFFF600, v61  }
0x1b8: {  	[tilespmem:$0xA030] =	vst v1;
	v1 =	vmin.u32 v2, $0xA00;
	v2 =	vadd.s32 $0xFFFFF600, v62  }
0x1b9: {  	[tilespmem:$0xA040] =	vst v1;
	v1 =	vmin.u32 v2, $0xA00;
	v2 =	vadd.s32 $0xFFFFF600, v63  }
0x1ba: {  	[tilespmem:$0xA050] =	vst v1;
	v1 =	vmin.u32 v2, $0xA00;
	v2 =	vadd.s32 $0xFFFFF600, v3  }
0x1bb: {  	[tilespmem:$0xA060] =	vst v1;
	v1 =	vmin.u32 v2, $0xA00  }
0x1bc: {  	[tilespmem:$0xA070] =	vst v1  }
0x1bd: {  	[spmem:s1] =	stream.indirect.scatter.add.f32 [tilespmem:s20], [sflag:$0x3], $0x80, s22, s18, $0xb8;
	[tilespmem:$0x1C080] =	vst v63  }
0x1be: {  	_ =	swait.ge [sflag:s15], $0x4000  }
0x1bf: {  	[sflag:s15] =	ssyncset.done $0x0  }
0x1c0: {  	[sflag:s15] =	ssyncadd.s32 $0xFFFFC000  }
0x1c1: {  	[bflag:$0x0] =	sbarrier.arrive $0xFFFF  }
0x1c2: {  	[hbm:s11], [sflag:s24] =	dma.local [spmem:s25], $0xA00  }
0x1c3: {  	_ =	swait.ge [sflag:s15], $0xA00  }
0x1c4: {  	[sflag:s15] =	ssyncset.done $0x0  }
0x1c5: {  	[sflag:s15] =	ssyncadd.s32 $0xFFFFF600  }
0x1c6: {  	[bflag:$0x0] =	sbarrier.arrive $0xFFFF  }
0x1c7: {  	[spmem:s6] =	stream.linear.scatter [tilespmem:s17], [sflag:$0x3], $0x4000, $0x38;
	[tilespmem:$0x1C080] =	vst v63  }
0x1c8: {  	_ =	swait.ge [sflag:s15], $0x4000  }
0x1c9: {  	[sflag:s15] =	ssyncset.done $0x0  }
0x1ca: {  	[sflag:s15] =	ssyncadd.s32 $0xFFFFC000  }
0x1cb: {  	[spmem:s7] =	stream.linear.scatter [tilespmem:s17], [sflag:$0x3], $0x2000, $0x38;
	[tilespmem:$0x1C080] =	vst v63  }
0x1cc: {  	_ =	swait.ge [sflag:s15], $0x2000  }
0x1cd: {  	[sflag:s15] =	ssyncset.done $0x0  }
0x1ce: {  	[sflag:s15] =	ssyncadd.s32 $0xFFFFE000  }
0x1cf: {  	s26 =	simm.s32 $0x0;
	[bflag:$0x0] =	sbarrier.arrive $0xFFFF  }
0x1d0: {  	[tilespmem:s19], [sflag:$0x1] =	stream.indirect.gather [hbm4b:s8+s18], $0x80, s26, s18, $0xb8;
	[tilespmem:$0x1C080] =	vst v63  }
0x1d1: {  	_ = 	snop  }
0x1d2: {  	[tilespmem:s20], [sflag:$0x2] =	stream.indirect.gather [hbm4b:s8+s18], $0x80, s18, s18, $0xb8;
	[tilespmem:$0x1C080] =	vst v63  }
0x1d3: {  	_ =	swait.ge [sflag:s21], $0x4000  }
0x1d4: {  	[sflag:s21] =	ssyncset.done $0x0  }
0x1d5: {  	s31 =	simm.s32 $0x0;
	[sflag:s21] =	ssyncadd.s32 $0xFFFFC000  }
0x1d6: {  	v1 =	vld [tilespmem:s31+$0x5000];
	_ =	sdelay $0x4  }
0x1d7: {  	v1 =	vadd.s32 $0xFFFFEC00, v1  }
0x1d8: {  	v1 =	vmin.u32 v1, $0xA00  }
0x1d9: {  	[tilespmem:$0xA000] =	vst v1  }
0x1da: {  	v1 =	vld [tilespmem:s31+$0x5010];
	_ =	sdelay $0x4  }
0x1db: {  	v1 =	vadd.s32 $0xFFFFEC00, v1  }
0x1dc: {  	v1 =	vmin.u32 v1, $0xA00  }
0x1dd: {  	[tilespmem:$0xA010] =	vst v1  }
0x1de: {  	v1 =	vld [tilespmem:s31+$0x5020];
	_ =	sdelay $0x4  }
0x1df: {  	v1 =	vadd.s32 $0xFFFFEC00, v1  }
0x1e0: {  	v1 =	vmin.u32 v1, $0xA00  }
0x1e1: {  	[tilespmem:$0xA020] =	vst v1  }
0x1e2: {  	v1 =	vld [tilespmem:s31+$0x5030];
	_ =	sdelay $0x4  }
0x1e3: {  	v1 =	vadd.s32 $0xFFFFEC00, v1  }
0x1e4: {  	v1 =	vmin.u32 v1, $0xA00  }
0x1e5: {  	[tilespmem:$0xA030] =	vst v1  }
0x1e6: {  	v1 =	vld [tilespmem:s31+$0x5040];
	_ =	sdelay $0x4  }
0x1e7: {  	v1 =	vadd.s32 $0xFFFFEC00, v1  }
0x1e8: {  	v1 =	vmin.u32 v1, $0xA00  }
0x1e9: {  	[tilespmem:$0xA040] =	vst v1  }
0x1ea: {  	v1 =	vld [tilespmem:s31+$0x5050];
	_ =	sdelay $0x4  }
0x1eb: {  	v1 =	vadd.s32 $0xFFFFEC00, v1  }
0x1ec: {  	v1 =	vmin.u32 v1, $0xA00  }
0x1ed: {  	[tilespmem:$0xA050] =	vst v1  }
0x1ee: {  	v1 =	vld [tilespmem:s31+$0x5060];
	_ =	sdelay $0x4  }
0x1ef: {  	v1 =	vadd.s32 $0xFFFFEC00, v1  }
0x1f0: {  	v1 =	vmin.u32 v1, $0xA00  }
0x1f1: {  	[tilespmem:$0xA060] =	vst v1  }
0x1f2: {  	v1 =	vld [tilespmem:s31+$0x5070];
	_ =	sdelay $0x4  }
0x1f3: {  	v1 =	vadd.s32 $0xFFFFEC00, v1  }
0x1f4: {  	v1 =	vmin.u32 v1, $0xA00  }
0x1f5: {  	[tilespmem:$0xA070] =	vst v1  }
0x1f6: {  	[spmem:s1] =	stream.indirect.scatter.add.f32 [tilespmem:s19], [sflag:$0x3], $0x80, s22, s18, $0xb8;
	[tilespmem:$0x1C080] =	vst v63  }
0x1f7: {  	_ =	swait.ge [sflag:s15], $0x4000  }
0x1f8: {  	[sflag:s15] =	ssyncset.done $0x0  }
0x1f9: {  	s28 =	simm.s32 $0x100;
	[sflag:s15] =	ssyncadd.s32 $0xFFFFC000  }
0x1fa: {  	[tilespmem:s19], [sflag:$0x1] =	stream.indirect.gather [hbm4b:s8+s18], $0x80, s28, s18, $0xb8;
	[tilespmem:$0x1C080] =	vst v63  }
0x1fb: {  	_ =	swait.ge [sflag:s23], $0x4000  }
0x1fc: {  	[sflag:s23] =	ssyncset.done $0x0  }
0x1fd: {  	[sflag:s23] =	ssyncadd.s32 $0xFFFFC000  }
0x1fe: {  	v1 =	vld [tilespmem:s31+$0x5080];
	_ =	sdelay $0x4  }
0x1ff: {  	v1 =	vadd.s32 $0xFFFFEC00, v1  }
0x200: {  	v1 =	vmin.u32 v1, $0xA00  }
0x201: {  	[tilespmem:$0xA000] =	vst v1  }
0x202: {  	v1 =	vld [tilespmem:s31+$0x5090];
	_ =	sdelay $0x4  }
0x203: {  	v1 =	vadd.s32 $0xFFFFEC00, v1  }
0x204: {  	v1 =	vmin.u32 v1, $0xA00  }
0x205: {  	[tilespmem:$0xA010] =	vst v1  }
0x206: {  	v1 =	vld [tilespmem:s31+$0x50A0];
	_ =	sdelay $0x4  }
0x207: {  	v1 =	vadd.s32 $0xFFFFEC00, v1  }
0x208: {  	v1 =	vmin.u32 v1, $0xA00  }
0x209: {  	[tilespmem:$0xA020] =	vst v1  }
0x20a: {  	v1 =	vld [tilespmem:s31+$0x50B0];
	_ =	sdelay $0x4  }
0x20b: {  	v1 =	vadd.s32 $0xFFFFEC00, v1  }
0x20c: {  	v1 =	vmin.u32 v1, $0xA00  }
0x20d: {  	[tilespmem:$0xA030] =	vst v1  }
0x20e: {  	v1 =	vld [tilespmem:s31+$0x50C0];
	_ =	sdelay $0x4  }
0x20f: {  	v1 =	vadd.s32 $0xFFFFEC00, v1  }
0x210: {  	v1 =	vmin.u32 v1, $0xA00  }
0x211: {  	[tilespmem:$0xA040] =	vst v1  }
0x212: {  	v1 =	vld [tilespmem:s31+$0x50D0];
	_ =	sdelay $0x4  }
0x213: {  	v1 =	vadd.s32 $0xFFFFEC00, v1  }
0x214: {  	v1 =	vmin.u32 v1, $0xA00  }
0x215: {  	[tilespmem:$0xA050] =	vst v1  }
0x216: {  	v1 =	vld [tilespmem:s31+$0x50E0];
	_ =	sdelay $0x4  }
0x217: {  	v1 =	vadd.s32 $0xFFFFEC00, v1  }
0x218: {  	v1 =	vmin.u32 v1, $0xA00  }
0x219: {  	[tilespmem:$0xA060] =	vst v1  }
0x21a: {  	v1 =	vld [tilespmem:s31+$0x50F0];
	_ =	sdelay $0x4  }
0x21b: {  	v1 =	vadd.s32 $0xFFFFEC00, v1  }
0x21c: {  	v1 =	vmin.u32 v1, $0xA00  }
0x21d: {  	[tilespmem:$0xA070] =	vst v1  }
0x21e: {  	[spmem:s1] =	stream.indirect.scatter.add.f32 [tilespmem:s20], [sflag:$0x3], $0x80, s22, s18, $0xb8;
	[tilespmem:$0x1C080] =	vst v63  }
0x21f: {  	_ =	swait.ge [sflag:s15], $0x4000  }
0x220: {  	[sflag:s15] =	ssyncset.done $0x0  }
0x221: {  	s26 =	simm.s32 $0x400;
	s28 =	simm.s32 $0x180;
	[sflag:s15] =	ssyncadd.s32 $0xFFFFC000  }
.LBB2_8:
0x222: {  	[tilespmem:s20], [sflag:$0x2] =	stream.indirect.gather [hbm4b:s8+s18], $0x80, s28, s18, $0xb8;
	[tilespmem:$0x1C080] =	vst v63  }
0x223: {  	s28 =	smov.u32 s26  }
0x224: {  	p0 =	sne.s32 s26, $0x13800;
	s26 =	sadd.s32 $0x400, s26;
	_ =	swait.ge [sflag:s21], $0x4000  }
0x225: {  	[sflag:s21] =	ssyncset.done $0x0  }
0x226: {  	s28 =	sshra.s32 s28, $0x2;
	[sflag:s21] =	ssyncadd.s32 $0xFFFFC000  }
0x227: {  	v1 =	vld [tilespmem:s28+$0x5000];
	_ =	sdelay $0x4  }
0x228: {  	v1 =	vadd.s32 $0xFFFFEC00, v1  }
0x229: {  	v1 =	vmin.u32 v1, $0xA00  }
0x22a: {  	[tilespmem:$0xA000] =	vst v1  }
0x22b: {  	v1 =	vld [tilespmem:s28+$0x5010];
	_ =	sdelay $0x4  }
0x22c: {  	v1 =	vadd.s32 $0xFFFFEC00, v1  }
0x22d: {  	v1 =	vmin.u32 v1, $0xA00  }
0x22e: {  	[tilespmem:$0xA010] =	vst v1  }
0x22f: {  	v1 =	vld [tilespmem:s28+$0x5020];
	_ =	sdelay $0x4  }
0x230: {  	v1 =	vadd.s32 $0xFFFFEC00, v1  }
0x231: {  	v1 =	vmin.u32 v1, $0xA00  }
0x232: {  	[tilespmem:$0xA020] =	vst v1  }
0x233: {  	v1 =	vld [tilespmem:s28+$0x5030];
	_ =	sdelay $0x4  }
0x234: {  	v1 =	vadd.s32 $0xFFFFEC00, v1  }
0x235: {  	v1 =	vmin.u32 v1, $0xA00  }
0x236: {  	[tilespmem:$0xA030] =	vst v1  }
0x237: {  	v1 =	vld [tilespmem:s28+$0x5040];
	_ =	sdelay $0x4  }
0x238: {  	v1 =	vadd.s32 $0xFFFFEC00, v1  }
0x239: {  	v1 =	vmin.u32 v1, $0xA00  }
0x23a: {  	[tilespmem:$0xA040] =	vst v1  }
0x23b: {  	v1 =	vld [tilespmem:s28+$0x5050];
	_ =	sdelay $0x4  }
0x23c: {  	v1 =	vadd.s32 $0xFFFFEC00, v1  }
0x23d: {  	v1 =	vmin.u32 v1, $0xA00  }
0x23e: {  	[tilespmem:$0xA050] =	vst v1  }
0x23f: {  	v1 =	vld [tilespmem:s28+$0x5060];
	_ =	sdelay $0x4  }
0x240: {  	v1 =	vadd.s32 $0xFFFFEC00, v1  }
0x241: {  	v1 =	vmin.u32 v1, $0xA00  }
0x242: {  	[tilespmem:$0xA060] =	vst v1  }
0x243: {  	v1 =	vld [tilespmem:s28+$0x5070];
	_ =	sdelay $0x4  }
0x244: {  	v1 =	vadd.s32 $0xFFFFEC00, v1  }
0x245: {  	v1 =	vmin.u32 v1, $0xA00  }
0x246: {  	[tilespmem:$0xA070] =	vst v1  }
0x247: {  	[spmem:s1] =	stream.indirect.scatter.add.f32 [tilespmem:s19], [sflag:$0x3], $0x80, s22, s18, $0xb8;
	[tilespmem:$0x1C080] =	vst v63  }
0x248: {  	_ =	swait.ge [sflag:s15], $0x4000  }
0x249: {  	[sflag:s15] =	ssyncset.done $0x0  }
0x24a: {  	s29 =	sadd.s32 $0x100, s28;
	[sflag:s15] =	ssyncadd.s32 $0xFFFFC000  }
0x24b: {  	[tilespmem:s19], [sflag:$0x1] =	stream.indirect.gather [hbm4b:s8+s18], $0x80, s29, s18, $0xb8;
	[tilespmem:$0x1C080] =	vst v63  }
0x24c: {  	_ =	swait.ge [sflag:s23], $0x4000  }
0x24d: {  	[sflag:s23] =	ssyncset.done $0x0  }
0x24e: {  	[sflag:s23] =	ssyncadd.s32 $0xFFFFC000  }
0x24f: {  	v1 =	vld [tilespmem:s28+$0x5080];
	_ =	sdelay $0x4  }
0x250: {  	v1 =	vadd.s32 $0xFFFFEC00, v1  }
0x251: {  	v1 =	vmin.u32 v1, $0xA00  }
0x252: {  	[tilespmem:$0xA000] =	vst v1  }
0x253: {  	v1 =	vld [tilespmem:s28+$0x5090];
	_ =	sdelay $0x4  }
0x254: {  	v1 =	vadd.s32 $0xFFFFEC00, v1  }
0x255: {  	v1 =	vmin.u32 v1, $0xA00  }
0x256: {  	[tilespmem:$0xA010] =	vst v1  }
0x257: {  	v1 =	vld [tilespmem:s28+$0x50A0];
	_ =	sdelay $0x4  }
0x258: {  	v1 =	vadd.s32 $0xFFFFEC00, v1  }
0x259: {  	v1 =	vmin.u32 v1, $0xA00  }
0x25a: {  	[tilespmem:$0xA020] =	vst v1  }
0x25b: {  	v1 =	vld [tilespmem:s28+$0x50B0];
	_ =	sdelay $0x4  }
0x25c: {  	v1 =	vadd.s32 $0xFFFFEC00, v1  }
0x25d: {  	v1 =	vmin.u32 v1, $0xA00  }
0x25e: {  	[tilespmem:$0xA030] =	vst v1  }
0x25f: {  	v1 =	vld [tilespmem:s28+$0x50C0];
	_ =	sdelay $0x4  }
0x260: {  	v1 =	vadd.s32 $0xFFFFEC00, v1  }
0x261: {  	v1 =	vmin.u32 v1, $0xA00  }
0x262: {  	[tilespmem:$0xA040] =	vst v1  }
0x263: {  	v1 =	vld [tilespmem:s28+$0x50D0];
	_ =	sdelay $0x4  }
0x264: {  	v1 =	vadd.s32 $0xFFFFEC00, v1  }
0x265: {  	v1 =	vmin.u32 v1, $0xA00  }
0x266: {  	[tilespmem:$0xA050] =	vst v1  }
0x267: {  	v1 =	vld [tilespmem:s28+$0x50E0];
	_ =	sdelay $0x4  }
0x268: {  	v1 =	vadd.s32 $0xFFFFEC00, v1  }
0x269: {  	v1 =	vmin.u32 v1, $0xA00  }
0x26a: {  	[tilespmem:$0xA060] =	vst v1  }
0x26b: {  	v1 =	vld [tilespmem:s28+$0x50F0];
	_ =	sdelay $0x4  }
0x26c: {  	v1 =	vadd.s32 $0xFFFFEC00, v1  }
0x26d: {  	v1 =	vmin.u32 v1, $0xA00  }
.Ltmp3:
0x26e: {  	[tilespmem:$0xA070] =	vst v1;
	(pc) =	sbr.rel @p0 .LBB2_8-.Ltmp3, $4  }
0x26f: {  	[spmem:s1] =	stream.indirect.scatter.add.f32 [tilespmem:s20], [sflag:$0x3], $0x80, s22, s18, $0xb8;
	[tilespmem:$0x1C080] =	vst v63  }
0x270: {  	_ =	swait.ge [sflag:s15], $0x4000  }
0x271: {  	[sflag:s15] =	ssyncset.done $0x0  }
0x272: {  	s28 =	sadd.s32 $0x180, s28;
	[sflag:s15] =	ssyncadd.s32 $0xFFFFC000  }
0x273: {  	[tilespmem:s20], [sflag:$0x2] =	stream.indirect.gather [hbm4b:s8+s18], $0x80, s28, s18, $0xb8;
	[tilespmem:$0x1C080] =	vst v63  }
0x274: {  	_ =	swait.ge [sflag:s21], $0x4000  }
0x275: {  	[sflag:s21] =	ssyncset.done $0x0  }
0x276: {  	[sflag:s21] =	ssyncadd.s32 $0xFFFFC000  }
0x277: {  	v1 =	vld [tilespmem:$0x9F00]  }
0x278: {  	v2 =	vld [tilespmem:$0x9F10]  }
0x279: {  	v3 =	vld [tilespmem:$0x9F20]  }
0x27a: {  	v4 =	vld [tilespmem:$0x9F30]  }
0x27b: {  	v5 =	vld [tilespmem:$0x9F40]  }
0x27c: {  	v6 =	vld [tilespmem:$0x9F50];
	v1 =	vadd.s32 $0xFFFFEC00, v1  }
0x27d: {  	v7 =	vld [tilespmem:$0x9F60];
	v2 =	vadd.s32 $0xFFFFEC00, v2;
	v1 =	vmin.u32 v1, $0xA00  }
0x27e: {  	[tilespmem:$0xA000] =	vst v1;
	v1 =	vmin.u32 v2, $0xA00;
	v2 =	vadd.s32 $0xFFFFEC00, v3;
	v3 =	vld [tilespmem:$0x9F70]  }
0x27f: {  	[tilespmem:$0xA010] =	vst v1;
	v1 =	vmin.u32 v2, $0xA00;
	v2 =	vadd.s32 $0xFFFFEC00, v4  }
0x280: {  	[tilespmem:$0xA020] =	vst v1;
	v1 =	vmin.u32 v2, $0xA00;
	v2 =	vadd.s32 $0xFFFFEC00, v5  }
0x281: {  	[tilespmem:$0xA030] =	vst v1;
	v1 =	vmin.u32 v2, $0xA00;
	v2 =	vadd.s32 $0xFFFFEC00, v6  }
0x282: {  	[tilespmem:$0xA040] =	vst v1;
	v1 =	vmin.u32 v2, $0xA00;
	v2 =	vadd.s32 $0xFFFFEC00, v7  }
0x283: {  	[tilespmem:$0xA050] =	vst v1;
	v1 =	vmin.u32 v2, $0xA00;
	v2 =	vadd.s32 $0xFFFFEC00, v3  }
0x284: {  	[tilespmem:$0xA060] =	vst v1;
	v1 =	vmin.u32 v2, $0xA00  }
0x285: {  	[tilespmem:$0xA070] =	vst v1  }
0x286: {  	[spmem:s1] =	stream.indirect.scatter.add.f32 [tilespmem:s19], [sflag:$0x3], $0x80, s22, s18, $0xb8;
	[tilespmem:$0x1C080] =	vst v63  }
0x287: {  	_ =	swait.ge [sflag:s15], $0x4000  }
0x288: {  	[sflag:s15] =	ssyncset.done $0x0  }
0x289: {  	[sflag:s15] =	ssyncadd.s32 $0xFFFFC000  }
0x28a: {  	_ =	swait.ge [sflag:s23], $0x4000  }
0x28b: {  	[sflag:s23] =	ssyncset.done $0x0  }
0x28c: {  	[sflag:s23] =	ssyncadd.s32 $0xFFFFC000  }
0x28d: {  	v1 =	vld [tilespmem:$0x9F80]  }
0x28e: {  	v2 =	vld [tilespmem:$0x9F90]  }
0x28f: {  	v3 =	vld [tilespmem:$0x9FA0]  }
0x290: {  	v60 =	vld [tilespmem:$0x9FB0]  }
0x291: {  	v61 =	vld [tilespmem:$0x9FC0]  }
0x292: {  	v62 =	vld [tilespmem:$0x9FD0];
	v1 =	vadd.s32 $0xFFFFEC00, v1  }
0x293: {  	v63 =	vld [tilespmem:$0x9FE0];
	v2 =	vadd.s32 $0xFFFFEC00, v2;
	v1 =	vmin.u32 v1, $0xA00  }
0x294: {  	[tilespmem:$0xA000] =	vst v1;
	v1 =	vmin.u32 v2, $0xA00;
	v2 =	vadd.s32 $0xFFFFEC00, v3;
	v3 =	vld [tilespmem:$0x9FF0]  }
0x295: {  	[tilespmem:$0xA010] =	vst v1;
	v1 =	vmin.u32 v2, $0xA00;
	v2 =	vadd.s32 $0xFFFFEC00, v60  }
0x296: {  	[tilespmem:$0xA020] =	vst v1;
	v1 =	vmin.u32 v2, $0xA00;
	v2 =	vadd.s32 $0xFFFFEC00, v61  }
0x297: {  	[tilespmem:$0xA030] =	vst v1;
	v1 =	vmin.u32 v2, $0xA00;
	v2 =	vadd.s32 $0xFFFFEC00, v62  }
0x298: {  	[tilespmem:$0xA040] =	vst v1;
	v1 =	vmin.u32 v2, $0xA00;
	v2 =	vadd.s32 $0xFFFFEC00, v63  }
0x299: {  	[tilespmem:$0xA050] =	vst v1;
	v1 =	vmin.u32 v2, $0xA00;
	v2 =	vadd.s32 $0xFFFFEC00, v3  }
0x29a: {  	[tilespmem:$0xA060] =	vst v1;
	v1 =	vmin.u32 v2, $0xA00  }
0x29b: {  	[tilespmem:$0xA070] =	vst v1  }
0x29c: {  	[spmem:s1] =	stream.indirect.scatter.add.f32 [tilespmem:s20], [sflag:$0x3], $0x80, s22, s18, $0xb8;
	[tilespmem:$0x1C080] =	vst v63  }
0x29d: {  	_ =	swait.ge [sflag:s15], $0x4000  }
0x29e: {  	[sflag:s15] =	ssyncset.done $0x0  }
0x29f: {  	[sflag:s15] =	ssyncadd.s32 $0xFFFFC000  }
0x2a0: {  	[bflag:$0x0] =	sbarrier.arrive $0xFFFF  }
0x2a1: {  	[hbm:s12], [sflag:s24] =	dma.local [spmem:s25], $0xA00  }
0x2a2: {  	_ =	swait.ge [sflag:s15], $0xA00  }
0x2a3: {  	[sflag:s15] =	ssyncset.done $0x0  }
0x2a4: {  	[sflag:s15] =	ssyncadd.s32 $0xFFFFF600  }
0x2a5: {  	[bflag:$0x0] =	sbarrier.arrive $0xFFFF  }
0x2a6: {  	[spmem:s6] =	stream.linear.scatter [tilespmem:s17], [sflag:$0x3], $0x4000, $0x38;
	[tilespmem:$0x1C080] =	vst v63  }
0x2a7: {  	_ =	swait.ge [sflag:s15], $0x4000  }
0x2a8: {  	[sflag:s15] =	ssyncset.done $0x0  }
0x2a9: {  	[sflag:s15] =	ssyncadd.s32 $0xFFFFC000  }
0x2aa: {  	[spmem:s7] =	stream.linear.scatter [tilespmem:s17], [sflag:$0x3], $0x2000, $0x38;
	[tilespmem:$0x1C080] =	vst v63  }
0x2ab: {  	_ =	swait.ge [sflag:s15], $0x2000  }
0x2ac: {  	[sflag:s15] =	ssyncset.done $0x0  }
0x2ad: {  	[sflag:s15] =	ssyncadd.s32 $0xFFFFE000  }
0x2ae: {  	s26 =	simm.s32 $0x0;
	[bflag:$0x0] =	sbarrier.arrive $0xFFFF  }
0x2af: {  	[tilespmem:s19], [sflag:$0x1] =	stream.indirect.gather [hbm4b:s8+s18], $0x80, s26, s18, $0xb8;
	[tilespmem:$0x1C080] =	vst v63  }
0x2b0: {  	_ = 	snop  }
0x2b1: {  	[tilespmem:s20], [sflag:$0x2] =	stream.indirect.gather [hbm4b:s8+s18], $0x80, s18, s18, $0xb8;
	[tilespmem:$0x1C080] =	vst v63  }
0x2b2: {  	_ =	swait.ge [sflag:s21], $0x4000  }
0x2b3: {  	[sflag:s21] =	ssyncset.done $0x0  }
0x2b4: {  	s31 =	simm.s32 $0x0;
	[sflag:s21] =	ssyncadd.s32 $0xFFFFC000  }
0x2b5: {  	v1 =	vld [tilespmem:s31+$0x5000];
	_ =	sdelay $0x4  }
0x2b6: {  	v1 =	vadd.s32 $0xFFFFE200, v1  }
0x2b7: {  	v1 =	vmin.u32 v1, $0xA00  }
0x2b8: {  	[tilespmem:$0xA000] =	vst v1  }
0x2b9: {  	v1 =	vld [tilespmem:s31+$0x5010];
	_ =	sdelay $0x4  }
0x2ba: {  	v1 =	vadd.s32 $0xFFFFE200, v1  }
0x2bb: {  	v1 =	vmin.u32 v1, $0xA00  }
0x2bc: {  	[tilespmem:$0xA010] =	vst v1  }
0x2bd: {  	v1 =	vld [tilespmem:s31+$0x5020];
	_ =	sdelay $0x4  }
0x2be: {  	v1 =	vadd.s32 $0xFFFFE200, v1  }
0x2bf: {  	v1 =	vmin.u32 v1, $0xA00  }
0x2c0: {  	[tilespmem:$0xA020] =	vst v1  }
0x2c1: {  	v1 =	vld [tilespmem:s31+$0x5030];
	_ =	sdelay $0x4  }
0x2c2: {  	v1 =	vadd.s32 $0xFFFFE200, v1  }
0x2c3: {  	v1 =	vmin.u32 v1, $0xA00  }
0x2c4: {  	[tilespmem:$0xA030] =	vst v1  }
0x2c5: {  	v1 =	vld [tilespmem:s31+$0x5040];
	_ =	sdelay $0x4  }
0x2c6: {  	v1 =	vadd.s32 $0xFFFFE200, v1  }
0x2c7: {  	v1 =	vmin.u32 v1, $0xA00  }
0x2c8: {  	[tilespmem:$0xA040] =	vst v1  }
0x2c9: {  	v1 =	vld [tilespmem:s31+$0x5050];
	_ =	sdelay $0x4  }
0x2ca: {  	v1 =	vadd.s32 $0xFFFFE200, v1  }
0x2cb: {  	v1 =	vmin.u32 v1, $0xA00  }
0x2cc: {  	[tilespmem:$0xA050] =	vst v1  }
0x2cd: {  	v1 =	vld [tilespmem:s31+$0x5060];
	_ =	sdelay $0x4  }
0x2ce: {  	v1 =	vadd.s32 $0xFFFFE200, v1  }
0x2cf: {  	v1 =	vmin.u32 v1, $0xA00  }
0x2d0: {  	[tilespmem:$0xA060] =	vst v1  }
0x2d1: {  	v1 =	vld [tilespmem:s31+$0x5070];
	_ =	sdelay $0x4  }
0x2d2: {  	v1 =	vadd.s32 $0xFFFFE200, v1  }
0x2d3: {  	v1 =	vmin.u32 v1, $0xA00  }
0x2d4: {  	[tilespmem:$0xA070] =	vst v1  }
0x2d5: {  	[spmem:s1] =	stream.indirect.scatter.add.f32 [tilespmem:s19], [sflag:$0x3], $0x80, s22, s18, $0xb8;
	[tilespmem:$0x1C080] =	vst v63  }
0x2d6: {  	_ =	swait.ge [sflag:s15], $0x4000  }
0x2d7: {  	[sflag:s15] =	ssyncset.done $0x0  }
0x2d8: {  	s28 =	simm.s32 $0x100;
	[sflag:s15] =	ssyncadd.s32 $0xFFFFC000  }
0x2d9: {  	[tilespmem:s19], [sflag:$0x1] =	stream.indirect.gather [hbm4b:s8+s18], $0x80, s28, s18, $0xb8;
	[tilespmem:$0x1C080] =	vst v63  }
0x2da: {  	_ =	swait.ge [sflag:s23], $0x4000  }
0x2db: {  	[sflag:s23] =	ssyncset.done $0x0  }
0x2dc: {  	[sflag:s23] =	ssyncadd.s32 $0xFFFFC000  }
0x2dd: {  	v1 =	vld [tilespmem:s31+$0x5080];
	_ =	sdelay $0x4  }
0x2de: {  	v1 =	vadd.s32 $0xFFFFE200, v1  }
0x2df: {  	v1 =	vmin.u32 v1, $0xA00  }
0x2e0: {  	[tilespmem:$0xA000] =	vst v1  }
0x2e1: {  	v1 =	vld [tilespmem:s31+$0x5090];
	_ =	sdelay $0x4  }
0x2e2: {  	v1 =	vadd.s32 $0xFFFFE200, v1  }
0x2e3: {  	v1 =	vmin.u32 v1, $0xA00  }
0x2e4: {  	[tilespmem:$0xA010] =	vst v1  }
0x2e5: {  	v1 =	vld [tilespmem:s31+$0x50A0];
	_ =	sdelay $0x4  }
0x2e6: {  	v1 =	vadd.s32 $0xFFFFE200, v1  }
0x2e7: {  	v1 =	vmin.u32 v1, $0xA00  }
0x2e8: {  	[tilespmem:$0xA020] =	vst v1  }
0x2e9: {  	v1 =	vld [tilespmem:s31+$0x50B0];
	_ =	sdelay $0x4  }
0x2ea: {  	v1 =	vadd.s32 $0xFFFFE200, v1  }
0x2eb: {  	v1 =	vmin.u32 v1, $0xA00  }
0x2ec: {  	[tilespmem:$0xA030] =	vst v1  }
0x2ed: {  	v1 =	vld [tilespmem:s31+$0x50C0];
	_ =	sdelay $0x4  }
0x2ee: {  	v1 =	vadd.s32 $0xFFFFE200, v1  }
0x2ef: {  	v1 =	vmin.u32 v1, $0xA00  }
0x2f0: {  	[tilespmem:$0xA040] =	vst v1  }
0x2f1: {  	v1 =	vld [tilespmem:s31+$0x50D0];
	_ =	sdelay $0x4  }
0x2f2: {  	v1 =	vadd.s32 $0xFFFFE200, v1  }
0x2f3: {  	v1 =	vmin.u32 v1, $0xA00  }
0x2f4: {  	[tilespmem:$0xA050] =	vst v1  }
0x2f5: {  	v1 =	vld [tilespmem:s31+$0x50E0];
	_ =	sdelay $0x4  }
0x2f6: {  	v1 =	vadd.s32 $0xFFFFE200, v1  }
0x2f7: {  	v1 =	vmin.u32 v1, $0xA00  }
0x2f8: {  	[tilespmem:$0xA060] =	vst v1  }
0x2f9: {  	v1 =	vld [tilespmem:s31+$0x50F0];
	_ =	sdelay $0x4  }
0x2fa: {  	v1 =	vadd.s32 $0xFFFFE200, v1  }
0x2fb: {  	v1 =	vmin.u32 v1, $0xA00  }
0x2fc: {  	[tilespmem:$0xA070] =	vst v1  }
0x2fd: {  	[spmem:s1] =	stream.indirect.scatter.add.f32 [tilespmem:s20], [sflag:$0x3], $0x80, s22, s18, $0xb8;
	[tilespmem:$0x1C080] =	vst v63  }
0x2fe: {  	_ =	swait.ge [sflag:s15], $0x4000  }
0x2ff: {  	[sflag:s15] =	ssyncset.done $0x0  }
0x300: {  	s26 =	simm.s32 $0x400;
	s28 =	simm.s32 $0x180;
	[sflag:s15] =	ssyncadd.s32 $0xFFFFC000  }
.LBB2_10:
0x301: {  	[tilespmem:s20], [sflag:$0x2] =	stream.indirect.gather [hbm4b:s8+s18], $0x80, s28, s18, $0xb8;
	[tilespmem:$0x1C080] =	vst v63  }
0x302: {  	s28 =	smov.u32 s26  }
0x303: {  	p0 =	sne.s32 s26, $0x13800;
	s26 =	sadd.s32 $0x400, s26;
	_ =	swait.ge [sflag:s21], $0x4000  }
0x304: {  	[sflag:s21] =	ssyncset.done $0x0  }
0x305: {  	s28 =	sshra.s32 s28, $0x2;
	[sflag:s21] =	ssyncadd.s32 $0xFFFFC000  }
0x306: {  	v1 =	vld [tilespmem:s28+$0x5000];
	_ =	sdelay $0x4  }
0x307: {  	v1 =	vadd.s32 $0xFFFFE200, v1  }
0x308: {  	v1 =	vmin.u32 v1, $0xA00  }
0x309: {  	[tilespmem:$0xA000] =	vst v1  }
0x30a: {  	v1 =	vld [tilespmem:s28+$0x5010];
	_ =	sdelay $0x4  }
0x30b: {  	v1 =	vadd.s32 $0xFFFFE200, v1  }
0x30c: {  	v1 =	vmin.u32 v1, $0xA00  }
0x30d: {  	[tilespmem:$0xA010] =	vst v1  }
0x30e: {  	v1 =	vld [tilespmem:s28+$0x5020];
	_ =	sdelay $0x4  }
0x30f: {  	v1 =	vadd.s32 $0xFFFFE200, v1  }
0x310: {  	v1 =	vmin.u32 v1, $0xA00  }
0x311: {  	[tilespmem:$0xA020] =	vst v1  }
0x312: {  	v1 =	vld [tilespmem:s28+$0x5030];
	_ =	sdelay $0x4  }
0x313: {  	v1 =	vadd.s32 $0xFFFFE200, v1  }
0x314: {  	v1 =	vmin.u32 v1, $0xA00  }
0x315: {  	[tilespmem:$0xA030] =	vst v1  }
0x316: {  	v1 =	vld [tilespmem:s28+$0x5040];
	_ =	sdelay $0x4  }
0x317: {  	v1 =	vadd.s32 $0xFFFFE200, v1  }
0x318: {  	v1 =	vmin.u32 v1, $0xA00  }
0x319: {  	[tilespmem:$0xA040] =	vst v1  }
0x31a: {  	v1 =	vld [tilespmem:s28+$0x5050];
	_ =	sdelay $0x4  }
0x31b: {  	v1 =	vadd.s32 $0xFFFFE200, v1  }
0x31c: {  	v1 =	vmin.u32 v1, $0xA00  }
0x31d: {  	[tilespmem:$0xA050] =	vst v1  }
0x31e: {  	v1 =	vld [tilespmem:s28+$0x5060];
	_ =	sdelay $0x4  }
0x31f: {  	v1 =	vadd.s32 $0xFFFFE200, v1  }
0x320: {  	v1 =	vmin.u32 v1, $0xA00  }
0x321: {  	[tilespmem:$0xA060] =	vst v1  }
0x322: {  	v1 =	vld [tilespmem:s28+$0x5070];
	_ =	sdelay $0x4  }
0x323: {  	v1 =	vadd.s32 $0xFFFFE200, v1  }
0x324: {  	v1 =	vmin.u32 v1, $0xA00  }
0x325: {  	[tilespmem:$0xA070] =	vst v1  }
0x326: {  	[spmem:s1] =	stream.indirect.scatter.add.f32 [tilespmem:s19], [sflag:$0x3], $0x80, s22, s18, $0xb8;
	[tilespmem:$0x1C080] =	vst v63  }
0x327: {  	_ =	swait.ge [sflag:s15], $0x4000  }
0x328: {  	[sflag:s15] =	ssyncset.done $0x0  }
0x329: {  	s29 =	sadd.s32 $0x100, s28;
	[sflag:s15] =	ssyncadd.s32 $0xFFFFC000  }
0x32a: {  	[tilespmem:s19], [sflag:$0x1] =	stream.indirect.gather [hbm4b:s8+s18], $0x80, s29, s18, $0xb8;
	[tilespmem:$0x1C080] =	vst v63  }
0x32b: {  	_ =	swait.ge [sflag:s23], $0x4000  }
0x32c: {  	[sflag:s23] =	ssyncset.done $0x0  }
0x32d: {  	[sflag:s23] =	ssyncadd.s32 $0xFFFFC000  }
0x32e: {  	v1 =	vld [tilespmem:s28+$0x5080];
	_ =	sdelay $0x4  }
0x32f: {  	v1 =	vadd.s32 $0xFFFFE200, v1  }
0x330: {  	v1 =	vmin.u32 v1, $0xA00  }
0x331: {  	[tilespmem:$0xA000] =	vst v1  }
0x332: {  	v1 =	vld [tilespmem:s28+$0x5090];
	_ =	sdelay $0x4  }
0x333: {  	v1 =	vadd.s32 $0xFFFFE200, v1  }
0x334: {  	v1 =	vmin.u32 v1, $0xA00  }
0x335: {  	[tilespmem:$0xA010] =	vst v1  }
0x336: {  	v1 =	vld [tilespmem:s28+$0x50A0];
	_ =	sdelay $0x4  }
0x337: {  	v1 =	vadd.s32 $0xFFFFE200, v1  }
0x338: {  	v1 =	vmin.u32 v1, $0xA00  }
0x339: {  	[tilespmem:$0xA020] =	vst v1  }
0x33a: {  	v1 =	vld [tilespmem:s28+$0x50B0];
	_ =	sdelay $0x4  }
0x33b: {  	v1 =	vadd.s32 $0xFFFFE200, v1  }
0x33c: {  	v1 =	vmin.u32 v1, $0xA00  }
0x33d: {  	[tilespmem:$0xA030] =	vst v1  }
0x33e: {  	v1 =	vld [tilespmem:s28+$0x50C0];
	_ =	sdelay $0x4  }
0x33f: {  	v1 =	vadd.s32 $0xFFFFE200, v1  }
0x340: {  	v1 =	vmin.u32 v1, $0xA00  }
0x341: {  	[tilespmem:$0xA040] =	vst v1  }
0x342: {  	v1 =	vld [tilespmem:s28+$0x50D0];
	_ =	sdelay $0x4  }
0x343: {  	v1 =	vadd.s32 $0xFFFFE200, v1  }
0x344: {  	v1 =	vmin.u32 v1, $0xA00  }
0x345: {  	[tilespmem:$0xA050] =	vst v1  }
0x346: {  	v1 =	vld [tilespmem:s28+$0x50E0];
	_ =	sdelay $0x4  }
0x347: {  	v1 =	vadd.s32 $0xFFFFE200, v1  }
0x348: {  	v1 =	vmin.u32 v1, $0xA00  }
0x349: {  	[tilespmem:$0xA060] =	vst v1  }
0x34a: {  	v1 =	vld [tilespmem:s28+$0x50F0];
	_ =	sdelay $0x4  }
0x34b: {  	v1 =	vadd.s32 $0xFFFFE200, v1  }
0x34c: {  	v1 =	vmin.u32 v1, $0xA00  }
.Ltmp4:
0x34d: {  	[tilespmem:$0xA070] =	vst v1;
	(pc) =	sbr.rel @p0 .LBB2_10-.Ltmp4, $4  }
0x34e: {  	[spmem:s1] =	stream.indirect.scatter.add.f32 [tilespmem:s20], [sflag:$0x3], $0x80, s22, s18, $0xb8;
	[tilespmem:$0x1C080] =	vst v63  }
0x34f: {  	_ =	swait.ge [sflag:s15], $0x4000  }
0x350: {  	[sflag:s15] =	ssyncset.done $0x0  }
0x351: {  	s28 =	sadd.s32 $0x180, s28;
	[sflag:s15] =	ssyncadd.s32 $0xFFFFC000  }
0x352: {  	[tilespmem:s20], [sflag:$0x2] =	stream.indirect.gather [hbm4b:s8+s18], $0x80, s28, s18, $0xb8;
	[tilespmem:$0x1C080] =	vst v63  }
0x353: {  	_ =	swait.ge [sflag:s21], $0x4000  }
0x354: {  	[sflag:s21] =	ssyncset.done $0x0  }
0x355: {  	[sflag:s21] =	ssyncadd.s32 $0xFFFFC000  }
0x356: {  	v1 =	vld [tilespmem:$0x9F00]  }
0x357: {  	v2 =	vld [tilespmem:$0x9F10]  }
0x358: {  	v3 =	vld [tilespmem:$0x9F20]  }
0x359: {  	v4 =	vld [tilespmem:$0x9F30]  }
0x35a: {  	v5 =	vld [tilespmem:$0x9F40]  }
0x35b: {  	v6 =	vld [tilespmem:$0x9F50];
	v1 =	vadd.s32 $0xFFFFE200, v1  }
0x35c: {  	v7 =	vld [tilespmem:$0x9F60];
	v2 =	vadd.s32 $0xFFFFE200, v2;
	v1 =	vmin.u32 v1, $0xA00  }
0x35d: {  	[tilespmem:$0xA000] =	vst v1;
	v1 =	vmin.u32 v2, $0xA00;
	v2 =	vadd.s32 $0xFFFFE200, v3;
	v3 =	vld [tilespmem:$0x9F70]  }
0x35e: {  	[tilespmem:$0xA010] =	vst v1;
	v1 =	vmin.u32 v2, $0xA00;
	v2 =	vadd.s32 $0xFFFFE200, v4  }
0x35f: {  	[tilespmem:$0xA020] =	vst v1;
	v1 =	vmin.u32 v2, $0xA00;
	v2 =	vadd.s32 $0xFFFFE200, v5  }
0x360: {  	[tilespmem:$0xA030] =	vst v1;
	v1 =	vmin.u32 v2, $0xA00;
	v2 =	vadd.s32 $0xFFFFE200, v6  }
0x361: {  	[tilespmem:$0xA040] =	vst v1;
	v1 =	vmin.u32 v2, $0xA00;
	v2 =	vadd.s32 $0xFFFFE200, v7  }
0x362: {  	[tilespmem:$0xA050] =	vst v1;
	v1 =	vmin.u32 v2, $0xA00;
	v2 =	vadd.s32 $0xFFFFE200, v3  }
0x363: {  	[tilespmem:$0xA060] =	vst v1;
	v1 =	vmin.u32 v2, $0xA00  }
0x364: {  	[tilespmem:$0xA070] =	vst v1  }
0x365: {  	[spmem:s1] =	stream.indirect.scatter.add.f32 [tilespmem:s19], [sflag:$0x3], $0x80, s22, s18, $0xb8;
	[tilespmem:$0x1C080] =	vst v63  }
0x366: {  	_ =	swait.ge [sflag:s15], $0x4000  }
0x367: {  	[sflag:s15] =	ssyncset.done $0x0  }
0x368: {  	[sflag:s15] =	ssyncadd.s32 $0xFFFFC000  }
0x369: {  	_ =	swait.ge [sflag:s23], $0x4000  }
0x36a: {  	[sflag:s23] =	ssyncset.done $0x0  }
0x36b: {  	[sflag:s23] =	ssyncadd.s32 $0xFFFFC000  }
0x36c: {  	v1 =	vld [tilespmem:$0x9F80]  }
0x36d: {  	v2 =	vld [tilespmem:$0x9F90]  }
0x36e: {  	v3 =	vld [tilespmem:$0x9FA0]  }
0x36f: {  	v60 =	vld [tilespmem:$0x9FB0]  }
0x370: {  	v61 =	vld [tilespmem:$0x9FC0]  }
0x371: {  	v62 =	vld [tilespmem:$0x9FD0];
	v1 =	vadd.s32 $0xFFFFE200, v1  }
0x372: {  	v63 =	vld [tilespmem:$0x9FE0];
	v2 =	vadd.s32 $0xFFFFE200, v2;
	v1 =	vmin.u32 v1, $0xA00  }
0x373: {  	[tilespmem:$0xA000] =	vst v1;
	v1 =	vmin.u32 v2, $0xA00;
	v2 =	vadd.s32 $0xFFFFE200, v3;
	v3 =	vld [tilespmem:$0x9FF0]  }
0x374: {  	[tilespmem:$0xA010] =	vst v1;
	v1 =	vmin.u32 v2, $0xA00;
	v2 =	vadd.s32 $0xFFFFE200, v60  }
0x375: {  	[tilespmem:$0xA020] =	vst v1;
	v1 =	vmin.u32 v2, $0xA00;
	v2 =	vadd.s32 $0xFFFFE200, v61  }
0x376: {  	[tilespmem:$0xA030] =	vst v1;
	v1 =	vmin.u32 v2, $0xA00;
	v2 =	vadd.s32 $0xFFFFE200, v62  }
0x377: {  	[tilespmem:$0xA040] =	vst v1;
	v1 =	vmin.u32 v2, $0xA00;
	v2 =	vadd.s32 $0xFFFFE200, v63  }
0x378: {  	[tilespmem:$0xA050] =	vst v1;
	v1 =	vmin.u32 v2, $0xA00;
	v2 =	vadd.s32 $0xFFFFE200, v3  }
0x379: {  	[tilespmem:$0xA060] =	vst v1;
	v1 =	vmin.u32 v2, $0xA00  }
0x37a: {  	[tilespmem:$0xA070] =	vst v1  }
0x37b: {  	[spmem:s1] =	stream.indirect.scatter.add.f32 [tilespmem:s20], [sflag:$0x3], $0x80, s22, s18, $0xb8;
	[tilespmem:$0x1C080] =	vst v63  }
0x37c: {  	_ =	swait.ge [sflag:s15], $0x4000  }
0x37d: {  	[sflag:s15] =	ssyncset.done $0x0  }
0x37e: {  	s3 =	sadd.s32 $0x1, s3;
	[sflag:s15] =	ssyncadd.s32 $0xFFFFC000  }
0x37f: {  	p0 =	sne.s32 s3, s14;
	[bflag:$0x0] =	sbarrier.arrive $0xFFFF  }
0x380: {  	[hbm:s13], [sflag:s24] =	dma.local [spmem:s25], $0xA00  }
.Ltmp5:
0x381: {  	_ =	swait.ge [sflag:s15], $0xA00;
	(pc) =	sbr.rel @p0 .LBB2_1-.Ltmp5, $3  }
0x382: {  	[sflag:s15] =	ssyncset.done $0x0  }
0x383: {  	[sflag:s15] =	ssyncadd.s32 $0xFFFFF600  }
0x384: {  	[bflag:$0x0] =	sbarrier.arrive $0xFFFF;
	_ =	sdelay $0x1  }
0x385: {  	_ =	sfence.sel $0x180000  }
0x386: {  	[bflag:$0x0] =	sbarrier.arrive $0xFFFF  }
0x387: {  	p0 =	sne.s32 s2, $0x0;
	_ =	strace $0x9000004A  }
0x388: {  	s0 =	sadd.s32 @!p0 $0x100000, s0;
	[bflag:$0x2] =	sbarrier.arrive $0xFFFF  }
0x389: {  	[sflag:s0] =	ssyncadd.tile.s32 @!p0 $0x1;
	_ =	shalt  }
.Lfunc_end2:
_tile_overlayer_lowered:
.L_overlay_start_2:
0x38a: {  	(tag) =	ssettag $0x2  }
0x38b: {  	s0 =	rddreg [dreg:$0x0];
	s2 =	stileid.u32  }
0x38c: {  	s1 =	rddreg [dreg:$0x1];
	p0 =	sne.s32 s2, $0x0  }
0x38d: {  	s3 =	rddreg [dreg:$0x2];
	[bflag:$0x3] =	sbarrier.arrive $0xFFFF;
	s2 =	simm.s32 @!p0 $0x1C03  }
0x38e: {  	[timem:s3], [sflag:s2] =	dma.local @!p0 [hbm:s0], s1  }
0x38f: {  	s0 =	simm.s32 @!p0 $0x3  }
0x390: {  	_ =	swait.ge @!p0 [sflag:s0], s1  }
0x391: {  	s1 =	ssub.s32 @!p0 $0x0, s1;
	[sflag:s0] =	ssyncset.done @!p0 $0x0  }
0x392: {  	[sflag:s0] =	ssyncadd.s32 @!p0 s1  }
0x393: {  	[bflag:$0x3] =	sbarrier.arrive $0xFFFF  }
0x394: {  	_ =	shalt  }

// kernel: kernel.5.cloned.1.call-start
scs
__scs_entry_jumppad:
0x0: {  	(pc) =	sbr.rel $0x88, $3  }
0x1: {  	(tag) =	ssettag $0x0;
	lr =	simm.s32 $0x1  }
0x2: {  	[smem:$0x3F99] =	sst lr;
	_ =	strace $0xD0000000  }
0x3: {  	_ = 	snop  }
0x4: {  	_ = 	snop  }
0x5: {  	_ = 	snop  }
0x6: {  	_ = 	snop  }
0x7: {  	_ = 	snop  }
__scs_overlays_trampoline_lowered:
0x8: {  	[smem:$0x3FA8] =	sst s0  }
0x9: {  	[smem:$0x3FA9] =	sst s1  }
0xa: {  	[smem:$0x3FAA] =	sst s2  }
0xb: {  	[smem:$0x3FAB] =	sst s3  }
0xc: {  	[smem:$0x3FAC] =	sst s4  }
0xd: {  	[smem:$0x3FAD] =	sst s5  }
0xe: {  	[smem:$0x3FAE] =	sst s6  }
0xf: {  	[smem:$0x3FAF] =	sst s7  }
0x10: {  	[smem:$0x3FB0] =	sst s8  }
0x11: {  	[smem:$0x3FB1] =	sst s9;
	s0 =	simm.s32 @!p0 $0x0  }
0x12: {  	s1 =	sld [smem:$0x3F97];
	s0 =	simm.s32 @p0 $0x1  }
0x13: {  	[smem:$0x3FB2] =	sst s0;
	s0 =	simm.s32 @!p1 $0x0  }
0x14: {  	s2 =	sld [smem:$0x3F96];
	s0 =	simm.s32 @p1 $0x1  }
0x15: {  	[smem:$0x3FB3] =	sst s0;
	s0 =	simm.s32 @!p2 $0x0  }
0x16: {  	s3 =	sld [smem:$0x3FDB];
	s0 =	simm.s32 @p2 $0x1  }
0x17: {  	s4 =	simm.s32 $0x1BF5;
	[smem:$0x3FB5] =	sst s0  }
0x18: {  	s0 =	sld [smem:$0x3F98];
	_ =	swait.ge [sflag:s4], $0x0  }
0x19: {  	s7 =	sld [smem:$0x3F99]  }
0x1a: {  	s8 =	sadd.s32 $0xFFFFE003, lr  }
0x1b: {  	s9 =	sadd.s32 $0xFFFFFEF7, lr;
	s5 =	simm.s32 $0xFFFFFFFF;
	p2 =	slt.u32 s8, $0xFFFFF086  }
0x1c: {  	p1 =	slt.u32 s9, $0xF7A;
	s5 =	simm.s32 @!p2 $0x0  }
0x1d: {  	s5 =	simm.s32 @p1 $0x1;
	p0 =	seq.s32 s7, s2  }
0x1e: {  	s7 =	smul.u32 @!p0 $0xF7A, s2;
	p2 =	seq.s32 @!p0 s5, $0x0  }
0x1f: {  	s9 =	smul.u32 $0xF7A, s1;
	s8 =	simm.s32 @!p0 $0x1BF5;
	p2 =	por !p2, p0  }
0x20: {  	[sflag:s8] =	ssyncset.s32 @!p0 $0xFFFFF086;
	s6 =	sadd.s32 @!p0 s3, s7;
	s7 =	simm.s32 @!p0 $0x108  }
0x21: {  	s3 =	sadd.s32 s3, s9;
	s6 =	sadd.s32 @!p0 $0x88, s6;
	s7 =	simm.s32 @p2 $0x1082  }
0x22: {  	[simem:s7], [sflag:s8] =	dma.local @!p0 [hbm:s6], $0xF7A  }
0x23: {  	s9 =	sor.u32 $0xD0000000, s2;
	s6 =	simm.s32 $0x108;
	_ =	swait.ge @!p0 [sflag:s8], $0x0  }
0x24: {  	s3 =	sadd.s32 $0x88, s3;
	s6 =	simm.s32 @!p1 $0x1082;
	[sflag:s4] =	ssyncset.s32 $0xFFFFF086  }
0x25: {  	[simem:s6], [sflag:s4] =	dma.local [hbm:s3], $0xF7A  }
0x26: {  	[smem:$0x3F99] =	sst s1;
	(tag) =	ssettag s2;
	_ =	strace s9  }
0x27: {  	s1 =	sld [smem:$0x3FA9]  }
0x28: {  	s2 =	sld [smem:$0x3FAA]  }
0x29: {  	s4 =	sld [smem:$0x3FAC]  }
0x2a: {  	p0 =	seq.s32 s5, $0x0;
	s5 =	sld [smem:$0x3FAD]  }
0x2b: {  	s6 =	sld [smem:$0x3FAE]  }
0x2c: {  	s7 =	sld [smem:$0x3FAF]  }
0x2d: {  	s3 =	simm.s32 $0x108;
	s8 =	sld [smem:$0x3FB0]  }
0x2e: {  	s3 =	simm.s32 @!p0 $0x1082;
	s9 =	sld [smem:$0x3FB1]  }
0x2f: {  	lr =	sadd.s32 s0, s3;
	s0 =	sld [smem:$0x3FA8]  }
0x30: {  	s3 =	sld [smem:$0x3FAB]  }
0x31: {  	[smem:$0x3FB4] =	sst s10  }
0x32: {  	s10 =	sld [smem:$0x3FB2];
	_ =	sdelay $0x3  }
0x33: {  	p0 =	seq.s32 s10, $0x1;
	s10 =	sld [smem:$0x3FB4];
	_ =	sdelay $0x3  }
0x34: {  	[smem:$0x3FB4] =	sst s10  }
0x35: {  	s10 =	sld [smem:$0x3FB3];
	_ =	sdelay $0x3  }
0x36: {  	p1 =	seq.s32 s10, $0x1;
	s10 =	sld [smem:$0x3FB4];
	_ =	sdelay $0x3  }
0x37: {  	[smem:$0x3FB4] =	sst s10  }
0x38: {  	s10 =	sld [smem:$0x3FB5]  }
0x39: {  	_ = 	snop;
	(pc) =	sbr.ind lr, $3  }
0x3a: {  	_ = 	snop  }
0x3b: {  	_ = 	snop  }
0x3c: {  	p2 =	seq.s32 s10, $0x1;
	s10 =	sld [smem:$0x3FB4]  }
0x3d: {  	_ =	shalt  }
0x3e: {  	_ =	shalt  }
0x3f: {  	_ =	shalt  }
0x40: {  	_ =	shalt  }
0x41: {  	_ =	shalt  }
0x42: {  	_ =	shalt  }
0x43: {  	_ =	shalt  }
0x44: {  	_ =	shalt  }
0x45: {  	_ =	shalt  }
0x46: {  	_ =	shalt  }
0x47: {  	_ =	shalt  }
0x48: {  	_ =	shalt  }
0x49: {  	_ =	shalt  }
0x4a: {  	_ =	shalt  }
0x4b: {  	_ =	shalt  }
0x4c: {  	_ =	shalt  }
0x4d: {  	_ =	shalt  }
0x4e: {  	_ =	shalt  }
0x4f: {  	_ =	shalt  }
0x50: {  	_ =	shalt  }
0x51: {  	_ =	shalt  }
0x52: {  	_ =	shalt  }
0x53: {  	_ =	shalt  }
0x54: {  	_ =	shalt  }
0x55: {  	_ =	shalt  }
0x56: {  	_ =	shalt  }
0x57: {  	_ =	shalt  }
0x58: {  	_ =	shalt  }
0x59: {  	_ =	shalt  }
0x5a: {  	_ =	shalt  }
0x5b: {  	_ =	shalt  }
0x5c: {  	_ =	shalt  }
0x5d: {  	_ =	shalt  }
0x5e: {  	_ =	shalt  }
0x5f: {  	_ =	shalt  }
0x60: {  	_ =	shalt  }
0x61: {  	_ =	shalt  }
0x62: {  	_ =	shalt  }
0x63: {  	_ =	shalt  }
0x64: {  	_ =	shalt  }
0x65: {  	_ =	shalt  }
0x66: {  	_ =	shalt  }
0x67: {  	_ =	shalt  }
0x68: {  	_ =	shalt  }
0x69: {  	_ =	shalt  }
0x6a: {  	_ =	shalt  }
0x6b: {  	_ =	shalt  }
0x6c: {  	_ =	shalt  }
0x6d: {  	_ =	shalt  }
0x6e: {  	_ =	shalt  }
0x6f: {  	_ =	shalt  }
0x70: {  	_ =	shalt  }
0x71: {  	_ =	shalt  }
0x72: {  	_ =	shalt  }
0x73: {  	_ =	shalt  }
0x74: {  	_ =	shalt  }
0x75: {  	_ =	shalt  }
0x76: {  	_ =	shalt  }
0x77: {  	_ =	shalt  }
0x78: {  	_ =	shalt  }
0x79: {  	_ =	shalt  }
0x7a: {  	_ =	shalt  }
0x7b: {  	_ =	shalt  }
0x7c: {  	_ =	shalt  }
0x7d: {  	_ =	shalt  }
0x7e: {  	_ =	shalt  }
0x7f: {  	_ =	shalt  }
0x80: {  	_ =	shalt  }
0x81: {  	_ =	shalt  }
0x82: {  	_ =	shalt  }
0x83: {  	_ =	shalt  }
0x84: {  	_ =	shalt  }
0x85: {  	_ =	shalt  }
0x86: {  	_ =	shalt  }
0x87: {  	_ =	shalt  }
.Lfunc_end0:
.L_simem_size_0:
called_computation.1_lowered:
.L_overlay_start_0:
0x88: {  	s2 =	sld [smem:$0x3FD9]  }
0x89: {  	s3 =	sld [smem:$0x3FFE];
	_ =	sdelay $0x1  }
0x8a: {  	s1 =	srdreg.scid  }
0x8b: {  	s0 =	sand.u32 $0x1, s1  }
0x8c: {  	s17 =	sshll.u32 s0, $0xA;
	s2 =	sadd.s32 s3, s2  }
0x8d: {  	s2 =	sadd.s32 s2, s17  }
0x8e: {  	[smem:$0x3FC0] =	sst s2  }
0x8f: {  	_ = 	snop  }
0x90: {  	s2 =	sld [smem:$0x3FD0];
	(tm) =	ssettm $0x1  }
0x91: {  	s18 =	sld [smem:$0x3FFB];
	_ =	sdelay $0x3  }
0x92: {  	_ =	strace s18  }
0x93: {  	s3 =	sld [smem:$0x3FFC];
	_ =	sdelay $0x3  }
0x94: {  	_ =	strace s3  }
0x95: {  	s3 =	sld [smem:$0x3FFD];
	_ =	sdelay $0x3  }
0x96: {  	_ =	strace s3  }
0x97: {  	_ =	strace $0x8FFFFFFF  }
0x98: {  	s19 =	sld [smem:$0x3FDB];
	_ =	sdelay $0x1  }
0x99: {  	s4 =	simm.s32 $_scs_section_size  }
0x9a: {  	s5 =	simm.s32 $_size__tile_overlayer_lowered;
	s6 =	simm.s32 $_tile_overlayer_lowered  }
0x9b: {  	s22 =	simm.s32 $0x1BFF;
	s21 =	sshll.u32 s6, $0x1;
	s3 =	sadd.s32 s4, s19  }
0x9c: {  	s7 =	simm.s32 $0x0;
	s20 =	sshll.u32 s5, $0x1;
	s5 =	sadd.s32 s21, s3  }
0x9d: {  	[timem:s7], [sflag:s22] =	dma.local [hbm:s5], s20  }
0x9e: {  	_ =	swait.ge [sflag:s22], s20  }
0x9f: {  	s4 =	ssub.s32 $0x0, s20;
	[sflag:s22] =	ssyncset.done $0x0  }
0xa0: {  	[sflag:s22] =	ssyncadd.s32 s4;
	_ =	sdelay $0x1  }
0xa1: {  	s23 =	simm.s32 $0x1B8B  }
0xa2: {  	_ =	swait.ge [sflag:s23], $0x1  }
0xa3: {  	[sflag:s23] =	ssyncset.done $0x0  }
0xa4: {  	s25 =	simm.s32 $0x1B8E;
	s24 =	sld [smem:$0x3FFE];
	[sflag:s23] =	ssyncadd.s32 $0xFFFFFFFF  }
0xa5: {  	s26 =	simm.s32 $execute0_lowered;
	[smem:$0x3FD2] =	sst s25  }
0xa6: {  	s5 =	sshll.u32 s26, $0x1;
	_ =	strace $0x80000046;
	[dreg:$0x1] =	wrdreg $0xFFFFFFFF  }
0xa7: {  	s28 =	simm.s32 $_size_execute0_lowered;
	s3 =	sadd.s32 s3, s5;
	[dreg:$0x0] =	wrdreg $0x0  }
0xa8: {  	s5 =	sshll.u32 s28, $0x1;
	[dreg:$0x2] =	wrdreg s3  }
0xa9: {  	[dreg:$0x3] =	wrdreg s5  }
0xaa: {  	[dreg:$0x4] =	wrdreg $0xC0  }
0xab: {  	_ =	task [dreg:s7], $0x5FFFF  }
0xac: {  	[dreg:$0x1] =	wrdreg $0xFFFFFFFF  }
0xad: {  	[dreg:$0x0] =	wrdreg $0x60  }
0xae: {  	[dreg:$0x2] =	wrdreg s2  }
0xaf: {  	[dreg:$0x3] =	wrdreg s24  }
0xb0: {  	[dreg:$0x4] =	wrdreg $0xA8000  }
0xb1: {  	[dreg:$0x5] =	wrdreg $0x9  }
0xb2: {  	_ =	task.clear_ibuf [dreg:s7], $0x6FFFF;
	_ =	strace $0x90000046  }
0xb3: {  	s29 =	simm.s32 $0x9;
	_ =	strace $0x80000048  }
0xb4: {  	_ =	swait.ge [sflag:s29], $0x1  }
0xb5: {  	[sflag:s29] =	ssyncadd.s32 $0xFFFFFFFF  }
0xb6: {  	_ =	strace $0x90000048  }
0xb7: {  	_ =	sfence  }
0xb8: {  	s30 =	sld [smem:$0x0];
	_ =	sdelay $0x2  }
0xb9: {  	s31 =	sshll.u32 s1, $0xD;
	s1 =	sshrl.u32 s1, $0x2  }
0xba: {  	s3 =	sand.u32 $0x4000, s31;
	s1 =	sadd.s32 s1, s30  }
0xbb: {  	s0 =	sor.u32 s3, s0;
	s1 =	sshll.u32 s1, $0x11  }
0xbc: {  	s0 =	sor.u32 s1, s0  }
0xbd: {  	s0 =	sadd.s32 $0x8F2B, s0  }
0xbe: {  	[sflag:s0] =	ssyncadd.remote.s32 $0x1  }
0xbf: {  	_ =	sfence.sel $0xFFFF  }
0xc0: {  	[dreg:$0x0] =	wrdreg $0xFFFFFFFF;
	(pc) =	sbr.abs _section_cstart, $3  }
0xc1: {  	[dreg:$0x1] =	wrdreg $0xFFFFFFFF  }
0xc2: {  	_ =	task.clear_ibuf [dreg:s7], $0x2FFFF;
	_ =	strace $0x9FFFFFFF  }
0xc3: {  	(tm) =	ssettm $0x7FFFFFFF  }
tec
execute0_lowered:
.L_overlay_start_1:
0x0: {  	(tag) =	ssettag $0x1  }
0x1: {  	s9 =	rddreg [dreg:$0x0]  }
0x2: {  	s6 =	rddreg [dreg:$0x1]  }
0x3: {  	s2 =	rddreg [dreg:$0x2]  }
0x4: {  	s0 =	srdreg.scid;
	s1 =	rddreg [dreg:$0x3]  }
0x5: {  	s3 =	simm.s32 $0x0;
	s13 =	simm.s32 $0x1;
	s4 =	sand.u32 $0x1, s0  }
0x6: {  	s14 =	simm.s32 $0x80;
	s0 =	stileid.u32;
	s5 =	smul.u32 $0x140000, s4  }
0x7: {  	s15 =	simm.s32 $0x2800;
	[smem:$0x7FF] =	sst s3;
	s7 =	smul.u32 $0x14000, s0  }
0x8: {  	s26 =	smul.u32 $0x50000, s0;
	_ =	strace $0x80000047;
	s29 =	ssub.s32 $0x2, s4  }
0x9: {  	s28 =	sshll.u32 s4, $0x4;
	s16 =	sshll.u32 s0, $0x6;
	s31 =	sshrl.u32 s29, $0x1  }
0xa: {  	s16 =	sor.u32 $0x1C01, s16;
	s5 =	sadd.s32 s7, s5;
	s30 =	sshrl.u32 s26, $0x2  }
0xb: {  	s12 =	ssub.s32 s29, s31;
	s5 =	sshrl.u32 s5, $0x3;
	s4 =	sadd.s32 s30, s2  }
0xc: {  	s10 =	sadd.s32 s5, s6;
	s5 =	sor.u32 s0, s28;
	s6 =	sadd.s32 $0x8000, s4  }
0xd: {  	s7 =	sadd.s32 $0xC000, s4;
	s8 =	sadd.s32 $0x10000, s4;
	s11 =	smul.u32 $0x500, s5  }
0xe: {  	s17 =	sshrl.u32 s4, $0x3;
	s5 =	sadd.s32 $0x4000, s4;
	s10 =	sadd.s32 $0x3200, s10  }
0xf: {  	v0 =	vimm.f32 $1.000000000e+00;
	v1 =	vimm.f32 $0.0e+00;
	s9 =	sadd.s32 s9, s11;
	s11 =	smax.u32 s12, $0x1;
	s12 =	simm.s32 $0x6800  }
.LBB2_1:
0x10: {  	s18 =	simm.s32 $0x200;
	s19 =	simm.s32 $0x0  }
.LBB2_2:
0x11: {  	p0 =	sne.s32 s18, $0xFE00;
	[tilespmem:s19+$0x2800] =	vst v0;
	s20 =	smov.u32 s18;
	s18 =	sadd.s32 $0x200, s18  }
.Ltmp0:
0x12: {  	[tilespmem:s19+$0x6800] =	vst v1;
	(pc) =	sbr.rel @p0 .LBB2_2-.Ltmp0, $2  }
0x13: {  	_ =	sdelay $0x2  }
0x14: {  	s19 =	sshra.s32 s20, $0x2  }
0x15: {  	[tilespmem:s19+$0x2800] =	vst v0  }
0x16: {  	[tilespmem:s19+$0x6800] =	vst v1  }
0x17: {  	[spmem:s4] =	stream.linear.scatter [tilespmem:s12], [sflag:$0x1], $0x4000, $0x38;
	[tilespmem:$0xD000] =	vst v63  }
0x18: {  	_ =	swait.ge [sflag:s13], $0x4000  }
0x19: {  	[sflag:s13] =	ssyncset.done $0x0  }
0x1a: {  	[sflag:s13] =	ssyncadd.s32 $0xFFFFC000  }
0x1b: {  	[spmem:s5] =	stream.linear.scatter [tilespmem:s12], [sflag:$0x1], $0x4000, $0x38;
	[tilespmem:$0xD000] =	vst v63  }
0x1c: {  	_ =	swait.ge [sflag:s13], $0x4000  }
0x1d: {  	[sflag:s13] =	ssyncset.done $0x0  }
0x1e: {  	[sflag:s13] =	ssyncadd.s32 $0xFFFFC000  }
0x1f: {  	[spmem:s6] =	stream.linear.scatter [tilespmem:s12], [sflag:$0x1], $0x4000, $0x38;
	[tilespmem:$0xD000] =	vst v63  }
0x20: {  	_ =	swait.ge [sflag:s13], $0x4000  }
0x21: {  	[sflag:s13] =	ssyncset.done $0x0  }
0x22: {  	[sflag:s13] =	ssyncadd.s32 $0xFFFFC000  }
0x23: {  	[spmem:s7] =	stream.linear.scatter [tilespmem:s12], [sflag:$0x1], $0x4000, $0x38;
	[tilespmem:$0xD000] =	vst v63  }
0x24: {  	_ =	swait.ge [sflag:s13], $0x4000  }
0x25: {  	[sflag:s13] =	ssyncset.done $0x0  }
0x26: {  	[sflag:s13] =	ssyncadd.s32 $0xFFFFC000  }
0x27: {  	[spmem:s8] =	stream.linear.scatter [tilespmem:s12], [sflag:$0x1], $0x4000, $0x38;
	[tilespmem:$0xD000] =	vst v63  }
0x28: {  	_ =	swait.ge [sflag:s13], $0x4000  }
0x29: {  	[sflag:s13] =	ssyncset.done $0x0  }
0x2a: {  	[sflag:s13] =	ssyncadd.s32 $0xFFFFC000  }
0x2b: {  	s18 =	simm.s32 $0x0;
	[bflag:$0x0] =	sbarrier.arrive $0xFFFF  }
0x2c: {  	[tilespmem:s18], [sflag:$0x1] =	stream.linear.gather [hbm4b:s9+s18], $0x2800, $0x38;
	[tilespmem:$0xD000] =	vst v63  }
0x2d: {  	_ =	swait.ge [sflag:s13], $0x2800  }
0x2e: {  	[sflag:s13] =	ssyncset.done $0x0  }
0x2f: {  	s31 =	simm.s32 $0x0;
	[sflag:s13] =	ssyncadd.s32 $0xFFFFD800  }
0x30: {  	[spmem:s2] =	stream.indirect.scatter.add.f32 [tilespmem:s15], [sflag:$0x1], $0x10, s31, s14, $0xb8;
	[tilespmem:$0xD000] =	vst v63  }
0x31: {  	_ =	swait.ge [sflag:s13], $0x800  }
0x32: {  	s18 =	simm.s32 $0x200;
	[sflag:s13] =	ssyncset.done $0x0  }
.LBB2_4:
0x33: {  	s19 =	sshra.s32 s18, $0x2;
	[sflag:s13] =	ssyncadd.s32 $0xFFFFF800;
	p0 =	sne.s32 s18, $0x9E00  }
0x34: {  	[spmem:s2] =	stream.indirect.scatter.add.f32 [tilespmem:s15], [sflag:$0x1], $0x10, s19, s14, $0xb8;
	[tilespmem:$0xD000] =	vst v63  }
.Ltmp1:
0x35: {  	_ = 	snop;
	(pc) =	sbr.rel @p0 .LBB2_4-.Ltmp1, $4  }
0x36: {  	_ = 	snop  }
0x37: {  	s18 =	sadd.s32 $0x200, s18  }
0x38: {  	_ =	swait.ge [sflag:s13], $0x800  }
0x39: {  	[sflag:s13] =	ssyncset.done $0x0  }
0x3a: {  	s3 =	sadd.s32 $0x1, s3  }
0x3b: {  	[sflag:s13] =	ssyncadd.s32 $0xFFFFF800;
	p0 =	sne.s32 s3, s11  }
.Ltmp2:
0x3c: {  	[bflag:$0x0] =	sbarrier.arrive $0xFFFF;
	(pc) =	sbr.rel @p0 .LBB2_1-.Ltmp2, $4  }
0x3d: {  	[hbm:s10], [sflag:s16] =	dma.local [spmem:s17], $0x2800  }
0x3e: {  	_ =	swait.ge [sflag:s13], $0x2800  }
0x3f: {  	[sflag:s13] =	ssyncset.done $0x0  }
0x40: {  	[sflag:s13] =	ssyncadd.s32 $0xFFFFD800  }
0x41: {  	_ =	sfence.sel $0x180000  }
0x42: {  	[bflag:$0x0] =	sbarrier.arrive $0xFFFF  }
0x43: {  	p0 =	sne.s32 s0, $0x0;
	_ =	strace $0x90000047  }
0x44: {  	s0 =	sadd.s32 @!p0 $0x100000, s1;
	[bflag:$0x2] =	sbarrier.arrive $0xFFFF  }
0x45: {  	[sflag:s0] =	ssyncadd.tile.s32 @!p0 $0x1;
	_ =	shalt  }
.Lfunc_end2:
_tile_overlayer_lowered:
.L_overlay_start_2:
0x46: {  	(tag) =	ssettag $0x2  }
0x47: {  	s0 =	rddreg [dreg:$0x0];
	s2 =	stileid.u32  }
0x48: {  	s1 =	rddreg [dreg:$0x1];
	p0 =	sne.s32 s2, $0x0  }
0x49: {  	s3 =	rddreg [dreg:$0x2];
	[bflag:$0x3] =	sbarrier.arrive $0xFFFF;
	s2 =	simm.s32 @!p0 $0x1C01  }
0x4a: {  	[timem:s3], [sflag:s2] =	dma.local @!p0 [hbm:s0], s1  }
0x4b: {  	s0 =	simm.s32 @!p0 $0x1  }
0x4c: {  	_ =	swait.ge @!p0 [sflag:s0], s1  }
0x4d: {  	s1 =	ssub.s32 @!p0 $0x0, s1;
	[sflag:s0] =	ssyncset.done @!p0 $0x0  }
0x4e: {  	[sflag:s0] =	ssyncadd.s32 @!p0 s1  }
0x4f: {  	[bflag:$0x3] =	sbarrier.arrive $0xFFFF  }
0x50: {  	_ =	shalt  }

</sc_bundles>
